<compile_context>
chip_gen: v7x
topology: tpu7x:2x2x1
jax: 0.10.2.dev20260603
libtpu: 0.0.44.dev20260713+nightly
codegen_flags: <defaults>
</compile_context>

<pallas_src>
import functools

import jax
import jax.numpy as jnp
from jax import lax
from jax.experimental import pallas as pl
from jax.experimental.pallas import tpu as pltpu
from jax.experimental.pallas import tpu_sc as plsc

N = 10000
D = 128
DH = 256
E = 320000
NC = 2
NS = 16
K = 64
EPS_SUB = 20160
NCH = EPS_SUB // K
NACC = N + 8
FL_W = 640
FL_S = 624
ZR = 16
ZCH = FL_W // ZR
IDXCH = 15
W = 64
NBUF = 5
GLEAD = 3
SLAG = 2
RB = 2000
NG = N // RB



def _fill(ref, rows, cols, value):
    per_row = cols // 16

    def body(i, _):
        r = i // per_row
        c = (i % per_row) * 16
        ref[r, pl.ds(c, 16)] = jnp.full((16,), value, jnp.float32)
        return 0

    lax.fori_loop(0, rows * per_row, body, 0)


def _xform_idx(idxs_v, idxg_v, stride, off):
    per_row = K // 16

    def body(i, _):
        r = i // per_row
        c = (i % per_row) * 16
        idxg_v[r, pl.ds(c, 16)] = idxs_v[r, pl.ds(c, 16)] * stride + off
        return 0

    lax.fori_loop(0, NCH * per_row, body, 0)


def _zero_acc(acc, zb, sid, sem):
    def fire(k, _):
        pltpu.async_copy(zb, acc.at[pl.ds(sid * FL_S + k * ZR, ZR)], sem)
        return 0

    def drain(k, _):
        pltpu.make_async_copy(zb, acc.at[pl.ds(sid * FL_S, ZR)],
                              sem).wait()
        return 0

    lax.fori_loop(0, ZCH, fire, 0)
    lax.fori_loop(0, ZCH, drain, 0)


def _flush_acc(acc, out, cid, t, sid, sem):
    def fire(k, _):
        r0 = sid * FL_S + k * ZR
        pltpu.async_copy(acc.at[pl.ds(r0, ZR)],
                         out.at[cid, t, pl.ds(r0, ZR)], sem)
        return 0

    def drain(k, _):
        pltpu.make_async_copy(acc.at[pl.ds(sid * FL_S, ZR)],
                              out.at[cid, t, pl.ds(sid * FL_S, ZR)],
                              sem).wait()
        return 0

    lax.fori_loop(0, ZCH, fire, 0)
    lax.fori_loop(0, ZCH, drain, 0)


def _sc_seg_body(n_tasks, with_counts, stride, core_span, task_span, *refs):
    (src_all, dst_all, table, out, idxs_v, idxd_v, idxg_v, rows) = refs[:8]
    rest = refs[8:]
    if with_counts:
        ones_v, zb, acc = rest[:3]
        rest = rest[3:]
    else:
        zb, acc = rest[:2]
        rest = rest[2:]
        ones_v = None
    sem_g, sem_s = rest[:2]

    cid = lax.axis_index("c")
    sid = lax.axis_index("s")

    _fill(zb, ZR, W, 0.0)
    if with_counts:
        _fill(ones_v, K, W, 1.0)

    def load_idx(k, _):
        r = k * (NCH // IDXCH)
        sl = pl.ds(r, NCH // IDXCH)
        pltpu.sync_copy(src_all.at[cid, sid, sl], idxs_v.at[sl])
        pltpu.sync_copy(dst_all.at[cid, sid, sl], idxd_v.at[sl])
        return 0

    lax.fori_loop(0, IDXCH, load_idx, 0)

    def run_task(t, gather):
        _zero_acc(acc, zb, sid, sem_g.at[0])
        plsc.subcore_barrier()

        if gather:
            _xform_idx(idxs_v, idxg_v, stride,
                       cid * core_span + t * task_span)

            for b in range(GLEAD):
                pltpu.async_copy(table.at[idxg_v.at[b]], rows.at[b],
                                 sem_g.at[b])

            def body(g, _):
                for b in range(NBUF):
                    j = g * NBUF + b
                    pltpu.make_async_copy(table.at[idxg_v.at[j]],
                                          rows.at[b], sem_g.at[b]).wait()
                    pltpu.async_copy(rows.at[b], acc.at[idxd_v.at[j]],
                                     sem_s.at[b], add=True)

                    @pl.when(j >= SLAG)
                    def _(j=j, b=b):
                        b2 = (b - SLAG) % NBUF
                        pltpu.make_async_copy(
                            rows.at[b2], acc.at[idxd_v.at[j - SLAG]],
                            sem_s.at[b2]).wait()

                    @pl.when(j + GLEAD < NCH)
                    def _(j=j, b=b):
                        b3 = (b + GLEAD) % NBUF
                        pltpu.async_copy(table.at[idxg_v.at[j + GLEAD]],
                                         rows.at[b3], sem_g.at[b3])
                return 0

            lax.fori_loop(0, NCH // NBUF, body, 0)
            for jj in range(NCH - SLAG, NCH):
                pltpu.make_async_copy(rows.at[jj % NBUF],
                                      acc.at[idxd_v.at[jj]],
                                      sem_s.at[jj % NBUF]).wait()
        else:
            def body(j, _):
                pltpu.async_copy(ones_v, acc.at[idxd_v.at[j]],
                                 sem_s.at[0], add=True)

                @pl.when(j >= NBUF - 1)
                def _():
                    pltpu.make_async_copy(
                        ones_v, acc.at[idxd_v.at[j]], sem_s.at[0]).wait()
                return 0

            lax.fori_loop(0, NCH, body, 0)

            def drain(j, _):
                pltpu.make_async_copy(ones_v, acc.at[idxd_v.at[j]],
                                      sem_s.at[0]).wait()
                return 0

            lax.fori_loop(0, NBUF - 1, drain, 0)

        plsc.subcore_barrier()
        _flush_acc(acc, out, cid, t, sid, sem_g.at[0])
        plsc.subcore_barrier()

    def task_body(t, _):
        run_task(t, True)
        return 0

    lax.fori_loop(0, n_tasks, task_body, 0)
    if with_counts:
        run_task(n_tasks, False)


def _make_sc_seg(n_tasks, with_counts, stride, core_span, task_span,
                 table_rows):
    f32 = jnp.float32
    n_out = n_tasks + (1 if with_counts else 0)
    scratch = [
        pltpu.VMEM((NCH, K), jnp.int32),
        pltpu.VMEM((NCH, K), jnp.int32),
        pltpu.VMEM((NCH, K), jnp.int32),
    ]
    scratch.append(pltpu.VMEM((NBUF, K, W), f32))
    if with_counts:
        scratch.append(pltpu.VMEM((K, W), f32))
    scratch.append(pltpu.VMEM((ZR, W), f32))
    scratch.append(pltpu.VMEM_SHARED((NACC, W), f32))
    scratch += [pltpu.SemaphoreType.DMA((NBUF,))] * 2
    return pl.kernel(
        functools.partial(_sc_seg_body, n_tasks, with_counts, stride,
                          core_span, task_span),
        out_type=jax.ShapeDtypeStruct((NC, n_out, N, W), f32),
        mesh=plsc.VectorSubcoreMesh(core_axis_name="c", subcore_axis_name="s"),
        compiler_params=pltpu.CompilerParams(use_tc_tiling_on_sc=False),
        scratch_types=scratch,
    )



def _tc_mm_body(n_s, s_ref, cnt_ref, x_ref, wn_ref, wr_ref, b_ref,
                z_ref, stats_ref, acc_ref):
    rcp = 1.0 / jnp.maximum(cnt_ref[0, 0, :, 0:1], 1.0)
    z = jnp.broadcast_to(b_ref[0], (RB, DH))
    for q in range(n_s):
        z = z + jnp.dot(s_ref[0, q] * rcp, wn_ref[0, q * W:(q + 1) * W, :],
                        preferred_element_type=jnp.float32)
    z = z + jnp.dot(x_ref[0], wr_ref[0], preferred_element_type=jnp.float32)
    z_ref[0] = z
    i = pl.program_id(1)

    @pl.when(i == 0)
    def _():
        acc_ref[...] = jnp.zeros_like(acc_ref)

    acc_ref[0:1, :] += jnp.sum(z, axis=0, keepdims=True)
    acc_ref[1:2, :] += jnp.sum(z * z, axis=0, keepdims=True)

    @pl.when(i == NG - 1)
    def _():
        stats_ref[0] = acc_ref[...]


def _tc_bn_body(z_ref, stats_ref, g_ref, be_ref, o_ref):
    m = stats_ref[0, 0:1, :] * (1.0 / N)
    v = stats_ref[0, 1:2, :] * (1.0 / N) - m * m
    z = z_ref[0]
    zn = g_ref[0] * (z - m) / jnp.sqrt(v + 1e-5) + be_ref[0]
    o_ref[0] = jnp.where(zn > 0, zn, jnp.exp(zn) - 1.0)


def _tc_dense(s_all, n_s, cnt_all, cnt_slot, x, x_flip, wn, wr, b, g, be,
              out_flip):
    f32 = jnp.float32
    xw = x.shape[-1]
    xsel = (lambda t: 1 - t) if x_flip else (lambda t: t)
    osel = (lambda t: 1 - t) if out_flip else (lambda t: t)
    z, stats = pl.pallas_call(
        functools.partial(_tc_mm_body, n_s),
        grid=(2, NG),
        in_specs=[
            pl.BlockSpec((1, n_s, RB, W), lambda t, i: (t, 0, i, 0)),
            pl.BlockSpec((1, 1, RB, W), lambda t, i: (t, cnt_slot, i, 0)),
            pl.BlockSpec((1, RB, xw), lambda t, i: (xsel(t), i, 0)),
            pl.BlockSpec((1, n_s * W, DH), lambda t, i: (t, 0, 0)),
            pl.BlockSpec((1, xw, DH), lambda t, i: (t, 0, 0)),
            pl.BlockSpec((1, 1, DH), lambda t, i: (t, 0, 0)),
        ],
        out_specs=(pl.BlockSpec((1, RB, DH), lambda t, i: (t, i, 0)),
                   pl.BlockSpec((1, 2, DH), lambda t, i: (t, 0, 0))),
        out_shape=(jax.ShapeDtypeStruct((2, N, DH), f32),
                   jax.ShapeDtypeStruct((2, 2, DH), f32)),
        scratch_shapes=[pltpu.VMEM((2, DH), f32)],
    )(s_all, cnt_all, x, wn, wr, b)
    return pl.pallas_call(
        _tc_bn_body,
        grid=(2, NG),
        in_specs=[
            pl.BlockSpec((1, RB, DH), lambda t, i: (t, i, 0)),
            pl.BlockSpec((1, 2, DH), lambda t, i: (t, 0, 0)),
            pl.BlockSpec((1, 1, DH), lambda t, i: (t, 0, 0)),
            pl.BlockSpec((1, 1, DH), lambda t, i: (t, 0, 0)),
        ],
        out_specs=pl.BlockSpec((1, RB, DH), lambda t, i: (osel(t), i, 0)),
        out_shape=jax.ShapeDtypeStruct((2, N, DH), f32),
    )(z, stats, g, be)



def kernel(x_user, x_item, edge_index_ui, edge_index_iu,
           W1r_ui, W1n_ui, b1_ui, W1r_iu, W1n_iu, b1_iu,
           W2r_ui, W2n_ui, b2_ui, W2r_iu, W2n_iu, b2_iu,
           g1_u, be1_u, g1_i, be1_i, g2_u, be2_u, g2_i, be2_i):
    ei_ui = edge_index_ui.astype(jnp.int32)
    ei_iu = edge_index_iu.astype(jnp.int32)

    pad_n = EPS_SUB - E // NS

    def shard(row, fill):
        p = jnp.full((NS, pad_n), fill, jnp.int32)
        return jnp.concatenate([row.reshape(NS, E // NS), p], axis=1)

    src_all = jnp.stack([shard(ei_iu[0], 0), shard(ei_ui[0], 0)])
    src_all = src_all.reshape(NC, NS, NCH, K)
    dst_all = jnp.stack([shard(ei_iu[1], N), shard(ei_ui[1], N)])
    dst_all = dst_all.reshape(NC, NS, NCH, K)

    stk = lambda a, bb: jnp.stack([a, bb])
    row2 = lambda a, bb: jnp.stack([a, bb]).reshape(2, 1, DH)

    NT1 = D // W
    x_flat1 = jnp.concatenate([x_item, x_user], axis=0).reshape(-1, W)
    sc1 = _make_sc_seg(NT1, True, NT1, NT1 * N, 1, 0)(src_all, dst_all,
                                                      x_flat1)

    h1 = _tc_dense(sc1, NT1, sc1, NT1, stk(x_user, x_item), False,
                   stk(W1n_iu, W1n_ui), stk(W1r_iu, W1r_ui),
                   row2(b1_iu, b1_ui), row2(g1_u, g1_i),
                   row2(be1_u, be1_i), True)

    NT2 = DH // W
    sc2 = _make_sc_seg(NT2, False, NT2, NT2 * N, 1, 0)(
        src_all, dst_all, h1.reshape(-1, W))

    h2 = _tc_dense(sc2, NT2, sc1, NT1, h1, True,
                   stk(W2n_iu, W2n_ui), stk(W2r_iu, W2r_ui),
                   row2(b2_iu, b2_ui), row2(g2_u, g2_i),
                   row2(be2_u, be2_i), False)

    return (x_user, x_item, h1[1], h1[0], h2[0], h2[1])

# --- scband reference (transcript-rebuilt; emitter-appended) ---
"""Pipeline reference for scband-hetero-gnnencoder-60395830117194 (READ-ONLY COPY).

The authoritative reference and input builder live on the scoring server;
editing this copy changes nothing except your own understanding.
"""

import jax, jax.numpy as jnp
import numpy as np

N_U = 10000
N_I = 10000
E = 320000
D_IN = 128
D_H = 256


def _glorot(key, fan_in, fan_out):
    lim = float(np.sqrt(6.0 / (fan_in + fan_out)))
    return jax.random.uniform(key, (fan_in, fan_out), minval=-lim, maxval=lim, dtype=jnp.float32)


def setup_inputs(seed: int = 0) -> dict:
    key = jax.random.key(seed)
    ks = jax.random.split(key, 40)
    inp = {}
    inp['x_user'] = jax.random.normal(ks[0], (N_U, D_IN), dtype=jnp.float32)
    inp['x_item'] = jax.random.normal(ks[1], (N_I, D_IN), dtype=jnp.float32)
    # edge type ('user','to','item'): row0 = src user idx, row1 = dst item idx
    inp['edge_index_ui'] = jax.random.randint(ks[2], (2, E), 0, N_I, dtype=jnp.int64)
    # edge type ('item','to','user'): row0 = src item idx, row1 = dst user idx
    inp['edge_index_iu'] = jax.random.randint(ks[3], (2, E), 0, N_U, dtype=jnp.int64)
    # layer-1 SAGE weights (in=128 -> out=256), one conv per edge type
    inp['W1r_ui'] = _glorot(ks[4], D_IN, D_H); inp['W1n_ui'] = _glorot(ks[5], D_IN, D_H); inp['b1_ui'] = jnp.zeros((D_H,), jnp.float32)
    inp['W1r_iu'] = _glorot(ks[6], D_IN, D_H); inp['W1n_iu'] = _glorot(ks[7], D_IN, D_H); inp['b1_iu'] = jnp.zeros((D_H,), jnp.float32)
    # layer-2 SAGE weights (in=256 -> out=256)
    inp['W2r_ui'] = _glorot(ks[8], D_H, D_H); inp['W2n_ui'] = _glorot(ks[9], D_H, D_H); inp['b2_ui'] = jnp.zeros((D_H,), jnp.float32)
    inp['W2r_iu'] = _glorot(ks[10], D_H, D_H); inp['W2n_iu'] = _glorot(ks[11], D_H, D_H); inp['b2_iu'] = jnp.zeros((D_H,), jnp.float32)
    # batchnorm affine params per node type per layer
    for nm in ['g1_u', 'g1_i', 'g2_u', 'g2_i']:
        inp[nm] = jnp.ones((D_H,), jnp.float32)
    for nm in ['be1_u', 'be1_i', 'be2_u', 'be2_i']:
        inp[nm] = jnp.zeros((D_H,), jnp.float32)
    return inp


def _sage(x_src, x_dst, ei, Wr, Wn, b, num_dst):
    # PyG SAGEConv: mean-aggregate neighbor features, plus root transform
    msg = jnp.take(x_src, ei[0], axis=0)
    agg = jax.ops.segment_sum(msg, ei[1], num_segments=num_dst)
    cnt = jax.ops.segment_sum(jnp.ones((ei.shape[1],), jnp.float32), ei[1], num_segments=num_dst)
    agg = agg / jnp.clip(cnt, 1.0, None)[:, None]
    return agg @ Wn + x_dst @ Wr + b


def _bn(x, g, b):
    m = jnp.mean(x, axis=0)
    v = jnp.var(x, axis=0)
    return g * (x - m) / jnp.sqrt(v + 1e-5) + b


def reference(x_user, x_item, edge_index_ui, edge_index_iu,
              W1r_ui, W1n_ui, b1_ui, W1r_iu, W1n_iu, b1_iu,
              W2r_ui, W2n_ui, b2_ui, W2r_iu, W2n_iu, b2_iu,
              g1_u, be1_u, g1_i, be1_i, g2_u, be2_u, g2_i, be2_i):
    # dropout is identity in eval mode
    h_u, h_i = x_user, x_item
    # layer 1: HeteroConv with sum-aggregation over edge types per dst node type
    h1_u = _sage(h_i, h_u, edge_index_iu, W1r_iu, W1n_iu, b1_iu, N_U)
    h1_i = _sage(h_u, h_i, edge_index_ui, W1r_ui, W1n_ui, b1_ui, N_I)
    h1_u = jax.nn.elu(_bn(h1_u, g1_u, be1_u))
    h1_i = jax.nn.elu(_bn(h1_i, g1_i, be1_i))
    # layer 2
    h2_u = _sage(h1_i, h1_u, edge_index_iu, W2r_iu, W2n_iu, b2_iu, N_U)
    h2_i = _sage(h1_u, h1_i, edge_index_ui, W2r_ui, W2n_ui, b2_ui, N_I)
    h2_u = jax.nn.elu(_bn(h2_u, g2_u, be2_u))
    h2_i = jax.nn.elu(_bn(h2_i, g2_i, be2_i))
    # xs = [x_dict, h1_dict, h2_dict], flattened to a tuple of arrays
    return (x_user, x_item, h1_u, h1_i, h2_u, h2_i)

if __name__ == "__main__":
    import jax
    _d = setup_inputs()
    print(jax.jit(kernel)(*tuple(_d.values())))

</pallas_src>

<mosaic_0001>
#map = affine_map<(d0, d1) -> (0, 0, 0, 0)>
#map1 = affine_map<(d0, d1) -> (0, 0)>
module attributes {stable_mosaic.version = 14 : i64} {
  func.func @_sc_seg_body(%arg0: i32, %arg1: i32, %arg2: memref<2x16x315x64xi32, #tpu.memory_space<hbm>>, %arg3: memref<2x16x315x64xi32, #tpu.memory_space<hbm>>, %arg4: memref<80000x64xf32, #tpu.memory_space<hbm>>, %arg5: memref<2x4x10000x64xf32, #tpu.memory_space<hbm>>, %arg6: memref<315x64xi32, #tpu.memory_space<vmem>>, %arg7: memref<315x64xi32, #tpu.memory_space<vmem>>, %arg8: memref<315x64xi32, #tpu.memory_space<vmem>>, %arg9: memref<5x64x64xf32, #tpu.memory_space<vmem>>, %arg10: memref<16x64xf32, #tpu.memory_space<vmem>>, %arg11: memref<10008x64xf32, #tpu.memory_space<vmem_shared>>, %arg12: memref<5x!tpu.dma_semaphore, #tpu.memory_space<semaphore_mem>>, %arg13: memref<5x!tpu.dma_semaphore, #tpu.memory_space<semaphore_mem>>) attributes {dimension_semantics = [#tpu.dimension_semantics<core_parallel>, #tpu.dimension_semantics<subcore_parallel>], iteration_bounds = array<i64: 2, 16>, scalar_prefetch = 0 : i64, scratch_operands = 8 : i64, tpu.core_type = #tpu.core_type<sc_vector_subcore>, window_params = [{transform_indices = #map}, {transform_indices = #map}, {transform_indices = #map1}, {transform_indices = #map}]} {
    %scan3A = arith.constant 0 : i32
    %scan3A_0 = arith.constant 0 : i32
    %scan3A_1 = arith.constant 64 : i32
    %scan3A_2 = arith.addi %scan3A_0, %scan3A_1 : i32
    %scan3A_3 = arith.constant 1 : i32
    %scan3A_4 = scf.for %scan3A_20 = %scan3A_0 to %scan3A_2 step %scan3A_3 iter_args(%scan3A_21 = %scan3A) -> (i32)  : i32 {
      %jit3A = arith.constant 4 : i32
      %div3A = arith.divsi %scan3A_20, %jit3A : i32
      %sign3A = arith.constant 0 : i32
      %sign3A_22 = arith.cmpi sgt, %scan3A_20, %sign3A : i32
      %sign3A_23 = arith.extui %sign3A_22 : i1 to i32
      %sign3A_24 = arith.constant 0 : i32
      %sign3A_25 = arith.cmpi slt, %scan3A_20, %sign3A_24 : i32
      %sign3A_26 = arith.extui %sign3A_25 : i1 to i32
      %sign3A_27 = arith.subi %sign3A_23, %sign3A_26 : i32
      %sign3A_28 = arith.constant 0 : i32
      %sign3A_29 = arith.cmpi sgt, %jit3A, %sign3A_28 : i32
      %sign3A_30 = arith.extui %sign3A_29 : i1 to i32
      %sign3A_31 = arith.constant 0 : i32
      %sign3A_32 = arith.cmpi slt, %jit3A, %sign3A_31 : i32
      %sign3A_33 = arith.extui %sign3A_32 : i1 to i32
      %sign3A_34 = arith.subi %sign3A_30, %sign3A_33 : i32
      %ne3A = arith.cmpi ne, %sign3A_27, %sign3A_34 : i32
      %rem3A = arith.remsi %scan3A_20, %jit3A : i32
      %ne3A_35 = arith.constant 0 : i32
      %ne3A_36 = arith.cmpi ne, %rem3A, %ne3A_35 : i32
      %and3A = arith.andi %ne3A, %ne3A_36 : i1
      %sub3A = arith.constant 1 : i32
      %sub3A_37 = arith.subi %div3A, %sub3A : i32
      %select_n3A = arith.select %and3A, %sub3A_37, %div3A : i32
      %jit3A_38 = arith.constant 4 : i32
      %eq3A = arith.constant 0 : i32
      %eq3A_39 = arith.cmpi eq, %jit3A_38, %eq3A : i32
      %jit3A_40 = arith.constant 1 : i32
      %select_n3A_41 = arith.select %eq3A_39, %jit3A_40, %jit3A_38 : i32
      %rem3A_42 = arith.remsi %scan3A_20, %select_n3A_41 : i32
      %ne3A_43 = arith.constant 0 : i32
      %ne3A_44 = arith.cmpi ne, %rem3A_42, %ne3A_43 : i32
      %lt3A = arith.constant 0 : i32
      %lt3A_45 = arith.cmpi slt, %rem3A_42, %lt3A : i32
      %lt3A_46 = arith.constant 0 : i32
      %lt3A_47 = arith.cmpi slt, %select_n3A_41, %lt3A_46 : i32
      %ne3A_48 = arith.xori %lt3A_45, %lt3A_47 : i1
      %and3A_49 = arith.andi %ne3A_48, %ne3A_44 : i1
      %add3A = arith.addi %rem3A_42, %select_n3A_41 : i32
      %select_n3A_50 = arith.select %and3A_49, %add3A, %rem3A_42 : i32
      %mul3A = arith.constant 16 : i32
      %mul3A_51 = arith.muli %select_n3A_50, %mul3A : i32
      %broadcast_in_dim3A = arith.constant 0.000000e+00 : f32
      %broadcast_in_dim3A_52 = vector.broadcast %broadcast_in_dim3A : f32 to vector<16xf32>
      %swap3A = arith.index_cast %select_n3A : i32 to index
      %swap3A_53 = arith.index_cast %mul3A_51 : i32 to index
      %swap3A_54 = tpu.vector_load %arg10[%swap3A, %swap3A_53] {strides = array<i32>} : memref<16x64xf32, #tpu.memory_space<vmem>>, vector<1x16xf32>,
      %swap3A_55 = vector.shape_cast %swap3A_54 : vector<1x16xf32> to vector<16xf32>
      %swap3A_56 = vector.shape_cast %broadcast_in_dim3A_52 : vector<16xf32> to vector<1x16xf32>
      tpu.vector_store %arg10[%swap3A, %swap3A_53], %swap3A_56 {strides = array<i32>} : memref<16x64xf32, #tpu.memory_space<vmem>>, vector<1x16xf32>,
      %scan3A_57 = arith.constant 0 : i32
      scf.yield %scan3A_57 : i32
    }
    %scan3A_5 = arith.constant 64 : i32
    %scan3A_6 = arith.constant 0 : i32
    %scan3A_7 = arith.constant 0 : i32
    %scan3A_8 = arith.constant 15 : i32
    %scan3A_9 = arith.addi %scan3A_7, %scan3A_8 : i32
    %scan3A_10 = arith.constant 1 : i32
    %scan3A_11 = scf.for %scan3A_20 = %scan3A_7 to %scan3A_9 step %scan3A_10 iter_args(%scan3A_21 = %scan3A_6) -> (i32)  : i32 {
      %mul3A = arith.constant 21 : i32
      %mul3A_22 = arith.muli %scan3A_20, %mul3A : i32
      "tpu.region"() ({
        %run_scoped3A = tpu.sem_alloc : memref<!tpu.dma_semaphore, #tpu.memory_space<semaphore_mem>>
        %dma_start3A = arith.constant 0 : i32
        %dma_start3A_24 = tpu.memref_slice %arg6[%mul3A_22, %dma_start3A] : memref<315x64xi32, #tpu.memory_space<vmem>> -> memref<21x64xi32, #tpu.memory_space<vmem>>
        %dma_start3A_25 = arith.constant 0 : i32
        %dma_start3A_26 = tpu.memref_slice %arg2[%arg0, %arg1, %mul3A_22, %dma_start3A_25] : memref<2x16x315x64xi32, #tpu.memory_space<hbm>> -> memref<1x1x21x64xi32, #tpu.memory_space<hbm>>
        %dma_start3A_27 = tpu.memref_squeeze %dma_start3A_26 : memref<1x1x21x64xi32, #tpu.memory_space<hbm>> -> memref<21x64xi32, #tpu.memory_space<hbm>>
        %dma_start3A_28 = arith.constant 0 : i32
        %dma_start3A_29 = tpu.memref_slice %arg6[%mul3A_22, %dma_start3A_28] : memref<315x64xi32, #tpu.memory_space<vmem>> -> memref<21x64xi32, #tpu.memory_space<vmem>>
        %dma_start3A_30 = arith.constant 0 : i32
        %dma_start3A_31 = tpu.memref_slice %arg2[%arg0, %arg1, %mul3A_22, %dma_start3A_30] : memref<2x16x315x64xi32, #tpu.memory_space<hbm>> -> memref<1x1x21x64xi32, #tpu.memory_space<hbm>>
        %dma_start3A_32 = tpu.memref_squeeze %dma_start3A_31 : memref<1x1x21x64xi32, #tpu.memory_space<hbm>> -> memref<21x64xi32, #tpu.memory_space<hbm>>
        tpu.enqueue_dma source(%dma_start3A_32 : memref<21x64xi32, #tpu.memory_space<hbm>>) target(%dma_start3A_29 : memref<21x64xi32, #tpu.memory_space<vmem>>) target_semaphore(%run_scoped3A : memref<!tpu.dma_semaphore, #tpu.memory_space<semaphore_mem>>)
        %dma_wait3A = arith.constant 0 : i32
        %dma_wait3A_33 = tpu.memref_slice %arg6[%mul3A_22, %dma_wait3A] : memref<315x64xi32, #tpu.memory_space<vmem>> -> memref<21x64xi32, #tpu.memory_space<vmem>>
        %dma_wait3A_34 = arith.constant 0 : i32
        %dma_wait3A_35 = tpu.memref_slice %arg2[%arg0, %arg1, %mul3A_22, %dma_wait3A_34] : memref<2x16x315x64xi32, #tpu.memory_space<hbm>> -> memref<1x1x21x64xi32, #tpu.memory_space<hbm>>
        %dma_wait3A_36 = tpu.memref_squeeze %dma_wait3A_35 : memref<1x1x21x64xi32, #tpu.memory_space<hbm>> -> memref<21x64xi32, #tpu.memory_space<hbm>>
        %dma_wait3A_37 = arith.constant 0 : i32
        %dma_wait3A_38 = tpu.memref_slice %arg6[%mul3A_22, %dma_wait3A_37] : memref<315x64xi32, #tpu.memory_space<vmem>> -> memref<21x64xi32, #tpu.memory_space<vmem>>
        %dma_wait3A_39 = arith.constant 0 : i32
        %dma_wait3A_40 = tpu.memref_slice %arg2[%arg0, %arg1, %mul3A_22, %dma_wait3A_39] : memref<2x16x315x64xi32, #tpu.memory_space<hbm>> -> memref<1x1x21x64xi32, #tpu.memory_space<hbm>>
        %dma_wait3A_41 = tpu.memref_squeeze %dma_wait3A_40 : memref<1x1x21x64xi32, #tpu.memory_space<hbm>> -> memref<21x64xi32, #tpu.memory_space<hbm>>
        tpu.wait_dma2 semaphore(%run_scoped3A : memref<!tpu.dma_semaphore, #tpu.memory_space<semaphore_mem>>) src(%dma_wait3A_41 : memref<21x64xi32, #tpu.memory_space<hbm>>) dst(%dma_wait3A_38 : memref<21x64xi32, #tpu.memory_space<vmem>>)
        tpu.yield
      }) : () -> ()
      "tpu.region"() ({
        %run_scoped3A = tpu.sem_alloc : memref<!tpu.dma_semaphore, #tpu.memory_space<semaphore_mem>>
        %dma_start3A = arith.constant 0 : i32
        %dma_start3A_24 = tpu.memref_slice %arg7[%mul3A_22, %dma_start3A] : memref<315x64xi32, #tpu.memory_space<vmem>> -> memref<21x64xi32, #tpu.memory_space<vmem>>
        %dma_start3A_25 = arith.constant 0 : i32
        %dma_start3A_26 = tpu.memref_slice %arg3[%arg0, %arg1, %mul3A_22, %dma_start3A_25] : memref<2x16x315x64xi32, #tpu.memory_space<hbm>> -> memref<1x1x21x64xi32, #tpu.memory_space<hbm>>
        %dma_start3A_27 = tpu.memref_squeeze %dma_start3A_26 : memref<1x1x21x64xi32, #tpu.memory_space<hbm>> -> memref<21x64xi32, #tpu.memory_space<hbm>>
        %dma_start3A_28 = arith.constant 0 : i32
        %dma_start3A_29 = tpu.memref_slice %arg7[%mul3A_22, %dma_start3A_28] : memref<315x64xi32, #tpu.memory_space<vmem>> -> memref<21x64xi32, #tpu.memory_space<vmem>>
        %dma_start3A_30 = arith.constant 0 : i32
        %dma_start3A_31 = tpu.memref_slice %arg3[%arg0, %arg1, %mul3A_22, %dma_start3A_30] : memref<2x16x315x64xi32, #tpu.memory_space<hbm>> -> memref<1x1x21x64xi32, #tpu.memory_space<hbm>>
        %dma_start3A_32 = tpu.memref_squeeze %dma_start3A_31 : memref<1x1x21x64xi32, #tpu.memory_space<hbm>> -> memref<21x64xi32, #tpu.memory_space<hbm>>
        tpu.enqueue_dma source(%dma_start3A_32 : memref<21x64xi32, #tpu.memory_space<hbm>>) target(%dma_start3A_29 : memref<21x64xi32, #tpu.memory_space<vmem>>) target_semaphore(%run_scoped3A : memref<!tpu.dma_semaphore, #tpu.memory_space<semaphore_mem>>)
        %dma_wait3A = arith.constant 0 : i32
        %dma_wait3A_33 = tpu.memref_slice %arg7[%mul3A_22, %dma_wait3A] : memref<315x64xi32, #tpu.memory_space<vmem>> -> memref<21x64xi32, #tpu.memory_space<vmem>>
        %dma_wait3A_34 = arith.constant 0 : i32
        %dma_wait3A_35 = tpu.memref_slice %arg3[%arg0, %arg1, %mul3A_22, %dma_wait3A_34] : memref<2x16x315x64xi32, #tpu.memory_space<hbm>> -> memref<1x1x21x64xi32, #tpu.memory_space<hbm>>
        %dma_wait3A_36 = tpu.memref_squeeze %dma_wait3A_35 : memref<1x1x21x64xi32, #tpu.memory_space<hbm>> -> memref<21x64xi32, #tpu.memory_space<hbm>>
        %dma_wait3A_37 = arith.constant 0 : i32
        %dma_wait3A_38 = tpu.memref_slice %arg7[%mul3A_22, %dma_wait3A_37] : memref<315x64xi32, #tpu.memory_space<vmem>> -> memref<21x64xi32, #tpu.memory_space<vmem>>
        %dma_wait3A_39 = arith.constant 0 : i32
        %dma_wait3A_40 = tpu.memref_slice %arg3[%arg0, %arg1, %mul3A_22, %dma_wait3A_39] : memref<2x16x315x64xi32, #tpu.memory_space<hbm>> -> memref<1x1x21x64xi32, #tpu.memory_space<hbm>>
        %dma_wait3A_41 = tpu.memref_squeeze %dma_wait3A_40 : memref<1x1x21x64xi32, #tpu.memory_space<hbm>> -> memref<21x64xi32, #tpu.memory_space<hbm>>
        tpu.wait_dma2 semaphore(%run_scoped3A : memref<!tpu.dma_semaphore, #tpu.memory_space<semaphore_mem>>) src(%dma_wait3A_41 : memref<21x64xi32, #tpu.memory_space<hbm>>) dst(%dma_wait3A_38 : memref<21x64xi32, #tpu.memory_space<vmem>>)
        tpu.yield
      }) : () -> ()
      %scan3A_23 = arith.constant 0 : i32
      scf.yield %scan3A_23 : i32
    }
    %scan3A_12 = arith.constant 15 : i32
    %scan3A_13 = arith.constant 0 : i32
    %scan3A_14 = arith.constant 0 : i32
    %scan3A_15 = arith.constant 4 : i32
    %scan3A_16 = arith.addi %scan3A_14, %scan3A_15 : i32
    %scan3A_17 = arith.constant 1 : i32
    %scan3A_18 = scf.for %scan3A_20 = %scan3A_14 to %scan3A_16 step %scan3A_17 iter_args(%scan3A_21 = %scan3A_13) -> (i32)  : i32 {
      %scan3A_22 = arith.constant 0 : i32
      %scan3A_23 = arith.constant 0 : i32
      %scan3A_24 = arith.constant 0 : i32
      %scan3A_25 = arith.constant 40 : i32
      %scan3A_26 = arith.addi %scan3A_24, %scan3A_25 : i32
      %scan3A_27 = arith.constant 1 : i32
      %scan3A_28 = scf.for %scan3A_147 = %scan3A_24 to %scan3A_26 step %scan3A_27 iter_args(%scan3A_148 = %scan3A_23) -> (i32)  : i32 {
        %mul3A_149 = arith.constant 624 : i32
        %mul3A_150 = arith.muli %arg1, %mul3A_149 : i32
        %mul3A_151 = arith.constant 16 : i32
        %mul3A_152 = arith.muli %scan3A_147, %mul3A_151 : i32
        %add3A_153 = arith.addi %mul3A_150, %mul3A_152 : i32
        %dma_start3A_154 = arith.constant 0 : i32
        %dma_start3A_155 = tpu.memref_slice %arg11[%add3A_153, %dma_start3A_154] : memref<10008x64xf32, #tpu.memory_space<vmem_shared>> -> memref<16x64xf32, #tpu.memory_space<vmem_shared>>
        %dma_start3A_156 = tpu.memref_slice %arg12[%scan3A_22] : memref<5x!tpu.dma_semaphore, #tpu.memory_space<semaphore_mem>> -> memref<1x!tpu.dma_semaphore, #tpu.memory_space<semaphore_mem>>
        %dma_start3A_157 = tpu.memref_squeeze %dma_start3A_156 : memref<1x!tpu.dma_semaphore, #tpu.memory_space<semaphore_mem>> -> memref<!tpu.dma_semaphore, #tpu.memory_space<semaphore_mem>>
        %dma_start3A_158 = arith.constant 0 : i32
        %dma_start3A_159 = tpu.memref_slice %arg11[%add3A_153, %dma_start3A_158] : memref<10008x64xf32, #tpu.memory_space<vmem_shared>> -> memref<16x64xf32, #tpu.memory_space<vmem_shared>>
        tpu.enqueue_dma source(%arg10 : memref<16x64xf32, #tpu.memory_space<vmem>>) target(%dma_start3A_159 : memref<16x64xf32, #tpu.memory_space<vmem_shared>>) target_semaphore(%dma_start3A_157 : memref<!tpu.dma_semaphore, #tpu.memory_space<semaphore_mem>>)
        %scan3A_160 = arith.constant 0 : i32
        scf.yield %scan3A_160 : i32
      }
      %scan3A_29 = arith.constant 40 : i32
      %scan3A_30 = arith.constant 0 : i32
      %scan3A_31 = arith.constant 0 : i32
      %scan3A_32 = arith.constant 0 : i32
      %scan3A_33 = arith.constant 40 : i32
      %scan3A_34 = arith.addi %scan3A_32, %scan3A_33 : i32
      %scan3A_35 = arith.constant 1 : i32
      %scan3A_36 = scf.for %scan3A_147 = %scan3A_32 to %scan3A_34 step %scan3A_35 iter_args(%scan3A_148 = %scan3A_31) -> (i32)  : i32 {
        %mul3A_149 = arith.constant 624 : i32
        %mul3A_150 = arith.muli %arg1, %mul3A_149 : i32
        %dma_wait3A_151 = arith.constant 0 : i32
        %dma_wait3A_152 = tpu.memref_slice %arg11[%mul3A_150, %dma_wait3A_151] : memref<10008x64xf32, #tpu.memory_space<vmem_shared>> -> memref<16x64xf32, #tpu.memory_space<vmem_shared>>
        %dma_wait3A_153 = tpu.memref_slice %arg12[%scan3A_30] : memref<5x!tpu.dma_semaphore, #tpu.memory_space<semaphore_mem>> -> memref<1x!tpu.dma_semaphore, #tpu.memory_space<semaphore_mem>>
        %dma_wait3A_154 = tpu.memref_squeeze %dma_wait3A_153 : memref<1x!tpu.dma_semaphore, #tpu.memory_space<semaphore_mem>> -> memref<!tpu.dma_semaphore, #tpu.memory_space<semaphore_mem>>
        %dma_wait3A_155 = arith.constant 0 : i32
        %dma_wait3A_156 = tpu.memref_slice %arg11[%mul3A_150, %dma_wait3A_155] : memref<10008x64xf32, #tpu.memory_space<vmem_shared>> -> memref<16x64xf32, #tpu.memory_space<vmem_shared>>
        tpu.wait_dma2 semaphore(%dma_wait3A_154 : memref<!tpu.dma_semaphore, #tpu.memory_space<semaphore_mem>>) src(%arg10 : memref<16x64xf32, #tpu.memory_space<vmem>>) dst(%dma_wait3A_156 : memref<16x64xf32, #tpu.memory_space<vmem_shared>>)
        %scan3A_157 = arith.constant 0 : i32
        scf.yield %scan3A_157 : i32
      }
      %scan3A_37 = arith.constant 40 : i32
      %barrier3A = arith.constant 0 : index
      tpu.barrier barrier_id(%barrier3A)
      %mul3A = arith.constant 40000 : i32
      %mul3A_38 = arith.muli %arg0, %mul3A : i32
      %mul3A_39 = arith.constant 1 : i32
      %mul3A_40 = arith.muli %scan3A_20, %mul3A_39 : i32
      %add3A = arith.addi %mul3A_38, %mul3A_40 : i32
      %scan3A_41 = arith.constant 0 : i32
      %scan3A_42 = arith.constant 0 : i32
      %scan3A_43 = arith.constant 1260 : i32
      %scan3A_44 = arith.addi %scan3A_42, %scan3A_43 : i32
      %scan3A_45 = arith.constant 1 : i32
      %scan3A_46 = scf.for %scan3A_147 = %scan3A_42 to %scan3A_44 step %scan3A_45 iter_args(%scan3A_148 = %scan3A_41) -> (i32)  : i32 {
        %jit3A = arith.constant 4 : i32
        %div3A = arith.divsi %scan3A_147, %jit3A : i32
        %sign3A = arith.constant 0 : i32
        %sign3A_149 = arith.cmpi sgt, %scan3A_147, %sign3A : i32
        %sign3A_150 = arith.extui %sign3A_149 : i1 to i32
        %sign3A_151 = arith.constant 0 : i32
        %sign3A_152 = arith.cmpi slt, %scan3A_147, %sign3A_151 : i32
        %sign3A_153 = arith.extui %sign3A_152 : i1 to i32
        %sign3A_154 = arith.subi %sign3A_150, %sign3A_153 : i32
        %sign3A_155 = arith.constant 0 : i32
        %sign3A_156 = arith.cmpi sgt, %jit3A, %sign3A_155 : i32
        %sign3A_157 = arith.extui %sign3A_156 : i1 to i32
        %sign3A_158 = arith.constant 0 : i32
        %sign3A_159 = arith.cmpi slt, %jit3A, %sign3A_158 : i32
        %sign3A_160 = arith.extui %sign3A_159 : i1 to i32
        %sign3A_161 = arith.subi %sign3A_157, %sign3A_160 : i32
        %ne3A = arith.cmpi ne, %sign3A_154, %sign3A_161 : i32
        %rem3A = arith.remsi %scan3A_147, %jit3A : i32
        %ne3A_162 = arith.constant 0 : i32
        %ne3A_163 = arith.cmpi ne, %rem3A, %ne3A_162 : i32
        %and3A = arith.andi %ne3A, %ne3A_163 : i1
        %sub3A = arith.constant 1 : i32
        %sub3A_164 = arith.subi %div3A, %sub3A : i32
        %select_n3A = arith.select %and3A, %sub3A_164, %div3A : i32
        %jit3A_165 = arith.constant 4 : i32
        %eq3A = arith.constant 0 : i32
        %eq3A_166 = arith.cmpi eq, %jit3A_165, %eq3A : i32
        %jit3A_167 = arith.constant 1 : i32
        %select_n3A_168 = arith.select %eq3A_166, %jit3A_167, %jit3A_165 : i32
        %rem3A_169 = arith.remsi %scan3A_147, %select_n3A_168 : i32
        %ne3A_170 = arith.constant 0 : i32
        %ne3A_171 = arith.cmpi ne, %rem3A_169, %ne3A_170 : i32
        %lt3A = arith.constant 0 : i32
        %lt3A_172 = arith.cmpi slt, %rem3A_169, %lt3A : i32
        %lt3A_173 = arith.constant 0 : i32
        %lt3A_174 = arith.cmpi slt, %select_n3A_168, %lt3A_173 : i32
        %ne3A_175 = arith.xori %lt3A_172, %lt3A_174 : i1
        %and3A_176 = arith.andi %ne3A_175, %ne3A_171 : i1
        %add3A_177 = arith.addi %rem3A_169, %select_n3A_168 : i32
        %select_n3A_178 = arith.select %and3A_176, %add3A_177, %rem3A_169 : i32
        %mul3A_179 = arith.constant 16 : i32
        %mul3A_180 = arith.muli %select_n3A_178, %mul3A_179 : i32
        %get3A = arith.index_cast %select_n3A : i32 to index
        %get3A_181 = arith.index_cast %mul3A_180 : i32 to index
        %get3A_182 = tpu.vector_load %arg6[%get3A, %get3A_181] {strides = array<i32>} : memref<315x64xi32, #tpu.memory_space<vmem>>, vector<1x16xi32>,
        %get3A_183 = vector.shape_cast %get3A_182 : vector<1x16xi32> to vector<16xi32>
        %mul3A_184 = arith.constant 4 : i32
        %mul3A_185 = vector.broadcast %mul3A_184 : i32 to vector<16xi32>
        %mul3A_186 = arith.muli %get3A_183, %mul3A_185 : vector<16xi32>
        %add3A_187 = vector.broadcast %add3A : i32 to vector<16xi32>
        %add3A_188 = arith.addi %mul3A_186, %add3A_187 : vector<16xi32>
        %swap3A = arith.index_cast %select_n3A : i32 to index
        %swap3A_189 = arith.index_cast %mul3A_180 : i32 to index
        %swap3A_190 = tpu.vector_load %arg8[%swap3A, %swap3A_189] {strides = array<i32>} : memref<315x64xi32, #tpu.memory_space<vmem>>, vector<1x16xi32>,
        %swap3A_191 = vector.shape_cast %swap3A_190 : vector<1x16xi32> to vector<16xi32>
        %swap3A_192 = vector.shape_cast %add3A_188 : vector<16xi32> to vector<1x16xi32>
        tpu.vector_store %arg8[%swap3A, %swap3A_189], %swap3A_192 {strides = array<i32>} : memref<315x64xi32, #tpu.memory_space<vmem>>, vector<1x16xi32>,
        %scan3A_193 = arith.constant 0 : i32
        scf.yield %scan3A_193 : i32
      }
      %scan3A_47 = arith.constant 1260 : i32
      %dma_start3A = arith.constant 0 : i32
      %dma_start3A_48 = arith.constant 0 : i32
      %dma_start3A_49 = arith.constant 0 : i32
      %dma_start3A_50 = arith.constant 0 : i32
      %dma_start3A_51 = arith.constant 0 : i32
      %dma_start3A_52 = tpu.memref_slice %arg9[%dma_start3A_48, %dma_start3A_50, %dma_start3A_51] : memref<5x64x64xf32, #tpu.memory_space<vmem>> -> memref<1x64x64xf32, #tpu.memory_space<vmem>>
      %dma_start3A_53 = tpu.memref_squeeze %dma_start3A_52 : memref<1x64x64xf32, #tpu.memory_space<vmem>> -> memref<64x64xf32, #tpu.memory_space<vmem>>
      %dma_start3A_54 = arith.constant 0 : i32
      %dma_start3A_55 = tpu.memref_slice %arg8[%dma_start3A, %dma_start3A_54] : memref<315x64xi32, #tpu.memory_space<vmem>> -> memref<1x64xi32, #tpu.memory_space<vmem>>
      %dma_start3A_56 = tpu.memref_squeeze %dma_start3A_55 : memref<1x64xi32, #tpu.memory_space<vmem>> -> memref<64xi32, #tpu.memory_space<vmem>>
      %dma_start3A_57 = arith.constant 0 : i32
      %dma_start3A_58 = arith.constant 0 : i32
      %dma_start3A_59 = tpu.memref_slice %arg4[%dma_start3A_57, %dma_start3A_58] : memref<80000x64xf32, #tpu.memory_space<hbm>> -> memref<80000x64xf32, #tpu.memory_space<hbm>>
      %dma_start3A_60 = tpu.memref_slice %arg12[%dma_start3A_49] : memref<5x!tpu.dma_semaphore, #tpu.memory_space<semaphore_mem>> -> memref<1x!tpu.dma_semaphore, #tpu.memory_space<semaphore_mem>>
      %dma_start3A_61 = tpu.memref_squeeze %dma_start3A_60 : memref<1x!tpu.dma_semaphore, #tpu.memory_space<semaphore_mem>> -> memref<!tpu.dma_semaphore, #tpu.memory_space<semaphore_mem>>
      tpu.enqueue_indirect_dma source(%dma_start3A_59 : memref<80000x64xf32, #tpu.memory_space<hbm>>) target(%dma_start3A_53 : memref<64x64xf32, #tpu.memory_space<vmem>>) offsets(%dma_start3A_56 : memref<64xi32, #tpu.memory_space<vmem>>) semaphore(%dma_start3A_61 : memref<!tpu.dma_semaphore, #tpu.memory_space<semaphore_mem>>)
      %dma_start3A_62 = arith.constant 1 : i32
      %dma_start3A_63 = arith.constant 1 : i32
      %dma_start3A_64 = arith.constant 1 : i32
      %dma_start3A_65 = arith.constant 0 : i32
      %dma_start3A_66 = arith.constant 0 : i32
      %dma_start3A_67 = tpu.memref_slice %arg9[%dma_start3A_63, %dma_start3A_65, %dma_start3A_66] : memref<5x64x64xf32, #tpu.memory_space<vmem>> -> memref<1x64x64xf32, #tpu.memory_space<vmem>>
      %dma_start3A_68 = tpu.memref_squeeze %dma_start3A_67 : memref<1x64x64xf32, #tpu.memory_space<vmem>> -> memref<64x64xf32, #tpu.memory_space<vmem>>
      %dma_start3A_69 = arith.constant 0 : i32
      %dma_start3A_70 = tpu.memref_slice %arg8[%dma_start3A_62, %dma_start3A_69] : memref<315x64xi32, #tpu.memory_space<vmem>> -> memref<1x64xi32, #tpu.memory_space<vmem>>
      %dma_start3A_71 = tpu.memref_squeeze %dma_start3A_70 : memref<1x64xi32, #tpu.memory_space<vmem>> -> memref<64xi32, #tpu.memory_space<vmem>>
      %dma_start3A_72 = arith.constant 0 : i32
      %dma_start3A_73 = arith.constant 0 : i32
      %dma_start3A_74 = tpu.memref_slice %arg4[%dma_start3A_72, %dma_start3A_73] : memref<80000x64xf32, #tpu.memory_space<hbm>> -> memref<80000x64xf32, #tpu.memory_space<hbm>>
      %dma_start3A_75 = tpu.memref_slice %arg12[%dma_start3A_64] : memref<5x!tpu.dma_semaphore, #tpu.memory_space<semaphore_mem>> -> memref<1x!tpu.dma_semaphore, #tpu.memory_space<semaphore_mem>>
      %dma_start3A_76 = tpu.memref_squeeze %dma_start3A_75 : memref<1x!tpu.dma_semaphore, #tpu.memory_space<semaphore_mem>> -> memref<!tpu.dma_semaphore, #tpu.memory_space<semaphore_mem>>
      tpu.enqueue_indirect_dma source(%dma_start3A_74 : memref<80000x64xf32, #tpu.memory_space<hbm>>) target(%dma_start3A_68 : memref<64x64xf32, #tpu.memory_space<vmem>>) offsets(%dma_start3A_71 : memref<64xi32, #tpu.memory_space<vmem>>) semaphore(%dma_start3A_76 : memref<!tpu.dma_semaphore, #tpu.memory_space<semaphore_mem>>)
      %dma_start3A_77 = arith.constant 2 : i32
      %dma_start3A_78 = arith.constant 2 : i32
      %dma_start3A_79 = arith.constant 2 : i32
      %dma_start3A_80 = arith.constant 0 : i32
      %dma_start3A_81 = arith.constant 0 : i32
      %dma_start3A_82 = tpu.memref_slice %arg9[%dma_start3A_78, %dma_start3A_80, %dma_start3A_81] : memref<5x64x64xf32, #tpu.memory_space<vmem>> -> memref<1x64x64xf32, #tpu.memory_space<vmem>>
      %dma_start3A_83 = tpu.memref_squeeze %dma_start3A_82 : memref<1x64x64xf32, #tpu.memory_space<vmem>> -> memref<64x64xf32, #tpu.memory_space<vmem>>
      %dma_start3A_84 = arith.constant 0 : i32
      %dma_start3A_85 = tpu.memref_slice %arg8[%dma_start3A_77, %dma_start3A_84] : memref<315x64xi32, #tpu.memory_space<vmem>> -> memref<1x64xi32, #tpu.memory_space<vmem>>
      %dma_start3A_86 = tpu.memref_squeeze %dma_start3A_85 : memref<1x64xi32, #tpu.memory_space<vmem>> -> memref<64xi32, #tpu.memory_space<vmem>>
      %dma_start3A_87 = arith.constant 0 : i32
      %dma_start3A_88 = arith.constant 0 : i32
      %dma_start3A_89 = tpu.memref_slice %arg4[%dma_start3A_87, %dma_start3A_88] : memref<80000x64xf32, #tpu.memory_space<hbm>> -> memref<80000x64xf32, #tpu.memory_space<hbm>>
      %dma_start3A_90 = tpu.memref_slice %arg12[%dma_start3A_79] : memref<5x!tpu.dma_semaphore, #tpu.memory_space<semaphore_mem>> -> memref<1x!tpu.dma_semaphore, #tpu.memory_space<semaphore_mem>>
      %dma_start3A_91 = tpu.memref_squeeze %dma_start3A_90 : memref<1x!tpu.dma_semaphore, #tpu.memory_space<semaphore_mem>> -> memref<!tpu.dma_semaphore, #tpu.memory_space<semaphore_mem>>
      tpu.enqueue_indirect_dma source(%dma_start3A_89 : memref<80000x64xf32, #tpu.memory_space<hbm>>) target(%dma_start3A_83 : memref<64x64xf32, #tpu.memory_space<vmem>>) offsets(%dma_start3A_86 : memref<64xi32, #tpu.memory_space<vmem>>) semaphore(%dma_start3A_91 : memref<!tpu.dma_semaphore, #tpu.memory_space<semaphore_mem>>)
      %scan3A_92 = arith.constant 0 : i32
      %scan3A_93 = arith.constant 0 : i32
      %scan3A_94 = arith.constant 63 : i32
      %scan3A_95 = arith.addi %scan3A_93, %scan3A_94 : i32
      %scan3A_96 = arith.constant 1 : i32
      %scan3A_97 = scf.for %scan3A_147 = %scan3A_93 to %scan3A_95 step %scan3A_96 iter_args(%scan3A_148 = %scan3A_92) -> (i32)  : i32 {
        %mul3A_149 = arith.constant 5 : i32
        %mul3A_150 = arith.muli %scan3A_147, %mul3A_149 : i32
        %add3A_151 = arith.constant 0 : i32
        %add3A_152 = arith.addi %mul3A_150, %add3A_151 : i32
        %dma_wait3A_153 = arith.constant 0 : i32
        %dma_wait3A_154 = arith.constant 0 : i32
        %dma_wait3A_155 = arith.constant 0 : i32
        %dma_wait3A_156 = arith.constant 0 : i32
        %dma_wait3A_157 = tpu.memref_slice %arg9[%dma_wait3A_153, %dma_wait3A_155, %dma_wait3A_156] : memref<5x64x64xf32, #tpu.memory_space<vmem>> -> memref<1x64x64xf32, #tpu.memory_space<vmem>>
        %dma_wait3A_158 = tpu.memref_squeeze %dma_wait3A_157 : memref<1x64x64xf32, #tpu.memory_space<vmem>> -> memref<64x64xf32, #tpu.memory_space<vmem>>
        %dma_wait3A_159 = arith.constant 0 : i32
        %dma_wait3A_160 = tpu.memref_slice %arg8[%add3A_152, %dma_wait3A_159] : memref<315x64xi32, #tpu.memory_space<vmem>> -> memref<1x64xi32, #tpu.memory_space<vmem>>
        %dma_wait3A_161 = tpu.memref_squeeze %dma_wait3A_160 : memref<1x64xi32, #tpu.memory_space<vmem>> -> memref<64xi32, #tpu.memory_space<vmem>>
        %dma_wait3A_162 = arith.constant 0 : i32
        %dma_wait3A_163 = arith.constant 0 : i32
        %dma_wait3A_164 = tpu.memref_slice %arg4[%dma_wait3A_162, %dma_wait3A_163] : memref<80000x64xf32, #tpu.memory_space<hbm>> -> memref<80000x64xf32, #tpu.memory_space<hbm>>
        %dma_wait3A_165 = tpu.memref_slice %arg12[%dma_wait3A_154] : memref<5x!tpu.dma_semaphore, #tpu.memory_space<semaphore_mem>> -> memref<1x!tpu.dma_semaphore, #tpu.memory_space<semaphore_mem>>
        %dma_wait3A_166 = tpu.memref_squeeze %dma_wait3A_165 : memref<1x!tpu.dma_semaphore, #tpu.memory_space<semaphore_mem>> -> memref<!tpu.dma_semaphore, #tpu.memory_space<semaphore_mem>>
        tpu.wait_indirect_dma semaphore(%dma_wait3A_166 : memref<!tpu.dma_semaphore, #tpu.memory_space<semaphore_mem>>) src(%dma_wait3A_164 : memref<80000x64xf32, #tpu.memory_space<hbm>>) dst(%dma_wait3A_158 : memref<64x64xf32, #tpu.memory_space<vmem>>)
        %dma_start3A_167 = arith.constant 0 : i32
        %dma_start3A_168 = arith.constant 0 : i32
        %dma_start3A_169 = arith.constant 0 : i32
        %dma_start3A_170 = arith.constant 0 : i32
        %dma_start3A_171 = tpu.memref_slice %arg9[%dma_start3A_167, %dma_start3A_169, %dma_start3A_170] : memref<5x64x64xf32, #tpu.memory_space<vmem>> -> memref<1x64x64xf32, #tpu.memory_space<vmem>>
        %dma_start3A_172 = tpu.memref_squeeze %dma_start3A_171 : memref<1x64x64xf32, #tpu.memory_space<vmem>> -> memref<64x64xf32, #tpu.memory_space<vmem>>
        %dma_start3A_173 = arith.constant 0 : i32
        %dma_start3A_174 = tpu.memref_slice %arg7[%add3A_152, %dma_start3A_173] : memref<315x64xi32, #tpu.memory_space<vmem>> -> memref<1x64xi32, #tpu.memory_space<vmem>>
        %dma_start3A_175 = tpu.memref_squeeze %dma_start3A_174 : memref<1x64xi32, #tpu.memory_space<vmem>> -> memref<64xi32, #tpu.memory_space<vmem>>
        %dma_start3A_176 = arith.constant 0 : i32
        %dma_start3A_177 = arith.constant 0 : i32
        %dma_start3A_178 = tpu.memref_slice %arg11[%dma_start3A_176, %dma_start3A_177] : memref<10008x64xf32, #tpu.memory_space<vmem_shared>> -> memref<10008x64xf32, #tpu.memory_space<vmem_shared>>
        %dma_start3A_179 = tpu.memref_slice %arg13[%dma_start3A_168] : memref<5x!tpu.dma_semaphore, #tpu.memory_space<semaphore_mem>> -> memref<1x!tpu.dma_semaphore, #tpu.memory_space<semaphore_mem>>
        %dma_start3A_180 = tpu.memref_squeeze %dma_start3A_179 : memref<1x!tpu.dma_semaphore, #tpu.memory_space<semaphore_mem>> -> memref<!tpu.dma_semaphore, #tpu.memory_space<semaphore_mem>>
        tpu.enqueue_indirect_dma source(%dma_start3A_172 : memref<64x64xf32, #tpu.memory_space<vmem>>) target(%dma_start3A_178 : memref<10008x64xf32, #tpu.memory_space<vmem_shared>>) offsets(%dma_start3A_175 : memref<64xi32, #tpu.memory_space<vmem>>) semaphore(%dma_start3A_180 : memref<!tpu.dma_semaphore, #tpu.memory_space<semaphore_mem>>) {add = true}
        %ge3A = arith.constant 2 : i32
        %ge3A_181 = arith.cmpi sge, %add3A_152, %ge3A : i32
        %convert_element_type3A = arith.extui %ge3A_181 : i1 to i32
        %cond3A = arith.constant 0 : i32
        %cond3A_182 = arith.cmpi ne, %convert_element_type3A, %cond3A : i32
        scf.if %cond3A_182 {
          %sub3A = arith.constant 2 : i32
          %sub3A_366 = arith.subi %add3A_152, %sub3A : i32
          %dma_wait3A_367 = arith.constant 3 : i32
          %dma_wait3A_368 = arith.constant 3 : i32
          %dma_wait3A_369 = arith.constant 0 : i32
          %dma_wait3A_370 = arith.constant 0 : i32
          %dma_wait3A_371 = tpu.memref_slice %arg9[%dma_wait3A_367, %dma_wait3A_369, %dma_wait3A_370] : memref<5x64x64xf32, #tpu.memory_space<vmem>> -> memref<1x64x64xf32, #tpu.memory_space<vmem>>
          %dma_wait3A_372 = tpu.memref_squeeze %dma_wait3A_371 : memref<1x64x64xf32, #tpu.memory_space<vmem>> -> memref<64x64xf32, #tpu.memory_space<vmem>>
          %dma_wait3A_373 = arith.constant 0 : i32
          %dma_wait3A_374 = tpu.memref_slice %arg7[%sub3A_366, %dma_wait3A_373] : memref<315x64xi32, #tpu.memory_space<vmem>> -> memref<1x64xi32, #tpu.memory_space<vmem>>
          %dma_wait3A_375 = tpu.memref_squeeze %dma_wait3A_374 : memref<1x64xi32, #tpu.memory_space<vmem>> -> memref<64xi32, #tpu.memory_space<vmem>>
          %dma_wait3A_376 = arith.constant 0 : i32
          %dma_wait3A_377 = arith.constant 0 : i32
          %dma_wait3A_378 = tpu.memref_slice %arg11[%dma_wait3A_376, %dma_wait3A_377] : memref<10008x64xf32, #tpu.memory_space<vmem_shared>> -> memref<10008x64xf32, #tpu.memory_space<vmem_shared>>
          %dma_wait3A_379 = tpu.memref_slice %arg13[%dma_wait3A_368] : memref<5x!tpu.dma_semaphore, #tpu.memory_space<semaphore_mem>> -> memref<1x!tpu.dma_semaphore, #tpu.memory_space<semaphore_mem>>
          %dma_wait3A_380 = tpu.memref_squeeze %dma_wait3A_379 : memref<1x!tpu.dma_semaphore, #tpu.memory_space<semaphore_mem>> -> memref<!tpu.dma_semaphore, #tpu.memory_space<semaphore_mem>>
          tpu.wait_indirect_dma semaphore(%dma_wait3A_380 : memref<!tpu.dma_semaphore, #tpu.memory_space<semaphore_mem>>) src(%dma_wait3A_372 : memref<64x64xf32, #tpu.memory_space<vmem>>) dst(%dma_wait3A_378 : memref<10008x64xf32, #tpu.memory_space<vmem_shared>>)
        } else {
        }
        %add3A_183 = arith.constant 3 : i32
        %add3A_184 = arith.addi %add3A_152, %add3A_183 : i32
        %lt3A = arith.constant 315 : i32
        %lt3A_185 = arith.cmpi slt, %add3A_184, %lt3A : i32
        %convert_element_type3A_186 = arith.extui %lt3A_185 : i1 to i32
        %cond3A_187 = arith.constant 0 : i32
        %cond3A_188 = arith.cmpi ne, %convert_element_type3A_186, %cond3A_187 : i32
        scf.if %cond3A_188 {
          %add3A_366 = arith.constant 3 : i32
          %add3A_367 = arith.addi %add3A_152, %add3A_366 : i32
          %dma_start3A_368 = arith.constant 3 : i32
          %dma_start3A_369 = arith.constant 3 : i32
          %dma_start3A_370 = arith.constant 0 : i32
          %dma_start3A_371 = arith.constant 0 : i32
          %dma_start3A_372 = tpu.memref_slice %arg9[%dma_start3A_368, %dma_start3A_370, %dma_start3A_371] : memref<5x64x64xf32, #tpu.memory_space<vmem>> -> memref<1x64x64xf32, #tpu.memory_space<vmem>>
          %dma_start3A_373 = tpu.memref_squeeze %dma_start3A_372 : memref<1x64x64xf32, #tpu.memory_space<vmem>> -> memref<64x64xf32, #tpu.memory_space<vmem>>
          %dma_start3A_374 = arith.constant 0 : i32
          %dma_start3A_375 = tpu.memref_slice %arg8[%add3A_367, %dma_start3A_374] : memref<315x64xi32, #tpu.memory_space<vmem>> -> memref<1x64xi32, #tpu.memory_space<vmem>>
          %dma_start3A_376 = tpu.memref_squeeze %dma_start3A_375 : memref<1x64xi32, #tpu.memory_space<vmem>> -> memref<64xi32, #tpu.memory_space<vmem>>
          %dma_start3A_377 = arith.constant 0 : i32
          %dma_start3A_378 = arith.constant 0 : i32
          %dma_start3A_379 = tpu.memref_slice %arg4[%dma_start3A_377, %dma_start3A_378] : memref<80000x64xf32, #tpu.memory_space<hbm>> -> memref<80000x64xf32, #tpu.memory_space<hbm>>
          %dma_start3A_380 = tpu.memref_slice %arg12[%dma_start3A_369] : memref<5x!tpu.dma_semaphore, #tpu.memory_space<semaphore_mem>> -> memref<1x!tpu.dma_semaphore, #tpu.memory_space<semaphore_mem>>
          %dma_start3A_381 = tpu.memref_squeeze %dma_start3A_380 : memref<1x!tpu.dma_semaphore, #tpu.memory_space<semaphore_mem>> -> memref<!tpu.dma_semaphore, #tpu.memory_space<semaphore_mem>>
          tpu.enqueue_indirect_dma source(%dma_start3A_379 : memref<80000x64xf32, #tpu.memory_space<hbm>>) target(%dma_start3A_373 : memref<64x64xf32, #tpu.memory_space<vmem>>) offsets(%dma_start3A_376 : memref<64xi32, #tpu.memory_space<vmem>>) semaphore(%dma_start3A_381 : memref<!tpu.dma_semaphore, #tpu.memory_space<semaphore_mem>>)
        } else {
        }
        %mul3A_189 = arith.constant 5 : i32
        %mul3A_190 = arith.muli %scan3A_147, %mul3A_189 : i32
        %add3A_191 = arith.constant 1 : i32
        %add3A_192 = arith.addi %mul3A_190, %add3A_191 : i32
        %dma_wait3A_193 = arith.constant 1 : i32
        %dma_wait3A_194 = arith.constant 1 : i32
        %dma_wait3A_195 = arith.constant 0 : i32
        %dma_wait3A_196 = arith.constant 0 : i32
        %dma_wait3A_197 = tpu.memref_slice %arg9[%dma_wait3A_193, %dma_wait3A_195, %dma_wait3A_196] : memref<5x64x64xf32, #tpu.memory_space<vmem>> -> memref<1x64x64xf32, #tpu.memory_space<vmem>>
        %dma_wait3A_198 = tpu.memref_squeeze %dma_wait3A_197 : memref<1x64x64xf32, #tpu.memory_space<vmem>> -> memref<64x64xf32, #tpu.memory_space<vmem>>
        %dma_wait3A_199 = arith.constant 0 : i32
        %dma_wait3A_200 = tpu.memref_slice %arg8[%add3A_192, %dma_wait3A_199] : memref<315x64xi32, #tpu.memory_space<vmem>> -> memref<1x64xi32, #tpu.memory_space<vmem>>
        %dma_wait3A_201 = tpu.memref_squeeze %dma_wait3A_200 : memref<1x64xi32, #tpu.memory_space<vmem>> -> memref<64xi32, #tpu.memory_space<vmem>>
        %dma_wait3A_202 = arith.constant 0 : i32
        %dma_wait3A_203 = arith.constant 0 : i32
        %dma_wait3A_204 = tpu.memref_slice %arg4[%dma_wait3A_202, %dma_wait3A_203] : memref<80000x64xf32, #tpu.memory_space<hbm>> -> memref<80000x64xf32, #tpu.memory_space<hbm>>
        %dma_wait3A_205 = tpu.memref_slice %arg12[%dma_wait3A_194] : memref<5x!tpu.dma_semaphore, #tpu.memory_space<semaphore_mem>> -> memref<1x!tpu.dma_semaphore, #tpu.memory_space<semaphore_mem>>
        %dma_wait3A_206 = tpu.memref_squeeze %dma_wait3A_205 : memref<1x!tpu.dma_semaphore, #tpu.memory_space<semaphore_mem>> -> memref<!tpu.dma_semaphore, #tpu.memory_space<semaphore_mem>>
        tpu.wait_indirect_dma semaphore(%dma_wait3A_206 : memref<!tpu.dma_semaphore, #tpu.memory_space<semaphore_mem>>) src(%dma_wait3A_204 : memref<80000x64xf32, #tpu.memory_space<hbm>>) dst(%dma_wait3A_198 : memref<64x64xf32, #tpu.memory_space<vmem>>)
        %dma_start3A_207 = arith.constant 1 : i32
        %dma_start3A_208 = arith.constant 1 : i32
        %dma_start3A_209 = arith.constant 0 : i32
        %dma_start3A_210 = arith.constant 0 : i32
        %dma_start3A_211 = tpu.memref_slice %arg9[%dma_start3A_207, %dma_start3A_209, %dma_start3A_210] : memref<5x64x64xf32, #tpu.memory_space<vmem>> -> memref<1x64x64xf32, #tpu.memory_space<vmem>>
        %dma_start3A_212 = tpu.memref_squeeze %dma_start3A_211 : memref<1x64x64xf32, #tpu.memory_space<vmem>> -> memref<64x64xf32, #tpu.memory_space<vmem>>
        %dma_start3A_213 = arith.constant 0 : i32
        %dma_start3A_214 = tpu.memref_slice %arg7[%add3A_192, %dma_start3A_213] : memref<315x64xi32, #tpu.memory_space<vmem>> -> memref<1x64xi32, #tpu.memory_space<vmem>>
        %dma_start3A_215 = tpu.memref_squeeze %dma_start3A_214 : memref<1x64xi32, #tpu.memory_space<vmem>> -> memref<64xi32, #tpu.memory_space<vmem>>
        %dma_start3A_216 = arith.constant 0 : i32
        %dma_start3A_217 = arith.constant 0 : i32
        %dma_start3A_218 = tpu.memref_slice %arg11[%dma_start3A_216, %dma_start3A_217] : memref<10008x64xf32, #tpu.memory_space<vmem_shared>> -> memref<10008x64xf32, #tpu.memory_space<vmem_shared>>
        %dma_start3A_219 = tpu.memref_slice %arg13[%dma_start3A_208] : memref<5x!tpu.dma_semaphore, #tpu.memory_space<semaphore_mem>> -> memref<1x!tpu.dma_semaphore, #tpu.memory_space<semaphore_mem>>
        %dma_start3A_220 = tpu.memref_squeeze %dma_start3A_219 : memref<1x!tpu.dma_semaphore, #tpu.memory_space<semaphore_mem>> -> memref<!tpu.dma_semaphore, #tpu.memory_space<semaphore_mem>>
        tpu.enqueue_indirect_dma source(%dma_start3A_212 : memref<64x64xf32, #tpu.memory_space<vmem>>) target(%dma_start3A_218 : memref<10008x64xf32, #tpu.memory_space<vmem_shared>>) offsets(%dma_start3A_215 : memref<64xi32, #tpu.memory_space<vmem>>) semaphore(%dma_start3A_220 : memref<!tpu.dma_semaphore, #tpu.memory_space<semaphore_mem>>) {add = true}
        %ge3A_221 = arith.constant 2 : i32
        %ge3A_222 = arith.cmpi sge, %add3A_192, %ge3A_221 : i32
        %convert_element_type3A_223 = arith.extui %ge3A_222 : i1 to i32
        %cond3A_224 = arith.constant 0 : i32
        %cond3A_225 = arith.cmpi ne, %convert_element_type3A_223, %cond3A_224 : i32
        scf.if %cond3A_225 {
          %sub3A = arith.constant 2 : i32
          %sub3A_366 = arith.subi %add3A_192, %sub3A : i32
          %dma_wait3A_367 = arith.constant 4 : i32
          %dma_wait3A_368 = arith.constant 4 : i32
          %dma_wait3A_369 = arith.constant 0 : i32
          %dma_wait3A_370 = arith.constant 0 : i32
          %dma_wait3A_371 = tpu.memref_slice %arg9[%dma_wait3A_367, %dma_wait3A_369, %dma_wait3A_370] : memref<5x64x64xf32, #tpu.memory_space<vmem>> -> memref<1x64x64xf32, #tpu.memory_space<vmem>>
          %dma_wait3A_372 = tpu.memref_squeeze %dma_wait3A_371 : memref<1x64x64xf32, #tpu.memory_space<vmem>> -> memref<64x64xf32, #tpu.memory_space<vmem>>
          %dma_wait3A_373 = arith.constant 0 : i32
          %dma_wait3A_374 = tpu.memref_slice %arg7[%sub3A_366, %dma_wait3A_373] : memref<315x64xi32, #tpu.memory_space<vmem>> -> memref<1x64xi32, #tpu.memory_space<vmem>>
          %dma_wait3A_375 = tpu.memref_squeeze %dma_wait3A_374 : memref<1x64xi32, #tpu.memory_space<vmem>> -> memref<64xi32, #tpu.memory_space<vmem>>
          %dma_wait3A_376 = arith.constant 0 : i32
          %dma_wait3A_377 = arith.constant 0 : i32
          %dma_wait3A_378 = tpu.memref_slice %arg11[%dma_wait3A_376, %dma_wait3A_377] : memref<10008x64xf32, #tpu.memory_space<vmem_shared>> -> memref<10008x64xf32, #tpu.memory_space<vmem_shared>>
          %dma_wait3A_379 = tpu.memref_slice %arg13[%dma_wait3A_368] : memref<5x!tpu.dma_semaphore, #tpu.memory_space<semaphore_mem>> -> memref<1x!tpu.dma_semaphore, #tpu.memory_space<semaphore_mem>>
          %dma_wait3A_380 = tpu.memref_squeeze %dma_wait3A_379 : memref<1x!tpu.dma_semaphore, #tpu.memory_space<semaphore_mem>> -> memref<!tpu.dma_semaphore, #tpu.memory_space<semaphore_mem>>
          tpu.wait_indirect_dma semaphore(%dma_wait3A_380 : memref<!tpu.dma_semaphore, #tpu.memory_space<semaphore_mem>>) src(%dma_wait3A_372 : memref<64x64xf32, #tpu.memory_space<vmem>>) dst(%dma_wait3A_378 : memref<10008x64xf32, #tpu.memory_space<vmem_shared>>)
        } else {
        }
        %add3A_226 = arith.constant 3 : i32
        %add3A_227 = arith.addi %add3A_192, %add3A_226 : i32
        %lt3A_228 = arith.constant 315 : i32
        %lt3A_229 = arith.cmpi slt, %add3A_227, %lt3A_228 : i32
        %convert_element_type3A_230 = arith.extui %lt3A_229 : i1 to i32
        %cond3A_231 = arith.constant 0 : i32
        %cond3A_232 = arith.cmpi ne, %convert_element_type3A_230, %cond3A_231 : i32
        scf.if %cond3A_232 {
          %add3A_366 = arith.constant 3 : i32
          %add3A_367 = arith.addi %add3A_192, %add3A_366 : i32
          %dma_start3A_368 = arith.constant 4 : i32
          %dma_start3A_369 = arith.constant 4 : i32
          %dma_start3A_370 = arith.constant 0 : i32
          %dma_start3A_371 = arith.constant 0 : i32
          %dma_start3A_372 = tpu.memref_slice %arg9[%dma_start3A_368, %dma_start3A_370, %dma_start3A_371] : memref<5x64x64xf32, #tpu.memory_space<vmem>> -> memref<1x64x64xf32, #tpu.memory_space<vmem>>
          %dma_start3A_373 = tpu.memref_squeeze %dma_start3A_372 : memref<1x64x64xf32, #tpu.memory_space<vmem>> -> memref<64x64xf32, #tpu.memory_space<vmem>>
          %dma_start3A_374 = arith.constant 0 : i32
          %dma_start3A_375 = tpu.memref_slice %arg8[%add3A_367, %dma_start3A_374] : memref<315x64xi32, #tpu.memory_space<vmem>> -> memref<1x64xi32, #tpu.memory_space<vmem>>
          %dma_start3A_376 = tpu.memref_squeeze %dma_start3A_375 : memref<1x64xi32, #tpu.memory_space<vmem>> -> memref<64xi32, #tpu.memory_space<vmem>>
          %dma_start3A_377 = arith.constant 0 : i32
          %dma_start3A_378 = arith.constant 0 : i32
          %dma_start3A_379 = tpu.memref_slice %arg4[%dma_start3A_377, %dma_start3A_378] : memref<80000x64xf32, #tpu.memory_space<hbm>> -> memref<80000x64xf32, #tpu.memory_space<hbm>>
          %dma_start3A_380 = tpu.memref_slice %arg12[%dma_start3A_369] : memref<5x!tpu.dma_semaphore, #tpu.memory_space<semaphore_mem>> -> memref<1x!tpu.dma_semaphore, #tpu.memory_space<semaphore_mem>>
          %dma_start3A_381 = tpu.memref_squeeze %dma_start3A_380 : memref<1x!tpu.dma_semaphore, #tpu.memory_space<semaphore_mem>> -> memref<!tpu.dma_semaphore, #tpu.memory_space<semaphore_mem>>
          tpu.enqueue_indirect_dma source(%dma_start3A_379 : memref<80000x64xf32, #tpu.memory_space<hbm>>) target(%dma_start3A_373 : memref<64x64xf32, #tpu.memory_space<vmem>>) offsets(%dma_start3A_376 : memref<64xi32, #tpu.memory_space<vmem>>) semaphore(%dma_start3A_381 : memref<!tpu.dma_semaphore, #tpu.memory_space<semaphore_mem>>)
        } else {
        }
        %mul3A_233 = arith.constant 5 : i32
        %mul3A_234 = arith.muli %scan3A_147, %mul3A_233 : i32
        %add3A_235 = arith.constant 2 : i32
        %add3A_236 = arith.addi %mul3A_234, %add3A_235 : i32
        %dma_wait3A_237 = arith.constant 2 : i32
        %dma_wait3A_238 = arith.constant 2 : i32
        %dma_wait3A_239 = arith.constant 0 : i32
        %dma_wait3A_240 = arith.constant 0 : i32
        %dma_wait3A_241 = tpu.memref_slice %arg9[%dma_wait3A_237, %dma_wait3A_239, %dma_wait3A_240] : memref<5x64x64xf32, #tpu.memory_space<vmem>> -> memref<1x64x64xf32, #tpu.memory_space<vmem>>
        %dma_wait3A_242 = tpu.memref_squeeze %dma_wait3A_241 : memref<1x64x64xf32, #tpu.memory_space<vmem>> -> memref<64x64xf32, #tpu.memory_space<vmem>>
        %dma_wait3A_243 = arith.constant 0 : i32
        %dma_wait3A_244 = tpu.memref_slice %arg8[%add3A_236, %dma_wait3A_243] : memref<315x64xi32, #tpu.memory_space<vmem>> -> memref<1x64xi32, #tpu.memory_space<vmem>>
        %dma_wait3A_245 = tpu.memref_squeeze %dma_wait3A_244 : memref<1x64xi32, #tpu.memory_space<vmem>> -> memref<64xi32, #tpu.memory_space<vmem>>
        %dma_wait3A_246 = arith.constant 0 : i32
        %dma_wait3A_247 = arith.constant 0 : i32
        %dma_wait3A_248 = tpu.memref_slice %arg4[%dma_wait3A_246, %dma_wait3A_247] : memref<80000x64xf32, #tpu.memory_space<hbm>> -> memref<80000x64xf32, #tpu.memory_space<hbm>>
        %dma_wait3A_249 = tpu.memref_slice %arg12[%dma_wait3A_238] : memref<5x!tpu.dma_semaphore, #tpu.memory_space<semaphore_mem>> -> memref<1x!tpu.dma_semaphore, #tpu.memory_space<semaphore_mem>>
        %dma_wait3A_250 = tpu.memref_squeeze %dma_wait3A_249 : memref<1x!tpu.dma_semaphore, #tpu.memory_space<semaphore_mem>> -> memref<!tpu.dma_semaphore, #tpu.memory_space<semaphore_mem>>
        tpu.wait_indirect_dma semaphore(%dma_wait3A_250 : memref<!tpu.dma_semaphore, #tpu.memory_space<semaphore_mem>>) src(%dma_wait3A_248 : memref<80000x64xf32, #tpu.memory_space<hbm>>) dst(%dma_wait3A_242 : memref<64x64xf32, #tpu.memory_space<vmem>>)
        %dma_start3A_251 = arith.constant 2 : i32
        %dma_start3A_252 = arith.constant 2 : i32
        %dma_start3A_253 = arith.constant 0 : i32
        %dma_start3A_254 = arith.constant 0 : i32
        %dma_start3A_255 = tpu.memref_slice %arg9[%dma_start3A_251, %dma_start3A_253, %dma_start3A_254] : memref<5x64x64xf32, #tpu.memory_space<vmem>> -> memref<1x64x64xf32, #tpu.memory_space<vmem>>
        %dma_start3A_256 = tpu.memref_squeeze %dma_start3A_255 : memref<1x64x64xf32, #tpu.memory_space<vmem>> -> memref<64x64xf32, #tpu.memory_space<vmem>>
        %dma_start3A_257 = arith.constant 0 : i32
        %dma_start3A_258 = tpu.memref_slice %arg7[%add3A_236, %dma_start3A_257] : memref<315x64xi32, #tpu.memory_space<vmem>> -> memref<1x64xi32, #tpu.memory_space<vmem>>
        %dma_start3A_259 = tpu.memref_squeeze %dma_start3A_258 : memref<1x64xi32, #tpu.memory_space<vmem>> -> memref<64xi32, #tpu.memory_space<vmem>>
        %dma_start3A_260 = arith.constant 0 : i32
        %dma_start3A_261 = arith.constant 0 : i32
        %dma_start3A_262 = tpu.memref_slice %arg11[%dma_start3A_260, %dma_start3A_261] : memref<10008x64xf32, #tpu.memory_space<vmem_shared>> -> memref<10008x64xf32, #tpu.memory_space<vmem_shared>>
        %dma_start3A_263 = tpu.memref_slice %arg13[%dma_start3A_252] : memref<5x!tpu.dma_semaphore, #tpu.memory_space<semaphore_mem>> -> memref<1x!tpu.dma_semaphore, #tpu.memory_space<semaphore_mem>>
        %dma_start3A_264 = tpu.memref_squeeze %dma_start3A_263 : memref<1x!tpu.dma_semaphore, #tpu.memory_space<semaphore_mem>> -> memref<!tpu.dma_semaphore, #tpu.memory_space<semaphore_mem>>
        tpu.enqueue_indirect_dma source(%dma_start3A_256 : memref<64x64xf32, #tpu.memory_space<vmem>>) target(%dma_start3A_262 : memref<10008x64xf32, #tpu.memory_space<vmem_shared>>) offsets(%dma_start3A_259 : memref<64xi32, #tpu.memory_space<vmem>>) semaphore(%dma_start3A_264 : memref<!tpu.dma_semaphore, #tpu.memory_space<semaphore_mem>>) {add = true}
        %ge3A_265 = arith.constant 2 : i32
        %ge3A_266 = arith.cmpi sge, %add3A_236, %ge3A_265 : i32
        %convert_element_type3A_267 = arith.extui %ge3A_266 : i1 to i32
        %cond3A_268 = arith.constant 0 : i32
        %cond3A_269 = arith.cmpi ne, %convert_element_type3A_267, %cond3A_268 : i32
        scf.if %cond3A_269 {
          %sub3A = arith.constant 2 : i32
          %sub3A_366 = arith.subi %add3A_236, %sub3A : i32
          %dma_wait3A_367 = arith.constant 0 : i32
          %dma_wait3A_368 = arith.constant 0 : i32
          %dma_wait3A_369 = arith.constant 0 : i32
          %dma_wait3A_370 = arith.constant 0 : i32
          %dma_wait3A_371 = tpu.memref_slice %arg9[%dma_wait3A_367, %dma_wait3A_369, %dma_wait3A_370] : memref<5x64x64xf32, #tpu.memory_space<vmem>> -> memref<1x64x64xf32, #tpu.memory_space<vmem>>
          %dma_wait3A_372 = tpu.memref_squeeze %dma_wait3A_371 : memref<1x64x64xf32, #tpu.memory_space<vmem>> -> memref<64x64xf32, #tpu.memory_space<vmem>>
          %dma_wait3A_373 = arith.constant 0 : i32
          %dma_wait3A_374 = tpu.memref_slice %arg7[%sub3A_366, %dma_wait3A_373] : memref<315x64xi32, #tpu.memory_space<vmem>> -> memref<1x64xi32, #tpu.memory_space<vmem>>
          %dma_wait3A_375 = tpu.memref_squeeze %dma_wait3A_374 : memref<1x64xi32, #tpu.memory_space<vmem>> -> memref<64xi32, #tpu.memory_space<vmem>>
          %dma_wait3A_376 = arith.constant 0 : i32
          %dma_wait3A_377 = arith.constant 0 : i32
          %dma_wait3A_378 = tpu.memref_slice %arg11[%dma_wait3A_376, %dma_wait3A_377] : memref<10008x64xf32, #tpu.memory_space<vmem_shared>> -> memref<10008x64xf32, #tpu.memory_space<vmem_shared>>
          %dma_wait3A_379 = tpu.memref_slice %arg13[%dma_wait3A_368] : memref<5x!tpu.dma_semaphore, #tpu.memory_space<semaphore_mem>> -> memref<1x!tpu.dma_semaphore, #tpu.memory_space<semaphore_mem>>
          %dma_wait3A_380 = tpu.memref_squeeze %dma_wait3A_379 : memref<1x!tpu.dma_semaphore, #tpu.memory_space<semaphore_mem>> -> memref<!tpu.dma_semaphore, #tpu.memory_space<semaphore_mem>>
          tpu.wait_indirect_dma semaphore(%dma_wait3A_380 : memref<!tpu.dma_semaphore, #tpu.memory_space<semaphore_mem>>) src(%dma_wait3A_372 : memref<64x64xf32, #tpu.memory_space<vmem>>) dst(%dma_wait3A_378 : memref<10008x64xf32, #tpu.memory_space<vmem_shared>>)
        } else {
        }
        %add3A_270 = arith.constant 3 : i32
        %add3A_271 = arith.addi %add3A_236, %add3A_270 : i32
        %lt3A_272 = arith.constant 315 : i32
        %lt3A_273 = arith.cmpi slt, %add3A_271, %lt3A_272 : i32
        %convert_element_type3A_274 = arith.extui %lt3A_273 : i1 to i32
        %cond3A_275 = arith.constant 0 : i32
        %cond3A_276 = arith.cmpi ne, %convert_element_type3A_274, %cond3A_275 : i32
        scf.if %cond3A_276 {
          %add3A_366 = arith.constant 3 : i32
          %add3A_367 = arith.addi %add3A_236, %add3A_366 : i32
          %dma_start3A_368 = arith.constant 0 : i32
          %dma_start3A_369 = arith.constant 0 : i32
          %dma_start3A_370 = arith.constant 0 : i32
          %dma_start3A_371 = arith.constant 0 : i32
          %dma_start3A_372 = tpu.memref_slice %arg9[%dma_start3A_368, %dma_start3A_370, %dma_start3A_371] : memref<5x64x64xf32, #tpu.memory_space<vmem>> -> memref<1x64x64xf32, #tpu.memory_space<vmem>>
          %dma_start3A_373 = tpu.memref_squeeze %dma_start3A_372 : memref<1x64x64xf32, #tpu.memory_space<vmem>> -> memref<64x64xf32, #tpu.memory_space<vmem>>
          %dma_start3A_374 = arith.constant 0 : i32
          %dma_start3A_375 = tpu.memref_slice %arg8[%add3A_367, %dma_start3A_374] : memref<315x64xi32, #tpu.memory_space<vmem>> -> memref<1x64xi32, #tpu.memory_space<vmem>>
          %dma_start3A_376 = tpu.memref_squeeze %dma_start3A_375 : memref<1x64xi32, #tpu.memory_space<vmem>> -> memref<64xi32, #tpu.memory_space<vmem>>
          %dma_start3A_377 = arith.constant 0 : i32
          %dma_start3A_378 = arith.constant 0 : i32
          %dma_start3A_379 = tpu.memref_slice %arg4[%dma_start3A_377, %dma_start3A_378] : memref<80000x64xf32, #tpu.memory_space<hbm>> -> memref<80000x64xf32, #tpu.memory_space<hbm>>
          %dma_start3A_380 = tpu.memref_slice %arg12[%dma_start3A_369] : memref<5x!tpu.dma_semaphore, #tpu.memory_space<semaphore_mem>> -> memref<1x!tpu.dma_semaphore, #tpu.memory_space<semaphore_mem>>
          %dma_start3A_381 = tpu.memref_squeeze %dma_start3A_380 : memref<1x!tpu.dma_semaphore, #tpu.memory_space<semaphore_mem>> -> memref<!tpu.dma_semaphore, #tpu.memory_space<semaphore_mem>>
          tpu.enqueue_indirect_dma source(%dma_start3A_379 : memref<80000x64xf32, #tpu.memory_space<hbm>>) target(%dma_start3A_373 : memref<64x64xf32, #tpu.memory_space<vmem>>) offsets(%dma_start3A_376 : memref<64xi32, #tpu.memory_space<vmem>>) semaphore(%dma_start3A_381 : memref<!tpu.dma_semaphore, #tpu.memory_space<semaphore_mem>>)
        } else {
        }
        %mul3A_277 = arith.constant 5 : i32
        %mul3A_278 = arith.muli %scan3A_147, %mul3A_277 : i32
        %add3A_279 = arith.constant 3 : i32
        %add3A_280 = arith.addi %mul3A_278, %add3A_279 : i32
        %dma_wait3A_281 = arith.constant 3 : i32
        %dma_wait3A_282 = arith.constant 3 : i32
        %dma_wait3A_283 = arith.constant 0 : i32
        %dma_wait3A_284 = arith.constant 0 : i32
        %dma_wait3A_285 = tpu.memref_slice %arg9[%dma_wait3A_281, %dma_wait3A_283, %dma_wait3A_284] : memref<5x64x64xf32, #tpu.memory_space<vmem>> -> memref<1x64x64xf32, #tpu.memory_space<vmem>>
        %dma_wait3A_286 = tpu.memref_squeeze %dma_wait3A_285 : memref<1x64x64xf32, #tpu.memory_space<vmem>> -> memref<64x64xf32, #tpu.memory_space<vmem>>
        %dma_wait3A_287 = arith.constant 0 : i32
        %dma_wait3A_288 = tpu.memref_slice %arg8[%add3A_280, %dma_wait3A_287] : memref<315x64xi32, #tpu.memory_space<vmem>> -> memref<1x64xi32, #tpu.memory_space<vmem>>
        %dma_wait3A_289 = tpu.memref_squeeze %dma_wait3A_288 : memref<1x64xi32, #tpu.memory_space<vmem>> -> memref<64xi32, #tpu.memory_space<vmem>>
        %dma_wait3A_290 = arith.constant 0 : i32
        %dma_wait3A_291 = arith.constant 0 : i32
        %dma_wait3A_292 = tpu.memref_slice %arg4[%dma_wait3A_290, %dma_wait3A_291] : memref<80000x64xf32, #tpu.memory_space<hbm>> -> memref<80000x64xf32, #tpu.memory_space<hbm>>
        %dma_wait3A_293 = tpu.memref_slice %arg12[%dma_wait3A_282] : memref<5x!tpu.dma_semaphore, #tpu.memory_space<semaphore_mem>> -> memref<1x!tpu.dma_semaphore, #tpu.memory_space<semaphore_mem>>
        %dma_wait3A_294 = tpu.memref_squeeze %dma_wait3A_293 : memref<1x!tpu.dma_semaphore, #tpu.memory_space<semaphore_mem>> -> memref<!tpu.dma_semaphore, #tpu.memory_space<semaphore_mem>>
        tpu.wait_indirect_dma semaphore(%dma_wait3A_294 : memref<!tpu.dma_semaphore, #tpu.memory_space<semaphore_mem>>) src(%dma_wait3A_292 : memref<80000x64xf32, #tpu.memory_space<hbm>>) dst(%dma_wait3A_286 : memref<64x64xf32, #tpu.memory_space<vmem>>)
        %dma_start3A_295 = arith.constant 3 : i32
        %dma_start3A_296 = arith.constant 3 : i32
        %dma_start3A_297 = arith.constant 0 : i32
        %dma_start3A_298 = arith.constant 0 : i32
        %dma_start3A_299 = tpu.memref_slice %arg9[%dma_start3A_295, %dma_start3A_297, %dma_start3A_298] : memref<5x64x64xf32, #tpu.memory_space<vmem>> -> memref<1x64x64xf32, #tpu.memory_space<vmem>>
        %dma_start3A_300 = tpu.memref_squeeze %dma_start3A_299 : memref<1x64x64xf32, #tpu.memory_space<vmem>> -> memref<64x64xf32, #tpu.memory_space<vmem>>
        %dma_start3A_301 = arith.constant 0 : i32
        %dma_start3A_302 = tpu.memref_slice %arg7[%add3A_280, %dma_start3A_301] : memref<315x64xi32, #tpu.memory_space<vmem>> -> memref<1x64xi32, #tpu.memory_space<vmem>>
        %dma_start3A_303 = tpu.memref_squeeze %dma_start3A_302 : memref<1x64xi32, #tpu.memory_space<vmem>> -> memref<64xi32, #tpu.memory_space<vmem>>
        %dma_start3A_304 = arith.constant 0 : i32
        %dma_start3A_305 = arith.constant 0 : i32
        %dma_start3A_306 = tpu.memref_slice %arg11[%dma_start3A_304, %dma_start3A_305] : memref<10008x64xf32, #tpu.memory_space<vmem_shared>> -> memref<10008x64xf32, #tpu.memory_space<vmem_shared>>
        %dma_start3A_307 = tpu.memref_slice %arg13[%dma_start3A_296] : memref<5x!tpu.dma_semaphore, #tpu.memory_space<semaphore_mem>> -> memref<1x!tpu.dma_semaphore, #tpu.memory_space<semaphore_mem>>
        %dma_start3A_308 = tpu.memref_squeeze %dma_start3A_307 : memref<1x!tpu.dma_semaphore, #tpu.memory_space<semaphore_mem>> -> memref<!tpu.dma_semaphore, #tpu.memory_space<semaphore_mem>>
        tpu.enqueue_indirect_dma source(%dma_start3A_300 : memref<64x64xf32, #tpu.memory_space<vmem>>) target(%dma_start3A_306 : memref<10008x64xf32, #tpu.memory_space<vmem_shared>>) offsets(%dma_start3A_303 : memref<64xi32, #tpu.memory_space<vmem>>) semaphore(%dma_start3A_308 : memref<!tpu.dma_semaphore, #tpu.memory_space<semaphore_mem>>) {add = true}
        %ge3A_309 = arith.constant 2 : i32
        %ge3A_310 = arith.cmpi sge, %add3A_280, %ge3A_309 : i32
        %convert_element_type3A_311 = arith.extui %ge3A_310 : i1 to i32
        %cond3A_312 = arith.constant 0 : i32
        %cond3A_313 = arith.cmpi ne, %convert_element_type3A_311, %cond3A_312 : i32
        scf.if %cond3A_313 {
          %sub3A = arith.constant 2 : i32
          %sub3A_366 = arith.subi %add3A_280, %sub3A : i32
          %dma_wait3A_367 = arith.constant 1 : i32
          %dma_wait3A_368 = arith.constant 1 : i32
          %dma_wait3A_369 = arith.constant 0 : i32
          %dma_wait3A_370 = arith.constant 0 : i32
          %dma_wait3A_371 = tpu.memref_slice %arg9[%dma_wait3A_367, %dma_wait3A_369, %dma_wait3A_370] : memref<5x64x64xf32, #tpu.memory_space<vmem>> -> memref<1x64x64xf32, #tpu.memory_space<vmem>>
          %dma_wait3A_372 = tpu.memref_squeeze %dma_wait3A_371 : memref<1x64x64xf32, #tpu.memory_space<vmem>> -> memref<64x64xf32, #tpu.memory_space<vmem>>
          %dma_wait3A_373 = arith.constant 0 : i32
          %dma_wait3A_374 = tpu.memref_slice %arg7[%sub3A_366, %dma_wait3A_373] : memref<315x64xi32, #tpu.memory_space<vmem>> -> memref<1x64xi32, #tpu.memory_space<vmem>>
          %dma_wait3A_375 = tpu.memref_squeeze %dma_wait3A_374 : memref<1x64xi32, #tpu.memory_space<vmem>> -> memref<64xi32, #tpu.memory_space<vmem>>
          %dma_wait3A_376 = arith.constant 0 : i32
          %dma_wait3A_377 = arith.constant 0 : i32
          %dma_wait3A_378 = tpu.memref_slice %arg11[%dma_wait3A_376, %dma_wait3A_377] : memref<10008x64xf32, #tpu.memory_space<vmem_shared>> -> memref<10008x64xf32, #tpu.memory_space<vmem_shared>>
          %dma_wait3A_379 = tpu.memref_slice %arg13[%dma_wait3A_368] : memref<5x!tpu.dma_semaphore, #tpu.memory_space<semaphore_mem>> -> memref<1x!tpu.dma_semaphore, #tpu.memory_space<semaphore_mem>>
          %dma_wait3A_380 = tpu.memref_squeeze %dma_wait3A_379 : memref<1x!tpu.dma_semaphore, #tpu.memory_space<semaphore_mem>> -> memref<!tpu.dma_semaphore, #tpu.memory_space<semaphore_mem>>
          tpu.wait_indirect_dma semaphore(%dma_wait3A_380 : memref<!tpu.dma_semaphore, #tpu.memory_space<semaphore_mem>>) src(%dma_wait3A_372 : memref<64x64xf32, #tpu.memory_space<vmem>>) dst(%dma_wait3A_378 : memref<10008x64xf32, #tpu.memory_space<vmem_shared>>)
        } else {
        }
        %add3A_314 = arith.constant 3 : i32
        %add3A_315 = arith.addi %add3A_280, %add3A_314 : i32
        %lt3A_316 = arith.constant 315 : i32
        %lt3A_317 = arith.cmpi slt, %add3A_315, %lt3A_316 : i32
        %convert_element_type3A_318 = arith.extui %lt3A_317 : i1 to i32
        %cond3A_319 = arith.constant 0 : i32
        %cond3A_320 = arith.cmpi ne, %convert_element_type3A_318, %cond3A_319 : i32
        scf.if %cond3A_320 {
          %add3A_366 = arith.constant 3 : i32
          %add3A_367 = arith.addi %add3A_280, %add3A_366 : i32
          %dma_start3A_368 = arith.constant 1 : i32
          %dma_start3A_369 = arith.constant 1 : i32
          %dma_start3A_370 = arith.constant 0 : i32
          %dma_start3A_371 = arith.constant 0 : i32
          %dma_start3A_372 = tpu.memref_slice %arg9[%dma_start3A_368, %dma_start3A_370, %dma_start3A_371] : memref<5x64x64xf32, #tpu.memory_space<vmem>> -> memref<1x64x64xf32, #tpu.memory_space<vmem>>
          %dma_start3A_373 = tpu.memref_squeeze %dma_start3A_372 : memref<1x64x64xf32, #tpu.memory_space<vmem>> -> memref<64x64xf32, #tpu.memory_space<vmem>>
          %dma_start3A_374 = arith.constant 0 : i32
          %dma_start3A_375 = tpu.memref_slice %arg8[%add3A_367, %dma_start3A_374] : memref<315x64xi32, #tpu.memory_space<vmem>> -> memref<1x64xi32, #tpu.memory_space<vmem>>
          %dma_start3A_376 = tpu.memref_squeeze %dma_start3A_375 : memref<1x64xi32, #tpu.memory_space<vmem>> -> memref<64xi32, #tpu.memory_space<vmem>>
          %dma_start3A_377 = arith.constant 0 : i32
          %dma_start3A_378 = arith.constant 0 : i32
          %dma_start3A_379 = tpu.memref_slice %arg4[%dma_start3A_377, %dma_start3A_378] : memref<80000x64xf32, #tpu.memory_space<hbm>> -> memref<80000x64xf32, #tpu.memory_space<hbm>>
          %dma_start3A_380 = tpu.memref_slice %arg12[%dma_start3A_369] : memref<5x!tpu.dma_semaphore, #tpu.memory_space<semaphore_mem>> -> memref<1x!tpu.dma_semaphore, #tpu.memory_space<semaphore_mem>>
          %dma_start3A_381 = tpu.memref_squeeze %dma_start3A_380 : memref<1x!tpu.dma_semaphore, #tpu.memory_space<semaphore_mem>> -> memref<!tpu.dma_semaphore, #tpu.memory_space<semaphore_mem>>
          tpu.enqueue_indirect_dma source(%dma_start3A_379 : memref<80000x64xf32, #tpu.memory_space<hbm>>) target(%dma_start3A_373 : memref<64x64xf32, #tpu.memory_space<vmem>>) offsets(%dma_start3A_376 : memref<64xi32, #tpu.memory_space<vmem>>) semaphore(%dma_start3A_381 : memref<!tpu.dma_semaphore, #tpu.memory_space<semaphore_mem>>)
        } else {
        }
        %mul3A_321 = arith.constant 5 : i32
        %mul3A_322 = arith.muli %scan3A_147, %mul3A_321 : i32
        %add3A_323 = arith.constant 4 : i32
        %add3A_324 = arith.addi %mul3A_322, %add3A_323 : i32
        %dma_wait3A_325 = arith.constant 4 : i32
        %dma_wait3A_326 = arith.constant 4 : i32
        %dma_wait3A_327 = arith.constant 0 : i32
        %dma_wait3A_328 = arith.constant 0 : i32
        %dma_wait3A_329 = tpu.memref_slice %arg9[%dma_wait3A_325, %dma_wait3A_327, %dma_wait3A_328] : memref<5x64x64xf32, #tpu.memory_space<vmem>> -> memref<1x64x64xf32, #tpu.memory_space<vmem>>
        %dma_wait3A_330 = tpu.memref_squeeze %dma_wait3A_329 : memref<1x64x64xf32, #tpu.memory_space<vmem>> -> memref<64x64xf32, #tpu.memory_space<vmem>>
        %dma_wait3A_331 = arith.constant 0 : i32
        %dma_wait3A_332 = tpu.memref_slice %arg8[%add3A_324, %dma_wait3A_331] : memref<315x64xi32, #tpu.memory_space<vmem>> -> memref<1x64xi32, #tpu.memory_space<vmem>>
        %dma_wait3A_333 = tpu.memref_squeeze %dma_wait3A_332 : memref<1x64xi32, #tpu.memory_space<vmem>> -> memref<64xi32, #tpu.memory_space<vmem>>
        %dma_wait3A_334 = arith.constant 0 : i32
        %dma_wait3A_335 = arith.constant 0 : i32
        %dma_wait3A_336 = tpu.memref_slice %arg4[%dma_wait3A_334, %dma_wait3A_335] : memref<80000x64xf32, #tpu.memory_space<hbm>> -> memref<80000x64xf32, #tpu.memory_space<hbm>>
        %dma_wait3A_337 = tpu.memref_slice %arg12[%dma_wait3A_326] : memref<5x!tpu.dma_semaphore, #tpu.memory_space<semaphore_mem>> -> memref<1x!tpu.dma_semaphore, #tpu.memory_space<semaphore_mem>>
        %dma_wait3A_338 = tpu.memref_squeeze %dma_wait3A_337 : memref<1x!tpu.dma_semaphore, #tpu.memory_space<semaphore_mem>> -> memref<!tpu.dma_semaphore, #tpu.memory_space<semaphore_mem>>
        tpu.wait_indirect_dma semaphore(%dma_wait3A_338 : memref<!tpu.dma_semaphore, #tpu.memory_space<semaphore_mem>>) src(%dma_wait3A_336 : memref<80000x64xf32, #tpu.memory_space<hbm>>) dst(%dma_wait3A_330 : memref<64x64xf32, #tpu.memory_space<vmem>>)
        %dma_start3A_339 = arith.constant 4 : i32
        %dma_start3A_340 = arith.constant 4 : i32
        %dma_start3A_341 = arith.constant 0 : i32
        %dma_start3A_342 = arith.constant 0 : i32
        %dma_start3A_343 = tpu.memref_slice %arg9[%dma_start3A_339, %dma_start3A_341, %dma_start3A_342] : memref<5x64x64xf32, #tpu.memory_space<vmem>> -> memref<1x64x64xf32, #tpu.memory_space<vmem>>
        %dma_start3A_344 = tpu.memref_squeeze %dma_start3A_343 : memref<1x64x64xf32, #tpu.memory_space<vmem>> -> memref<64x64xf32, #tpu.memory_space<vmem>>
        %dma_start3A_345 = arith.constant 0 : i32
        %dma_start3A_346 = tpu.memref_slice %arg7[%add3A_324, %dma_start3A_345] : memref<315x64xi32, #tpu.memory_space<vmem>> -> memref<1x64xi32, #tpu.memory_space<vmem>>
        %dma_start3A_347 = tpu.memref_squeeze %dma_start3A_346 : memref<1x64xi32, #tpu.memory_space<vmem>> -> memref<64xi32, #tpu.memory_space<vmem>>
        %dma_start3A_348 = arith.constant 0 : i32
        %dma_start3A_349 = arith.constant 0 : i32
        %dma_start3A_350 = tpu.memref_slice %arg11[%dma_start3A_348, %dma_start3A_349] : memref<10008x64xf32, #tpu.memory_space<vmem_shared>> -> memref<10008x64xf32, #tpu.memory_space<vmem_shared>>
        %dma_start3A_351 = tpu.memref_slice %arg13[%dma_start3A_340] : memref<5x!tpu.dma_semaphore, #tpu.memory_space<semaphore_mem>> -> memref<1x!tpu.dma_semaphore, #tpu.memory_space<semaphore_mem>>
        %dma_start3A_352 = tpu.memref_squeeze %dma_start3A_351 : memref<1x!tpu.dma_semaphore, #tpu.memory_space<semaphore_mem>> -> memref<!tpu.dma_semaphore, #tpu.memory_space<semaphore_mem>>
        tpu.enqueue_indirect_dma source(%dma_start3A_344 : memref<64x64xf32, #tpu.memory_space<vmem>>) target(%dma_start3A_350 : memref<10008x64xf32, #tpu.memory_space<vmem_shared>>) offsets(%dma_start3A_347 : memref<64xi32, #tpu.memory_space<vmem>>) semaphore(%dma_start3A_352 : memref<!tpu.dma_semaphore, #tpu.memory_space<semaphore_mem>>) {add = true}
        %ge3A_353 = arith.constant 2 : i32
        %ge3A_354 = arith.cmpi sge, %add3A_324, %ge3A_353 : i32
        %convert_element_type3A_355 = arith.extui %ge3A_354 : i1 to i32
        %cond3A_356 = arith.constant 0 : i32
        %cond3A_357 = arith.cmpi ne, %convert_element_type3A_355, %cond3A_356 : i32
        scf.if %cond3A_357 {
          %sub3A = arith.constant 2 : i32
          %sub3A_366 = arith.subi %add3A_324, %sub3A : i32
          %dma_wait3A_367 = arith.constant 2 : i32
          %dma_wait3A_368 = arith.constant 2 : i32
          %dma_wait3A_369 = arith.constant 0 : i32
          %dma_wait3A_370 = arith.constant 0 : i32
          %dma_wait3A_371 = tpu.memref_slice %arg9[%dma_wait3A_367, %dma_wait3A_369, %dma_wait3A_370] : memref<5x64x64xf32, #tpu.memory_space<vmem>> -> memref<1x64x64xf32, #tpu.memory_space<vmem>>
          %dma_wait3A_372 = tpu.memref_squeeze %dma_wait3A_371 : memref<1x64x64xf32, #tpu.memory_space<vmem>> -> memref<64x64xf32, #tpu.memory_space<vmem>>
          %dma_wait3A_373 = arith.constant 0 : i32
          %dma_wait3A_374 = tpu.memref_slice %arg7[%sub3A_366, %dma_wait3A_373] : memref<315x64xi32, #tpu.memory_space<vmem>> -> memref<1x64xi32, #tpu.memory_space<vmem>>
          %dma_wait3A_375 = tpu.memref_squeeze %dma_wait3A_374 : memref<1x64xi32, #tpu.memory_space<vmem>> -> memref<64xi32, #tpu.memory_space<vmem>>
          %dma_wait3A_376 = arith.constant 0 : i32
          %dma_wait3A_377 = arith.constant 0 : i32
          %dma_wait3A_378 = tpu.memref_slice %arg11[%dma_wait3A_376, %dma_wait3A_377] : memref<10008x64xf32, #tpu.memory_space<vmem_shared>> -> memref<10008x64xf32, #tpu.memory_space<vmem_shared>>
          %dma_wait3A_379 = tpu.memref_slice %arg13[%dma_wait3A_368] : memref<5x!tpu.dma_semaphore, #tpu.memory_space<semaphore_mem>> -> memref<1x!tpu.dma_semaphore, #tpu.memory_space<semaphore_mem>>
          %dma_wait3A_380 = tpu.memref_squeeze %dma_wait3A_379 : memref<1x!tpu.dma_semaphore, #tpu.memory_space<semaphore_mem>> -> memref<!tpu.dma_semaphore, #tpu.memory_space<semaphore_mem>>
          tpu.wait_indirect_dma semaphore(%dma_wait3A_380 : memref<!tpu.dma_semaphore, #tpu.memory_space<semaphore_mem>>) src(%dma_wait3A_372 : memref<64x64xf32, #tpu.memory_space<vmem>>) dst(%dma_wait3A_378 : memref<10008x64xf32, #tpu.memory_space<vmem_shared>>)
        } else {
        }
        %add3A_358 = arith.constant 3 : i32
        %add3A_359 = arith.addi %add3A_324, %add3A_358 : i32
        %lt3A_360 = arith.constant 315 : i32
        %lt3A_361 = arith.cmpi slt, %add3A_359, %lt3A_360 : i32
        %convert_element_type3A_362 = arith.extui %lt3A_361 : i1 to i32
        %cond3A_363 = arith.constant 0 : i32
        %cond3A_364 = arith.cmpi ne, %convert_element_type3A_362, %cond3A_363 : i32
        scf.if %cond3A_364 {
          %add3A_366 = arith.constant 3 : i32
          %add3A_367 = arith.addi %add3A_324, %add3A_366 : i32
          %dma_start3A_368 = arith.constant 2 : i32
          %dma_start3A_369 = arith.constant 2 : i32
          %dma_start3A_370 = arith.constant 0 : i32
          %dma_start3A_371 = arith.constant 0 : i32
          %dma_start3A_372 = tpu.memref_slice %arg9[%dma_start3A_368, %dma_start3A_370, %dma_start3A_371] : memref<5x64x64xf32, #tpu.memory_space<vmem>> -> memref<1x64x64xf32, #tpu.memory_space<vmem>>
          %dma_start3A_373 = tpu.memref_squeeze %dma_start3A_372 : memref<1x64x64xf32, #tpu.memory_space<vmem>> -> memref<64x64xf32, #tpu.memory_space<vmem>>
          %dma_start3A_374 = arith.constant 0 : i32
          %dma_start3A_375 = tpu.memref_slice %arg8[%add3A_367, %dma_start3A_374] : memref<315x64xi32, #tpu.memory_space<vmem>> -> memref<1x64xi32, #tpu.memory_space<vmem>>
          %dma_start3A_376 = tpu.memref_squeeze %dma_start3A_375 : memref<1x64xi32, #tpu.memory_space<vmem>> -> memref<64xi32, #tpu.memory_space<vmem>>
          %dma_start3A_377 = arith.constant 0 : i32
          %dma_start3A_378 = arith.constant 0 : i32
          %dma_start3A_379 = tpu.memref_slice %arg4[%dma_start3A_377, %dma_start3A_378] : memref<80000x64xf32, #tpu.memory_space<hbm>> -> memref<80000x64xf32, #tpu.memory_space<hbm>>
          %dma_start3A_380 = tpu.memref_slice %arg12[%dma_start3A_369] : memref<5x!tpu.dma_semaphore, #tpu.memory_space<semaphore_mem>> -> memref<1x!tpu.dma_semaphore, #tpu.memory_space<semaphore_mem>>
          %dma_start3A_381 = tpu.memref_squeeze %dma_start3A_380 : memref<1x!tpu.dma_semaphore, #tpu.memory_space<semaphore_mem>> -> memref<!tpu.dma_semaphore, #tpu.memory_space<semaphore_mem>>
          tpu.enqueue_indirect_dma source(%dma_start3A_379 : memref<80000x64xf32, #tpu.memory_space<hbm>>) target(%dma_start3A_373 : memref<64x64xf32, #tpu.memory_space<vmem>>) offsets(%dma_start3A_376 : memref<64xi32, #tpu.memory_space<vmem>>) semaphore(%dma_start3A_381 : memref<!tpu.dma_semaphore, #tpu.memory_space<semaphore_mem>>)
        } else {
        }
        %scan3A_365 = arith.constant 0 : i32
        scf.yield %scan3A_365 : i32
      }
      %scan3A_98 = arith.constant 63 : i32
      %dma_wait3A = arith.constant 3 : i32
      %dma_wait3A_99 = arith.constant 313 : i32
      %dma_wait3A_100 = arith.constant 3 : i32
      %dma_wait3A_101 = arith.constant 0 : i32
      %dma_wait3A_102 = arith.constant 0 : i32
      %dma_wait3A_103 = tpu.memref_slice %arg9[%dma_wait3A, %dma_wait3A_101, %dma_wait3A_102] : memref<5x64x64xf32, #tpu.memory_space<vmem>> -> memref<1x64x64xf32, #tpu.memory_space<vmem>>
      %dma_wait3A_104 = tpu.memref_squeeze %dma_wait3A_103 : memref<1x64x64xf32, #tpu.memory_space<vmem>> -> memref<64x64xf32, #tpu.memory_space<vmem>>
      %dma_wait3A_105 = arith.constant 0 : i32
      %dma_wait3A_106 = tpu.memref_slice %arg7[%dma_wait3A_99, %dma_wait3A_105] : memref<315x64xi32, #tpu.memory_space<vmem>> -> memref<1x64xi32, #tpu.memory_space<vmem>>
      %dma_wait3A_107 = tpu.memref_squeeze %dma_wait3A_106 : memref<1x64xi32, #tpu.memory_space<vmem>> -> memref<64xi32, #tpu.memory_space<vmem>>
      %dma_wait3A_108 = arith.constant 0 : i32
      %dma_wait3A_109 = arith.constant 0 : i32
      %dma_wait3A_110 = tpu.memref_slice %arg11[%dma_wait3A_108, %dma_wait3A_109] : memref<10008x64xf32, #tpu.memory_space<vmem_shared>> -> memref<10008x64xf32, #tpu.memory_space<vmem_shared>>
      %dma_wait3A_111 = tpu.memref_slice %arg13[%dma_wait3A_100] : memref<5x!tpu.dma_semaphore, #tpu.memory_space<semaphore_mem>> -> memref<1x!tpu.dma_semaphore, #tpu.memory_space<semaphore_mem>>
      %dma_wait3A_112 = tpu.memref_squeeze %dma_wait3A_111 : memref<1x!tpu.dma_semaphore, #tpu.memory_space<semaphore_mem>> -> memref<!tpu.dma_semaphore, #tpu.memory_space<semaphore_mem>>
      tpu.wait_indirect_dma semaphore(%dma_wait3A_112 : memref<!tpu.dma_semaphore, #tpu.memory_space<semaphore_mem>>) src(%dma_wait3A_104 : memref<64x64xf32, #tpu.memory_space<vmem>>) dst(%dma_wait3A_110 : memref<10008x64xf32, #tpu.memory_space<vmem_shared>>)
      %dma_wait3A_113 = arith.constant 4 : i32
      %dma_wait3A_114 = arith.constant 314 : i32
      %dma_wait3A_115 = arith.constant 4 : i32
      %dma_wait3A_116 = arith.constant 0 : i32
      %dma_wait3A_117 = arith.constant 0 : i32
      %dma_wait3A_118 = tpu.memref_slice %arg9[%dma_wait3A_113, %dma_wait3A_116, %dma_wait3A_117] : memref<5x64x64xf32, #tpu.memory_space<vmem>> -> memref<1x64x64xf32, #tpu.memory_space<vmem>>
      %dma_wait3A_119 = tpu.memref_squeeze %dma_wait3A_118 : memref<1x64x64xf32, #tpu.memory_space<vmem>> -> memref<64x64xf32, #tpu.memory_space<vmem>>
      %dma_wait3A_120 = arith.constant 0 : i32
      %dma_wait3A_121 = tpu.memref_slice %arg7[%dma_wait3A_114, %dma_wait3A_120] : memref<315x64xi32, #tpu.memory_space<vmem>> -> memref<1x64xi32, #tpu.memory_space<vmem>>
      %dma_wait3A_122 = tpu.memref_squeeze %dma_wait3A_121 : memref<1x64xi32, #tpu.memory_space<vmem>> -> memref<64xi32, #tpu.memory_space<vmem>>
      %dma_wait3A_123 = arith.constant 0 : i32
      %dma_wait3A_124 = arith.constant 0 : i32
      %dma_wait3A_125 = tpu.memref_slice %arg11[%dma_wait3A_123, %dma_wait3A_124] : memref<10008x64xf32, #tpu.memory_space<vmem_shared>> -> memref<10008x64xf32, #tpu.memory_space<vmem_shared>>
      %dma_wait3A_126 = tpu.memref_slice %arg13[%dma_wait3A_115] : memref<5x!tpu.dma_semaphore, #tpu.memory_space<semaphore_mem>> -> memref<1x!tpu.dma_semaphore, #tpu.memory_space<semaphore_mem>>
      %dma_wait3A_127 = tpu.memref_squeeze %dma_wait3A_126 : memref<1x!tpu.dma_semaphore, #tpu.memory_space<semaphore_mem>> -> memref<!tpu.dma_semaphore, #tpu.memory_space<semaphore_mem>>
      tpu.wait_indirect_dma semaphore(%dma_wait3A_127 : memref<!tpu.dma_semaphore, #tpu.memory_space<semaphore_mem>>) src(%dma_wait3A_119 : memref<64x64xf32, #tpu.memory_space<vmem>>) dst(%dma_wait3A_125 : memref<10008x64xf32, #tpu.memory_space<vmem_shared>>)
      %barrier3A_128 = arith.constant 0 : index
      tpu.barrier barrier_id(%barrier3A_128)
      %scan3A_129 = arith.constant 0 : i32
      %scan3A_130 = arith.constant 0 : i32
      %scan3A_131 = arith.constant 0 : i32
      %scan3A_132 = arith.constant 40 : i32
      %scan3A_133 = arith.addi %scan3A_131, %scan3A_132 : i32
      %scan3A_134 = arith.constant 1 : i32
      %scan3A_135 = scf.for %scan3A_147 = %scan3A_131 to %scan3A_133 step %scan3A_134 iter_args(%scan3A_148 = %scan3A_130) -> (i32)  : i32 {
        %mul3A_149 = arith.constant 624 : i32
        %mul3A_150 = arith.muli %arg1, %mul3A_149 : i32
        %mul3A_151 = arith.constant 16 : i32
        %mul3A_152 = arith.muli %scan3A_147, %mul3A_151 : i32
        %add3A_153 = arith.addi %mul3A_150, %mul3A_152 : i32
        %dma_start3A_154 = tpu.memref_slice %arg12[%scan3A_129] : memref<5x!tpu.dma_semaphore, #tpu.memory_space<semaphore_mem>> -> memref<1x!tpu.dma_semaphore, #tpu.memory_space<semaphore_mem>>
        %dma_start3A_155 = tpu.memref_squeeze %dma_start3A_154 : memref<1x!tpu.dma_semaphore, #tpu.memory_space<semaphore_mem>> -> memref<!tpu.dma_semaphore, #tpu.memory_space<semaphore_mem>>
        %dma_start3A_156 = arith.constant 0 : i32
        %dma_start3A_157 = tpu.memref_slice %arg5[%arg0, %scan3A_20, %add3A_153, %dma_start3A_156] : memref<2x4x10000x64xf32, #tpu.memory_space<hbm>> -> memref<1x1x16x64xf32, #tpu.memory_space<hbm>>
        %dma_start3A_158 = tpu.memref_squeeze %dma_start3A_157 : memref<1x1x16x64xf32, #tpu.memory_space<hbm>> -> memref<16x64xf32, #tpu.memory_space<hbm>>
        %dma_start3A_159 = arith.constant 0 : i32
        %dma_start3A_160 = tpu.memref_slice %arg11[%add3A_153, %dma_start3A_159] : memref<10008x64xf32, #tpu.memory_space<vmem_shared>> -> memref<16x64xf32, #tpu.memory_space<vmem_shared>>
        tpu.enqueue_dma source(%dma_start3A_160 : memref<16x64xf32, #tpu.memory_space<vmem_shared>>) target(%dma_start3A_158 : memref<16x64xf32, #tpu.memory_space<hbm>>) target_semaphore(%dma_start3A_155 : memref<!tpu.dma_semaphore, #tpu.memory_space<semaphore_mem>>)
        %scan3A_161 = arith.constant 0 : i32
        scf.yield %scan3A_161 : i32
      }
      %scan3A_136 = arith.constant 40 : i32
      %scan3A_137 = arith.constant 0 : i32
      %scan3A_138 = arith.constant 0 : i32
      %scan3A_139 = arith.constant 0 : i32
      %scan3A_140 = arith.constant 40 : i32
      %scan3A_141 = arith.addi %scan3A_139, %scan3A_140 : i32
      %scan3A_142 = arith.constant 1 : i32
      %scan3A_143 = scf.for %scan3A_147 = %scan3A_139 to %scan3A_141 step %scan3A_142 iter_args(%scan3A_148 = %scan3A_138) -> (i32)  : i32 {
        %mul3A_149 = arith.constant 624 : i32
        %mul3A_150 = arith.muli %arg1, %mul3A_149 : i32
        %mul3A_151 = arith.constant 624 : i32
        %mul3A_152 = arith.muli %arg1, %mul3A_151 : i32
        %dma_wait3A_153 = tpu.memref_slice %arg12[%scan3A_137] : memref<5x!tpu.dma_semaphore, #tpu.memory_space<semaphore_mem>> -> memref<1x!tpu.dma_semaphore, #tpu.memory_space<semaphore_mem>>
        %dma_wait3A_154 = tpu.memref_squeeze %dma_wait3A_153 : memref<1x!tpu.dma_semaphore, #tpu.memory_space<semaphore_mem>> -> memref<!tpu.dma_semaphore, #tpu.memory_space<semaphore_mem>>
        %dma_wait3A_155 = arith.constant 0 : i32
        %dma_wait3A_156 = tpu.memref_slice %arg5[%arg0, %scan3A_20, %mul3A_152, %dma_wait3A_155] : memref<2x4x10000x64xf32, #tpu.memory_space<hbm>> -> memref<1x1x16x64xf32, #tpu.memory_space<hbm>>
        %dma_wait3A_157 = tpu.memref_squeeze %dma_wait3A_156 : memref<1x1x16x64xf32, #tpu.memory_space<hbm>> -> memref<16x64xf32, #tpu.memory_space<hbm>>
        %dma_wait3A_158 = arith.constant 0 : i32
        %dma_wait3A_159 = tpu.memref_slice %arg11[%mul3A_150, %dma_wait3A_158] : memref<10008x64xf32, #tpu.memory_space<vmem_shared>> -> memref<16x64xf32, #tpu.memory_space<vmem_shared>>
        tpu.wait_dma2 semaphore(%dma_wait3A_154 : memref<!tpu.dma_semaphore, #tpu.memory_space<semaphore_mem>>) src(%dma_wait3A_159 : memref<16x64xf32, #tpu.memory_space<vmem_shared>>) dst(%dma_wait3A_157 : memref<16x64xf32, #tpu.memory_space<hbm>>)
        %scan3A_160 = arith.constant 0 : i32
        scf.yield %scan3A_160 : i32
      }
      %scan3A_144 = arith.constant 40 : i32
      %barrier3A_145 = arith.constant 0 : index
      tpu.barrier barrier_id(%barrier3A_145)
      %scan3A_146 = arith.constant 0 : i32
      scf.yield %scan3A_146 : i32
    }
    %scan3A_19 = arith.constant 4 : i32
    return
  }
}

#map = affine_map<(d0, d1) -> (0, 0, 0, 0)>
#map1 = affine_map<(d0, d1) -> (0, 0)>
module attributes {stable_mosaic.version = 14 : i64} {
  func.func @_sc_seg_body(%arg0: i32, %arg1: i32, %arg2: memref<2x16x315x64xi32, #tpu.memory_space<hbm>>, %arg3: memref<2x16x315x64xi32, #tpu.memory_space<hbm>>, %arg4: memref<40000x64xf32, #tpu.memory_space<hbm>>, %arg5: memref<2x3x10000x64xf32, #tpu.memory_space<hbm>>, %arg6: memref<315x64xi32, #tpu.memory_space<vmem>>, %arg7: memref<315x64xi32, #tpu.memory_space<vmem>>, %arg8: memref<315x64xi32, #tpu.memory_space<vmem>>, %arg9: memref<5x64x64xf32, #tpu.memory_space<vmem>>, %arg10: memref<64x64xf32, #tpu.memory_space<vmem>>, %arg11: memref<16x64xf32, #tpu.memory_space<vmem>>, %arg12: memref<10008x64xf32, #tpu.memory_space<vmem_shared>>, %arg13: memref<5x!tpu.dma_semaphore, #tpu.memory_space<semaphore_mem>>, %arg14: memref<5x!tpu.dma_semaphore, #tpu.memory_space<semaphore_mem>>) attributes {dimension_semantics = [#tpu.dimension_semantics<core_parallel>, #tpu.dimension_semantics<subcore_parallel>], iteration_bounds = array<i64: 2, 16>, scalar_prefetch = 0 : i64, scratch_operands = 9 : i64, tpu.core_type = #tpu.core_type<sc_vector_subcore>, window_params = [{transform_indices = #map}, {transform_indices = #map}, {transform_indices = #map1}, {transform_indices = #map}]} {
    %scan3A = arith.constant 0 : i32
    %scan3A_0 = arith.constant 0 : i32
    %scan3A_1 = arith.constant 64 : i32
    %scan3A_2 = arith.addi %scan3A_0, %scan3A_1 : i32
    %scan3A_3 = arith.constant 1 : i32
    %scan3A_4 = scf.for %scan3A_75 = %scan3A_0 to %scan3A_2 step %scan3A_3 iter_args(%scan3A_76 = %scan3A) -> (i32)  : i32 {
      %jit3A = arith.constant 4 : i32
      %div3A = arith.divsi %scan3A_75, %jit3A : i32
      %sign3A = arith.constant 0 : i32
      %sign3A_77 = arith.cmpi sgt, %scan3A_75, %sign3A : i32
      %sign3A_78 = arith.extui %sign3A_77 : i1 to i32
      %sign3A_79 = arith.constant 0 : i32
      %sign3A_80 = arith.cmpi slt, %scan3A_75, %sign3A_79 : i32
      %sign3A_81 = arith.extui %sign3A_80 : i1 to i32
      %sign3A_82 = arith.subi %sign3A_78, %sign3A_81 : i32
      %sign3A_83 = arith.constant 0 : i32
      %sign3A_84 = arith.cmpi sgt, %jit3A, %sign3A_83 : i32
      %sign3A_85 = arith.extui %sign3A_84 : i1 to i32
      %sign3A_86 = arith.constant 0 : i32
      %sign3A_87 = arith.cmpi slt, %jit3A, %sign3A_86 : i32
      %sign3A_88 = arith.extui %sign3A_87 : i1 to i32
      %sign3A_89 = arith.subi %sign3A_85, %sign3A_88 : i32
      %ne3A = arith.cmpi ne, %sign3A_82, %sign3A_89 : i32
      %rem3A = arith.remsi %scan3A_75, %jit3A : i32
      %ne3A_90 = arith.constant 0 : i32
      %ne3A_91 = arith.cmpi ne, %rem3A, %ne3A_90 : i32
      %and3A = arith.andi %ne3A, %ne3A_91 : i1
      %sub3A = arith.constant 1 : i32
      %sub3A_92 = arith.subi %div3A, %sub3A : i32
      %select_n3A = arith.select %and3A, %sub3A_92, %div3A : i32
      %jit3A_93 = arith.constant 4 : i32
      %eq3A = arith.constant 0 : i32
      %eq3A_94 = arith.cmpi eq, %jit3A_93, %eq3A : i32
      %jit3A_95 = arith.constant 1 : i32
      %select_n3A_96 = arith.select %eq3A_94, %jit3A_95, %jit3A_93 : i32
      %rem3A_97 = arith.remsi %scan3A_75, %select_n3A_96 : i32
      %ne3A_98 = arith.constant 0 : i32
      %ne3A_99 = arith.cmpi ne, %rem3A_97, %ne3A_98 : i32
      %lt3A = arith.constant 0 : i32
      %lt3A_100 = arith.cmpi slt, %rem3A_97, %lt3A : i32
      %lt3A_101 = arith.constant 0 : i32
      %lt3A_102 = arith.cmpi slt, %select_n3A_96, %lt3A_101 : i32
      %ne3A_103 = arith.xori %lt3A_100, %lt3A_102 : i1
      %and3A_104 = arith.andi %ne3A_103, %ne3A_99 : i1
      %add3A = arith.addi %rem3A_97, %select_n3A_96 : i32
      %select_n3A_105 = arith.select %and3A_104, %add3A, %rem3A_97 : i32
      %mul3A = arith.constant 16 : i32
      %mul3A_106 = arith.muli %select_n3A_105, %mul3A : i32
      %broadcast_in_dim3A = arith.constant 0.000000e+00 : f32
      %broadcast_in_dim3A_107 = vector.broadcast %broadcast_in_dim3A : f32 to vector<16xf32>
      %swap3A = arith.index_cast %select_n3A : i32 to index
      %swap3A_108 = arith.index_cast %mul3A_106 : i32 to index
      %swap3A_109 = tpu.vector_load %arg11[%swap3A, %swap3A_108] {strides = array<i32>} : memref<16x64xf32, #tpu.memory_space<vmem>>, vector<1x16xf32>,
      %swap3A_110 = vector.shape_cast %swap3A_109 : vector<1x16xf32> to vector<16xf32>
      %swap3A_111 = vector.shape_cast %broadcast_in_dim3A_107 : vector<16xf32> to vector<1x16xf32>
      tpu.vector_store %arg11[%swap3A, %swap3A_108], %swap3A_111 {strides = array<i32>} : memref<16x64xf32, #tpu.memory_space<vmem>>, vector<1x16xf32>,
      %scan3A_112 = arith.constant 0 : i32
      scf.yield %scan3A_112 : i32
    }
    %scan3A_5 = arith.constant 64 : i32
    %scan3A_6 = arith.constant 0 : i32
    %scan3A_7 = arith.constant 0 : i32
    %scan3A_8 = arith.constant 256 : i32
    %scan3A_9 = arith.addi %scan3A_7, %scan3A_8 : i32
    %scan3A_10 = arith.constant 1 : i32
    %scan3A_11 = scf.for %scan3A_75 = %scan3A_7 to %scan3A_9 step %scan3A_10 iter_args(%scan3A_76 = %scan3A_6) -> (i32)  : i32 {
      %jit3A = arith.constant 4 : i32
      %div3A = arith.divsi %scan3A_75, %jit3A : i32
      %sign3A = arith.constant 0 : i32
      %sign3A_77 = arith.cmpi sgt, %scan3A_75, %sign3A : i32
      %sign3A_78 = arith.extui %sign3A_77 : i1 to i32
      %sign3A_79 = arith.constant 0 : i32
      %sign3A_80 = arith.cmpi slt, %scan3A_75, %sign3A_79 : i32
      %sign3A_81 = arith.extui %sign3A_80 : i1 to i32
      %sign3A_82 = arith.subi %sign3A_78, %sign3A_81 : i32
      %sign3A_83 = arith.constant 0 : i32
      %sign3A_84 = arith.cmpi sgt, %jit3A, %sign3A_83 : i32
      %sign3A_85 = arith.extui %sign3A_84 : i1 to i32
      %sign3A_86 = arith.constant 0 : i32
      %sign3A_87 = arith.cmpi slt, %jit3A, %sign3A_86 : i32
      %sign3A_88 = arith.extui %sign3A_87 : i1 to i32
      %sign3A_89 = arith.subi %sign3A_85, %sign3A_88 : i32
      %ne3A = arith.cmpi ne, %sign3A_82, %sign3A_89 : i32
      %rem3A = arith.remsi %scan3A_75, %jit3A : i32
      %ne3A_90 = arith.constant 0 : i32
      %ne3A_91 = arith.cmpi ne, %rem3A, %ne3A_90 : i32
      %and3A = arith.andi %ne3A, %ne3A_91 : i1
      %sub3A = arith.constant 1 : i32
      %sub3A_92 = arith.subi %div3A, %sub3A : i32
      %select_n3A = arith.select %and3A, %sub3A_92, %div3A : i32
      %jit3A_93 = arith.constant 4 : i32
      %eq3A = arith.constant 0 : i32
      %eq3A_94 = arith.cmpi eq, %jit3A_93, %eq3A : i32
      %jit3A_95 = arith.constant 1 : i32
      %select_n3A_96 = arith.select %eq3A_94, %jit3A_95, %jit3A_93 : i32
      %rem3A_97 = arith.remsi %scan3A_75, %select_n3A_96 : i32
      %ne3A_98 = arith.constant 0 : i32
      %ne3A_99 = arith.cmpi ne, %rem3A_97, %ne3A_98 : i32
      %lt3A = arith.constant 0 : i32
      %lt3A_100 = arith.cmpi slt, %rem3A_97, %lt3A : i32
      %lt3A_101 = arith.constant 0 : i32
      %lt3A_102 = arith.cmpi slt, %select_n3A_96, %lt3A_101 : i32
      %ne3A_103 = arith.xori %lt3A_100, %lt3A_102 : i1
      %and3A_104 = arith.andi %ne3A_103, %ne3A_99 : i1
      %add3A = arith.addi %rem3A_97, %select_n3A_96 : i32
      %select_n3A_105 = arith.select %and3A_104, %add3A, %rem3A_97 : i32
      %mul3A = arith.constant 16 : i32
      %mul3A_106 = arith.muli %select_n3A_105, %mul3A : i32
      %broadcast_in_dim3A = arith.constant 1.000000e+00 : f32
      %broadcast_in_dim3A_107 = vector.broadcast %broadcast_in_dim3A : f32 to vector<16xf32>
      %swap3A = arith.index_cast %select_n3A : i32 to index
      %swap3A_108 = arith.index_cast %mul3A_106 : i32 to index
      %swap3A_109 = tpu.vector_load %arg10[%swap3A, %swap3A_108] {strides = array<i32>} : memref<64x64xf32, #tpu.memory_space<vmem>>, vector<1x16xf32>,
      %swap3A_110 = vector.shape_cast %swap3A_109 : vector<1x16xf32> to vector<16xf32>
      %swap3A_111 = vector.shape_cast %broadcast_in_dim3A_107 : vector<16xf32> to vector<1x16xf32>
      tpu.vector_store %arg10[%swap3A, %swap3A_108], %swap3A_111 {strides = array<i32>} : memref<64x64xf32, #tpu.memory_space<vmem>>, vector<1x16xf32>,
      %scan3A_112 = arith.constant 0 : i32
      scf.yield %scan3A_112 : i32
    }
    %scan3A_12 = arith.constant 256 : i32
    %scan3A_13 = arith.constant 0 : i32
    %scan3A_14 = arith.constant 0 : i32
    %scan3A_15 = arith.constant 15 : i32
    %scan3A_16 = arith.addi %scan3A_14, %scan3A_15 : i32
    %scan3A_17 = arith.constant 1 : i32
    %scan3A_18 = scf.for %scan3A_75 = %scan3A_14 to %scan3A_16 step %scan3A_17 iter_args(%scan3A_76 = %scan3A_13) -> (i32)  : i32 {
      %mul3A = arith.constant 21 : i32
      %mul3A_77 = arith.muli %scan3A_75, %mul3A : i32
      "tpu.region"() ({
        %run_scoped3A = tpu.sem_alloc : memref<!tpu.dma_semaphore, #tpu.memory_space<semaphore_mem>>
        %dma_start3A = arith.constant 0 : i32
        %dma_start3A_79 = tpu.memref_slice %arg6[%mul3A_77, %dma_start3A] : memref<315x64xi32, #tpu.memory_space<vmem>> -> memref<21x64xi32, #tpu.memory_space<vmem>>
        %dma_start3A_80 = arith.constant 0 : i32
        %dma_start3A_81 = tpu.memref_slice %arg2[%arg0, %arg1, %mul3A_77, %dma_start3A_80] : memref<2x16x315x64xi32, #tpu.memory_space<hbm>> -> memref<1x1x21x64xi32, #tpu.memory_space<hbm>>
        %dma_start3A_82 = tpu.memref_squeeze %dma_start3A_81 : memref<1x1x21x64xi32, #tpu.memory_space<hbm>> -> memref<21x64xi32, #tpu.memory_space<hbm>>
        %dma_start3A_83 = arith.constant 0 : i32
        %dma_start3A_84 = tpu.memref_slice %arg6[%mul3A_77, %dma_start3A_83] : memref<315x64xi32, #tpu.memory_space<vmem>> -> memref<21x64xi32, #tpu.memory_space<vmem>>
        %dma_start3A_85 = arith.constant 0 : i32
        %dma_start3A_86 = tpu.memref_slice %arg2[%arg0, %arg1, %mul3A_77, %dma_start3A_85] : memref<2x16x315x64xi32, #tpu.memory_space<hbm>> -> memref<1x1x21x64xi32, #tpu.memory_space<hbm>>
        %dma_start3A_87 = tpu.memref_squeeze %dma_start3A_86 : memref<1x1x21x64xi32, #tpu.memory_space<hbm>> -> memref<21x64xi32, #tpu.memory_space<hbm>>
        tpu.enqueue_dma source(%dma_start3A_87 : memref<21x64xi32, #tpu.memory_space<hbm>>) target(%dma_start3A_84 : memref<21x64xi32, #tpu.memory_space<vmem>>) target_semaphore(%run_scoped3A : memref<!tpu.dma_semaphore, #tpu.memory_space<semaphore_mem>>)
        %dma_wait3A = arith.constant 0 : i32
        %dma_wait3A_88 = tpu.memref_slice %arg6[%mul3A_77, %dma_wait3A] : memref<315x64xi32, #tpu.memory_space<vmem>> -> memref<21x64xi32, #tpu.memory_space<vmem>>
        %dma_wait3A_89 = arith.constant 0 : i32
        %dma_wait3A_90 = tpu.memref_slice %arg2[%arg0, %arg1, %mul3A_77, %dma_wait3A_89] : memref<2x16x315x64xi32, #tpu.memory_space<hbm>> -> memref<1x1x21x64xi32, #tpu.memory_space<hbm>>
        %dma_wait3A_91 = tpu.memref_squeeze %dma_wait3A_90 : memref<1x1x21x64xi32, #tpu.memory_space<hbm>> -> memref<21x64xi32, #tpu.memory_space<hbm>>
        %dma_wait3A_92 = arith.constant 0 : i32
        %dma_wait3A_93 = tpu.memref_slice %arg6[%mul3A_77, %dma_wait3A_92] : memref<315x64xi32, #tpu.memory_space<vmem>> -> memref<21x64xi32, #tpu.memory_space<vmem>>
        %dma_wait3A_94 = arith.constant 0 : i32
        %dma_wait3A_95 = tpu.memref_slice %arg2[%arg0, %arg1, %mul3A_77, %dma_wait3A_94] : memref<2x16x315x64xi32, #tpu.memory_space<hbm>> -> memref<1x1x21x64xi32, #tpu.memory_space<hbm>>
        %dma_wait3A_96 = tpu.memref_squeeze %dma_wait3A_95 : memref<1x1x21x64xi32, #tpu.memory_space<hbm>> -> memref<21x64xi32, #tpu.memory_space<hbm>>
        tpu.wait_dma2 semaphore(%run_scoped3A : memref<!tpu.dma_semaphore, #tpu.memory_space<semaphore_mem>>) src(%dma_wait3A_96 : memref<21x64xi32, #tpu.memory_space<hbm>>) dst(%dma_wait3A_93 : memref<21x64xi32, #tpu.memory_space<vmem>>)
        tpu.yield
      }) : () -> ()
      "tpu.region"() ({
        %run_scoped3A = tpu.sem_alloc : memref<!tpu.dma_semaphore, #tpu.memory_space<semaphore_mem>>
        %dma_start3A = arith.constant 0 : i32
        %dma_start3A_79 = tpu.memref_slice %arg7[%mul3A_77, %dma_start3A] : memref<315x64xi32, #tpu.memory_space<vmem>> -> memref<21x64xi32, #tpu.memory_space<vmem>>
        %dma_start3A_80 = arith.constant 0 : i32
        %dma_start3A_81 = tpu.memref_slice %arg3[%arg0, %arg1, %mul3A_77, %dma_start3A_80] : memref<2x16x315x64xi32, #tpu.memory_space<hbm>> -> memref<1x1x21x64xi32, #tpu.memory_space<hbm>>
        %dma_start3A_82 = tpu.memref_squeeze %dma_start3A_81 : memref<1x1x21x64xi32, #tpu.memory_space<hbm>> -> memref<21x64xi32, #tpu.memory_space<hbm>>
        %dma_start3A_83 = arith.constant 0 : i32
        %dma_start3A_84 = tpu.memref_slice %arg7[%mul3A_77, %dma_start3A_83] : memref<315x64xi32, #tpu.memory_space<vmem>> -> memref<21x64xi32, #tpu.memory_space<vmem>>
        %dma_start3A_85 = arith.constant 0 : i32
        %dma_start3A_86 = tpu.memref_slice %arg3[%arg0, %arg1, %mul3A_77, %dma_start3A_85] : memref<2x16x315x64xi32, #tpu.memory_space<hbm>> -> memref<1x1x21x64xi32, #tpu.memory_space<hbm>>
        %dma_start3A_87 = tpu.memref_squeeze %dma_start3A_86 : memref<1x1x21x64xi32, #tpu.memory_space<hbm>> -> memref<21x64xi32, #tpu.memory_space<hbm>>
        tpu.enqueue_dma source(%dma_start3A_87 : memref<21x64xi32, #tpu.memory_space<hbm>>) target(%dma_start3A_84 : memref<21x64xi32, #tpu.memory_space<vmem>>) target_semaphore(%run_scoped3A : memref<!tpu.dma_semaphore, #tpu.memory_space<semaphore_mem>>)
        %dma_wait3A = arith.constant 0 : i32
        %dma_wait3A_88 = tpu.memref_slice %arg7[%mul3A_77, %dma_wait3A] : memref<315x64xi32, #tpu.memory_space<vmem>> -> memref<21x64xi32, #tpu.memory_space<vmem>>
        %dma_wait3A_89 = arith.constant 0 : i32
        %dma_wait3A_90 = tpu.memref_slice %arg3[%arg0, %arg1, %mul3A_77, %dma_wait3A_89] : memref<2x16x315x64xi32, #tpu.memory_space<hbm>> -> memref<1x1x21x64xi32, #tpu.memory_space<hbm>>
        %dma_wait3A_91 = tpu.memref_squeeze %dma_wait3A_90 : memref<1x1x21x64xi32, #tpu.memory_space<hbm>> -> memref<21x64xi32, #tpu.memory_space<hbm>>
        %dma_wait3A_92 = arith.constant 0 : i32
        %dma_wait3A_93 = tpu.memref_slice %arg7[%mul3A_77, %dma_wait3A_92] : memref<315x64xi32, #tpu.memory_space<vmem>> -> memref<21x64xi32, #tpu.memory_space<vmem>>
        %dma_wait3A_94 = arith.constant 0 : i32
        %dma_wait3A_95 = tpu.memref_slice %arg3[%arg0, %arg1, %mul3A_77, %dma_wait3A_94] : memref<2x16x315x64xi32, #tpu.memory_space<hbm>> -> memref<1x1x21x64xi32, #tpu.memory_space<hbm>>
        %dma_wait3A_96 = tpu.memref_squeeze %dma_wait3A_95 : memref<1x1x21x64xi32, #tpu.memory_space<hbm>> -> memref<21x64xi32, #tpu.memory_space<hbm>>
        tpu.wait_dma2 semaphore(%run_scoped3A : memref<!tpu.dma_semaphore, #tpu.memory_space<semaphore_mem>>) src(%dma_wait3A_96 : memref<21x64xi32, #tpu.memory_space<hbm>>) dst(%dma_wait3A_93 : memref<21x64xi32, #tpu.memory_space<vmem>>)
        tpu.yield
      }) : () -> ()
      %scan3A_78 = arith.constant 0 : i32
      scf.yield %scan3A_78 : i32
    }
    %scan3A_19 = arith.constant 15 : i32
    %scan3A_20 = arith.constant 0 : i32
    %scan3A_21 = arith.constant 0 : i32
    %scan3A_22 = arith.constant 2 : i32
    %scan3A_23 = arith.addi %scan3A_21, %scan3A_22 : i32
    %scan3A_24 = arith.constant 1 : i32
    %scan3A_25 = scf.for %scan3A_75 = %scan3A_21 to %scan3A_23 step %scan3A_24 iter_args(%scan3A_76 = %scan3A_20) -> (i32)  : i32 {
      %scan3A_77 = arith.constant 0 : i32
      %scan3A_78 = arith.constant 0 : i32
      %scan3A_79 = arith.constant 0 : i32
      %scan3A_80 = arith.constant 40 : i32
      %scan3A_81 = arith.addi %scan3A_79, %scan3A_80 : i32
      %scan3A_82 = arith.constant 1 : i32
      %scan3A_83 = scf.for %scan3A_203 = %scan3A_79 to %scan3A_81 step %scan3A_82 iter_args(%scan3A_204 = %scan3A_78) -> (i32)  : i32 {
        %mul3A_205 = arith.constant 624 : i32
        %mul3A_206 = arith.muli %arg1, %mul3A_205 : i32
        %mul3A_207 = arith.constant 16 : i32
        %mul3A_208 = arith.muli %scan3A_203, %mul3A_207 : i32
        %add3A_209 = arith.addi %mul3A_206, %mul3A_208 : i32
        %dma_start3A_210 = arith.constant 0 : i32
        %dma_start3A_211 = tpu.memref_slice %arg12[%add3A_209, %dma_start3A_210] : memref<10008x64xf32, #tpu.memory_space<vmem_shared>> -> memref<16x64xf32, #tpu.memory_space<vmem_shared>>
        %dma_start3A_212 = tpu.memref_slice %arg13[%scan3A_77] : memref<5x!tpu.dma_semaphore, #tpu.memory_space<semaphore_mem>> -> memref<1x!tpu.dma_semaphore, #tpu.memory_space<semaphore_mem>>
        %dma_start3A_213 = tpu.memref_squeeze %dma_start3A_212 : memref<1x!tpu.dma_semaphore, #tpu.memory_space<semaphore_mem>> -> memref<!tpu.dma_semaphore, #tpu.memory_space<semaphore_mem>>
        %dma_start3A_214 = arith.constant 0 : i32
        %dma_start3A_215 = tpu.memref_slice %arg12[%add3A_209, %dma_start3A_214] : memref<10008x64xf32, #tpu.memory_space<vmem_shared>> -> memref<16x64xf32, #tpu.memory_space<vmem_shared>>
        tpu.enqueue_dma source(%arg11 : memref<16x64xf32, #tpu.memory_space<vmem>>) target(%dma_start3A_215 : memref<16x64xf32, #tpu.memory_space<vmem_shared>>) target_semaphore(%dma_start3A_213 : memref<!tpu.dma_semaphore, #tpu.memory_space<semaphore_mem>>)
        %scan3A_216 = arith.constant 0 : i32
        scf.yield %scan3A_216 : i32
      }
      %scan3A_84 = arith.constant 40 : i32
      %scan3A_85 = arith.constant 0 : i32
      %scan3A_86 = arith.constant 0 : i32
      %scan3A_87 = arith.constant 0 : i32
      %scan3A_88 = arith.constant 40 : i32
      %scan3A_89 = arith.addi %scan3A_87, %scan3A_88 : i32
      %scan3A_90 = arith.constant 1 : i32
      %scan3A_91 = scf.for %scan3A_203 = %scan3A_87 to %scan3A_89 step %scan3A_90 iter_args(%scan3A_204 = %scan3A_86) -> (i32)  : i32 {
        %mul3A_205 = arith.constant 624 : i32
        %mul3A_206 = arith.muli %arg1, %mul3A_205 : i32
        %dma_wait3A_207 = arith.constant 0 : i32
        %dma_wait3A_208 = tpu.memref_slice %arg12[%mul3A_206, %dma_wait3A_207] : memref<10008x64xf32, #tpu.memory_space<vmem_shared>> -> memref<16x64xf32, #tpu.memory_space<vmem_shared>>
        %dma_wait3A_209 = tpu.memref_slice %arg13[%scan3A_85] : memref<5x!tpu.dma_semaphore, #tpu.memory_space<semaphore_mem>> -> memref<1x!tpu.dma_semaphore, #tpu.memory_space<semaphore_mem>>
        %dma_wait3A_210 = tpu.memref_squeeze %dma_wait3A_209 : memref<1x!tpu.dma_semaphore, #tpu.memory_space<semaphore_mem>> -> memref<!tpu.dma_semaphore, #tpu.memory_space<semaphore_mem>>
        %dma_wait3A_211 = arith.constant 0 : i32
        %dma_wait3A_212 = tpu.memref_slice %arg12[%mul3A_206, %dma_wait3A_211] : memref<10008x64xf32, #tpu.memory_space<vmem_shared>> -> memref<16x64xf32, #tpu.memory_space<vmem_shared>>
        tpu.wait_dma2 semaphore(%dma_wait3A_210 : memref<!tpu.dma_semaphore, #tpu.memory_space<semaphore_mem>>) src(%arg11 : memref<16x64xf32, #tpu.memory_space<vmem>>) dst(%dma_wait3A_212 : memref<16x64xf32, #tpu.memory_space<vmem_shared>>)
        %scan3A_213 = arith.constant 0 : i32
        scf.yield %scan3A_213 : i32
      }
      %scan3A_92 = arith.constant 40 : i32
      %barrier3A_93 = arith.constant 0 : index
      tpu.barrier barrier_id(%barrier3A_93)
      %mul3A = arith.constant 20000 : i32
      %mul3A_94 = arith.muli %arg0, %mul3A : i32
      %mul3A_95 = arith.constant 1 : i32
      %mul3A_96 = arith.muli %scan3A_75, %mul3A_95 : i32
      %add3A = arith.addi %mul3A_94, %mul3A_96 : i32
      %scan3A_97 = arith.constant 0 : i32
      %scan3A_98 = arith.constant 0 : i32
      %scan3A_99 = arith.constant 1260 : i32
      %scan3A_100 = arith.addi %scan3A_98, %scan3A_99 : i32
      %scan3A_101 = arith.constant 1 : i32
      %scan3A_102 = scf.for %scan3A_203 = %scan3A_98 to %scan3A_100 step %scan3A_101 iter_args(%scan3A_204 = %scan3A_97) -> (i32)  : i32 {
        %jit3A = arith.constant 4 : i32
        %div3A = arith.divsi %scan3A_203, %jit3A : i32
        %sign3A = arith.constant 0 : i32
        %sign3A_205 = arith.cmpi sgt, %scan3A_203, %sign3A : i32
        %sign3A_206 = arith.extui %sign3A_205 : i1 to i32
        %sign3A_207 = arith.constant 0 : i32
        %sign3A_208 = arith.cmpi slt, %scan3A_203, %sign3A_207 : i32
        %sign3A_209 = arith.extui %sign3A_208 : i1 to i32
        %sign3A_210 = arith.subi %sign3A_206, %sign3A_209 : i32
        %sign3A_211 = arith.constant 0 : i32
        %sign3A_212 = arith.cmpi sgt, %jit3A, %sign3A_211 : i32
        %sign3A_213 = arith.extui %sign3A_212 : i1 to i32
        %sign3A_214 = arith.constant 0 : i32
        %sign3A_215 = arith.cmpi slt, %jit3A, %sign3A_214 : i32
        %sign3A_216 = arith.extui %sign3A_215 : i1 to i32
        %sign3A_217 = arith.subi %sign3A_213, %sign3A_216 : i32
        %ne3A = arith.cmpi ne, %sign3A_210, %sign3A_217 : i32
        %rem3A = arith.remsi %scan3A_203, %jit3A : i32
        %ne3A_218 = arith.constant 0 : i32
        %ne3A_219 = arith.cmpi ne, %rem3A, %ne3A_218 : i32
        %and3A = arith.andi %ne3A, %ne3A_219 : i1
        %sub3A = arith.constant 1 : i32
        %sub3A_220 = arith.subi %div3A, %sub3A : i32
        %select_n3A = arith.select %and3A, %sub3A_220, %div3A : i32
        %jit3A_221 = arith.constant 4 : i32
        %eq3A = arith.constant 0 : i32
        %eq3A_222 = arith.cmpi eq, %jit3A_221, %eq3A : i32
        %jit3A_223 = arith.constant 1 : i32
        %select_n3A_224 = arith.select %eq3A_222, %jit3A_223, %jit3A_221 : i32
        %rem3A_225 = arith.remsi %scan3A_203, %select_n3A_224 : i32
        %ne3A_226 = arith.constant 0 : i32
        %ne3A_227 = arith.cmpi ne, %rem3A_225, %ne3A_226 : i32
        %lt3A = arith.constant 0 : i32
        %lt3A_228 = arith.cmpi slt, %rem3A_225, %lt3A : i32
        %lt3A_229 = arith.constant 0 : i32
        %lt3A_230 = arith.cmpi slt, %select_n3A_224, %lt3A_229 : i32
        %ne3A_231 = arith.xori %lt3A_228, %lt3A_230 : i1
        %and3A_232 = arith.andi %ne3A_231, %ne3A_227 : i1
        %add3A_233 = arith.addi %rem3A_225, %select_n3A_224 : i32
        %select_n3A_234 = arith.select %and3A_232, %add3A_233, %rem3A_225 : i32
        %mul3A_235 = arith.constant 16 : i32
        %mul3A_236 = arith.muli %select_n3A_234, %mul3A_235 : i32
        %get3A = arith.index_cast %select_n3A : i32 to index
        %get3A_237 = arith.index_cast %mul3A_236 : i32 to index
        %get3A_238 = tpu.vector_load %arg6[%get3A, %get3A_237] {strides = array<i32>} : memref<315x64xi32, #tpu.memory_space<vmem>>, vector<1x16xi32>,
        %get3A_239 = vector.shape_cast %get3A_238 : vector<1x16xi32> to vector<16xi32>
        %mul3A_240 = arith.constant 2 : i32
        %mul3A_241 = vector.broadcast %mul3A_240 : i32 to vector<16xi32>
        %mul3A_242 = arith.muli %get3A_239, %mul3A_241 : vector<16xi32>
        %add3A_243 = vector.broadcast %add3A : i32 to vector<16xi32>
        %add3A_244 = arith.addi %mul3A_242, %add3A_243 : vector<16xi32>
        %swap3A = arith.index_cast %select_n3A : i32 to index
        %swap3A_245 = arith.index_cast %mul3A_236 : i32 to index
        %swap3A_246 = tpu.vector_load %arg8[%swap3A, %swap3A_245] {strides = array<i32>} : memref<315x64xi32, #tpu.memory_space<vmem>>, vector<1x16xi32>,
        %swap3A_247 = vector.shape_cast %swap3A_246 : vector<1x16xi32> to vector<16xi32>
        %swap3A_248 = vector.shape_cast %add3A_244 : vector<16xi32> to vector<1x16xi32>
        tpu.vector_store %arg8[%swap3A, %swap3A_245], %swap3A_248 {strides = array<i32>} : memref<315x64xi32, #tpu.memory_space<vmem>>, vector<1x16xi32>,
        %scan3A_249 = arith.constant 0 : i32
        scf.yield %scan3A_249 : i32
      }
      %scan3A_103 = arith.constant 1260 : i32
      %dma_start3A = arith.constant 0 : i32
      %dma_start3A_104 = arith.constant 0 : i32
      %dma_start3A_105 = arith.constant 0 : i32
      %dma_start3A_106 = arith.constant 0 : i32
      %dma_start3A_107 = arith.constant 0 : i32
      %dma_start3A_108 = tpu.memref_slice %arg9[%dma_start3A_104, %dma_start3A_106, %dma_start3A_107] : memref<5x64x64xf32, #tpu.memory_space<vmem>> -> memref<1x64x64xf32, #tpu.memory_space<vmem>>
      %dma_start3A_109 = tpu.memref_squeeze %dma_start3A_108 : memref<1x64x64xf32, #tpu.memory_space<vmem>> -> memref<64x64xf32, #tpu.memory_space<vmem>>
      %dma_start3A_110 = arith.constant 0 : i32
      %dma_start3A_111 = tpu.memref_slice %arg8[%dma_start3A, %dma_start3A_110] : memref<315x64xi32, #tpu.memory_space<vmem>> -> memref<1x64xi32, #tpu.memory_space<vmem>>
      %dma_start3A_112 = tpu.memref_squeeze %dma_start3A_111 : memref<1x64xi32, #tpu.memory_space<vmem>> -> memref<64xi32, #tpu.memory_space<vmem>>
      %dma_start3A_113 = arith.constant 0 : i32
      %dma_start3A_114 = arith.constant 0 : i32
      %dma_start3A_115 = tpu.memref_slice %arg4[%dma_start3A_113, %dma_start3A_114] : memref<40000x64xf32, #tpu.memory_space<hbm>> -> memref<40000x64xf32, #tpu.memory_space<hbm>>
      %dma_start3A_116 = tpu.memref_slice %arg13[%dma_start3A_105] : memref<5x!tpu.dma_semaphore, #tpu.memory_space<semaphore_mem>> -> memref<1x!tpu.dma_semaphore, #tpu.memory_space<semaphore_mem>>
      %dma_start3A_117 = tpu.memref_squeeze %dma_start3A_116 : memref<1x!tpu.dma_semaphore, #tpu.memory_space<semaphore_mem>> -> memref<!tpu.dma_semaphore, #tpu.memory_space<semaphore_mem>>
      tpu.enqueue_indirect_dma source(%dma_start3A_115 : memref<40000x64xf32, #tpu.memory_space<hbm>>) target(%dma_start3A_109 : memref<64x64xf32, #tpu.memory_space<vmem>>) offsets(%dma_start3A_112 : memref<64xi32, #tpu.memory_space<vmem>>) semaphore(%dma_start3A_117 : memref<!tpu.dma_semaphore, #tpu.memory_space<semaphore_mem>>)
      %dma_start3A_118 = arith.constant 1 : i32
      %dma_start3A_119 = arith.constant 1 : i32
      %dma_start3A_120 = arith.constant 1 : i32
      %dma_start3A_121 = arith.constant 0 : i32
      %dma_start3A_122 = arith.constant 0 : i32
      %dma_start3A_123 = tpu.memref_slice %arg9[%dma_start3A_119, %dma_start3A_121, %dma_start3A_122] : memref<5x64x64xf32, #tpu.memory_space<vmem>> -> memref<1x64x64xf32, #tpu.memory_space<vmem>>
      %dma_start3A_124 = tpu.memref_squeeze %dma_start3A_123 : memref<1x64x64xf32, #tpu.memory_space<vmem>> -> memref<64x64xf32, #tpu.memory_space<vmem>>
      %dma_start3A_125 = arith.constant 0 : i32
      %dma_start3A_126 = tpu.memref_slice %arg8[%dma_start3A_118, %dma_start3A_125] : memref<315x64xi32, #tpu.memory_space<vmem>> -> memref<1x64xi32, #tpu.memory_space<vmem>>
      %dma_start3A_127 = tpu.memref_squeeze %dma_start3A_126 : memref<1x64xi32, #tpu.memory_space<vmem>> -> memref<64xi32, #tpu.memory_space<vmem>>
      %dma_start3A_128 = arith.constant 0 : i32
      %dma_start3A_129 = arith.constant 0 : i32
      %dma_start3A_130 = tpu.memref_slice %arg4[%dma_start3A_128, %dma_start3A_129] : memref<40000x64xf32, #tpu.memory_space<hbm>> -> memref<40000x64xf32, #tpu.memory_space<hbm>>
      %dma_start3A_131 = tpu.memref_slice %arg13[%dma_start3A_120] : memref<5x!tpu.dma_semaphore, #tpu.memory_space<semaphore_mem>> -> memref<1x!tpu.dma_semaphore, #tpu.memory_space<semaphore_mem>>
      %dma_start3A_132 = tpu.memref_squeeze %dma_start3A_131 : memref<1x!tpu.dma_semaphore, #tpu.memory_space<semaphore_mem>> -> memref<!tpu.dma_semaphore, #tpu.memory_space<semaphore_mem>>
      tpu.enqueue_indirect_dma source(%dma_start3A_130 : memref<40000x64xf32, #tpu.memory_space<hbm>>) target(%dma_start3A_124 : memref<64x64xf32, #tpu.memory_space<vmem>>) offsets(%dma_start3A_127 : memref<64xi32, #tpu.memory_space<vmem>>) semaphore(%dma_start3A_132 : memref<!tpu.dma_semaphore, #tpu.memory_space<semaphore_mem>>)
      %dma_start3A_133 = arith.constant 2 : i32
      %dma_start3A_134 = arith.constant 2 : i32
      %dma_start3A_135 = arith.constant 2 : i32
      %dma_start3A_136 = arith.constant 0 : i32
      %dma_start3A_137 = arith.constant 0 : i32
      %dma_start3A_138 = tpu.memref_slice %arg9[%dma_start3A_134, %dma_start3A_136, %dma_start3A_137] : memref<5x64x64xf32, #tpu.memory_space<vmem>> -> memref<1x64x64xf32, #tpu.memory_space<vmem>>
      %dma_start3A_139 = tpu.memref_squeeze %dma_start3A_138 : memref<1x64x64xf32, #tpu.memory_space<vmem>> -> memref<64x64xf32, #tpu.memory_space<vmem>>
      %dma_start3A_140 = arith.constant 0 : i32
      %dma_start3A_141 = tpu.memref_slice %arg8[%dma_start3A_133, %dma_start3A_140] : memref<315x64xi32, #tpu.memory_space<vmem>> -> memref<1x64xi32, #tpu.memory_space<vmem>>
      %dma_start3A_142 = tpu.memref_squeeze %dma_start3A_141 : memref<1x64xi32, #tpu.memory_space<vmem>> -> memref<64xi32, #tpu.memory_space<vmem>>
      %dma_start3A_143 = arith.constant 0 : i32
      %dma_start3A_144 = arith.constant 0 : i32
      %dma_start3A_145 = tpu.memref_slice %arg4[%dma_start3A_143, %dma_start3A_144] : memref<40000x64xf32, #tpu.memory_space<hbm>> -> memref<40000x64xf32, #tpu.memory_space<hbm>>
      %dma_start3A_146 = tpu.memref_slice %arg13[%dma_start3A_135] : memref<5x!tpu.dma_semaphore, #tpu.memory_space<semaphore_mem>> -> memref<1x!tpu.dma_semaphore, #tpu.memory_space<semaphore_mem>>
      %dma_start3A_147 = tpu.memref_squeeze %dma_start3A_146 : memref<1x!tpu.dma_semaphore, #tpu.memory_space<semaphore_mem>> -> memref<!tpu.dma_semaphore, #tpu.memory_space<semaphore_mem>>
      tpu.enqueue_indirect_dma source(%dma_start3A_145 : memref<40000x64xf32, #tpu.memory_space<hbm>>) target(%dma_start3A_139 : memref<64x64xf32, #tpu.memory_space<vmem>>) offsets(%dma_start3A_142 : memref<64xi32, #tpu.memory_space<vmem>>) semaphore(%dma_start3A_147 : memref<!tpu.dma_semaphore, #tpu.memory_space<semaphore_mem>>)
      %scan3A_148 = arith.constant 0 : i32
      %scan3A_149 = arith.constant 0 : i32
      %scan3A_150 = arith.constant 63 : i32
      %scan3A_151 = arith.addi %scan3A_149, %scan3A_150 : i32
      %scan3A_152 = arith.constant 1 : i32
      %scan3A_153 = scf.for %scan3A_203 = %scan3A_149 to %scan3A_151 step %scan3A_152 iter_args(%scan3A_204 = %scan3A_148) -> (i32)  : i32 {
        %mul3A_205 = arith.constant 5 : i32
        %mul3A_206 = arith.muli %scan3A_203, %mul3A_205 : i32
        %add3A_207 = arith.constant 0 : i32
        %add3A_208 = arith.addi %mul3A_206, %add3A_207 : i32
        %dma_wait3A_209 = arith.constant 0 : i32
        %dma_wait3A_210 = arith.constant 0 : i32
        %dma_wait3A_211 = arith.constant 0 : i32
        %dma_wait3A_212 = arith.constant 0 : i32
        %dma_wait3A_213 = tpu.memref_slice %arg9[%dma_wait3A_209, %dma_wait3A_211, %dma_wait3A_212] : memref<5x64x64xf32, #tpu.memory_space<vmem>> -> memref<1x64x64xf32, #tpu.memory_space<vmem>>
        %dma_wait3A_214 = tpu.memref_squeeze %dma_wait3A_213 : memref<1x64x64xf32, #tpu.memory_space<vmem>> -> memref<64x64xf32, #tpu.memory_space<vmem>>
        %dma_wait3A_215 = arith.constant 0 : i32
        %dma_wait3A_216 = tpu.memref_slice %arg8[%add3A_208, %dma_wait3A_215] : memref<315x64xi32, #tpu.memory_space<vmem>> -> memref<1x64xi32, #tpu.memory_space<vmem>>
        %dma_wait3A_217 = tpu.memref_squeeze %dma_wait3A_216 : memref<1x64xi32, #tpu.memory_space<vmem>> -> memref<64xi32, #tpu.memory_space<vmem>>
        %dma_wait3A_218 = arith.constant 0 : i32
        %dma_wait3A_219 = arith.constant 0 : i32
        %dma_wait3A_220 = tpu.memref_slice %arg4[%dma_wait3A_218, %dma_wait3A_219] : memref<40000x64xf32, #tpu.memory_space<hbm>> -> memref<40000x64xf32, #tpu.memory_space<hbm>>
        %dma_wait3A_221 = tpu.memref_slice %arg13[%dma_wait3A_210] : memref<5x!tpu.dma_semaphore, #tpu.memory_space<semaphore_mem>> -> memref<1x!tpu.dma_semaphore, #tpu.memory_space<semaphore_mem>>
        %dma_wait3A_222 = tpu.memref_squeeze %dma_wait3A_221 : memref<1x!tpu.dma_semaphore, #tpu.memory_space<semaphore_mem>> -> memref<!tpu.dma_semaphore, #tpu.memory_space<semaphore_mem>>
        tpu.wait_indirect_dma semaphore(%dma_wait3A_222 : memref<!tpu.dma_semaphore, #tpu.memory_space<semaphore_mem>>) src(%dma_wait3A_220 : memref<40000x64xf32, #tpu.memory_space<hbm>>) dst(%dma_wait3A_214 : memref<64x64xf32, #tpu.memory_space<vmem>>)
        %dma_start3A_223 = arith.constant 0 : i32
        %dma_start3A_224 = arith.constant 0 : i32
        %dma_start3A_225 = arith.constant 0 : i32
        %dma_start3A_226 = arith.constant 0 : i32
        %dma_start3A_227 = tpu.memref_slice %arg9[%dma_start3A_223, %dma_start3A_225, %dma_start3A_226] : memref<5x64x64xf32, #tpu.memory_space<vmem>> -> memref<1x64x64xf32, #tpu.memory_space<vmem>>
        %dma_start3A_228 = tpu.memref_squeeze %dma_start3A_227 : memref<1x64x64xf32, #tpu.memory_space<vmem>> -> memref<64x64xf32, #tpu.memory_space<vmem>>
        %dma_start3A_229 = arith.constant 0 : i32
        %dma_start3A_230 = tpu.memref_slice %arg7[%add3A_208, %dma_start3A_229] : memref<315x64xi32, #tpu.memory_space<vmem>> -> memref<1x64xi32, #tpu.memory_space<vmem>>
        %dma_start3A_231 = tpu.memref_squeeze %dma_start3A_230 : memref<1x64xi32, #tpu.memory_space<vmem>> -> memref<64xi32, #tpu.memory_space<vmem>>
        %dma_start3A_232 = arith.constant 0 : i32
        %dma_start3A_233 = arith.constant 0 : i32
        %dma_start3A_234 = tpu.memref_slice %arg12[%dma_start3A_232, %dma_start3A_233] : memref<10008x64xf32, #tpu.memory_space<vmem_shared>> -> memref<10008x64xf32, #tpu.memory_space<vmem_shared>>
        %dma_start3A_235 = tpu.memref_slice %arg14[%dma_start3A_224] : memref<5x!tpu.dma_semaphore, #tpu.memory_space<semaphore_mem>> -> memref<1x!tpu.dma_semaphore, #tpu.memory_space<semaphore_mem>>
        %dma_start3A_236 = tpu.memref_squeeze %dma_start3A_235 : memref<1x!tpu.dma_semaphore, #tpu.memory_space<semaphore_mem>> -> memref<!tpu.dma_semaphore, #tpu.memory_space<semaphore_mem>>
        tpu.enqueue_indirect_dma source(%dma_start3A_228 : memref<64x64xf32, #tpu.memory_space<vmem>>) target(%dma_start3A_234 : memref<10008x64xf32, #tpu.memory_space<vmem_shared>>) offsets(%dma_start3A_231 : memref<64xi32, #tpu.memory_space<vmem>>) semaphore(%dma_start3A_236 : memref<!tpu.dma_semaphore, #tpu.memory_space<semaphore_mem>>) {add = true}
        %ge3A = arith.constant 2 : i32
        %ge3A_237 = arith.cmpi sge, %add3A_208, %ge3A : i32
        %convert_element_type3A = arith.extui %ge3A_237 : i1 to i32
        %cond3A = arith.constant 0 : i32
        %cond3A_238 = arith.cmpi ne, %convert_element_type3A, %cond3A : i32
        scf.if %cond3A_238 {
          %sub3A = arith.constant 2 : i32
          %sub3A_422 = arith.subi %add3A_208, %sub3A : i32
          %dma_wait3A_423 = arith.constant 3 : i32
          %dma_wait3A_424 = arith.constant 3 : i32
          %dma_wait3A_425 = arith.constant 0 : i32
          %dma_wait3A_426 = arith.constant 0 : i32
          %dma_wait3A_427 = tpu.memref_slice %arg9[%dma_wait3A_423, %dma_wait3A_425, %dma_wait3A_426] : memref<5x64x64xf32, #tpu.memory_space<vmem>> -> memref<1x64x64xf32, #tpu.memory_space<vmem>>
          %dma_wait3A_428 = tpu.memref_squeeze %dma_wait3A_427 : memref<1x64x64xf32, #tpu.memory_space<vmem>> -> memref<64x64xf32, #tpu.memory_space<vmem>>
          %dma_wait3A_429 = arith.constant 0 : i32
          %dma_wait3A_430 = tpu.memref_slice %arg7[%sub3A_422, %dma_wait3A_429] : memref<315x64xi32, #tpu.memory_space<vmem>> -> memref<1x64xi32, #tpu.memory_space<vmem>>
          %dma_wait3A_431 = tpu.memref_squeeze %dma_wait3A_430 : memref<1x64xi32, #tpu.memory_space<vmem>> -> memref<64xi32, #tpu.memory_space<vmem>>
          %dma_wait3A_432 = arith.constant 0 : i32
          %dma_wait3A_433 = arith.constant 0 : i32
          %dma_wait3A_434 = tpu.memref_slice %arg12[%dma_wait3A_432, %dma_wait3A_433] : memref<10008x64xf32, #tpu.memory_space<vmem_shared>> -> memref<10008x64xf32, #tpu.memory_space<vmem_shared>>
          %dma_wait3A_435 = tpu.memref_slice %arg14[%dma_wait3A_424] : memref<5x!tpu.dma_semaphore, #tpu.memory_space<semaphore_mem>> -> memref<1x!tpu.dma_semaphore, #tpu.memory_space<semaphore_mem>>
          %dma_wait3A_436 = tpu.memref_squeeze %dma_wait3A_435 : memref<1x!tpu.dma_semaphore, #tpu.memory_space<semaphore_mem>> -> memref<!tpu.dma_semaphore, #tpu.memory_space<semaphore_mem>>
          tpu.wait_indirect_dma semaphore(%dma_wait3A_436 : memref<!tpu.dma_semaphore, #tpu.memory_space<semaphore_mem>>) src(%dma_wait3A_428 : memref<64x64xf32, #tpu.memory_space<vmem>>) dst(%dma_wait3A_434 : memref<10008x64xf32, #tpu.memory_space<vmem_shared>>)
        } else {
        }
        %add3A_239 = arith.constant 3 : i32
        %add3A_240 = arith.addi %add3A_208, %add3A_239 : i32
        %lt3A = arith.constant 315 : i32
        %lt3A_241 = arith.cmpi slt, %add3A_240, %lt3A : i32
        %convert_element_type3A_242 = arith.extui %lt3A_241 : i1 to i32
        %cond3A_243 = arith.constant 0 : i32
        %cond3A_244 = arith.cmpi ne, %convert_element_type3A_242, %cond3A_243 : i32
        scf.if %cond3A_244 {
          %add3A_422 = arith.constant 3 : i32
          %add3A_423 = arith.addi %add3A_208, %add3A_422 : i32
          %dma_start3A_424 = arith.constant 3 : i32
          %dma_start3A_425 = arith.constant 3 : i32
          %dma_start3A_426 = arith.constant 0 : i32
          %dma_start3A_427 = arith.constant 0 : i32
          %dma_start3A_428 = tpu.memref_slice %arg9[%dma_start3A_424, %dma_start3A_426, %dma_start3A_427] : memref<5x64x64xf32, #tpu.memory_space<vmem>> -> memref<1x64x64xf32, #tpu.memory_space<vmem>>
          %dma_start3A_429 = tpu.memref_squeeze %dma_start3A_428 : memref<1x64x64xf32, #tpu.memory_space<vmem>> -> memref<64x64xf32, #tpu.memory_space<vmem>>
          %dma_start3A_430 = arith.constant 0 : i32
          %dma_start3A_431 = tpu.memref_slice %arg8[%add3A_423, %dma_start3A_430] : memref<315x64xi32, #tpu.memory_space<vmem>> -> memref<1x64xi32, #tpu.memory_space<vmem>>
          %dma_start3A_432 = tpu.memref_squeeze %dma_start3A_431 : memref<1x64xi32, #tpu.memory_space<vmem>> -> memref<64xi32, #tpu.memory_space<vmem>>
          %dma_start3A_433 = arith.constant 0 : i32
          %dma_start3A_434 = arith.constant 0 : i32
          %dma_start3A_435 = tpu.memref_slice %arg4[%dma_start3A_433, %dma_start3A_434] : memref<40000x64xf32, #tpu.memory_space<hbm>> -> memref<40000x64xf32, #tpu.memory_space<hbm>>
          %dma_start3A_436 = tpu.memref_slice %arg13[%dma_start3A_425] : memref<5x!tpu.dma_semaphore, #tpu.memory_space<semaphore_mem>> -> memref<1x!tpu.dma_semaphore, #tpu.memory_space<semaphore_mem>>
          %dma_start3A_437 = tpu.memref_squeeze %dma_start3A_436 : memref<1x!tpu.dma_semaphore, #tpu.memory_space<semaphore_mem>> -> memref<!tpu.dma_semaphore, #tpu.memory_space<semaphore_mem>>
          tpu.enqueue_indirect_dma source(%dma_start3A_435 : memref<40000x64xf32, #tpu.memory_space<hbm>>) target(%dma_start3A_429 : memref<64x64xf32, #tpu.memory_space<vmem>>) offsets(%dma_start3A_432 : memref<64xi32, #tpu.memory_space<vmem>>) semaphore(%dma_start3A_437 : memref<!tpu.dma_semaphore, #tpu.memory_space<semaphore_mem>>)
        } else {
        }
        %mul3A_245 = arith.constant 5 : i32
        %mul3A_246 = arith.muli %scan3A_203, %mul3A_245 : i32
        %add3A_247 = arith.constant 1 : i32
        %add3A_248 = arith.addi %mul3A_246, %add3A_247 : i32
        %dma_wait3A_249 = arith.constant 1 : i32
        %dma_wait3A_250 = arith.constant 1 : i32
        %dma_wait3A_251 = arith.constant 0 : i32
        %dma_wait3A_252 = arith.constant 0 : i32
        %dma_wait3A_253 = tpu.memref_slice %arg9[%dma_wait3A_249, %dma_wait3A_251, %dma_wait3A_252] : memref<5x64x64xf32, #tpu.memory_space<vmem>> -> memref<1x64x64xf32, #tpu.memory_space<vmem>>
        %dma_wait3A_254 = tpu.memref_squeeze %dma_wait3A_253 : memref<1x64x64xf32, #tpu.memory_space<vmem>> -> memref<64x64xf32, #tpu.memory_space<vmem>>
        %dma_wait3A_255 = arith.constant 0 : i32
        %dma_wait3A_256 = tpu.memref_slice %arg8[%add3A_248, %dma_wait3A_255] : memref<315x64xi32, #tpu.memory_space<vmem>> -> memref<1x64xi32, #tpu.memory_space<vmem>>
        %dma_wait3A_257 = tpu.memref_squeeze %dma_wait3A_256 : memref<1x64xi32, #tpu.memory_space<vmem>> -> memref<64xi32, #tpu.memory_space<vmem>>
        %dma_wait3A_258 = arith.constant 0 : i32
        %dma_wait3A_259 = arith.constant 0 : i32
        %dma_wait3A_260 = tpu.memref_slice %arg4[%dma_wait3A_258, %dma_wait3A_259] : memref<40000x64xf32, #tpu.memory_space<hbm>> -> memref<40000x64xf32, #tpu.memory_space<hbm>>
        %dma_wait3A_261 = tpu.memref_slice %arg13[%dma_wait3A_250] : memref<5x!tpu.dma_semaphore, #tpu.memory_space<semaphore_mem>> -> memref<1x!tpu.dma_semaphore, #tpu.memory_space<semaphore_mem>>
        %dma_wait3A_262 = tpu.memref_squeeze %dma_wait3A_261 : memref<1x!tpu.dma_semaphore, #tpu.memory_space<semaphore_mem>> -> memref<!tpu.dma_semaphore, #tpu.memory_space<semaphore_mem>>
        tpu.wait_indirect_dma semaphore(%dma_wait3A_262 : memref<!tpu.dma_semaphore, #tpu.memory_space<semaphore_mem>>) src(%dma_wait3A_260 : memref<40000x64xf32, #tpu.memory_space<hbm>>) dst(%dma_wait3A_254 : memref<64x64xf32, #tpu.memory_space<vmem>>)
        %dma_start3A_263 = arith.constant 1 : i32
        %dma_start3A_264 = arith.constant 1 : i32
        %dma_start3A_265 = arith.constant 0 : i32
        %dma_start3A_266 = arith.constant 0 : i32
        %dma_start3A_267 = tpu.memref_slice %arg9[%dma_start3A_263, %dma_start3A_265, %dma_start3A_266] : memref<5x64x64xf32, #tpu.memory_space<vmem>> -> memref<1x64x64xf32, #tpu.memory_space<vmem>>
        %dma_start3A_268 = tpu.memref_squeeze %dma_start3A_267 : memref<1x64x64xf32, #tpu.memory_space<vmem>> -> memref<64x64xf32, #tpu.memory_space<vmem>>
        %dma_start3A_269 = arith.constant 0 : i32
        %dma_start3A_270 = tpu.memref_slice %arg7[%add3A_248, %dma_start3A_269] : memref<315x64xi32, #tpu.memory_space<vmem>> -> memref<1x64xi32, #tpu.memory_space<vmem>>
        %dma_start3A_271 = tpu.memref_squeeze %dma_start3A_270 : memref<1x64xi32, #tpu.memory_space<vmem>> -> memref<64xi32, #tpu.memory_space<vmem>>
        %dma_start3A_272 = arith.constant 0 : i32
        %dma_start3A_273 = arith.constant 0 : i32
        %dma_start3A_274 = tpu.memref_slice %arg12[%dma_start3A_272, %dma_start3A_273] : memref<10008x64xf32, #tpu.memory_space<vmem_shared>> -> memref<10008x64xf32, #tpu.memory_space<vmem_shared>>
        %dma_start3A_275 = tpu.memref_slice %arg14[%dma_start3A_264] : memref<5x!tpu.dma_semaphore, #tpu.memory_space<semaphore_mem>> -> memref<1x!tpu.dma_semaphore, #tpu.memory_space<semaphore_mem>>
        %dma_start3A_276 = tpu.memref_squeeze %dma_start3A_275 : memref<1x!tpu.dma_semaphore, #tpu.memory_space<semaphore_mem>> -> memref<!tpu.dma_semaphore, #tpu.memory_space<semaphore_mem>>
        tpu.enqueue_indirect_dma source(%dma_start3A_268 : memref<64x64xf32, #tpu.memory_space<vmem>>) target(%dma_start3A_274 : memref<10008x64xf32, #tpu.memory_space<vmem_shared>>) offsets(%dma_start3A_271 : memref<64xi32, #tpu.memory_space<vmem>>) semaphore(%dma_start3A_276 : memref<!tpu.dma_semaphore, #tpu.memory_space<semaphore_mem>>) {add = true}
        %ge3A_277 = arith.constant 2 : i32
        %ge3A_278 = arith.cmpi sge, %add3A_248, %ge3A_277 : i32
        %convert_element_type3A_279 = arith.extui %ge3A_278 : i1 to i32
        %cond3A_280 = arith.constant 0 : i32
        %cond3A_281 = arith.cmpi ne, %convert_element_type3A_279, %cond3A_280 : i32
        scf.if %cond3A_281 {
          %sub3A = arith.constant 2 : i32
          %sub3A_422 = arith.subi %add3A_248, %sub3A : i32
          %dma_wait3A_423 = arith.constant 4 : i32
          %dma_wait3A_424 = arith.constant 4 : i32
          %dma_wait3A_425 = arith.constant 0 : i32
          %dma_wait3A_426 = arith.constant 0 : i32
          %dma_wait3A_427 = tpu.memref_slice %arg9[%dma_wait3A_423, %dma_wait3A_425, %dma_wait3A_426] : memref<5x64x64xf32, #tpu.memory_space<vmem>> -> memref<1x64x64xf32, #tpu.memory_space<vmem>>
          %dma_wait3A_428 = tpu.memref_squeeze %dma_wait3A_427 : memref<1x64x64xf32, #tpu.memory_space<vmem>> -> memref<64x64xf32, #tpu.memory_space<vmem>>
          %dma_wait3A_429 = arith.constant 0 : i32
          %dma_wait3A_430 = tpu.memref_slice %arg7[%sub3A_422, %dma_wait3A_429] : memref<315x64xi32, #tpu.memory_space<vmem>> -> memref<1x64xi32, #tpu.memory_space<vmem>>
          %dma_wait3A_431 = tpu.memref_squeeze %dma_wait3A_430 : memref<1x64xi32, #tpu.memory_space<vmem>> -> memref<64xi32, #tpu.memory_space<vmem>>
          %dma_wait3A_432 = arith.constant 0 : i32
          %dma_wait3A_433 = arith.constant 0 : i32
          %dma_wait3A_434 = tpu.memref_slice %arg12[%dma_wait3A_432, %dma_wait3A_433] : memref<10008x64xf32, #tpu.memory_space<vmem_shared>> -> memref<10008x64xf32, #tpu.memory_space<vmem_shared>>
          %dma_wait3A_435 = tpu.memref_slice %arg14[%dma_wait3A_424] : memref<5x!tpu.dma_semaphore, #tpu.memory_space<semaphore_mem>> -> memref<1x!tpu.dma_semaphore, #tpu.memory_space<semaphore_mem>>
          %dma_wait3A_436 = tpu.memref_squeeze %dma_wait3A_435 : memref<1x!tpu.dma_semaphore, #tpu.memory_space<semaphore_mem>> -> memref<!tpu.dma_semaphore, #tpu.memory_space<semaphore_mem>>
          tpu.wait_indirect_dma semaphore(%dma_wait3A_436 : memref<!tpu.dma_semaphore, #tpu.memory_space<semaphore_mem>>) src(%dma_wait3A_428 : memref<64x64xf32, #tpu.memory_space<vmem>>) dst(%dma_wait3A_434 : memref<10008x64xf32, #tpu.memory_space<vmem_shared>>)
        } else {
        }
        %add3A_282 = arith.constant 3 : i32
        %add3A_283 = arith.addi %add3A_248, %add3A_282 : i32
        %lt3A_284 = arith.constant 315 : i32
        %lt3A_285 = arith.cmpi slt, %add3A_283, %lt3A_284 : i32
        %convert_element_type3A_286 = arith.extui %lt3A_285 : i1 to i32
        %cond3A_287 = arith.constant 0 : i32
        %cond3A_288 = arith.cmpi ne, %convert_element_type3A_286, %cond3A_287 : i32
        scf.if %cond3A_288 {
          %add3A_422 = arith.constant 3 : i32
          %add3A_423 = arith.addi %add3A_248, %add3A_422 : i32
          %dma_start3A_424 = arith.constant 4 : i32
          %dma_start3A_425 = arith.constant 4 : i32
          %dma_start3A_426 = arith.constant 0 : i32
          %dma_start3A_427 = arith.constant 0 : i32
          %dma_start3A_428 = tpu.memref_slice %arg9[%dma_start3A_424, %dma_start3A_426, %dma_start3A_427] : memref<5x64x64xf32, #tpu.memory_space<vmem>> -> memref<1x64x64xf32, #tpu.memory_space<vmem>>
          %dma_start3A_429 = tpu.memref_squeeze %dma_start3A_428 : memref<1x64x64xf32, #tpu.memory_space<vmem>> -> memref<64x64xf32, #tpu.memory_space<vmem>>
          %dma_start3A_430 = arith.constant 0 : i32
          %dma_start3A_431 = tpu.memref_slice %arg8[%add3A_423, %dma_start3A_430] : memref<315x64xi32, #tpu.memory_space<vmem>> -> memref<1x64xi32, #tpu.memory_space<vmem>>
          %dma_start3A_432 = tpu.memref_squeeze %dma_start3A_431 : memref<1x64xi32, #tpu.memory_space<vmem>> -> memref<64xi32, #tpu.memory_space<vmem>>
          %dma_start3A_433 = arith.constant 0 : i32
          %dma_start3A_434 = arith.constant 0 : i32
          %dma_start3A_435 = tpu.memref_slice %arg4[%dma_start3A_433, %dma_start3A_434] : memref<40000x64xf32, #tpu.memory_space<hbm>> -> memref<40000x64xf32, #tpu.memory_space<hbm>>
          %dma_start3A_436 = tpu.memref_slice %arg13[%dma_start3A_425] : memref<5x!tpu.dma_semaphore, #tpu.memory_space<semaphore_mem>> -> memref<1x!tpu.dma_semaphore, #tpu.memory_space<semaphore_mem>>
          %dma_start3A_437 = tpu.memref_squeeze %dma_start3A_436 : memref<1x!tpu.dma_semaphore, #tpu.memory_space<semaphore_mem>> -> memref<!tpu.dma_semaphore, #tpu.memory_space<semaphore_mem>>
          tpu.enqueue_indirect_dma source(%dma_start3A_435 : memref<40000x64xf32, #tpu.memory_space<hbm>>) target(%dma_start3A_429 : memref<64x64xf32, #tpu.memory_space<vmem>>) offsets(%dma_start3A_432 : memref<64xi32, #tpu.memory_space<vmem>>) semaphore(%dma_start3A_437 : memref<!tpu.dma_semaphore, #tpu.memory_space<semaphore_mem>>)
        } else {
        }
        %mul3A_289 = arith.constant 5 : i32
        %mul3A_290 = arith.muli %scan3A_203, %mul3A_289 : i32
        %add3A_291 = arith.constant 2 : i32
        %add3A_292 = arith.addi %mul3A_290, %add3A_291 : i32
        %dma_wait3A_293 = arith.constant 2 : i32
        %dma_wait3A_294 = arith.constant 2 : i32
        %dma_wait3A_295 = arith.constant 0 : i32
        %dma_wait3A_296 = arith.constant 0 : i32
        %dma_wait3A_297 = tpu.memref_slice %arg9[%dma_wait3A_293, %dma_wait3A_295, %dma_wait3A_296] : memref<5x64x64xf32, #tpu.memory_space<vmem>> -> memref<1x64x64xf32, #tpu.memory_space<vmem>>
        %dma_wait3A_298 = tpu.memref_squeeze %dma_wait3A_297 : memref<1x64x64xf32, #tpu.memory_space<vmem>> -> memref<64x64xf32, #tpu.memory_space<vmem>>
        %dma_wait3A_299 = arith.constant 0 : i32
        %dma_wait3A_300 = tpu.memref_slice %arg8[%add3A_292, %dma_wait3A_299] : memref<315x64xi32, #tpu.memory_space<vmem>> -> memref<1x64xi32, #tpu.memory_space<vmem>>
        %dma_wait3A_301 = tpu.memref_squeeze %dma_wait3A_300 : memref<1x64xi32, #tpu.memory_space<vmem>> -> memref<64xi32, #tpu.memory_space<vmem>>
        %dma_wait3A_302 = arith.constant 0 : i32
        %dma_wait3A_303 = arith.constant 0 : i32
        %dma_wait3A_304 = tpu.memref_slice %arg4[%dma_wait3A_302, %dma_wait3A_303] : memref<40000x64xf32, #tpu.memory_space<hbm>> -> memref<40000x64xf32, #tpu.memory_space<hbm>>
        %dma_wait3A_305 = tpu.memref_slice %arg13[%dma_wait3A_294] : memref<5x!tpu.dma_semaphore, #tpu.memory_space<semaphore_mem>> -> memref<1x!tpu.dma_semaphore, #tpu.memory_space<semaphore_mem>>
        %dma_wait3A_306 = tpu.memref_squeeze %dma_wait3A_305 : memref<1x!tpu.dma_semaphore, #tpu.memory_space<semaphore_mem>> -> memref<!tpu.dma_semaphore, #tpu.memory_space<semaphore_mem>>
        tpu.wait_indirect_dma semaphore(%dma_wait3A_306 : memref<!tpu.dma_semaphore, #tpu.memory_space<semaphore_mem>>) src(%dma_wait3A_304 : memref<40000x64xf32, #tpu.memory_space<hbm>>) dst(%dma_wait3A_298 : memref<64x64xf32, #tpu.memory_space<vmem>>)
        %dma_start3A_307 = arith.constant 2 : i32
        %dma_start3A_308 = arith.constant 2 : i32
        %dma_start3A_309 = arith.constant 0 : i32
        %dma_start3A_310 = arith.constant 0 : i32
        %dma_start3A_311 = tpu.memref_slice %arg9[%dma_start3A_307, %dma_start3A_309, %dma_start3A_310] : memref<5x64x64xf32, #tpu.memory_space<vmem>> -> memref<1x64x64xf32, #tpu.memory_space<vmem>>
        %dma_start3A_312 = tpu.memref_squeeze %dma_start3A_311 : memref<1x64x64xf32, #tpu.memory_space<vmem>> -> memref<64x64xf32, #tpu.memory_space<vmem>>
        %dma_start3A_313 = arith.constant 0 : i32
        %dma_start3A_314 = tpu.memref_slice %arg7[%add3A_292, %dma_start3A_313] : memref<315x64xi32, #tpu.memory_space<vmem>> -> memref<1x64xi32, #tpu.memory_space<vmem>>
        %dma_start3A_315 = tpu.memref_squeeze %dma_start3A_314 : memref<1x64xi32, #tpu.memory_space<vmem>> -> memref<64xi32, #tpu.memory_space<vmem>>
        %dma_start3A_316 = arith.constant 0 : i32
        %dma_start3A_317 = arith.constant 0 : i32
        %dma_start3A_318 = tpu.memref_slice %arg12[%dma_start3A_316, %dma_start3A_317] : memref<10008x64xf32, #tpu.memory_space<vmem_shared>> -> memref<10008x64xf32, #tpu.memory_space<vmem_shared>>
        %dma_start3A_319 = tpu.memref_slice %arg14[%dma_start3A_308] : memref<5x!tpu.dma_semaphore, #tpu.memory_space<semaphore_mem>> -> memref<1x!tpu.dma_semaphore, #tpu.memory_space<semaphore_mem>>
        %dma_start3A_320 = tpu.memref_squeeze %dma_start3A_319 : memref<1x!tpu.dma_semaphore, #tpu.memory_space<semaphore_mem>> -> memref<!tpu.dma_semaphore, #tpu.memory_space<semaphore_mem>>
        tpu.enqueue_indirect_dma source(%dma_start3A_312 : memref<64x64xf32, #tpu.memory_space<vmem>>) target(%dma_start3A_318 : memref<10008x64xf32, #tpu.memory_space<vmem_shared>>) offsets(%dma_start3A_315 : memref<64xi32, #tpu.memory_space<vmem>>) semaphore(%dma_start3A_320 : memref<!tpu.dma_semaphore, #tpu.memory_space<semaphore_mem>>) {add = true}
        %ge3A_321 = arith.constant 2 : i32
        %ge3A_322 = arith.cmpi sge, %add3A_292, %ge3A_321 : i32
        %convert_element_type3A_323 = arith.extui %ge3A_322 : i1 to i32
        %cond3A_324 = arith.constant 0 : i32
        %cond3A_325 = arith.cmpi ne, %convert_element_type3A_323, %cond3A_324 : i32
        scf.if %cond3A_325 {
          %sub3A = arith.constant 2 : i32
          %sub3A_422 = arith.subi %add3A_292, %sub3A : i32
          %dma_wait3A_423 = arith.constant 0 : i32
          %dma_wait3A_424 = arith.constant 0 : i32
          %dma_wait3A_425 = arith.constant 0 : i32
          %dma_wait3A_426 = arith.constant 0 : i32
          %dma_wait3A_427 = tpu.memref_slice %arg9[%dma_wait3A_423, %dma_wait3A_425, %dma_wait3A_426] : memref<5x64x64xf32, #tpu.memory_space<vmem>> -> memref<1x64x64xf32, #tpu.memory_space<vmem>>
          %dma_wait3A_428 = tpu.memref_squeeze %dma_wait3A_427 : memref<1x64x64xf32, #tpu.memory_space<vmem>> -> memref<64x64xf32, #tpu.memory_space<vmem>>
          %dma_wait3A_429 = arith.constant 0 : i32
          %dma_wait3A_430 = tpu.memref_slice %arg7[%sub3A_422, %dma_wait3A_429] : memref<315x64xi32, #tpu.memory_space<vmem>> -> memref<1x64xi32, #tpu.memory_space<vmem>>
          %dma_wait3A_431 = tpu.memref_squeeze %dma_wait3A_430 : memref<1x64xi32, #tpu.memory_space<vmem>> -> memref<64xi32, #tpu.memory_space<vmem>>
          %dma_wait3A_432 = arith.constant 0 : i32
          %dma_wait3A_433 = arith.constant 0 : i32
          %dma_wait3A_434 = tpu.memref_slice %arg12[%dma_wait3A_432, %dma_wait3A_433] : memref<10008x64xf32, #tpu.memory_space<vmem_shared>> -> memref<10008x64xf32, #tpu.memory_space<vmem_shared>>
          %dma_wait3A_435 = tpu.memref_slice %arg14[%dma_wait3A_424] : memref<5x!tpu.dma_semaphore, #tpu.memory_space<semaphore_mem>> -> memref<1x!tpu.dma_semaphore, #tpu.memory_space<semaphore_mem>>
          %dma_wait3A_436 = tpu.memref_squeeze %dma_wait3A_435 : memref<1x!tpu.dma_semaphore, #tpu.memory_space<semaphore_mem>> -> memref<!tpu.dma_semaphore, #tpu.memory_space<semaphore_mem>>
          tpu.wait_indirect_dma semaphore(%dma_wait3A_436 : memref<!tpu.dma_semaphore, #tpu.memory_space<semaphore_mem>>) src(%dma_wait3A_428 : memref<64x64xf32, #tpu.memory_space<vmem>>) dst(%dma_wait3A_434 : memref<10008x64xf32, #tpu.memory_space<vmem_shared>>)
        } else {
        }
        %add3A_326 = arith.constant 3 : i32
        %add3A_327 = arith.addi %add3A_292, %add3A_326 : i32
        %lt3A_328 = arith.constant 315 : i32
        %lt3A_329 = arith.cmpi slt, %add3A_327, %lt3A_328 : i32
        %convert_element_type3A_330 = arith.extui %lt3A_329 : i1 to i32
        %cond3A_331 = arith.constant 0 : i32
        %cond3A_332 = arith.cmpi ne, %convert_element_type3A_330, %cond3A_331 : i32
        scf.if %cond3A_332 {
          %add3A_422 = arith.constant 3 : i32
          %add3A_423 = arith.addi %add3A_292, %add3A_422 : i32
          %dma_start3A_424 = arith.constant 0 : i32
          %dma_start3A_425 = arith.constant 0 : i32
          %dma_start3A_426 = arith.constant 0 : i32
          %dma_start3A_427 = arith.constant 0 : i32
          %dma_start3A_428 = tpu.memref_slice %arg9[%dma_start3A_424, %dma_start3A_426, %dma_start3A_427] : memref<5x64x64xf32, #tpu.memory_space<vmem>> -> memref<1x64x64xf32, #tpu.memory_space<vmem>>
          %dma_start3A_429 = tpu.memref_squeeze %dma_start3A_428 : memref<1x64x64xf32, #tpu.memory_space<vmem>> -> memref<64x64xf32, #tpu.memory_space<vmem>>
          %dma_start3A_430 = arith.constant 0 : i32
          %dma_start3A_431 = tpu.memref_slice %arg8[%add3A_423, %dma_start3A_430] : memref<315x64xi32, #tpu.memory_space<vmem>> -> memref<1x64xi32, #tpu.memory_space<vmem>>
          %dma_start3A_432 = tpu.memref_squeeze %dma_start3A_431 : memref<1x64xi32, #tpu.memory_space<vmem>> -> memref<64xi32, #tpu.memory_space<vmem>>
          %dma_start3A_433 = arith.constant 0 : i32
          %dma_start3A_434 = arith.constant 0 : i32
          %dma_start3A_435 = tpu.memref_slice %arg4[%dma_start3A_433, %dma_start3A_434] : memref<40000x64xf32, #tpu.memory_space<hbm>> -> memref<40000x64xf32, #tpu.memory_space<hbm>>
          %dma_start3A_436 = tpu.memref_slice %arg13[%dma_start3A_425] : memref<5x!tpu.dma_semaphore, #tpu.memory_space<semaphore_mem>> -> memref<1x!tpu.dma_semaphore, #tpu.memory_space<semaphore_mem>>
          %dma_start3A_437 = tpu.memref_squeeze %dma_start3A_436 : memref<1x!tpu.dma_semaphore, #tpu.memory_space<semaphore_mem>> -> memref<!tpu.dma_semaphore, #tpu.memory_space<semaphore_mem>>
          tpu.enqueue_indirect_dma source(%dma_start3A_435 : memref<40000x64xf32, #tpu.memory_space<hbm>>) target(%dma_start3A_429 : memref<64x64xf32, #tpu.memory_space<vmem>>) offsets(%dma_start3A_432 : memref<64xi32, #tpu.memory_space<vmem>>) semaphore(%dma_start3A_437 : memref<!tpu.dma_semaphore, #tpu.memory_space<semaphore_mem>>)
        } else {
        }
        %mul3A_333 = arith.constant 5 : i32
        %mul3A_334 = arith.muli %scan3A_203, %mul3A_333 : i32
        %add3A_335 = arith.constant 3 : i32
        %add3A_336 = arith.addi %mul3A_334, %add3A_335 : i32
        %dma_wait3A_337 = arith.constant 3 : i32
        %dma_wait3A_338 = arith.constant 3 : i32
        %dma_wait3A_339 = arith.constant 0 : i32
        %dma_wait3A_340 = arith.constant 0 : i32
        %dma_wait3A_341 = tpu.memref_slice %arg9[%dma_wait3A_337, %dma_wait3A_339, %dma_wait3A_340] : memref<5x64x64xf32, #tpu.memory_space<vmem>> -> memref<1x64x64xf32, #tpu.memory_space<vmem>>
        %dma_wait3A_342 = tpu.memref_squeeze %dma_wait3A_341 : memref<1x64x64xf32, #tpu.memory_space<vmem>> -> memref<64x64xf32, #tpu.memory_space<vmem>>
        %dma_wait3A_343 = arith.constant 0 : i32
        %dma_wait3A_344 = tpu.memref_slice %arg8[%add3A_336, %dma_wait3A_343] : memref<315x64xi32, #tpu.memory_space<vmem>> -> memref<1x64xi32, #tpu.memory_space<vmem>>
        %dma_wait3A_345 = tpu.memref_squeeze %dma_wait3A_344 : memref<1x64xi32, #tpu.memory_space<vmem>> -> memref<64xi32, #tpu.memory_space<vmem>>
        %dma_wait3A_346 = arith.constant 0 : i32
        %dma_wait3A_347 = arith.constant 0 : i32
        %dma_wait3A_348 = tpu.memref_slice %arg4[%dma_wait3A_346, %dma_wait3A_347] : memref<40000x64xf32, #tpu.memory_space<hbm>> -> memref<40000x64xf32, #tpu.memory_space<hbm>>
        %dma_wait3A_349 = tpu.memref_slice %arg13[%dma_wait3A_338] : memref<5x!tpu.dma_semaphore, #tpu.memory_space<semaphore_mem>> -> memref<1x!tpu.dma_semaphore, #tpu.memory_space<semaphore_mem>>
        %dma_wait3A_350 = tpu.memref_squeeze %dma_wait3A_349 : memref<1x!tpu.dma_semaphore, #tpu.memory_space<semaphore_mem>> -> memref<!tpu.dma_semaphore, #tpu.memory_space<semaphore_mem>>
        tpu.wait_indirect_dma semaphore(%dma_wait3A_350 : memref<!tpu.dma_semaphore, #tpu.memory_space<semaphore_mem>>) src(%dma_wait3A_348 : memref<40000x64xf32, #tpu.memory_space<hbm>>) dst(%dma_wait3A_342 : memref<64x64xf32, #tpu.memory_space<vmem>>)
        %dma_start3A_351 = arith.constant 3 : i32
        %dma_start3A_352 = arith.constant 3 : i32
        %dma_start3A_353 = arith.constant 0 : i32
        %dma_start3A_354 = arith.constant 0 : i32
        %dma_start3A_355 = tpu.memref_slice %arg9[%dma_start3A_351, %dma_start3A_353, %dma_start3A_354] : memref<5x64x64xf32, #tpu.memory_space<vmem>> -> memref<1x64x64xf32, #tpu.memory_space<vmem>>
        %dma_start3A_356 = tpu.memref_squeeze %dma_start3A_355 : memref<1x64x64xf32, #tpu.memory_space<vmem>> -> memref<64x64xf32, #tpu.memory_space<vmem>>
        %dma_start3A_357 = arith.constant 0 : i32
        %dma_start3A_358 = tpu.memref_slice %arg7[%add3A_336, %dma_start3A_357] : memref<315x64xi32, #tpu.memory_space<vmem>> -> memref<1x64xi32, #tpu.memory_space<vmem>>
        %dma_start3A_359 = tpu.memref_squeeze %dma_start3A_358 : memref<1x64xi32, #tpu.memory_space<vmem>> -> memref<64xi32, #tpu.memory_space<vmem>>
        %dma_start3A_360 = arith.constant 0 : i32
        %dma_start3A_361 = arith.constant 0 : i32
        %dma_start3A_362 = tpu.memref_slice %arg12[%dma_start3A_360, %dma_start3A_361] : memref<10008x64xf32, #tpu.memory_space<vmem_shared>> -> memref<10008x64xf32, #tpu.memory_space<vmem_shared>>
        %dma_start3A_363 = tpu.memref_slice %arg14[%dma_start3A_352] : memref<5x!tpu.dma_semaphore, #tpu.memory_space<semaphore_mem>> -> memref<1x!tpu.dma_semaphore, #tpu.memory_space<semaphore_mem>>
        %dma_start3A_364 = tpu.memref_squeeze %dma_start3A_363 : memref<1x!tpu.dma_semaphore, #tpu.memory_space<semaphore_mem>> -> memref<!tpu.dma_semaphore, #tpu.memory_space<semaphore_mem>>
        tpu.enqueue_indirect_dma source(%dma_start3A_356 : memref<64x64xf32, #tpu.memory_space<vmem>>) target(%dma_start3A_362 : memref<10008x64xf32, #tpu.memory_space<vmem_shared>>) offsets(%dma_start3A_359 : memref<64xi32, #tpu.memory_space<vmem>>) semaphore(%dma_start3A_364 : memref<!tpu.dma_semaphore, #tpu.memory_space<semaphore_mem>>) {add = true}
        %ge3A_365 = arith.constant 2 : i32
        %ge3A_366 = arith.cmpi sge, %add3A_336, %ge3A_365 : i32
        %convert_element_type3A_367 = arith.extui %ge3A_366 : i1 to i32
        %cond3A_368 = arith.constant 0 : i32
        %cond3A_369 = arith.cmpi ne, %convert_element_type3A_367, %cond3A_368 : i32
        scf.if %cond3A_369 {
          %sub3A = arith.constant 2 : i32
          %sub3A_422 = arith.subi %add3A_336, %sub3A : i32
          %dma_wait3A_423 = arith.constant 1 : i32
          %dma_wait3A_424 = arith.constant 1 : i32
          %dma_wait3A_425 = arith.constant 0 : i32
          %dma_wait3A_426 = arith.constant 0 : i32
          %dma_wait3A_427 = tpu.memref_slice %arg9[%dma_wait3A_423, %dma_wait3A_425, %dma_wait3A_426] : memref<5x64x64xf32, #tpu.memory_space<vmem>> -> memref<1x64x64xf32, #tpu.memory_space<vmem>>
          %dma_wait3A_428 = tpu.memref_squeeze %dma_wait3A_427 : memref<1x64x64xf32, #tpu.memory_space<vmem>> -> memref<64x64xf32, #tpu.memory_space<vmem>>
          %dma_wait3A_429 = arith.constant 0 : i32
          %dma_wait3A_430 = tpu.memref_slice %arg7[%sub3A_422, %dma_wait3A_429] : memref<315x64xi32, #tpu.memory_space<vmem>> -> memref<1x64xi32, #tpu.memory_space<vmem>>
          %dma_wait3A_431 = tpu.memref_squeeze %dma_wait3A_430 : memref<1x64xi32, #tpu.memory_space<vmem>> -> memref<64xi32, #tpu.memory_space<vmem>>
          %dma_wait3A_432 = arith.constant 0 : i32
          %dma_wait3A_433 = arith.constant 0 : i32
          %dma_wait3A_434 = tpu.memref_slice %arg12[%dma_wait3A_432, %dma_wait3A_433] : memref<10008x64xf32, #tpu.memory_space<vmem_shared>> -> memref<10008x64xf32, #tpu.memory_space<vmem_shared>>
          %dma_wait3A_435 = tpu.memref_slice %arg14[%dma_wait3A_424] : memref<5x!tpu.dma_semaphore, #tpu.memory_space<semaphore_mem>> -> memref<1x!tpu.dma_semaphore, #tpu.memory_space<semaphore_mem>>
          %dma_wait3A_436 = tpu.memref_squeeze %dma_wait3A_435 : memref<1x!tpu.dma_semaphore, #tpu.memory_space<semaphore_mem>> -> memref<!tpu.dma_semaphore, #tpu.memory_space<semaphore_mem>>
          tpu.wait_indirect_dma semaphore(%dma_wait3A_436 : memref<!tpu.dma_semaphore, #tpu.memory_space<semaphore_mem>>) src(%dma_wait3A_428 : memref<64x64xf32, #tpu.memory_space<vmem>>) dst(%dma_wait3A_434 : memref<10008x64xf32, #tpu.memory_space<vmem_shared>>)
        } else {
        }
        %add3A_370 = arith.constant 3 : i32
        %add3A_371 = arith.addi %add3A_336, %add3A_370 : i32
        %lt3A_372 = arith.constant 315 : i32
        %lt3A_373 = arith.cmpi slt, %add3A_371, %lt3A_372 : i32
        %convert_element_type3A_374 = arith.extui %lt3A_373 : i1 to i32
        %cond3A_375 = arith.constant 0 : i32
        %cond3A_376 = arith.cmpi ne, %convert_element_type3A_374, %cond3A_375 : i32
        scf.if %cond3A_376 {
          %add3A_422 = arith.constant 3 : i32
          %add3A_423 = arith.addi %add3A_336, %add3A_422 : i32
          %dma_start3A_424 = arith.constant 1 : i32
          %dma_start3A_425 = arith.constant 1 : i32
          %dma_start3A_426 = arith.constant 0 : i32
          %dma_start3A_427 = arith.constant 0 : i32
          %dma_start3A_428 = tpu.memref_slice %arg9[%dma_start3A_424, %dma_start3A_426, %dma_start3A_427] : memref<5x64x64xf32, #tpu.memory_space<vmem>> -> memref<1x64x64xf32, #tpu.memory_space<vmem>>
          %dma_start3A_429 = tpu.memref_squeeze %dma_start3A_428 : memref<1x64x64xf32, #tpu.memory_space<vmem>> -> memref<64x64xf32, #tpu.memory_space<vmem>>
          %dma_start3A_430 = arith.constant 0 : i32
          %dma_start3A_431 = tpu.memref_slice %arg8[%add3A_423, %dma_start3A_430] : memref<315x64xi32, #tpu.memory_space<vmem>> -> memref<1x64xi32, #tpu.memory_space<vmem>>
          %dma_start3A_432 = tpu.memref_squeeze %dma_start3A_431 : memref<1x64xi32, #tpu.memory_space<vmem>> -> memref<64xi32, #tpu.memory_space<vmem>>
          %dma_start3A_433 = arith.constant 0 : i32
          %dma_start3A_434 = arith.constant 0 : i32
          %dma_start3A_435 = tpu.memref_slice %arg4[%dma_start3A_433, %dma_start3A_434] : memref<40000x64xf32, #tpu.memory_space<hbm>> -> memref<40000x64xf32, #tpu.memory_space<hbm>>
          %dma_start3A_436 = tpu.memref_slice %arg13[%dma_start3A_425] : memref<5x!tpu.dma_semaphore, #tpu.memory_space<semaphore_mem>> -> memref<1x!tpu.dma_semaphore, #tpu.memory_space<semaphore_mem>>
          %dma_start3A_437 = tpu.memref_squeeze %dma_start3A_436 : memref<1x!tpu.dma_semaphore, #tpu.memory_space<semaphore_mem>> -> memref<!tpu.dma_semaphore, #tpu.memory_space<semaphore_mem>>
          tpu.enqueue_indirect_dma source(%dma_start3A_435 : memref<40000x64xf32, #tpu.memory_space<hbm>>) target(%dma_start3A_429 : memref<64x64xf32, #tpu.memory_space<vmem>>) offsets(%dma_start3A_432 : memref<64xi32, #tpu.memory_space<vmem>>) semaphore(%dma_start3A_437 : memref<!tpu.dma_semaphore, #tpu.memory_space<semaphore_mem>>)
        } else {
        }
        %mul3A_377 = arith.constant 5 : i32
        %mul3A_378 = arith.muli %scan3A_203, %mul3A_377 : i32
        %add3A_379 = arith.constant 4 : i32
        %add3A_380 = arith.addi %mul3A_378, %add3A_379 : i32
        %dma_wait3A_381 = arith.constant 4 : i32
        %dma_wait3A_382 = arith.constant 4 : i32
        %dma_wait3A_383 = arith.constant 0 : i32
        %dma_wait3A_384 = arith.constant 0 : i32
        %dma_wait3A_385 = tpu.memref_slice %arg9[%dma_wait3A_381, %dma_wait3A_383, %dma_wait3A_384] : memref<5x64x64xf32, #tpu.memory_space<vmem>> -> memref<1x64x64xf32, #tpu.memory_space<vmem>>
        %dma_wait3A_386 = tpu.memref_squeeze %dma_wait3A_385 : memref<1x64x64xf32, #tpu.memory_space<vmem>> -> memref<64x64xf32, #tpu.memory_space<vmem>>
        %dma_wait3A_387 = arith.constant 0 : i32
        %dma_wait3A_388 = tpu.memref_slice %arg8[%add3A_380, %dma_wait3A_387] : memref<315x64xi32, #tpu.memory_space<vmem>> -> memref<1x64xi32, #tpu.memory_space<vmem>>
        %dma_wait3A_389 = tpu.memref_squeeze %dma_wait3A_388 : memref<1x64xi32, #tpu.memory_space<vmem>> -> memref<64xi32, #tpu.memory_space<vmem>>
        %dma_wait3A_390 = arith.constant 0 : i32
        %dma_wait3A_391 = arith.constant 0 : i32
        %dma_wait3A_392 = tpu.memref_slice %arg4[%dma_wait3A_390, %dma_wait3A_391] : memref<40000x64xf32, #tpu.memory_space<hbm>> -> memref<40000x64xf32, #tpu.memory_space<hbm>>
        %dma_wait3A_393 = tpu.memref_slice %arg13[%dma_wait3A_382] : memref<5x!tpu.dma_semaphore, #tpu.memory_space<semaphore_mem>> -> memref<1x!tpu.dma_semaphore, #tpu.memory_space<semaphore_mem>>
        %dma_wait3A_394 = tpu.memref_squeeze %dma_wait3A_393 : memref<1x!tpu.dma_semaphore, #tpu.memory_space<semaphore_mem>> -> memref<!tpu.dma_semaphore, #tpu.memory_space<semaphore_mem>>
        tpu.wait_indirect_dma semaphore(%dma_wait3A_394 : memref<!tpu.dma_semaphore, #tpu.memory_space<semaphore_mem>>) src(%dma_wait3A_392 : memref<40000x64xf32, #tpu.memory_space<hbm>>) dst(%dma_wait3A_386 : memref<64x64xf32, #tpu.memory_space<vmem>>)
        %dma_start3A_395 = arith.constant 4 : i32
        %dma_start3A_396 = arith.constant 4 : i32
        %dma_start3A_397 = arith.constant 0 : i32
        %dma_start3A_398 = arith.constant 0 : i32
        %dma_start3A_399 = tpu.memref_slice %arg9[%dma_start3A_395, %dma_start3A_397, %dma_start3A_398] : memref<5x64x64xf32, #tpu.memory_space<vmem>> -> memref<1x64x64xf32, #tpu.memory_space<vmem>>
        %dma_start3A_400 = tpu.memref_squeeze %dma_start3A_399 : memref<1x64x64xf32, #tpu.memory_space<vmem>> -> memref<64x64xf32, #tpu.memory_space<vmem>>
        %dma_start3A_401 = arith.constant 0 : i32
        %dma_start3A_402 = tpu.memref_slice %arg7[%add3A_380, %dma_start3A_401] : memref<315x64xi32, #tpu.memory_space<vmem>> -> memref<1x64xi32, #tpu.memory_space<vmem>>
        %dma_start3A_403 = tpu.memref_squeeze %dma_start3A_402 : memref<1x64xi32, #tpu.memory_space<vmem>> -> memref<64xi32, #tpu.memory_space<vmem>>
        %dma_start3A_404 = arith.constant 0 : i32
        %dma_start3A_405 = arith.constant 0 : i32
        %dma_start3A_406 = tpu.memref_slice %arg12[%dma_start3A_404, %dma_start3A_405] : memref<10008x64xf32, #tpu.memory_space<vmem_shared>> -> memref<10008x64xf32, #tpu.memory_space<vmem_shared>>
        %dma_start3A_407 = tpu.memref_slice %arg14[%dma_start3A_396] : memref<5x!tpu.dma_semaphore, #tpu.memory_space<semaphore_mem>> -> memref<1x!tpu.dma_semaphore, #tpu.memory_space<semaphore_mem>>
        %dma_start3A_408 = tpu.memref_squeeze %dma_start3A_407 : memref<1x!tpu.dma_semaphore, #tpu.memory_space<semaphore_mem>> -> memref<!tpu.dma_semaphore, #tpu.memory_space<semaphore_mem>>
        tpu.enqueue_indirect_dma source(%dma_start3A_400 : memref<64x64xf32, #tpu.memory_space<vmem>>) target(%dma_start3A_406 : memref<10008x64xf32, #tpu.memory_space<vmem_shared>>) offsets(%dma_start3A_403 : memref<64xi32, #tpu.memory_space<vmem>>) semaphore(%dma_start3A_408 : memref<!tpu.dma_semaphore, #tpu.memory_space<semaphore_mem>>) {add = true}
        %ge3A_409 = arith.constant 2 : i32
        %ge3A_410 = arith.cmpi sge, %add3A_380, %ge3A_409 : i32
        %convert_element_type3A_411 = arith.extui %ge3A_410 : i1 to i32
        %cond3A_412 = arith.constant 0 : i32
        %cond3A_413 = arith.cmpi ne, %convert_element_type3A_411, %cond3A_412 : i32
        scf.if %cond3A_413 {
          %sub3A = arith.constant 2 : i32
          %sub3A_422 = arith.subi %add3A_380, %sub3A : i32
          %dma_wait3A_423 = arith.constant 2 : i32
          %dma_wait3A_424 = arith.constant 2 : i32
          %dma_wait3A_425 = arith.constant 0 : i32
          %dma_wait3A_426 = arith.constant 0 : i32
          %dma_wait3A_427 = tpu.memref_slice %arg9[%dma_wait3A_423, %dma_wait3A_425, %dma_wait3A_426] : memref<5x64x64xf32, #tpu.memory_space<vmem>> -> memref<1x64x64xf32, #tpu.memory_space<vmem>>
          %dma_wait3A_428 = tpu.memref_squeeze %dma_wait3A_427 : memref<1x64x64xf32, #tpu.memory_space<vmem>> -> memref<64x64xf32, #tpu.memory_space<vmem>>
          %dma_wait3A_429 = arith.constant 0 : i32
          %dma_wait3A_430 = tpu.memref_slice %arg7[%sub3A_422, %dma_wait3A_429] : memref<315x64xi32, #tpu.memory_space<vmem>> -> memref<1x64xi32, #tpu.memory_space<vmem>>
          %dma_wait3A_431 = tpu.memref_squeeze %dma_wait3A_430 : memref<1x64xi32, #tpu.memory_space<vmem>> -> memref<64xi32, #tpu.memory_space<vmem>>
          %dma_wait3A_432 = arith.constant 0 : i32
          %dma_wait3A_433 = arith.constant 0 : i32
          %dma_wait3A_434 = tpu.memref_slice %arg12[%dma_wait3A_432, %dma_wait3A_433] : memref<10008x64xf32, #tpu.memory_space<vmem_shared>> -> memref<10008x64xf32, #tpu.memory_space<vmem_shared>>
          %dma_wait3A_435 = tpu.memref_slice %arg14[%dma_wait3A_424] : memref<5x!tpu.dma_semaphore, #tpu.memory_space<semaphore_mem>> -> memref<1x!tpu.dma_semaphore, #tpu.memory_space<semaphore_mem>>
          %dma_wait3A_436 = tpu.memref_squeeze %dma_wait3A_435 : memref<1x!tpu.dma_semaphore, #tpu.memory_space<semaphore_mem>> -> memref<!tpu.dma_semaphore, #tpu.memory_space<semaphore_mem>>
          tpu.wait_indirect_dma semaphore(%dma_wait3A_436 : memref<!tpu.dma_semaphore, #tpu.memory_space<semaphore_mem>>) src(%dma_wait3A_428 : memref<64x64xf32, #tpu.memory_space<vmem>>) dst(%dma_wait3A_434 : memref<10008x64xf32, #tpu.memory_space<vmem_shared>>)
        } else {
        }
        %add3A_414 = arith.constant 3 : i32
        %add3A_415 = arith.addi %add3A_380, %add3A_414 : i32
        %lt3A_416 = arith.constant 315 : i32
        %lt3A_417 = arith.cmpi slt, %add3A_415, %lt3A_416 : i32
        %convert_element_type3A_418 = arith.extui %lt3A_417 : i1 to i32
        %cond3A_419 = arith.constant 0 : i32
        %cond3A_420 = arith.cmpi ne, %convert_element_type3A_418, %cond3A_419 : i32
        scf.if %cond3A_420 {
          %add3A_422 = arith.constant 3 : i32
          %add3A_423 = arith.addi %add3A_380, %add3A_422 : i32
          %dma_start3A_424 = arith.constant 2 : i32
          %dma_start3A_425 = arith.constant 2 : i32
          %dma_start3A_426 = arith.constant 0 : i32
          %dma_start3A_427 = arith.constant 0 : i32
          %dma_start3A_428 = tpu.memref_slice %arg9[%dma_start3A_424, %dma_start3A_426, %dma_start3A_427] : memref<5x64x64xf32, #tpu.memory_space<vmem>> -> memref<1x64x64xf32, #tpu.memory_space<vmem>>
          %dma_start3A_429 = tpu.memref_squeeze %dma_start3A_428 : memref<1x64x64xf32, #tpu.memory_space<vmem>> -> memref<64x64xf32, #tpu.memory_space<vmem>>
          %dma_start3A_430 = arith.constant 0 : i32
          %dma_start3A_431 = tpu.memref_slice %arg8[%add3A_423, %dma_start3A_430] : memref<315x64xi32, #tpu.memory_space<vmem>> -> memref<1x64xi32, #tpu.memory_space<vmem>>
          %dma_start3A_432 = tpu.memref_squeeze %dma_start3A_431 : memref<1x64xi32, #tpu.memory_space<vmem>> -> memref<64xi32, #tpu.memory_space<vmem>>
          %dma_start3A_433 = arith.constant 0 : i32
          %dma_start3A_434 = arith.constant 0 : i32
          %dma_start3A_435 = tpu.memref_slice %arg4[%dma_start3A_433, %dma_start3A_434] : memref<40000x64xf32, #tpu.memory_space<hbm>> -> memref<40000x64xf32, #tpu.memory_space<hbm>>
          %dma_start3A_436 = tpu.memref_slice %arg13[%dma_start3A_425] : memref<5x!tpu.dma_semaphore, #tpu.memory_space<semaphore_mem>> -> memref<1x!tpu.dma_semaphore, #tpu.memory_space<semaphore_mem>>
          %dma_start3A_437 = tpu.memref_squeeze %dma_start3A_436 : memref<1x!tpu.dma_semaphore, #tpu.memory_space<semaphore_mem>> -> memref<!tpu.dma_semaphore, #tpu.memory_space<semaphore_mem>>
          tpu.enqueue_indirect_dma source(%dma_start3A_435 : memref<40000x64xf32, #tpu.memory_space<hbm>>) target(%dma_start3A_429 : memref<64x64xf32, #tpu.memory_space<vmem>>) offsets(%dma_start3A_432 : memref<64xi32, #tpu.memory_space<vmem>>) semaphore(%dma_start3A_437 : memref<!tpu.dma_semaphore, #tpu.memory_space<semaphore_mem>>)
        } else {
        }
        %scan3A_421 = arith.constant 0 : i32
        scf.yield %scan3A_421 : i32
      }
      %scan3A_154 = arith.constant 63 : i32
      %dma_wait3A = arith.constant 3 : i32
      %dma_wait3A_155 = arith.constant 313 : i32
      %dma_wait3A_156 = arith.constant 3 : i32
      %dma_wait3A_157 = arith.constant 0 : i32
      %dma_wait3A_158 = arith.constant 0 : i32
      %dma_wait3A_159 = tpu.memref_slice %arg9[%dma_wait3A, %dma_wait3A_157, %dma_wait3A_158] : memref<5x64x64xf32, #tpu.memory_space<vmem>> -> memref<1x64x64xf32, #tpu.memory_space<vmem>>
      %dma_wait3A_160 = tpu.memref_squeeze %dma_wait3A_159 : memref<1x64x64xf32, #tpu.memory_space<vmem>> -> memref<64x64xf32, #tpu.memory_space<vmem>>
      %dma_wait3A_161 = arith.constant 0 : i32
      %dma_wait3A_162 = tpu.memref_slice %arg7[%dma_wait3A_155, %dma_wait3A_161] : memref<315x64xi32, #tpu.memory_space<vmem>> -> memref<1x64xi32, #tpu.memory_space<vmem>>
      %dma_wait3A_163 = tpu.memref_squeeze %dma_wait3A_162 : memref<1x64xi32, #tpu.memory_space<vmem>> -> memref<64xi32, #tpu.memory_space<vmem>>
      %dma_wait3A_164 = arith.constant 0 : i32
      %dma_wait3A_165 = arith.constant 0 : i32
      %dma_wait3A_166 = tpu.memref_slice %arg12[%dma_wait3A_164, %dma_wait3A_165] : memref<10008x64xf32, #tpu.memory_space<vmem_shared>> -> memref<10008x64xf32, #tpu.memory_space<vmem_shared>>
      %dma_wait3A_167 = tpu.memref_slice %arg14[%dma_wait3A_156] : memref<5x!tpu.dma_semaphore, #tpu.memory_space<semaphore_mem>> -> memref<1x!tpu.dma_semaphore, #tpu.memory_space<semaphore_mem>>
      %dma_wait3A_168 = tpu.memref_squeeze %dma_wait3A_167 : memref<1x!tpu.dma_semaphore, #tpu.memory_space<semaphore_mem>> -> memref<!tpu.dma_semaphore, #tpu.memory_space<semaphore_mem>>
      tpu.wait_indirect_dma semaphore(%dma_wait3A_168 : memref<!tpu.dma_semaphore, #tpu.memory_space<semaphore_mem>>) src(%dma_wait3A_160 : memref<64x64xf32, #tpu.memory_space<vmem>>) dst(%dma_wait3A_166 : memref<10008x64xf32, #tpu.memory_space<vmem_shared>>)
      %dma_wait3A_169 = arith.constant 4 : i32
      %dma_wait3A_170 = arith.constant 314 : i32
      %dma_wait3A_171 = arith.constant 4 : i32
      %dma_wait3A_172 = arith.constant 0 : i32
      %dma_wait3A_173 = arith.constant 0 : i32
      %dma_wait3A_174 = tpu.memref_slice %arg9[%dma_wait3A_169, %dma_wait3A_172, %dma_wait3A_173] : memref<5x64x64xf32, #tpu.memory_space<vmem>> -> memref<1x64x64xf32, #tpu.memory_space<vmem>>
      %dma_wait3A_175 = tpu.memref_squeeze %dma_wait3A_174 : memref<1x64x64xf32, #tpu.memory_space<vmem>> -> memref<64x64xf32, #tpu.memory_space<vmem>>
      %dma_wait3A_176 = arith.constant 0 : i32
      %dma_wait3A_177 = tpu.memref_slice %arg7[%dma_wait3A_170, %dma_wait3A_176] : memref<315x64xi32, #tpu.memory_space<vmem>> -> memref<1x64xi32, #tpu.memory_space<vmem>>
      %dma_wait3A_178 = tpu.memref_squeeze %dma_wait3A_177 : memref<1x64xi32, #tpu.memory_space<vmem>> -> memref<64xi32, #tpu.memory_space<vmem>>
      %dma_wait3A_179 = arith.constant 0 : i32
      %dma_wait3A_180 = arith.constant 0 : i32
      %dma_wait3A_181 = tpu.memref_slice %arg12[%dma_wait3A_179, %dma_wait3A_180] : memref<10008x64xf32, #tpu.memory_space<vmem_shared>> -> memref<10008x64xf32, #tpu.memory_space<vmem_shared>>
      %dma_wait3A_182 = tpu.memref_slice %arg14[%dma_wait3A_171] : memref<5x!tpu.dma_semaphore, #tpu.memory_space<semaphore_mem>> -> memref<1x!tpu.dma_semaphore, #tpu.memory_space<semaphore_mem>>
      %dma_wait3A_183 = tpu.memref_squeeze %dma_wait3A_182 : memref<1x!tpu.dma_semaphore, #tpu.memory_space<semaphore_mem>> -> memref<!tpu.dma_semaphore, #tpu.memory_space<semaphore_mem>>
      tpu.wait_indirect_dma semaphore(%dma_wait3A_183 : memref<!tpu.dma_semaphore, #tpu.memory_space<semaphore_mem>>) src(%dma_wait3A_175 : memref<64x64xf32, #tpu.memory_space<vmem>>) dst(%dma_wait3A_181 : memref<10008x64xf32, #tpu.memory_space<vmem_shared>>)
      %barrier3A_184 = arith.constant 0 : index
      tpu.barrier barrier_id(%barrier3A_184)
      %scan3A_185 = arith.constant 0 : i32
      %scan3A_186 = arith.constant 0 : i32
      %scan3A_187 = arith.constant 0 : i32
      %scan3A_188 = arith.constant 40 : i32
      %scan3A_189 = arith.addi %scan3A_187, %scan3A_188 : i32
      %scan3A_190 = arith.constant 1 : i32
      %scan3A_191 = scf.for %scan3A_203 = %scan3A_187 to %scan3A_189 step %scan3A_190 iter_args(%scan3A_204 = %scan3A_186) -> (i32)  : i32 {
        %mul3A_205 = arith.constant 624 : i32
        %mul3A_206 = arith.muli %arg1, %mul3A_205 : i32
        %mul3A_207 = arith.constant 16 : i32
        %mul3A_208 = arith.muli %scan3A_203, %mul3A_207 : i32
        %add3A_209 = arith.addi %mul3A_206, %mul3A_208 : i32
        %dma_start3A_210 = tpu.memref_slice %arg13[%scan3A_185] : memref<5x!tpu.dma_semaphore, #tpu.memory_space<semaphore_mem>> -> memref<1x!tpu.dma_semaphore, #tpu.memory_space<semaphore_mem>>
        %dma_start3A_211 = tpu.memref_squeeze %dma_start3A_210 : memref<1x!tpu.dma_semaphore, #tpu.memory_space<semaphore_mem>> -> memref<!tpu.dma_semaphore, #tpu.memory_space<semaphore_mem>>
        %dma_start3A_212 = arith.constant 0 : i32
        %dma_start3A_213 = tpu.memref_slice %arg5[%arg0, %scan3A_75, %add3A_209, %dma_start3A_212] : memref<2x3x10000x64xf32, #tpu.memory_space<hbm>> -> memref<1x1x16x64xf32, #tpu.memory_space<hbm>>
        %dma_start3A_214 = tpu.memref_squeeze %dma_start3A_213 : memref<1x1x16x64xf32, #tpu.memory_space<hbm>> -> memref<16x64xf32, #tpu.memory_space<hbm>>
        %dma_start3A_215 = arith.constant 0 : i32
        %dma_start3A_216 = tpu.memref_slice %arg12[%add3A_209, %dma_start3A_215] : memref<10008x64xf32, #tpu.memory_space<vmem_shared>> -> memref<16x64xf32, #tpu.memory_space<vmem_shared>>
        tpu.enqueue_dma source(%dma_start3A_216 : memref<16x64xf32, #tpu.memory_space<vmem_shared>>) target(%dma_start3A_214 : memref<16x64xf32, #tpu.memory_space<hbm>>) target_semaphore(%dma_start3A_211 : memref<!tpu.dma_semaphore, #tpu.memory_space<semaphore_mem>>)
        %scan3A_217 = arith.constant 0 : i32
        scf.yield %scan3A_217 : i32
      }
      %scan3A_192 = arith.constant 40 : i32
      %scan3A_193 = arith.constant 0 : i32
      %scan3A_194 = arith.constant 0 : i32
      %scan3A_195 = arith.constant 0 : i32
      %scan3A_196 = arith.constant 40 : i32
      %scan3A_197 = arith.addi %scan3A_195, %scan3A_196 : i32
      %scan3A_198 = arith.constant 1 : i32
      %scan3A_199 = scf.for %scan3A_203 = %scan3A_195 to %scan3A_197 step %scan3A_198 iter_args(%scan3A_204 = %scan3A_194) -> (i32)  : i32 {
        %mul3A_205 = arith.constant 624 : i32
        %mul3A_206 = arith.muli %arg1, %mul3A_205 : i32
        %mul3A_207 = arith.constant 624 : i32
        %mul3A_208 = arith.muli %arg1, %mul3A_207 : i32
        %dma_wait3A_209 = tpu.memref_slice %arg13[%scan3A_193] : memref<5x!tpu.dma_semaphore, #tpu.memory_space<semaphore_mem>> -> memref<1x!tpu.dma_semaphore, #tpu.memory_space<semaphore_mem>>
        %dma_wait3A_210 = tpu.memref_squeeze %dma_wait3A_209 : memref<1x!tpu.dma_semaphore, #tpu.memory_space<semaphore_mem>> -> memref<!tpu.dma_semaphore, #tpu.memory_space<semaphore_mem>>
        %dma_wait3A_211 = arith.constant 0 : i32
        %dma_wait3A_212 = tpu.memref_slice %arg5[%arg0, %scan3A_75, %mul3A_208, %dma_wait3A_211] : memref<2x3x10000x64xf32, #tpu.memory_space<hbm>> -> memref<1x1x16x64xf32, #tpu.memory_space<hbm>>
        %dma_wait3A_213 = tpu.memref_squeeze %dma_wait3A_212 : memref<1x1x16x64xf32, #tpu.memory_space<hbm>> -> memref<16x64xf32, #tpu.memory_space<hbm>>
        %dma_wait3A_214 = arith.constant 0 : i32
        %dma_wait3A_215 = tpu.memref_slice %arg12[%mul3A_206, %dma_wait3A_214] : memref<10008x64xf32, #tpu.memory_space<vmem_shared>> -> memref<16x64xf32, #tpu.memory_space<vmem_shared>>
        tpu.wait_dma2 semaphore(%dma_wait3A_210 : memref<!tpu.dma_semaphore, #tpu.memory_space<semaphore_mem>>) src(%dma_wait3A_215 : memref<16x64xf32, #tpu.memory_space<vmem_shared>>) dst(%dma_wait3A_213 : memref<16x64xf32, #tpu.memory_space<hbm>>)
        %scan3A_216 = arith.constant 0 : i32
        scf.yield %scan3A_216 : i32
      }
      %scan3A_200 = arith.constant 40 : i32
      %barrier3A_201 = arith.constant 0 : index
      tpu.barrier barrier_id(%barrier3A_201)
      %scan3A_202 = arith.constant 0 : i32
      scf.yield %scan3A_202 : i32
    }
    %scan3A_26 = arith.constant 2 : i32
    %scan3A_27 = arith.constant 0 : i32
    %scan3A_28 = arith.constant 0 : i32
    %scan3A_29 = arith.constant 0 : i32
    %scan3A_30 = arith.constant 40 : i32
    %scan3A_31 = arith.addi %scan3A_29, %scan3A_30 : i32
    %scan3A_32 = arith.constant 1 : i32
    %scan3A_33 = scf.for %scan3A_75 = %scan3A_29 to %scan3A_31 step %scan3A_32 iter_args(%scan3A_76 = %scan3A_28) -> (i32)  : i32 {
      %mul3A = arith.constant 624 : i32
      %mul3A_77 = arith.muli %arg1, %mul3A : i32
      %mul3A_78 = arith.constant 16 : i32
      %mul3A_79 = arith.muli %scan3A_75, %mul3A_78 : i32
      %add3A = arith.addi %mul3A_77, %mul3A_79 : i32
      %dma_start3A = arith.constant 0 : i32
      %dma_start3A_80 = tpu.memref_slice %arg12[%add3A, %dma_start3A] : memref<10008x64xf32, #tpu.memory_space<vmem_shared>> -> memref<16x64xf32, #tpu.memory_space<vmem_shared>>
      %dma_start3A_81 = tpu.memref_slice %arg13[%scan3A_27] : memref<5x!tpu.dma_semaphore, #tpu.memory_space<semaphore_mem>> -> memref<1x!tpu.dma_semaphore, #tpu.memory_space<semaphore_mem>>
      %dma_start3A_82 = tpu.memref_squeeze %dma_start3A_81 : memref<1x!tpu.dma_semaphore, #tpu.memory_space<semaphore_mem>> -> memref<!tpu.dma_semaphore, #tpu.memory_space<semaphore_mem>>
      %dma_start3A_83 = arith.constant 0 : i32
      %dma_start3A_84 = tpu.memref_slice %arg12[%add3A, %dma_start3A_83] : memref<10008x64xf32, #tpu.memory_space<vmem_shared>> -> memref<16x64xf32, #tpu.memory_space<vmem_shared>>
      tpu.enqueue_dma source(%arg11 : memref<16x64xf32, #tpu.memory_space<vmem>>) target(%dma_start3A_84 : memref<16x64xf32, #tpu.memory_space<vmem_shared>>) target_semaphore(%dma_start3A_82 : memref<!tpu.dma_semaphore, #tpu.memory_space<semaphore_mem>>)
      %scan3A_85 = arith.constant 0 : i32
      scf.yield %scan3A_85 : i32
    }
    %scan3A_34 = arith.constant 40 : i32
    %scan3A_35 = arith.constant 0 : i32
    %scan3A_36 = arith.constant 0 : i32
    %scan3A_37 = arith.constant 0 : i32
    %scan3A_38 = arith.constant 40 : i32
    %scan3A_39 = arith.addi %scan3A_37, %scan3A_38 : i32
    %scan3A_40 = arith.constant 1 : i32
    %scan3A_41 = scf.for %scan3A_75 = %scan3A_37 to %scan3A_39 step %scan3A_40 iter_args(%scan3A_76 = %scan3A_36) -> (i32)  : i32 {
      %mul3A = arith.constant 624 : i32
      %mul3A_77 = arith.muli %arg1, %mul3A : i32
      %dma_wait3A = arith.constant 0 : i32
      %dma_wait3A_78 = tpu.memref_slice %arg12[%mul3A_77, %dma_wait3A] : memref<10008x64xf32, #tpu.memory_space<vmem_shared>> -> memref<16x64xf32, #tpu.memory_space<vmem_shared>>
      %dma_wait3A_79 = tpu.memref_slice %arg13[%scan3A_35] : memref<5x!tpu.dma_semaphore, #tpu.memory_space<semaphore_mem>> -> memref<1x!tpu.dma_semaphore, #tpu.memory_space<semaphore_mem>>
      %dma_wait3A_80 = tpu.memref_squeeze %dma_wait3A_79 : memref<1x!tpu.dma_semaphore, #tpu.memory_space<semaphore_mem>> -> memref<!tpu.dma_semaphore, #tpu.memory_space<semaphore_mem>>
      %dma_wait3A_81 = arith.constant 0 : i32
      %dma_wait3A_82 = tpu.memref_slice %arg12[%mul3A_77, %dma_wait3A_81] : memref<10008x64xf32, #tpu.memory_space<vmem_shared>> -> memref<16x64xf32, #tpu.memory_space<vmem_shared>>
      tpu.wait_dma2 semaphore(%dma_wait3A_80 : memref<!tpu.dma_semaphore, #tpu.memory_space<semaphore_mem>>) src(%arg11 : memref<16x64xf32, #tpu.memory_space<vmem>>) dst(%dma_wait3A_82 : memref<16x64xf32, #tpu.memory_space<vmem_shared>>)
      %scan3A_83 = arith.constant 0 : i32
      scf.yield %scan3A_83 : i32
    }
    %scan3A_42 = arith.constant 40 : i32
    %barrier3A = arith.constant 0 : index
    tpu.barrier barrier_id(%barrier3A)
    %scan3A_43 = arith.constant 0 : i32
    %scan3A_44 = arith.constant 0 : i32
    %scan3A_45 = arith.constant 315 : i32
    %scan3A_46 = arith.addi %scan3A_44, %scan3A_45 : i32
    %scan3A_47 = arith.constant 1 : i32
    %scan3A_48 = scf.for %scan3A_75 = %scan3A_44 to %scan3A_46 step %scan3A_47 iter_args(%scan3A_76 = %scan3A_43) -> (i32)  : i32 {
      %dma_start3A = arith.constant 0 : i32
      %dma_start3A_77 = arith.constant 0 : i32
      %dma_start3A_78 = tpu.memref_slice %arg7[%scan3A_75, %dma_start3A_77] : memref<315x64xi32, #tpu.memory_space<vmem>> -> memref<1x64xi32, #tpu.memory_space<vmem>>
      %dma_start3A_79 = tpu.memref_squeeze %dma_start3A_78 : memref<1x64xi32, #tpu.memory_space<vmem>> -> memref<64xi32, #tpu.memory_space<vmem>>
      %dma_start3A_80 = arith.constant 0 : i32
      %dma_start3A_81 = arith.constant 0 : i32
      %dma_start3A_82 = tpu.memref_slice %arg12[%dma_start3A_80, %dma_start3A_81] : memref<10008x64xf32, #tpu.memory_space<vmem_shared>> -> memref<10008x64xf32, #tpu.memory_space<vmem_shared>>
      %dma_start3A_83 = tpu.memref_slice %arg14[%dma_start3A] : memref<5x!tpu.dma_semaphore, #tpu.memory_space<semaphore_mem>> -> memref<1x!tpu.dma_semaphore, #tpu.memory_space<semaphore_mem>>
      %dma_start3A_84 = tpu.memref_squeeze %dma_start3A_83 : memref<1x!tpu.dma_semaphore, #tpu.memory_space<semaphore_mem>> -> memref<!tpu.dma_semaphore, #tpu.memory_space<semaphore_mem>>
      tpu.enqueue_indirect_dma source(%arg10 : memref<64x64xf32, #tpu.memory_space<vmem>>) target(%dma_start3A_82 : memref<10008x64xf32, #tpu.memory_space<vmem_shared>>) offsets(%dma_start3A_79 : memref<64xi32, #tpu.memory_space<vmem>>) semaphore(%dma_start3A_84 : memref<!tpu.dma_semaphore, #tpu.memory_space<semaphore_mem>>) {add = true}
      %ge3A = arith.constant 4 : i32
      %ge3A_85 = arith.cmpi sge, %scan3A_75, %ge3A : i32
      %convert_element_type3A = arith.extui %ge3A_85 : i1 to i32
      %cond3A = arith.constant 0 : i32
      %cond3A_86 = arith.cmpi ne, %convert_element_type3A, %cond3A : i32
      scf.if %cond3A_86 {
        %dma_wait3A = arith.constant 0 : i32
        %dma_wait3A_88 = arith.constant 0 : i32
        %dma_wait3A_89 = tpu.memref_slice %arg7[%scan3A_75, %dma_wait3A_88] : memref<315x64xi32, #tpu.memory_space<vmem>> -> memref<1x64xi32, #tpu.memory_space<vmem>>
        %dma_wait3A_90 = tpu.memref_squeeze %dma_wait3A_89 : memref<1x64xi32, #tpu.memory_space<vmem>> -> memref<64xi32, #tpu.memory_space<vmem>>
        %dma_wait3A_91 = arith.constant 0 : i32
        %dma_wait3A_92 = arith.constant 0 : i32
        %dma_wait3A_93 = tpu.memref_slice %arg12[%dma_wait3A_91, %dma_wait3A_92] : memref<10008x64xf32, #tpu.memory_space<vmem_shared>> -> memref<10008x64xf32, #tpu.memory_space<vmem_shared>>
        %dma_wait3A_94 = tpu.memref_slice %arg14[%dma_wait3A] : memref<5x!tpu.dma_semaphore, #tpu.memory_space<semaphore_mem>> -> memref<1x!tpu.dma_semaphore, #tpu.memory_space<semaphore_mem>>
        %dma_wait3A_95 = tpu.memref_squeeze %dma_wait3A_94 : memref<1x!tpu.dma_semaphore, #tpu.memory_space<semaphore_mem>> -> memref<!tpu.dma_semaphore, #tpu.memory_space<semaphore_mem>>
        tpu.wait_indirect_dma semaphore(%dma_wait3A_95 : memref<!tpu.dma_semaphore, #tpu.memory_space<semaphore_mem>>) src(%arg10 : memref<64x64xf32, #tpu.memory_space<vmem>>) dst(%dma_wait3A_93 : memref<10008x64xf32, #tpu.memory_space<vmem_shared>>)
      } else {
      }
      %scan3A_87 = arith.constant 0 : i32
      scf.yield %scan3A_87 : i32
    }
    %scan3A_49 = arith.constant 315 : i32
    %scan3A_50 = arith.constant 0 : i32
    %scan3A_51 = arith.constant 0 : i32
    %scan3A_52 = arith.constant 4 : i32
    %scan3A_53 = arith.addi %scan3A_51, %scan3A_52 : i32
    %scan3A_54 = arith.constant 1 : i32
    %scan3A_55 = scf.for %scan3A_75 = %scan3A_51 to %scan3A_53 step %scan3A_54 iter_args(%scan3A_76 = %scan3A_50) -> (i32)  : i32 {
      %dma_wait3A = arith.constant 0 : i32
      %dma_wait3A_77 = arith.constant 0 : i32
      %dma_wait3A_78 = tpu.memref_slice %arg7[%scan3A_75, %dma_wait3A_77] : memref<315x64xi32, #tpu.memory_space<vmem>> -> memref<1x64xi32, #tpu.memory_space<vmem>>
      %dma_wait3A_79 = tpu.memref_squeeze %dma_wait3A_78 : memref<1x64xi32, #tpu.memory_space<vmem>> -> memref<64xi32, #tpu.memory_space<vmem>>
      %dma_wait3A_80 = arith.constant 0 : i32
      %dma_wait3A_81 = arith.constant 0 : i32
      %dma_wait3A_82 = tpu.memref_slice %arg12[%dma_wait3A_80, %dma_wait3A_81] : memref<10008x64xf32, #tpu.memory_space<vmem_shared>> -> memref<10008x64xf32, #tpu.memory_space<vmem_shared>>
      %dma_wait3A_83 = tpu.memref_slice %arg14[%dma_wait3A] : memref<5x!tpu.dma_semaphore, #tpu.memory_space<semaphore_mem>> -> memref<1x!tpu.dma_semaphore, #tpu.memory_space<semaphore_mem>>
      %dma_wait3A_84 = tpu.memref_squeeze %dma_wait3A_83 : memref<1x!tpu.dma_semaphore, #tpu.memory_space<semaphore_mem>> -> memref<!tpu.dma_semaphore, #tpu.memory_space<semaphore_mem>>
      tpu.wait_indirect_dma semaphore(%dma_wait3A_84 : memref<!tpu.dma_semaphore, #tpu.memory_space<semaphore_mem>>) src(%arg10 : memref<64x64xf32, #tpu.memory_space<vmem>>) dst(%dma_wait3A_82 : memref<10008x64xf32, #tpu.memory_space<vmem_shared>>)
      %scan3A_85 = arith.constant 0 : i32
      scf.yield %scan3A_85 : i32
    }
    %scan3A_56 = arith.constant 4 : i32
    %barrier3A_57 = arith.constant 0 : index
    tpu.barrier barrier_id(%barrier3A_57)
    %scan3A_58 = arith.constant 0 : i32
    %scan3A_59 = arith.constant 0 : i32
    %scan3A_60 = arith.constant 0 : i32
    %scan3A_61 = arith.constant 40 : i32
    %scan3A_62 = arith.addi %scan3A_60, %scan3A_61 : i32
    %scan3A_63 = arith.constant 1 : i32
    %scan3A_64 = scf.for %scan3A_75 = %scan3A_60 to %scan3A_62 step %scan3A_63 iter_args(%scan3A_76 = %scan3A_59) -> (i32)  : i32 {
      %mul3A = arith.constant 624 : i32
      %mul3A_77 = arith.muli %arg1, %mul3A : i32
      %mul3A_78 = arith.constant 16 : i32
      %mul3A_79 = arith.muli %scan3A_75, %mul3A_78 : i32
      %add3A = arith.addi %mul3A_77, %mul3A_79 : i32
      %dma_start3A = arith.constant 2 : i32
      %dma_start3A_80 = tpu.memref_slice %arg13[%scan3A_58] : memref<5x!tpu.dma_semaphore, #tpu.memory_space<semaphore_mem>> -> memref<1x!tpu.dma_semaphore, #tpu.memory_space<semaphore_mem>>
      %dma_start3A_81 = tpu.memref_squeeze %dma_start3A_80 : memref<1x!tpu.dma_semaphore, #tpu.memory_space<semaphore_mem>> -> memref<!tpu.dma_semaphore, #tpu.memory_space<semaphore_mem>>
      %dma_start3A_82 = arith.constant 0 : i32
      %dma_start3A_83 = tpu.memref_slice %arg5[%arg0, %dma_start3A, %add3A, %dma_start3A_82] : memref<2x3x10000x64xf32, #tpu.memory_space<hbm>> -> memref<1x1x16x64xf32, #tpu.memory_space<hbm>>
      %dma_start3A_84 = tpu.memref_squeeze %dma_start3A_83 : memref<1x1x16x64xf32, #tpu.memory_space<hbm>> -> memref<16x64xf32, #tpu.memory_space<hbm>>
      %dma_start3A_85 = arith.constant 0 : i32
      %dma_start3A_86 = tpu.memref_slice %arg12[%add3A, %dma_start3A_85] : memref<10008x64xf32, #tpu.memory_space<vmem_shared>> -> memref<16x64xf32, #tpu.memory_space<vmem_shared>>
      tpu.enqueue_dma source(%dma_start3A_86 : memref<16x64xf32, #tpu.memory_space<vmem_shared>>) target(%dma_start3A_84 : memref<16x64xf32, #tpu.memory_space<hbm>>) target_semaphore(%dma_start3A_81 : memref<!tpu.dma_semaphore, #tpu.memory_space<semaphore_mem>>)
      %scan3A_87 = arith.constant 0 : i32
      scf.yield %scan3A_87 : i32
    }
    %scan3A_65 = arith.constant 40 : i32
    %scan3A_66 = arith.constant 0 : i32
    %scan3A_67 = arith.constant 0 : i32
    %scan3A_68 = arith.constant 0 : i32
    %scan3A_69 = arith.constant 40 : i32
    %scan3A_70 = arith.addi %scan3A_68, %scan3A_69 : i32
    %scan3A_71 = arith.constant 1 : i32
    %scan3A_72 = scf.for %scan3A_75 = %scan3A_68 to %scan3A_70 step %scan3A_71 iter_args(%scan3A_76 = %scan3A_67) -> (i32)  : i32 {
      %mul3A = arith.constant 624 : i32
      %mul3A_77 = arith.muli %arg1, %mul3A : i32
      %mul3A_78 = arith.constant 624 : i32
      %mul3A_79 = arith.muli %arg1, %mul3A_78 : i32
      %dma_wait3A = arith.constant 2 : i32
      %dma_wait3A_80 = tpu.memref_slice %arg13[%scan3A_66] : memref<5x!tpu.dma_semaphore, #tpu.memory_space<semaphore_mem>> -> memref<1x!tpu.dma_semaphore, #tpu.memory_space<semaphore_mem>>
      %dma_wait3A_81 = tpu.memref_squeeze %dma_wait3A_80 : memref<1x!tpu.dma_semaphore, #tpu.memory_space<semaphore_mem>> -> memref<!tpu.dma_semaphore, #tpu.memory_space<semaphore_mem>>
      %dma_wait3A_82 = arith.constant 0 : i32
      %dma_wait3A_83 = tpu.memref_slice %arg5[%arg0, %dma_wait3A, %mul3A_79, %dma_wait3A_82] : memref<2x3x10000x64xf32, #tpu.memory_space<hbm>> -> memref<1x1x16x64xf32, #tpu.memory_space<hbm>>
      %dma_wait3A_84 = tpu.memref_squeeze %dma_wait3A_83 : memref<1x1x16x64xf32, #tpu.memory_space<hbm>> -> memref<16x64xf32, #tpu.memory_space<hbm>>
      %dma_wait3A_85 = arith.constant 0 : i32
      %dma_wait3A_86 = tpu.memref_slice %arg12[%mul3A_77, %dma_wait3A_85] : memref<10008x64xf32, #tpu.memory_space<vmem_shared>> -> memref<16x64xf32, #tpu.memory_space<vmem_shared>>
      tpu.wait_dma2 semaphore(%dma_wait3A_81 : memref<!tpu.dma_semaphore, #tpu.memory_space<semaphore_mem>>) src(%dma_wait3A_86 : memref<16x64xf32, #tpu.memory_space<vmem_shared>>) dst(%dma_wait3A_84 : memref<16x64xf32, #tpu.memory_space<hbm>>)
      %scan3A_87 = arith.constant 0 : i32
      scf.yield %scan3A_87 : i32
    }
    %scan3A_73 = arith.constant 40 : i32
    %barrier3A_74 = arith.constant 0 : index
    tpu.barrier barrier_id(%barrier3A_74)
    return
  }
}

module attributes {stable_mosaic.version = 14 : i64} {
  func.func @_tc_mm_body(%arg0: i32, %arg1: i32, %arg2: memref<1x2x2000x64xf32, #tpu.memory_space<vmem>>, %arg3: memref<1x1x2000x64xf32, #tpu.memory_space<vmem>>, %arg4: memref<1x2000x128xf32, #tpu.memory_space<vmem>>, %arg5: memref<1x128x256xf32, #tpu.memory_space<vmem>>, %arg6: memref<1x128x256xf32, #tpu.memory_space<vmem>>, %arg7: memref<1x1x256xf32, #tpu.memory_space<vmem>>, %arg8: memref<1x2000x256xf32, #tpu.memory_space<vmem>>, %arg9: memref<1x2x256xf32, #tpu.memory_space<vmem>>, %arg10: memref<2x256xf32, #tpu.memory_space<vmem>>) attributes {dimension_semantics = [#tpu.dimension_semantics<arbitrary>, #tpu.dimension_semantics<arbitrary>], iteration_bounds = array<i64: 2, 5>, scalar_prefetch = 0 : i64, scratch_operands = 1 : i64, tpu.core_type = #tpu.core_type<tc>, window_params = [{transform_indices = @transform_0, window_bounds = array<i64: 1, 2, 2000, 64>}, {transform_indices = @transform_1, window_bounds = array<i64: 1, 1, 2000, 64>}, {transform_indices = @transform_2, window_bounds = array<i64: 1, 2000, 128>}, {transform_indices = @transform_3, window_bounds = array<i64: 1, 128, 256>}, {transform_indices = @transform_4, window_bounds = array<i64: 1, 128, 256>}, {transform_indices = @transform_5, window_bounds = array<i64: 1, 1, 256>}, {transform_indices = @transform_6, window_bounds = array<i64: 1, 2000, 256>}, {transform_indices = @transform_7, window_bounds = array<i64: 1, 2, 256>}]} {
    %get3A = arith.constant 0 : index
    %get3A_0 = arith.constant 0 : index
    %get3A_1 = arith.constant 0 : index
    %get3A_2 = arith.constant 0 : index
    %get3A_3 = vector.load %arg3[%get3A, %get3A_0, %get3A_1, %get3A_2] : memref<1x1x2000x64xf32, #tpu.memory_space<vmem>>, vector<1x1x2000x1xf32>
    %get3A_4 = vector.shape_cast %get3A_3 : vector<1x1x2000x1xf32> to vector<2000x1xf32>
    %max3A = arith.constant 1.000000e+00 : f32
    %max3A_5 = vector.broadcast %max3A : f32 to vector<2000x1xf32>
    %max3A_6 = arith.maximumf %get3A_4, %max3A_5 : vector<2000x1xf32>
    %div3A = arith.constant 1.000000e+00 : f32
    %div3A_7 = vector.broadcast %div3A : f32 to vector<2000x1xf32>
    %div3A_8 = arith.divf %div3A_7, %max3A_6 : vector<2000x1xf32>
    %get3A_9 = arith.constant 0 : index
    %get3A_10 = arith.constant 0 : index
    %get3A_11 = arith.constant 0 : index
    %get3A_12 = vector.load %arg7[%get3A_9, %get3A_10, %get3A_11] : memref<1x1x256xf32, #tpu.memory_space<vmem>>, vector<1x1x256xf32>
    %get3A_13 = vector.shape_cast %get3A_12 : vector<1x1x256xf32> to vector<1x256xf32>
    %broadcast_in_dim3A = vector.shape_cast %get3A_13 : vector<1x256xf32> to vector<1x256xf32>
    %broadcast_in_dim3A_14 = vector.broadcast %broadcast_in_dim3A : vector<1x256xf32> to vector<2000x256xf32>
    %get3A_15 = arith.constant 0 : index
    %get3A_16 = arith.constant 0 : index
    %get3A_17 = arith.constant 0 : index
    %get3A_18 = arith.constant 0 : index
    %get3A_19 = vector.load %arg2[%get3A_15, %get3A_16, %get3A_17, %get3A_18] : memref<1x2x2000x64xf32, #tpu.memory_space<vmem>>, vector<1x1x2000x64xf32>
    %get3A_20 = vector.shape_cast %get3A_19 : vector<1x1x2000x64xf32> to vector<2000x64xf32>
    %mul3A = vector.broadcast %div3A_8 : vector<2000x1xf32> to vector<2000x64xf32>
    %mul3A_21 = arith.mulf %get3A_20, %mul3A : vector<2000x64xf32>
    %get3A_22 = arith.constant 0 : index
    %get3A_23 = arith.constant 0 : index
    %get3A_24 = arith.constant 0 : index
    %get3A_25 = vector.load %arg5[%get3A_22, %get3A_23, %get3A_24] : memref<1x128x256xf32, #tpu.memory_space<vmem>>, vector<1x64x256xf32>
    %get3A_26 = vector.shape_cast %get3A_25 : vector<1x64x256xf32> to vector<64x256xf32>
    %dot_general3A = arith.constant dense<0.000000e+00> : vector<2000x256xf32>
    %dot_general3A_27 = tpu.matmul %mul3A_21, %get3A_26, %dot_general3A {dimension_numbers = #tpu.dot_dimension_numbers<[1], [0], [0], [1], [0, 0, 1, 1], [], []>, transpose_lhs_hint = false} : vector<2000x64xf32>, vector<64x256xf32>, vector<2000x256xf32> -> vector<2000x256xf32>
    %add3A = arith.addf %broadcast_in_dim3A_14, %dot_general3A_27 : vector<2000x256xf32>
    %get3A_28 = arith.constant 0 : index
    %get3A_29 = arith.constant 1 : index
    %get3A_30 = arith.constant 0 : index
    %get3A_31 = arith.constant 0 : index
    %get3A_32 = vector.load %arg2[%get3A_28, %get3A_29, %get3A_30, %get3A_31] : memref<1x2x2000x64xf32, #tpu.memory_space<vmem>>, vector<1x1x2000x64xf32>
    %get3A_33 = vector.shape_cast %get3A_32 : vector<1x1x2000x64xf32> to vector<2000x64xf32>
    %mul3A_34 = vector.broadcast %div3A_8 : vector<2000x1xf32> to vector<2000x64xf32>
    %mul3A_35 = arith.mulf %get3A_33, %mul3A_34 : vector<2000x64xf32>
    %get3A_36 = arith.constant 0 : index
    %get3A_37 = arith.constant 64 : index
    %get3A_38 = arith.constant 0 : index
    %get3A_39 = vector.load %arg5[%get3A_36, %get3A_37, %get3A_38] : memref<1x128x256xf32, #tpu.memory_space<vmem>>, vector<1x64x256xf32>
    %get3A_40 = vector.shape_cast %get3A_39 : vector<1x64x256xf32> to vector<64x256xf32>
    %dot_general3A_41 = arith.constant dense<0.000000e+00> : vector<2000x256xf32>
    %dot_general3A_42 = tpu.matmul %mul3A_35, %get3A_40, %dot_general3A_41 {dimension_numbers = #tpu.dot_dimension_numbers<[1], [0], [0], [1], [0, 0, 1, 1], [], []>, transpose_lhs_hint = false} : vector<2000x64xf32>, vector<64x256xf32>, vector<2000x256xf32> -> vector<2000x256xf32>
    %add3A_43 = arith.addf %add3A, %dot_general3A_42 : vector<2000x256xf32>
    %get3A_44 = arith.constant 0 : index
    %get3A_45 = arith.constant 0 : index
    %get3A_46 = arith.constant 0 : index
    %get3A_47 = vector.load %arg4[%get3A_44, %get3A_45, %get3A_46] : memref<1x2000x128xf32, #tpu.memory_space<vmem>>, vector<1x2000x128xf32>
    %get3A_48 = vector.shape_cast %get3A_47 : vector<1x2000x128xf32> to vector<2000x128xf32>
    %get3A_49 = arith.constant 0 : index
    %get3A_50 = arith.constant 0 : index
    %get3A_51 = arith.constant 0 : index
    %get3A_52 = vector.load %arg6[%get3A_49, %get3A_50, %get3A_51] : memref<1x128x256xf32, #tpu.memory_space<vmem>>, vector<1x128x256xf32>
    %get3A_53 = vector.shape_cast %get3A_52 : vector<1x128x256xf32> to vector<128x256xf32>
    %dot_general3A_54 = arith.constant dense<0.000000e+00> : vector<2000x256xf32>
    %dot_general3A_55 = tpu.matmul %get3A_48, %get3A_53, %dot_general3A_54 {dimension_numbers = #tpu.dot_dimension_numbers<[1], [0], [0], [1], [0, 0, 1, 1], [], []>, transpose_lhs_hint = false} : vector<2000x128xf32>, vector<128x256xf32>, vector<2000x256xf32> -> vector<2000x256xf32>
    %add3A_56 = arith.addf %add3A_43, %dot_general3A_55 : vector<2000x256xf32>
    %swap3A = arith.constant 0 : index
    %swap3A_57 = arith.constant 0 : index
    %swap3A_58 = arith.constant 0 : index
    %swap3A_59 = vector.load %arg8[%swap3A, %swap3A_57, %swap3A_58] : memref<1x2000x256xf32, #tpu.memory_space<vmem>>, vector<1x2000x256xf32>
    %swap3A_60 = vector.shape_cast %swap3A_59 : vector<1x2000x256xf32> to vector<2000x256xf32>
    %swap3A_61 = vector.shape_cast %add3A_56 : vector<2000x256xf32> to vector<1x2000x256xf32>
    tpu.vector_store %arg8[%swap3A, %swap3A_57, %swap3A_58], %swap3A_61 {strides = array<i32>} : memref<1x2000x256xf32, #tpu.memory_space<vmem>>, vector<1x2000x256xf32>,
    %eq3A = arith.constant 0 : i32
    %eq3A_62 = arith.cmpi eq, %arg1, %eq3A : i32
    %convert_element_type3A = arith.extui %eq3A_62 : i1 to i32
    %cond3A = arith.constant 0 : i32
    %cond3A_63 = arith.cmpi ne, %convert_element_type3A, %cond3A : i32
    scf.if %cond3A_63 {
      %broadcast_in_dim3A_89 = arith.constant 0.000000e+00 : f32
      %broadcast_in_dim3A_90 = vector.broadcast %broadcast_in_dim3A_89 : f32 to vector<2x256xf32>
      %swap3A_91 = arith.constant 0 : index
      %swap3A_92 = arith.constant 0 : index
      %swap3A_93 = vector.load %arg10[%swap3A_91, %swap3A_92] : memref<2x256xf32, #tpu.memory_space<vmem>>, vector<2x256xf32>
      tpu.vector_store %arg10[%swap3A_91, %swap3A_92], %broadcast_in_dim3A_90 {strides = array<i32>} : memref<2x256xf32, #tpu.memory_space<vmem>>, vector<2x256xf32>,
    } else {
    }
    %get3A_64 = arith.constant 0 : index
    %get3A_65 = arith.constant 0 : index
    %get3A_66 = vector.load %arg10[%get3A_64, %get3A_65] : memref<2x256xf32, #tpu.memory_space<vmem>>, vector<1x256xf32>
    %reduce_sum3A = arith.constant dense<0.000000e+00> : vector<256xf32>
    %reduce_sum3A_67 = vector.multi_reduction <add>, %add3A_56, %reduce_sum3A [0] : vector<2000x256xf32> to vector<256xf32>
    %broadcast_in_dim3A_68 = vector.shape_cast %reduce_sum3A_67 : vector<256xf32> to vector<1x256xf32>
    %add3A_69 = arith.addf %get3A_66, %broadcast_in_dim3A_68 : vector<1x256xf32>
    %swap3A_70 = arith.constant 0 : index
    %swap3A_71 = arith.constant 0 : index
    %swap3A_72 = vector.load %arg10[%swap3A_70, %swap3A_71] : memref<2x256xf32, #tpu.memory_space<vmem>>, vector<1x256xf32>
    tpu.vector_store %arg10[%swap3A_70, %swap3A_71], %add3A_69 {strides = array<i32>} : memref<2x256xf32, #tpu.memory_space<vmem>>, vector<1x256xf32>,
    %get3A_73 = arith.constant 1 : index
    %get3A_74 = arith.constant 0 : index
    %get3A_75 = vector.load %arg10[%get3A_73, %get3A_74] : memref<2x256xf32, #tpu.memory_space<vmem>>, vector<1x256xf32>
    %mul3A_76 = arith.mulf %add3A_56, %add3A_56 : vector<2000x256xf32>
    %reduce_sum3A_77 = arith.constant dense<0.000000e+00> : vector<256xf32>
    %reduce_sum3A_78 = vector.multi_reduction <add>, %mul3A_76, %reduce_sum3A_77 [0] : vector<2000x256xf32> to vector<256xf32>
    %broadcast_in_dim3A_79 = vector.shape_cast %reduce_sum3A_78 : vector<256xf32> to vector<1x256xf32>
    %add3A_80 = arith.addf %get3A_75, %broadcast_in_dim3A_79 : vector<1x256xf32>
    %swap3A_81 = arith.constant 1 : index
    %swap3A_82 = arith.constant 0 : index
    %swap3A_83 = vector.load %arg10[%swap3A_81, %swap3A_82] : memref<2x256xf32, #tpu.memory_space<vmem>>, vector<1x256xf32>
    tpu.vector_store %arg10[%swap3A_81, %swap3A_82], %add3A_80 {strides = array<i32>} : memref<2x256xf32, #tpu.memory_space<vmem>>, vector<1x256xf32>,
    %eq3A_84 = arith.constant 4 : i32
    %eq3A_85 = arith.cmpi eq, %arg1, %eq3A_84 : i32
    %convert_element_type3A_86 = arith.extui %eq3A_85 : i1 to i32
    %cond3A_87 = arith.constant 0 : i32
    %cond3A_88 = arith.cmpi ne, %convert_element_type3A_86, %cond3A_87 : i32
    scf.if %cond3A_88 {
      %get3A_89 = arith.constant 0 : index
      %get3A_90 = arith.constant 0 : index
      %get3A_91 = vector.load %arg10[%get3A_89, %get3A_90] : memref<2x256xf32, #tpu.memory_space<vmem>>, vector<2x256xf32>
      %swap3A_92 = arith.constant 0 : index
      %swap3A_93 = arith.constant 0 : index
      %swap3A_94 = arith.constant 0 : index
      %swap3A_95 = vector.load %arg9[%swap3A_92, %swap3A_93, %swap3A_94] : memref<1x2x256xf32, #tpu.memory_space<vmem>>, vector<1x2x256xf32>
      %swap3A_96 = vector.shape_cast %swap3A_95 : vector<1x2x256xf32> to vector<2x256xf32>
      %swap3A_97 = vector.shape_cast %get3A_91 : vector<2x256xf32> to vector<1x2x256xf32>
      tpu.vector_store %arg9[%swap3A_92, %swap3A_93, %swap3A_94], %swap3A_97 {strides = array<i32>} : memref<1x2x256xf32, #tpu.memory_space<vmem>>, vector<1x2x256xf32>,
    } else {
    }
    return
  }
  func.func @transform_0(%arg0: i32, %arg1: i32) -> (i32, i32, i32, i32) {
    %c0_i32 = arith.constant 0 : i32
    %c0_i32_0 = arith.constant 0 : i32
    %c0_i32_1 = arith.constant 0 : i32
    return %arg0, %c0_i32, %arg1, %c0_i32_0 : i32, i32, i32, i32
  }
  func.func @transform_1(%arg0: i32, %arg1: i32) -> (i32, i32, i32, i32) {
    %c2_i32 = arith.constant 2 : i32
    %c0_i32 = arith.constant 0 : i32
    %c0_i32_0 = arith.constant 0 : i32
    return %arg0, %c2_i32, %arg1, %c0_i32 : i32, i32, i32, i32
  }
  func.func @transform_2(%arg0: i32, %arg1: i32) -> (i32, i32, i32) {
    %c0_i32 = arith.constant 0 : i32
    %c0_i32_0 = arith.constant 0 : i32
    return %arg0, %arg1, %c0_i32 : i32, i32, i32
  }
  func.func @transform_3(%arg0: i32, %arg1: i32) -> (i32, i32, i32) {
    %c0_i32 = arith.constant 0 : i32
    %c0_i32_0 = arith.constant 0 : i32
    %c0_i32_1 = arith.constant 0 : i32
    return %arg0, %c0_i32, %c0_i32_0 : i32, i32, i32
  }
  func.func @transform_4(%arg0: i32, %arg1: i32) -> (i32, i32, i32) {
    %c0_i32 = arith.constant 0 : i32
    %c0_i32_0 = arith.constant 0 : i32
    %c0_i32_1 = arith.constant 0 : i32
    return %arg0, %c0_i32, %c0_i32_0 : i32, i32, i32
  }
  func.func @transform_5(%arg0: i32, %arg1: i32) -> (i32, i32, i32) {
    %c0_i32 = arith.constant 0 : i32
    %c0_i32_0 = arith.constant 0 : i32
    %c0_i32_1 = arith.constant 0 : i32
    return %arg0, %c0_i32, %c0_i32_0 : i32, i32, i32
  }
  func.func @transform_6(%arg0: i32, %arg1: i32) -> (i32, i32, i32) {
    %c0_i32 = arith.constant 0 : i32
    %c0_i32_0 = arith.constant 0 : i32
    return %arg0, %arg1, %c0_i32 : i32, i32, i32
  }
  func.func @transform_7(%arg0: i32, %arg1: i32) -> (i32, i32, i32) {
    %c0_i32 = arith.constant 0 : i32
    %c0_i32_0 = arith.constant 0 : i32
    %c0_i32_1 = arith.constant 0 : i32
    return %arg0, %c0_i32, %c0_i32_0 : i32, i32, i32
  }
}

module attributes {stable_mosaic.version = 14 : i64} {
  func.func @_tc_bn_body(%arg0: i32, %arg1: i32, %arg2: memref<1x2000x256xf32, #tpu.memory_space<vmem>>, %arg3: memref<1x2x256xf32, #tpu.memory_space<vmem>>, %arg4: memref<1x1x256xf32, #tpu.memory_space<vmem>>, %arg5: memref<1x1x256xf32, #tpu.memory_space<vmem>>, %arg6: memref<1x2000x256xf32, #tpu.memory_space<vmem>>) attributes {dimension_semantics = [#tpu.dimension_semantics<arbitrary>, #tpu.dimension_semantics<arbitrary>], iteration_bounds = array<i64: 2, 5>, scalar_prefetch = 0 : i64, scratch_operands = 0 : i64, tpu.core_type = #tpu.core_type<tc>, window_params = [{transform_indices = @transform_0, window_bounds = array<i64: 1, 2000, 256>}, {transform_indices = @transform_1, window_bounds = array<i64: 1, 2, 256>}, {transform_indices = @transform_2, window_bounds = array<i64: 1, 1, 256>}, {transform_indices = @transform_3, window_bounds = array<i64: 1, 1, 256>}, {transform_indices = @transform_4, window_bounds = array<i64: 1, 2000, 256>}]} {
    %get3A = arith.constant 0 : index
    %get3A_0 = arith.constant 0 : index
    %get3A_1 = arith.constant 0 : index
    %get3A_2 = vector.load %arg3[%get3A, %get3A_0, %get3A_1] : memref<1x2x256xf32, #tpu.memory_space<vmem>>, vector<1x1x256xf32>
    %get3A_3 = vector.shape_cast %get3A_2 : vector<1x1x256xf32> to vector<1x256xf32>
    %mul3A = arith.constant 9.99999974E-5 : f32
    %mul3A_4 = vector.broadcast %mul3A : f32 to vector<1x256xf32>
    %mul3A_5 = arith.mulf %get3A_3, %mul3A_4 : vector<1x256xf32>
    %get3A_6 = arith.constant 0 : index
    %get3A_7 = arith.constant 1 : index
    %get3A_8 = arith.constant 0 : index
    %get3A_9 = vector.load %arg3[%get3A_6, %get3A_7, %get3A_8] : memref<1x2x256xf32, #tpu.memory_space<vmem>>, vector<1x1x256xf32>
    %get3A_10 = vector.shape_cast %get3A_9 : vector<1x1x256xf32> to vector<1x256xf32>
    %mul3A_11 = arith.constant 9.99999974E-5 : f32
    %mul3A_12 = vector.broadcast %mul3A_11 : f32 to vector<1x256xf32>
    %mul3A_13 = arith.mulf %get3A_10, %mul3A_12 : vector<1x256xf32>
    %mul3A_14 = arith.mulf %mul3A_5, %mul3A_5 : vector<1x256xf32>
    %sub3A = arith.subf %mul3A_13, %mul3A_14 : vector<1x256xf32>
    %get3A_15 = arith.constant 0 : index
    %get3A_16 = arith.constant 0 : index
    %get3A_17 = arith.constant 0 : index
    %get3A_18 = vector.load %arg2[%get3A_15, %get3A_16, %get3A_17] : memref<1x2000x256xf32, #tpu.memory_space<vmem>>, vector<1x2000x256xf32>
    %get3A_19 = vector.shape_cast %get3A_18 : vector<1x2000x256xf32> to vector<2000x256xf32>
    %get3A_20 = arith.constant 0 : index
    %get3A_21 = arith.constant 0 : index
    %get3A_22 = arith.constant 0 : index
    %get3A_23 = vector.load %arg4[%get3A_20, %get3A_21, %get3A_22] : memref<1x1x256xf32, #tpu.memory_space<vmem>>, vector<1x1x256xf32>
    %get3A_24 = vector.shape_cast %get3A_23 : vector<1x1x256xf32> to vector<1x256xf32>
    %sub3A_25 = vector.broadcast %mul3A_5 : vector<1x256xf32> to vector<2000x256xf32>
    %sub3A_26 = arith.subf %get3A_19, %sub3A_25 : vector<2000x256xf32>
    %mul3A_27 = vector.broadcast %get3A_24 : vector<1x256xf32> to vector<2000x256xf32>
    %mul3A_28 = arith.mulf %mul3A_27, %sub3A_26 : vector<2000x256xf32>
    %add3A = arith.constant 9.99999974E-6 : f32
    %add3A_29 = vector.broadcast %add3A : f32 to vector<1x256xf32>
    %add3A_30 = arith.addf %sub3A, %add3A_29 : vector<1x256xf32>
    %sqrt3A = math.sqrt %add3A_30 : vector<1x256xf32>
    %div3A = vector.broadcast %sqrt3A : vector<1x256xf32> to vector<2000x256xf32>
    %div3A_31 = arith.divf %mul3A_28, %div3A : vector<2000x256xf32>
    %get3A_32 = arith.constant 0 : index
    %get3A_33 = arith.constant 0 : index
    %get3A_34 = arith.constant 0 : index
    %get3A_35 = vector.load %arg5[%get3A_32, %get3A_33, %get3A_34] : memref<1x1x256xf32, #tpu.memory_space<vmem>>, vector<1x1x256xf32>
    %get3A_36 = vector.shape_cast %get3A_35 : vector<1x1x256xf32> to vector<1x256xf32>
    %add3A_37 = vector.broadcast %get3A_36 : vector<1x256xf32> to vector<2000x256xf32>
    %add3A_38 = arith.addf %div3A_31, %add3A_37 : vector<2000x256xf32>
    %gt3A = arith.constant 0.000000e+00 : f32
    %gt3A_39 = vector.broadcast %gt3A : f32 to vector<2000x256xf32>
    %gt3A_40 = arith.cmpf ogt, %add3A_38, %gt3A_39 : vector<2000x256xf32>
    %exp3A = math.exp %add3A_38 : vector<2000x256xf32>
    %sub3A_41 = arith.constant 1.000000e+00 : f32
    %sub3A_42 = vector.broadcast %sub3A_41 : f32 to vector<2000x256xf32>
    %sub3A_43 = arith.subf %exp3A, %sub3A_42 : vector<2000x256xf32>
    %select_n3A = arith.select %gt3A_40, %add3A_38, %sub3A_43 : vector<2000x256xi1>, vector<2000x256xf32>
    %swap3A = arith.constant 0 : index
    %swap3A_44 = arith.constant 0 : index
    %swap3A_45 = arith.constant 0 : index
    %swap3A_46 = vector.load %arg6[%swap3A, %swap3A_44, %swap3A_45] : memref<1x2000x256xf32, #tpu.memory_space<vmem>>, vector<1x2000x256xf32>
    %swap3A_47 = vector.shape_cast %swap3A_46 : vector<1x2000x256xf32> to vector<2000x256xf32>
    %swap3A_48 = vector.shape_cast %select_n3A : vector<2000x256xf32> to vector<1x2000x256xf32>
    tpu.vector_store %arg6[%swap3A, %swap3A_44, %swap3A_45], %swap3A_48 {strides = array<i32>} : memref<1x2000x256xf32, #tpu.memory_space<vmem>>, vector<1x2000x256xf32>,
    return
  }
  func.func @transform_0(%arg0: i32, %arg1: i32) -> (i32, i32, i32) {
    %c0_i32 = arith.constant 0 : i32
    %c0_i32_0 = arith.constant 0 : i32
    return %arg0, %arg1, %c0_i32 : i32, i32, i32
  }
  func.func @transform_1(%arg0: i32, %arg1: i32) -> (i32, i32, i32) {
    %c0_i32 = arith.constant 0 : i32
    %c0_i32_0 = arith.constant 0 : i32
    %c0_i32_1 = arith.constant 0 : i32
    return %arg0, %c0_i32, %c0_i32_0 : i32, i32, i32
  }
  func.func @transform_2(%arg0: i32, %arg1: i32) -> (i32, i32, i32) {
    %c0_i32 = arith.constant 0 : i32
    %c0_i32_0 = arith.constant 0 : i32
    %c0_i32_1 = arith.constant 0 : i32
    return %arg0, %c0_i32, %c0_i32_0 : i32, i32, i32
  }
  func.func @transform_3(%arg0: i32, %arg1: i32) -> (i32, i32, i32) {
    %c0_i32 = arith.constant 0 : i32
    %c0_i32_0 = arith.constant 0 : i32
    %c0_i32_1 = arith.constant 0 : i32
    return %arg0, %c0_i32, %c0_i32_0 : i32, i32, i32
  }
  func.func @transform_4(%arg0: i32, %arg1: i32) -> (i32, i32, i32) {
    %sub3A = arith.constant 1 : i32
    %sub3A_0 = arith.subi %sub3A, %arg0 : i32
    %c0_i32 = arith.constant 0 : i32
    %c0_i32_1 = arith.constant 0 : i32
    return %sub3A_0, %arg1, %c0_i32 : i32, i32, i32
  }
}

module attributes {stable_mosaic.version = 14 : i64} {
  func.func @_tc_mm_body(%arg0: i32, %arg1: i32, %arg2: memref<1x4x2000x64xf32, #tpu.memory_space<vmem>>, %arg3: memref<1x1x2000x64xf32, #tpu.memory_space<vmem>>, %arg4: memref<1x2000x256xf32, #tpu.memory_space<vmem>>, %arg5: memref<1x256x256xf32, #tpu.memory_space<vmem>>, %arg6: memref<1x256x256xf32, #tpu.memory_space<vmem>>, %arg7: memref<1x1x256xf32, #tpu.memory_space<vmem>>, %arg8: memref<1x2000x256xf32, #tpu.memory_space<vmem>>, %arg9: memref<1x2x256xf32, #tpu.memory_space<vmem>>, %arg10: memref<2x256xf32, #tpu.memory_space<vmem>>) attributes {dimension_semantics = [#tpu.dimension_semantics<arbitrary>, #tpu.dimension_semantics<arbitrary>], iteration_bounds = array<i64: 2, 5>, scalar_prefetch = 0 : i64, scratch_operands = 1 : i64, tpu.core_type = #tpu.core_type<tc>, window_params = [{transform_indices = @transform_0, window_bounds = array<i64: 1, 4, 2000, 64>}, {transform_indices = @transform_1, window_bounds = array<i64: 1, 1, 2000, 64>}, {transform_indices = @transform_2, window_bounds = array<i64: 1, 2000, 256>}, {transform_indices = @transform_3, window_bounds = array<i64: 1, 256, 256>}, {transform_indices = @transform_4, window_bounds = array<i64: 1, 256, 256>}, {transform_indices = @transform_5, window_bounds = array<i64: 1, 1, 256>}, {transform_indices = @transform_6, window_bounds = array<i64: 1, 2000, 256>}, {transform_indices = @transform_7, window_bounds = array<i64: 1, 2, 256>}]} {
    %get3A = arith.constant 0 : index
    %get3A_0 = arith.constant 0 : index
    %get3A_1 = arith.constant 0 : index
    %get3A_2 = arith.constant 0 : index
    %get3A_3 = vector.load %arg3[%get3A, %get3A_0, %get3A_1, %get3A_2] : memref<1x1x2000x64xf32, #tpu.memory_space<vmem>>, vector<1x1x2000x1xf32>
    %get3A_4 = vector.shape_cast %get3A_3 : vector<1x1x2000x1xf32> to vector<2000x1xf32>
    %max3A = arith.constant 1.000000e+00 : f32
    %max3A_5 = vector.broadcast %max3A : f32 to vector<2000x1xf32>
    %max3A_6 = arith.maximumf %get3A_4, %max3A_5 : vector<2000x1xf32>
    %div3A = arith.constant 1.000000e+00 : f32
    %div3A_7 = vector.broadcast %div3A : f32 to vector<2000x1xf32>
    %div3A_8 = arith.divf %div3A_7, %max3A_6 : vector<2000x1xf32>
    %get3A_9 = arith.constant 0 : index
    %get3A_10 = arith.constant 0 : index
    %get3A_11 = arith.constant 0 : index
    %get3A_12 = vector.load %arg7[%get3A_9, %get3A_10, %get3A_11] : memref<1x1x256xf32, #tpu.memory_space<vmem>>, vector<1x1x256xf32>
    %get3A_13 = vector.shape_cast %get3A_12 : vector<1x1x256xf32> to vector<1x256xf32>
    %broadcast_in_dim3A = vector.shape_cast %get3A_13 : vector<1x256xf32> to vector<1x256xf32>
    %broadcast_in_dim3A_14 = vector.broadcast %broadcast_in_dim3A : vector<1x256xf32> to vector<2000x256xf32>
    %get3A_15 = arith.constant 0 : index
    %get3A_16 = arith.constant 0 : index
    %get3A_17 = arith.constant 0 : index
    %get3A_18 = arith.constant 0 : index
    %get3A_19 = vector.load %arg2[%get3A_15, %get3A_16, %get3A_17, %get3A_18] : memref<1x4x2000x64xf32, #tpu.memory_space<vmem>>, vector<1x1x2000x64xf32>
    %get3A_20 = vector.shape_cast %get3A_19 : vector<1x1x2000x64xf32> to vector<2000x64xf32>
    %mul3A = vector.broadcast %div3A_8 : vector<2000x1xf32> to vector<2000x64xf32>
    %mul3A_21 = arith.mulf %get3A_20, %mul3A : vector<2000x64xf32>
    %get3A_22 = arith.constant 0 : index
    %get3A_23 = arith.constant 0 : index
    %get3A_24 = arith.constant 0 : index
    %get3A_25 = vector.load %arg5[%get3A_22, %get3A_23, %get3A_24] : memref<1x256x256xf32, #tpu.memory_space<vmem>>, vector<1x64x256xf32>
    %get3A_26 = vector.shape_cast %get3A_25 : vector<1x64x256xf32> to vector<64x256xf32>
    %dot_general3A = arith.constant dense<0.000000e+00> : vector<2000x256xf32>
    %dot_general3A_27 = tpu.matmul %mul3A_21, %get3A_26, %dot_general3A {dimension_numbers = #tpu.dot_dimension_numbers<[1], [0], [0], [1], [0, 0, 1, 1], [], []>, transpose_lhs_hint = false} : vector<2000x64xf32>, vector<64x256xf32>, vector<2000x256xf32> -> vector<2000x256xf32>
    %add3A = arith.addf %broadcast_in_dim3A_14, %dot_general3A_27 : vector<2000x256xf32>
    %get3A_28 = arith.constant 0 : index
    %get3A_29 = arith.constant 1 : index
    %get3A_30 = arith.constant 0 : index
    %get3A_31 = arith.constant 0 : index
    %get3A_32 = vector.load %arg2[%get3A_28, %get3A_29, %get3A_30, %get3A_31] : memref<1x4x2000x64xf32, #tpu.memory_space<vmem>>, vector<1x1x2000x64xf32>
    %get3A_33 = vector.shape_cast %get3A_32 : vector<1x1x2000x64xf32> to vector<2000x64xf32>
    %mul3A_34 = vector.broadcast %div3A_8 : vector<2000x1xf32> to vector<2000x64xf32>
    %mul3A_35 = arith.mulf %get3A_33, %mul3A_34 : vector<2000x64xf32>
    %get3A_36 = arith.constant 0 : index
    %get3A_37 = arith.constant 64 : index
    %get3A_38 = arith.constant 0 : index
    %get3A_39 = vector.load %arg5[%get3A_36, %get3A_37, %get3A_38] : memref<1x256x256xf32, #tpu.memory_space<vmem>>, vector<1x64x256xf32>
    %get3A_40 = vector.shape_cast %get3A_39 : vector<1x64x256xf32> to vector<64x256xf32>
    %dot_general3A_41 = arith.constant dense<0.000000e+00> : vector<2000x256xf32>
    %dot_general3A_42 = tpu.matmul %mul3A_35, %get3A_40, %dot_general3A_41 {dimension_numbers = #tpu.dot_dimension_numbers<[1], [0], [0], [1], [0, 0, 1, 1], [], []>, transpose_lhs_hint = false} : vector<2000x64xf32>, vector<64x256xf32>, vector<2000x256xf32> -> vector<2000x256xf32>
    %add3A_43 = arith.addf %add3A, %dot_general3A_42 : vector<2000x256xf32>
    %get3A_44 = arith.constant 0 : index
    %get3A_45 = arith.constant 2 : index
    %get3A_46 = arith.constant 0 : index
    %get3A_47 = arith.constant 0 : index
    %get3A_48 = vector.load %arg2[%get3A_44, %get3A_45, %get3A_46, %get3A_47] : memref<1x4x2000x64xf32, #tpu.memory_space<vmem>>, vector<1x1x2000x64xf32>
    %get3A_49 = vector.shape_cast %get3A_48 : vector<1x1x2000x64xf32> to vector<2000x64xf32>
    %mul3A_50 = vector.broadcast %div3A_8 : vector<2000x1xf32> to vector<2000x64xf32>
    %mul3A_51 = arith.mulf %get3A_49, %mul3A_50 : vector<2000x64xf32>
    %get3A_52 = arith.constant 0 : index
    %get3A_53 = arith.constant 128 : index
    %get3A_54 = arith.constant 0 : index
    %get3A_55 = vector.load %arg5[%get3A_52, %get3A_53, %get3A_54] : memref<1x256x256xf32, #tpu.memory_space<vmem>>, vector<1x64x256xf32>
    %get3A_56 = vector.shape_cast %get3A_55 : vector<1x64x256xf32> to vector<64x256xf32>
    %dot_general3A_57 = arith.constant dense<0.000000e+00> : vector<2000x256xf32>
    %dot_general3A_58 = tpu.matmul %mul3A_51, %get3A_56, %dot_general3A_57 {dimension_numbers = #tpu.dot_dimension_numbers<[1], [0], [0], [1], [0, 0, 1, 1], [], []>, transpose_lhs_hint = false} : vector<2000x64xf32>, vector<64x256xf32>, vector<2000x256xf32> -> vector<2000x256xf32>
    %add3A_59 = arith.addf %add3A_43, %dot_general3A_58 : vector<2000x256xf32>
    %get3A_60 = arith.constant 0 : index
    %get3A_61 = arith.constant 3 : index
    %get3A_62 = arith.constant 0 : index
    %get3A_63 = arith.constant 0 : index
    %get3A_64 = vector.load %arg2[%get3A_60, %get3A_61, %get3A_62, %get3A_63] : memref<1x4x2000x64xf32, #tpu.memory_space<vmem>>, vector<1x1x2000x64xf32>
    %get3A_65 = vector.shape_cast %get3A_64 : vector<1x1x2000x64xf32> to vector<2000x64xf32>
    %mul3A_66 = vector.broadcast %div3A_8 : vector<2000x1xf32> to vector<2000x64xf32>
    %mul3A_67 = arith.mulf %get3A_65, %mul3A_66 : vector<2000x64xf32>
    %get3A_68 = arith.constant 0 : index
    %get3A_69 = arith.constant 192 : index
    %get3A_70 = arith.constant 0 : index
    %get3A_71 = vector.load %arg5[%get3A_68, %get3A_69, %get3A_70] : memref<1x256x256xf32, #tpu.memory_space<vmem>>, vector<1x64x256xf32>
    %get3A_72 = vector.shape_cast %get3A_71 : vector<1x64x256xf32> to vector<64x256xf32>
    %dot_general3A_73 = arith.constant dense<0.000000e+00> : vector<2000x256xf32>
    %dot_general3A_74 = tpu.matmul %mul3A_67, %get3A_72, %dot_general3A_73 {dimension_numbers = #tpu.dot_dimension_numbers<[1], [0], [0], [1], [0, 0, 1, 1], [], []>, transpose_lhs_hint = false} : vector<2000x64xf32>, vector<64x256xf32>, vector<2000x256xf32> -> vector<2000x256xf32>
    %add3A_75 = arith.addf %add3A_59, %dot_general3A_74 : vector<2000x256xf32>
    %get3A_76 = arith.constant 0 : index
    %get3A_77 = arith.constant 0 : index
    %get3A_78 = arith.constant 0 : index
    %get3A_79 = vector.load %arg4[%get3A_76, %get3A_77, %get3A_78] : memref<1x2000x256xf32, #tpu.memory_space<vmem>>, vector<1x2000x256xf32>
    %get3A_80 = vector.shape_cast %get3A_79 : vector<1x2000x256xf32> to vector<2000x256xf32>
    %get3A_81 = arith.constant 0 : index
    %get3A_82 = arith.constant 0 : index
    %get3A_83 = arith.constant 0 : index
    %get3A_84 = vector.load %arg6[%get3A_81, %get3A_82, %get3A_83] : memref<1x256x256xf32, #tpu.memory_space<vmem>>, vector<1x256x256xf32>
    %get3A_85 = vector.shape_cast %get3A_84 : vector<1x256x256xf32> to vector<256x256xf32>
    %dot_general3A_86 = arith.constant dense<0.000000e+00> : vector<2000x256xf32>
    %dot_general3A_87 = tpu.matmul %get3A_80, %get3A_85, %dot_general3A_86 {dimension_numbers = #tpu.dot_dimension_numbers<[1], [0], [0], [1], [0, 0, 1, 1], [], []>, transpose_lhs_hint = false} : vector<2000x256xf32>, vector<256x256xf32>, vector<2000x256xf32> -> vector<2000x256xf32>
    %add3A_88 = arith.addf %add3A_75, %dot_general3A_87 : vector<2000x256xf32>
    %swap3A = arith.constant 0 : index
    %swap3A_89 = arith.constant 0 : index
    %swap3A_90 = arith.constant 0 : index
    %swap3A_91 = vector.load %arg8[%swap3A, %swap3A_89, %swap3A_90] : memref<1x2000x256xf32, #tpu.memory_space<vmem>>, vector<1x2000x256xf32>
    %swap3A_92 = vector.shape_cast %swap3A_91 : vector<1x2000x256xf32> to vector<2000x256xf32>
    %swap3A_93 = vector.shape_cast %add3A_88 : vector<2000x256xf32> to vector<1x2000x256xf32>
    tpu.vector_store %arg8[%swap3A, %swap3A_89, %swap3A_90], %swap3A_93 {strides = array<i32>} : memref<1x2000x256xf32, #tpu.memory_space<vmem>>, vector<1x2000x256xf32>,
    %eq3A = arith.constant 0 : i32
    %eq3A_94 = arith.cmpi eq, %arg1, %eq3A : i32
    %convert_element_type3A = arith.extui %eq3A_94 : i1 to i32
    %cond3A = arith.constant 0 : i32
    %cond3A_95 = arith.cmpi ne, %convert_element_type3A, %cond3A : i32
    scf.if %cond3A_95 {
      %broadcast_in_dim3A_121 = arith.constant 0.000000e+00 : f32
      %broadcast_in_dim3A_122 = vector.broadcast %broadcast_in_dim3A_121 : f32 to vector<2x256xf32>
      %swap3A_123 = arith.constant 0 : index
      %swap3A_124 = arith.constant 0 : index
      %swap3A_125 = vector.load %arg10[%swap3A_123, %swap3A_124] : memref<2x256xf32, #tpu.memory_space<vmem>>, vector<2x256xf32>
      tpu.vector_store %arg10[%swap3A_123, %swap3A_124], %broadcast_in_dim3A_122 {strides = array<i32>} : memref<2x256xf32, #tpu.memory_space<vmem>>, vector<2x256xf32>,
    } else {
    }
    %get3A_96 = arith.constant 0 : index
    %get3A_97 = arith.constant 0 : index
    %get3A_98 = vector.load %arg10[%get3A_96, %get3A_97] : memref<2x256xf32, #tpu.memory_space<vmem>>, vector<1x256xf32>
    %reduce_sum3A = arith.constant dense<0.000000e+00> : vector<256xf32>
    %reduce_sum3A_99 = vector.multi_reduction <add>, %add3A_88, %reduce_sum3A [0] : vector<2000x256xf32> to vector<256xf32>
    %broadcast_in_dim3A_100 = vector.shape_cast %reduce_sum3A_99 : vector<256xf32> to vector<1x256xf32>
    %add3A_101 = arith.addf %get3A_98, %broadcast_in_dim3A_100 : vector<1x256xf32>
    %swap3A_102 = arith.constant 0 : index
    %swap3A_103 = arith.constant 0 : index
    %swap3A_104 = vector.load %arg10[%swap3A_102, %swap3A_103] : memref<2x256xf32, #tpu.memory_space<vmem>>, vector<1x256xf32>
    tpu.vector_store %arg10[%swap3A_102, %swap3A_103], %add3A_101 {strides = array<i32>} : memref<2x256xf32, #tpu.memory_space<vmem>>, vector<1x256xf32>,
    %get3A_105 = arith.constant 1 : index
    %get3A_106 = arith.constant 0 : index
    %get3A_107 = vector.load %arg10[%get3A_105, %get3A_106] : memref<2x256xf32, #tpu.memory_space<vmem>>, vector<1x256xf32>
    %mul3A_108 = arith.mulf %add3A_88, %add3A_88 : vector<2000x256xf32>
    %reduce_sum3A_109 = arith.constant dense<0.000000e+00> : vector<256xf32>
    %reduce_sum3A_110 = vector.multi_reduction <add>, %mul3A_108, %reduce_sum3A_109 [0] : vector<2000x256xf32> to vector<256xf32>
    %broadcast_in_dim3A_111 = vector.shape_cast %reduce_sum3A_110 : vector<256xf32> to vector<1x256xf32>
    %add3A_112 = arith.addf %get3A_107, %broadcast_in_dim3A_111 : vector<1x256xf32>
    %swap3A_113 = arith.constant 1 : index
    %swap3A_114 = arith.constant 0 : index
    %swap3A_115 = vector.load %arg10[%swap3A_113, %swap3A_114] : memref<2x256xf32, #tpu.memory_space<vmem>>, vector<1x256xf32>
    tpu.vector_store %arg10[%swap3A_113, %swap3A_114], %add3A_112 {strides = array<i32>} : memref<2x256xf32, #tpu.memory_space<vmem>>, vector<1x256xf32>,
    %eq3A_116 = arith.constant 4 : i32
    %eq3A_117 = arith.cmpi eq, %arg1, %eq3A_116 : i32
    %convert_element_type3A_118 = arith.extui %eq3A_117 : i1 to i32
    %cond3A_119 = arith.constant 0 : i32
    %cond3A_120 = arith.cmpi ne, %convert_element_type3A_118, %cond3A_119 : i32
    scf.if %cond3A_120 {
      %get3A_121 = arith.constant 0 : index
      %get3A_122 = arith.constant 0 : index
      %get3A_123 = vector.load %arg10[%get3A_121, %get3A_122] : memref<2x256xf32, #tpu.memory_space<vmem>>, vector<2x256xf32>
      %swap3A_124 = arith.constant 0 : index
      %swap3A_125 = arith.constant 0 : index
      %swap3A_126 = arith.constant 0 : index
      %swap3A_127 = vector.load %arg9[%swap3A_124, %swap3A_125, %swap3A_126] : memref<1x2x256xf32, #tpu.memory_space<vmem>>, vector<1x2x256xf32>
      %swap3A_128 = vector.shape_cast %swap3A_127 : vector<1x2x256xf32> to vector<2x256xf32>
      %swap3A_129 = vector.shape_cast %get3A_123 : vector<2x256xf32> to vector<1x2x256xf32>
      tpu.vector_store %arg9[%swap3A_124, %swap3A_125, %swap3A_126], %swap3A_129 {strides = array<i32>} : memref<1x2x256xf32, #tpu.memory_space<vmem>>, vector<1x2x256xf32>,
    } else {
    }
    return
  }
  func.func @transform_0(%arg0: i32, %arg1: i32) -> (i32, i32, i32, i32) {
    %c0_i32 = arith.constant 0 : i32
    %c0_i32_0 = arith.constant 0 : i32
    %c0_i32_1 = arith.constant 0 : i32
    return %arg0, %c0_i32, %arg1, %c0_i32_0 : i32, i32, i32, i32
  }
  func.func @transform_1(%arg0: i32, %arg1: i32) -> (i32, i32, i32, i32) {
    %c2_i32 = arith.constant 2 : i32
    %c0_i32 = arith.constant 0 : i32
    %c0_i32_0 = arith.constant 0 : i32
    return %arg0, %c2_i32, %arg1, %c0_i32 : i32, i32, i32, i32
  }
  func.func @transform_2(%arg0: i32, %arg1: i32) -> (i32, i32, i32) {
    %sub3A = arith.constant 1 : i32
    %sub3A_0 = arith.subi %sub3A, %arg0 : i32
    %c0_i32 = arith.constant 0 : i32
    %c0_i32_1 = arith.constant 0 : i32
    return %sub3A_0, %arg1, %c0_i32 : i32, i32, i32
  }
  func.func @transform_3(%arg0: i32, %arg1: i32) -> (i32, i32, i32) {
    %c0_i32 = arith.constant 0 : i32
    %c0_i32_0 = arith.constant 0 : i32
    %c0_i32_1 = arith.constant 0 : i32
    return %arg0, %c0_i32, %c0_i32_0 : i32, i32, i32
  }
  func.func @transform_4(%arg0: i32, %arg1: i32) -> (i32, i32, i32) {
    %c0_i32 = arith.constant 0 : i32
    %c0_i32_0 = arith.constant 0 : i32
    %c0_i32_1 = arith.constant 0 : i32
    return %arg0, %c0_i32, %c0_i32_0 : i32, i32, i32
  }
  func.func @transform_5(%arg0: i32, %arg1: i32) -> (i32, i32, i32) {
    %c0_i32 = arith.constant 0 : i32
    %c0_i32_0 = arith.constant 0 : i32
    %c0_i32_1 = arith.constant 0 : i32
    return %arg0, %c0_i32, %c0_i32_0 : i32, i32, i32
  }
  func.func @transform_6(%arg0: i32, %arg1: i32) -> (i32, i32, i32) {
    %c0_i32 = arith.constant 0 : i32
    %c0_i32_0 = arith.constant 0 : i32
    return %arg0, %arg1, %c0_i32 : i32, i32, i32
  }
  func.func @transform_7(%arg0: i32, %arg1: i32) -> (i32, i32, i32) {
    %c0_i32 = arith.constant 0 : i32
    %c0_i32_0 = arith.constant 0 : i32
    %c0_i32_1 = arith.constant 0 : i32
    return %arg0, %c0_i32, %c0_i32_0 : i32, i32, i32
  }
}

module attributes {stable_mosaic.version = 14 : i64} {
  func.func @_tc_bn_body(%arg0: i32, %arg1: i32, %arg2: memref<1x2000x256xf32, #tpu.memory_space<vmem>>, %arg3: memref<1x2x256xf32, #tpu.memory_space<vmem>>, %arg4: memref<1x1x256xf32, #tpu.memory_space<vmem>>, %arg5: memref<1x1x256xf32, #tpu.memory_space<vmem>>, %arg6: memref<1x2000x256xf32, #tpu.memory_space<vmem>>) attributes {dimension_semantics = [#tpu.dimension_semantics<arbitrary>, #tpu.dimension_semantics<arbitrary>], iteration_bounds = array<i64: 2, 5>, scalar_prefetch = 0 : i64, scratch_operands = 0 : i64, tpu.core_type = #tpu.core_type<tc>, window_params = [{transform_indices = @transform_0, window_bounds = array<i64: 1, 2000, 256>}, {transform_indices = @transform_1, window_bounds = array<i64: 1, 2, 256>}, {transform_indices = @transform_2, window_bounds = array<i64: 1, 1, 256>}, {transform_indices = @transform_3, window_bounds = array<i64: 1, 1, 256>}, {transform_indices = @transform_4, window_bounds = array<i64: 1, 2000, 256>}]} {
    %get3A = arith.constant 0 : index
    %get3A_0 = arith.constant 0 : index
    %get3A_1 = arith.constant 0 : index
    %get3A_2 = vector.load %arg3[%get3A, %get3A_0, %get3A_1] : memref<1x2x256xf32, #tpu.memory_space<vmem>>, vector<1x1x256xf32>
    %get3A_3 = vector.shape_cast %get3A_2 : vector<1x1x256xf32> to vector<1x256xf32>
    %mul3A = arith.constant 9.99999974E-5 : f32
    %mul3A_4 = vector.broadcast %mul3A : f32 to vector<1x256xf32>
    %mul3A_5 = arith.mulf %get3A_3, %mul3A_4 : vector<1x256xf32>
    %get3A_6 = arith.constant 0 : index
    %get3A_7 = arith.constant 1 : index
    %get3A_8 = arith.constant 0 : index
    %get3A_9 = vector.load %arg3[%get3A_6, %get3A_7, %get3A_8] : memref<1x2x256xf32, #tpu.memory_space<vmem>>, vector<1x1x256xf32>
    %get3A_10 = vector.shape_cast %get3A_9 : vector<1x1x256xf32> to vector<1x256xf32>
    %mul3A_11 = arith.constant 9.99999974E-5 : f32
    %mul3A_12 = vector.broadcast %mul3A_11 : f32 to vector<1x256xf32>
    %mul3A_13 = arith.mulf %get3A_10, %mul3A_12 : vector<1x256xf32>
    %mul3A_14 = arith.mulf %mul3A_5, %mul3A_5 : vector<1x256xf32>
    %sub3A = arith.subf %mul3A_13, %mul3A_14 : vector<1x256xf32>
    %get3A_15 = arith.constant 0 : index
    %get3A_16 = arith.constant 0 : index
    %get3A_17 = arith.constant 0 : index
    %get3A_18 = vector.load %arg2[%get3A_15, %get3A_16, %get3A_17] : memref<1x2000x256xf32, #tpu.memory_space<vmem>>, vector<1x2000x256xf32>
    %get3A_19 = vector.shape_cast %get3A_18 : vector<1x2000x256xf32> to vector<2000x256xf32>
    %get3A_20 = arith.constant 0 : index
    %get3A_21 = arith.constant 0 : index
    %get3A_22 = arith.constant 0 : index
    %get3A_23 = vector.load %arg4[%get3A_20, %get3A_21, %get3A_22] : memref<1x1x256xf32, #tpu.memory_space<vmem>>, vector<1x1x256xf32>
    %get3A_24 = vector.shape_cast %get3A_23 : vector<1x1x256xf32> to vector<1x256xf32>
    %sub3A_25 = vector.broadcast %mul3A_5 : vector<1x256xf32> to vector<2000x256xf32>
    %sub3A_26 = arith.subf %get3A_19, %sub3A_25 : vector<2000x256xf32>
    %mul3A_27 = vector.broadcast %get3A_24 : vector<1x256xf32> to vector<2000x256xf32>
    %mul3A_28 = arith.mulf %mul3A_27, %sub3A_26 : vector<2000x256xf32>
    %add3A = arith.constant 9.99999974E-6 : f32
    %add3A_29 = vector.broadcast %add3A : f32 to vector<1x256xf32>
    %add3A_30 = arith.addf %sub3A, %add3A_29 : vector<1x256xf32>
    %sqrt3A = math.sqrt %add3A_30 : vector<1x256xf32>
    %div3A = vector.broadcast %sqrt3A : vector<1x256xf32> to vector<2000x256xf32>
    %div3A_31 = arith.divf %mul3A_28, %div3A : vector<2000x256xf32>
    %get3A_32 = arith.constant 0 : index
    %get3A_33 = arith.constant 0 : index
    %get3A_34 = arith.constant 0 : index
    %get3A_35 = vector.load %arg5[%get3A_32, %get3A_33, %get3A_34] : memref<1x1x256xf32, #tpu.memory_space<vmem>>, vector<1x1x256xf32>
    %get3A_36 = vector.shape_cast %get3A_35 : vector<1x1x256xf32> to vector<1x256xf32>
    %add3A_37 = vector.broadcast %get3A_36 : vector<1x256xf32> to vector<2000x256xf32>
    %add3A_38 = arith.addf %div3A_31, %add3A_37 : vector<2000x256xf32>
    %gt3A = arith.constant 0.000000e+00 : f32
    %gt3A_39 = vector.broadcast %gt3A : f32 to vector<2000x256xf32>
    %gt3A_40 = arith.cmpf ogt, %add3A_38, %gt3A_39 : vector<2000x256xf32>
    %exp3A = math.exp %add3A_38 : vector<2000x256xf32>
    %sub3A_41 = arith.constant 1.000000e+00 : f32
    %sub3A_42 = vector.broadcast %sub3A_41 : f32 to vector<2000x256xf32>
    %sub3A_43 = arith.subf %exp3A, %sub3A_42 : vector<2000x256xf32>
    %select_n3A = arith.select %gt3A_40, %add3A_38, %sub3A_43 : vector<2000x256xi1>, vector<2000x256xf32>
    %swap3A = arith.constant 0 : index
    %swap3A_44 = arith.constant 0 : index
    %swap3A_45 = arith.constant 0 : index
    %swap3A_46 = vector.load %arg6[%swap3A, %swap3A_44, %swap3A_45] : memref<1x2000x256xf32, #tpu.memory_space<vmem>>, vector<1x2000x256xf32>
    %swap3A_47 = vector.shape_cast %swap3A_46 : vector<1x2000x256xf32> to vector<2000x256xf32>
    %swap3A_48 = vector.shape_cast %select_n3A : vector<2000x256xf32> to vector<1x2000x256xf32>
    tpu.vector_store %arg6[%swap3A, %swap3A_44, %swap3A_45], %swap3A_48 {strides = array<i32>} : memref<1x2000x256xf32, #tpu.memory_space<vmem>>, vector<1x2000x256xf32>,
    return
  }
  func.func @transform_0(%arg0: i32, %arg1: i32) -> (i32, i32, i32) {
    %c0_i32 = arith.constant 0 : i32
    %c0_i32_0 = arith.constant 0 : i32
    return %arg0, %arg1, %c0_i32 : i32, i32, i32
  }
  func.func @transform_1(%arg0: i32, %arg1: i32) -> (i32, i32, i32) {
    %c0_i32 = arith.constant 0 : i32
    %c0_i32_0 = arith.constant 0 : i32
    %c0_i32_1 = arith.constant 0 : i32
    return %arg0, %c0_i32, %c0_i32_0 : i32, i32, i32
  }
  func.func @transform_2(%arg0: i32, %arg1: i32) -> (i32, i32, i32) {
    %c0_i32 = arith.constant 0 : i32
    %c0_i32_0 = arith.constant 0 : i32
    %c0_i32_1 = arith.constant 0 : i32
    return %arg0, %c0_i32, %c0_i32_0 : i32, i32, i32
  }
  func.func @transform_3(%arg0: i32, %arg1: i32) -> (i32, i32, i32) {
    %c0_i32 = arith.constant 0 : i32
    %c0_i32_0 = arith.constant 0 : i32
    %c0_i32_1 = arith.constant 0 : i32
    return %arg0, %c0_i32, %c0_i32_0 : i32, i32, i32
  }
  func.func @transform_4(%arg0: i32, %arg1: i32) -> (i32, i32, i32) {
    %c0_i32 = arith.constant 0 : i32
    %c0_i32_0 = arith.constant 0 : i32
    return %arg0, %arg1, %c0_i32 : i32, i32, i32
  }
}

</mosaic_0001>

<sc_bundles>
// kernel: kernel.11.cloned.1.call-start
scs
__scs_entry_jumppad:
0x0: {  	(pc) =	sbr.rel $0x88, $3  }
0x1: {  	(tag) =	ssettag $0x0;
	lr =	simm.s32 $0x1  }
0x2: {  	[smem:$0x3F89] =	sst lr;
	_ =	strace $0xD0000000  }
0x3: {  	_ = 	snop  }
0x4: {  	_ = 	snop  }
0x5: {  	_ = 	snop  }
0x6: {  	_ = 	snop  }
0x7: {  	_ = 	snop  }
__scs_overlays_trampoline_lowered:
0x8: {  	[smem:$0x3F98] =	sst s0  }
0x9: {  	[smem:$0x3F99] =	sst s1  }
0xa: {  	[smem:$0x3F9A] =	sst s2  }
0xb: {  	[smem:$0x3F9B] =	sst s3  }
0xc: {  	[smem:$0x3F9C] =	sst s4  }
0xd: {  	[smem:$0x3F9D] =	sst s5  }
0xe: {  	[smem:$0x3F9E] =	sst s6  }
0xf: {  	[smem:$0x3F9F] =	sst s7  }
0x10: {  	[smem:$0x3FA0] =	sst s8  }
0x11: {  	[smem:$0x3FA1] =	sst s9;
	s0 =	simm.s32 @!p0 $0x0  }
0x12: {  	s1 =	sld [smem:$0x3F87];
	s0 =	simm.s32 @p0 $0x1  }
0x13: {  	[smem:$0x3FA2] =	sst s0;
	s0 =	simm.s32 @!p1 $0x0  }
0x14: {  	s2 =	sld [smem:$0x3F86];
	s0 =	simm.s32 @p1 $0x1  }
0x15: {  	[smem:$0x3FA3] =	sst s0;
	s0 =	simm.s32 @!p2 $0x0  }
0x16: {  	s3 =	sld [smem:$0x3FDB];
	s0 =	simm.s32 @p2 $0x1  }
0x17: {  	s4 =	simm.s32 $0x1BF5;
	[smem:$0x3FA5] =	sst s0  }
0x18: {  	s0 =	sld [smem:$0x3F88];
	_ =	swait.ge [sflag:s4], $0x0  }
0x19: {  	s7 =	sld [smem:$0x3F89]  }
0x1a: {  	s8 =	sadd.s32 $0xFFFFE003, lr  }
0x1b: {  	s9 =	sadd.s32 $0xFFFFFEF7, lr;
	s5 =	simm.s32 $0xFFFFFFFF;
	p2 =	slt.u32 s8, $0xFFFFF086  }
0x1c: {  	p1 =	slt.u32 s9, $0xF7A;
	s5 =	simm.s32 @!p2 $0x0  }
0x1d: {  	s5 =	simm.s32 @p1 $0x1;
	p0 =	seq.s32 s7, s2  }
0x1e: {  	s7 =	smul.u32 @!p0 $0xF7A, s2;
	p2 =	seq.s32 @!p0 s5, $0x0  }
0x1f: {  	s9 =	smul.u32 $0xF7A, s1;
	s8 =	simm.s32 @!p0 $0x1BF5;
	p2 =	por !p2, p0  }
0x20: {  	[sflag:s8] =	ssyncset.s32 @!p0 $0xFFFFF086;
	s6 =	sadd.s32 @!p0 s3, s7;
	s7 =	simm.s32 @!p0 $0x108  }
0x21: {  	s3 =	sadd.s32 s3, s9;
	s6 =	sadd.s32 @!p0 $0x88, s6;
	s7 =	simm.s32 @p2 $0x1082  }
0x22: {  	[simem:s7], [sflag:s8] =	dma.local @!p0 [hbm:s6], $0xF7A  }
0x23: {  	s9 =	sor.u32 $0xD0000000, s2;
	s6 =	simm.s32 $0x108;
	_ =	swait.ge @!p0 [sflag:s8], $0x0  }
0x24: {  	s3 =	sadd.s32 $0x88, s3;
	s6 =	simm.s32 @!p1 $0x1082;
	[sflag:s4] =	ssyncset.s32 $0xFFFFF086  }
0x25: {  	[simem:s6], [sflag:s4] =	dma.local [hbm:s3], $0xF7A  }
0x26: {  	[smem:$0x3F89] =	sst s1;
	(tag) =	ssettag s2;
	_ =	strace s9  }
0x27: {  	s1 =	sld [smem:$0x3F99]  }
0x28: {  	s2 =	sld [smem:$0x3F9A]  }
0x29: {  	s4 =	sld [smem:$0x3F9C]  }
0x2a: {  	p0 =	seq.s32 s5, $0x0;
	s5 =	sld [smem:$0x3F9D]  }
0x2b: {  	s6 =	sld [smem:$0x3F9E]  }
0x2c: {  	s7 =	sld [smem:$0x3F9F]  }
0x2d: {  	s3 =	simm.s32 $0x108;
	s8 =	sld [smem:$0x3FA0]  }
0x2e: {  	s3 =	simm.s32 @!p0 $0x1082;
	s9 =	sld [smem:$0x3FA1]  }
0x2f: {  	lr =	sadd.s32 s0, s3;
	s0 =	sld [smem:$0x3F98]  }
0x30: {  	s3 =	sld [smem:$0x3F9B]  }
0x31: {  	[smem:$0x3FA4] =	sst s10  }
0x32: {  	s10 =	sld [smem:$0x3FA2];
	_ =	sdelay $0x3  }
0x33: {  	p0 =	seq.s32 s10, $0x1;
	s10 =	sld [smem:$0x3FA4];
	_ =	sdelay $0x3  }
0x34: {  	[smem:$0x3FA4] =	sst s10  }
0x35: {  	s10 =	sld [smem:$0x3FA3];
	_ =	sdelay $0x3  }
0x36: {  	p1 =	seq.s32 s10, $0x1;
	s10 =	sld [smem:$0x3FA4];
	_ =	sdelay $0x3  }
0x37: {  	[smem:$0x3FA4] =	sst s10  }
0x38: {  	s10 =	sld [smem:$0x3FA5]  }
0x39: {  	_ = 	snop;
	(pc) =	sbr.ind lr, $3  }
0x3a: {  	_ = 	snop  }
0x3b: {  	_ = 	snop  }
0x3c: {  	p2 =	seq.s32 s10, $0x1;
	s10 =	sld [smem:$0x3FA4]  }
0x3d: {  	_ =	shalt  }
0x3e: {  	_ =	shalt  }
0x3f: {  	_ =	shalt  }
0x40: {  	_ =	shalt  }
0x41: {  	_ =	shalt  }
0x42: {  	_ =	shalt  }
0x43: {  	_ =	shalt  }
0x44: {  	_ =	shalt  }
0x45: {  	_ =	shalt  }
0x46: {  	_ =	shalt  }
0x47: {  	_ =	shalt  }
0x48: {  	_ =	shalt  }
0x49: {  	_ =	shalt  }
0x4a: {  	_ =	shalt  }
0x4b: {  	_ =	shalt  }
0x4c: {  	_ =	shalt  }
0x4d: {  	_ =	shalt  }
0x4e: {  	_ =	shalt  }
0x4f: {  	_ =	shalt  }
0x50: {  	_ =	shalt  }
0x51: {  	_ =	shalt  }
0x52: {  	_ =	shalt  }
0x53: {  	_ =	shalt  }
0x54: {  	_ =	shalt  }
0x55: {  	_ =	shalt  }
0x56: {  	_ =	shalt  }
0x57: {  	_ =	shalt  }
0x58: {  	_ =	shalt  }
0x59: {  	_ =	shalt  }
0x5a: {  	_ =	shalt  }
0x5b: {  	_ =	shalt  }
0x5c: {  	_ =	shalt  }
0x5d: {  	_ =	shalt  }
0x5e: {  	_ =	shalt  }
0x5f: {  	_ =	shalt  }
0x60: {  	_ =	shalt  }
0x61: {  	_ =	shalt  }
0x62: {  	_ =	shalt  }
0x63: {  	_ =	shalt  }
0x64: {  	_ =	shalt  }
0x65: {  	_ =	shalt  }
0x66: {  	_ =	shalt  }
0x67: {  	_ =	shalt  }
0x68: {  	_ =	shalt  }
0x69: {  	_ =	shalt  }
0x6a: {  	_ =	shalt  }
0x6b: {  	_ =	shalt  }
0x6c: {  	_ =	shalt  }
0x6d: {  	_ =	shalt  }
0x6e: {  	_ =	shalt  }
0x6f: {  	_ =	shalt  }
0x70: {  	_ =	shalt  }
0x71: {  	_ =	shalt  }
0x72: {  	_ =	shalt  }
0x73: {  	_ =	shalt  }
0x74: {  	_ =	shalt  }
0x75: {  	_ =	shalt  }
0x76: {  	_ =	shalt  }
0x77: {  	_ =	shalt  }
0x78: {  	_ =	shalt  }
0x79: {  	_ =	shalt  }
0x7a: {  	_ =	shalt  }
0x7b: {  	_ =	shalt  }
0x7c: {  	_ =	shalt  }
0x7d: {  	_ =	shalt  }
0x7e: {  	_ =	shalt  }
0x7f: {  	_ =	shalt  }
0x80: {  	_ =	shalt  }
0x81: {  	_ =	shalt  }
0x82: {  	_ =	shalt  }
0x83: {  	_ =	shalt  }
0x84: {  	_ =	shalt  }
0x85: {  	_ =	shalt  }
0x86: {  	_ =	shalt  }
0x87: {  	_ =	shalt  }
.Lfunc_end0:
.L_simem_size_0:
called_computation.1_lowered:
.L_overlay_start_0:
0x88: {  	s2 =	sld [smem:$0x3FD9]  }
0x89: {  	s3 =	sld [smem:$0x3FFE];
	_ =	sdelay $0x1  }
0x8a: {  	s1 =	srdreg.scid  }
0x8b: {  	s0 =	sand.u32 $0x1, s1  }
0x8c: {  	s14 =	sshll.u32 s0, $0xA;
	s2 =	sadd.s32 s3, s2  }
0x8d: {  	s2 =	sadd.s32 s2, s14  }
0x8e: {  	[smem:$0x3FB0] =	sst s2  }
0x8f: {  	_ = 	snop  }
0x90: {  	s2 =	sld [smem:$0x3FD0];
	_ =	sdelay $0x2  }
0x91: {  	s15 =	simm.s32 $0xA;
	s4 =	simm.s32 $0x10  }
0x92: {  	[smem:s4], [sflag:s15] =	dma.local [hbm:s2], $0x1  }
0x93: {  	_ =	swait.eq [sflag:s15], $0x1  }
0x94: {  	[sflag:s15] =	ssyncset.done $0x0  }
0x95: {  	s16 =	sld [smem:$0x10];
	[sflag:s15] =	ssyncadd.s32 $0xFFFFFFFF  }
0x96: {  	s17 =	sld [smem:$0x11];
	(tm) =	ssettm $0x1  }
0x97: {  	s18 =	sld [smem:$0x3FFB];
	_ =	sdelay $0x3  }
0x98: {  	_ =	strace s18  }
0x99: {  	s4 =	sld [smem:$0x3FFC];
	_ =	sdelay $0x3  }
0x9a: {  	_ =	strace s4  }
0x9b: {  	s4 =	sld [smem:$0x3FFD];
	_ =	sdelay $0x3  }
0x9c: {  	_ =	strace s4  }
0x9d: {  	_ =	strace $0x8FFFFFFF  }
0x9e: {  	s19 =	sld [smem:$0x3FDB];
	_ =	sdelay $0x1  }
0x9f: {  	s5 =	simm.s32 $_scs_section_size  }
0xa0: {  	s6 =	simm.s32 $_size__tile_overlayer_lowered;
	s7 =	simm.s32 $_tile_overlayer_lowered  }
0xa1: {  	s22 =	simm.s32 $0x1BFF;
	s21 =	sshll.u32 s7, $0x1;
	s4 =	sadd.s32 s5, s19  }
0xa2: {  	s8 =	simm.s32 $0x0;
	s20 =	sshll.u32 s6, $0x1;
	s6 =	sadd.s32 s21, s4  }
0xa3: {  	[timem:s8], [sflag:s22] =	dma.local [hbm:s6], s20  }
0xa4: {  	_ =	swait.ge [sflag:s22], s20  }
0xa5: {  	s5 =	ssub.s32 $0x0, s20;
	[sflag:s22] =	ssyncset.done $0x0  }
0xa6: {  	[sflag:s22] =	ssyncadd.s32 s5;
	_ =	sdelay $0x1  }
0xa7: {  	s23 =	simm.s32 $0x1B8B  }
0xa8: {  	_ =	swait.ge [sflag:s23], $0x1  }
0xa9: {  	[sflag:s23] =	ssyncset.done $0x0  }
0xaa: {  	s25 =	simm.s32 $0x1B8E;
	s24 =	sld [smem:$0x3FFE];
	[sflag:s23] =	ssyncadd.s32 $0xFFFFFFFF  }
0xab: {  	s26 =	simm.s32 $execute0_lowered;
	[smem:$0x3FD2] =	sst s25  }
0xac: {  	s6 =	sshll.u32 s26, $0x1;
	_ =	strace $0x80000049;
	[dreg:$0x1] =	wrdreg $0xFFFFFFFF  }
0xad: {  	s28 =	simm.s32 $_size_execute0_lowered;
	s4 =	sadd.s32 s4, s6;
	[dreg:$0x0] =	wrdreg $0x0  }
0xae: {  	s6 =	sshll.u32 s28, $0x1;
	[dreg:$0x2] =	wrdreg s4  }
0xaf: {  	[dreg:$0x3] =	wrdreg s6  }
0xb0: {  	[dreg:$0x4] =	wrdreg $0xC0  }
0xb1: {  	_ =	task [dreg:s8], $0x5FFFF  }
0xb2: {  	[dreg:$0x1] =	wrdreg $0xFFFFFFFF  }
0xb3: {  	[dreg:$0x0] =	wrdreg $0x60  }
0xb4: {  	[dreg:$0x2] =	wrdreg s17  }
0xb5: {  	[dreg:$0x3] =	wrdreg s16  }
0xb6: {  	[dreg:$0x4] =	wrdreg s24  }
0xb7: {  	[dreg:$0x5] =	wrdreg $0x140400  }
0xb8: {  	[dreg:$0x6] =	wrdreg $0x9  }
0xb9: {  	_ =	task.clear_ibuf [dreg:s8], $0x7FFFF;
	_ =	strace $0x90000049  }
0xba: {  	s29 =	simm.s32 $0x9;
	_ =	strace $0x8000004B  }
0xbb: {  	_ =	swait.ge [sflag:s29], $0x1  }
0xbc: {  	[sflag:s29] =	ssyncadd.s32 $0xFFFFFFFF  }
0xbd: {  	_ =	strace $0x9000004B  }
0xbe: {  	_ =	sfence  }
0xbf: {  	s30 =	sld [smem:$0x0];
	_ =	sdelay $0x2  }
0xc0: {  	s31 =	sshll.u32 s1, $0xD;
	s1 =	sshrl.u32 s1, $0x2  }
0xc1: {  	s3 =	sand.u32 $0x4000, s31;
	s1 =	sadd.s32 s1, s30  }
0xc2: {  	s0 =	sor.u32 s3, s0;
	s1 =	sshll.u32 s1, $0x11  }
0xc3: {  	s0 =	sor.u32 s1, s0  }
0xc4: {  	s0 =	sadd.s32 $0x8F2B, s0  }
0xc5: {  	[sflag:s0] =	ssyncadd.remote.s32 $0x1  }
0xc6: {  	_ =	sfence.sel $0xFFFF  }
0xc7: {  	[dreg:$0x0] =	wrdreg $0xFFFFFFFF;
	(pc) =	sbr.abs _section_cstart, $3  }
0xc8: {  	[dreg:$0x1] =	wrdreg $0xFFFFFFFF  }
0xc9: {  	_ =	task.clear_ibuf [dreg:s8], $0x2FFFF;
	_ =	strace $0x9FFFFFFF  }
0xca: {  	(tm) =	ssettm $0x7FFFFFFF  }
0xcb: {  	_ =	shalt  }
tec
execute0_lowered:
.L_overlay_start_1:
0x0: {  	(tag) =	ssettag $0x1  }
0x1: {  	s0 =	rddreg [dreg:$0x0];
	s1 =	srdreg.scid  }
0x2: {  	s3 =	rddreg [dreg:$0x1];
	s6 =	sand.u32 $0x1, s1  }
0x3: {  	s1 =	stileid.u32;
	s7 =	smul.u32 $0x271000, s6  }
0x4: {  	s5 =	rddreg [dreg:$0x2];
	s8 =	smul.u32 $0x9C00, s1  }
0x5: {  	s2 =	rddreg [dreg:$0x3];
	s15 =	simm.s32 $0x0;
	s9 =	smul.u32 $0x27000, s1  }
0x6: {  	[smem:$0x7FF] =	sst s15;
	s14 =	ssub.s32 $0x2, s6;
	s10 =	smul.u32 $0x4EC00, s6  }
0x7: {  	s4 =	sadd.s32 $0x200E00, s5;
	s6 =	smul.u32 $0x9C40, s6;
	s16 =	sshrl.u32 s14, $0x1  }
0x8: {  	_ =	strace $0x8000004A;
	s7 =	sadd.s32 s8, s7;
	s8 =	ssub.s32 s14, s16  }
0x9: {  	s17 =	sshrl.u32 s9, $0x2;
	[dreg:$0x6] =	wrdreg s6;
	s7 =	sshrl.u32 s7, $0x3  }
0xa: {  	s18 =	smax.u32 s8, $0x1;
	s7 =	sadd.s32 s7, s5;
	s5 =	sadd.s32 s17, s2  }
0xb: {  	[dreg:$0x7] =	wrdreg s18;
	s19 =	sadd.s32 $0x400, s5  }
0xc: {  	s20 =	sadd.s32 $0x800, s5;
	[dreg:$0x8] =	wrdreg s19  }
0xd: {  	s21 =	sadd.s32 $0xC00, s5;
	[dreg:$0x9] =	wrdreg s20  }
0xe: {  	s22 =	sadd.s32 $0x1000, s5;
	[dreg:$0xa] =	wrdreg s21  }
0xf: {  	s23 =	sadd.s32 $0x1400, s5;
	[dreg:$0xb] =	wrdreg s22  }
0x10: {  	s24 =	sadd.s32 $0x1800, s5;
	[dreg:$0xc] =	wrdreg s23  }
0x11: {  	s25 =	sadd.s32 $0x1C00, s5;
	[dreg:$0xd] =	wrdreg s24  }
0x12: {  	s26 =	sadd.s32 $0x2000, s5;
	[dreg:$0xe] =	wrdreg s25  }
0x13: {  	s8 =	sadd.s32 $0x2400, s5;
	[dreg:$0xf] =	wrdreg s26  }
0x14: {  	s9 =	sadd.s32 $0x2800, s5;
	[dreg:$0x10] =	wrdreg s8  }
0x15: {  	s12 =	sadd.s32 $0x2C00, s5;
	[dreg:$0x11] =	wrdreg s9  }
0x16: {  	s14 =	sadd.s32 $0x3000, s5;
	[dreg:$0x12] =	wrdreg s12  }
0x17: {  	s16 =	sadd.s32 $0x3400, s5;
	[dreg:$0x13] =	wrdreg s14  }
0x18: {  	s11 =	smul.u32 $0x4EC0, s1;
	s17 =	sadd.s32 $0x3800, s5;
	[dreg:$0x14] =	wrdreg s16  }
0x19: {  	s18 =	sadd.s32 $0x3C00, s5;
	[dreg:$0x15] =	wrdreg s17  }
0x1a: {  	s13 =	sadd.s32 s11, s10;
	s10 =	sadd.s32 $0x6800, s5;
	[dreg:$0x16] =	wrdreg s18  }
0x1b: {  	s11 =	sadd.s32 $0x6C00, s5;
	[smem:$0x7F0] =	sst s10  }
0x1c: {  	s6 =	sshrl.u32 s13, $0x3;
	s13 =	sadd.s32 $0x7400, s5;
	[smem:$0x7F1] =	sst s11  }
0x1d: {  	s19 =	sadd.s32 $0x29D200, s7;
	[smem:$0x7F3] =	sst s13  }
0x1e: {  	s20 =	sadd.s32 $0x4000, s5;
	[dreg:$0x17] =	wrdreg s19  }
0x1f: {  	s21 =	sadd.s32 $0x4400, s5;
	[dreg:$0x18] =	wrdreg s20  }
0x20: {  	s24 =	sadd.s32 $0x4800, s5;
	[dreg:$0x19] =	wrdreg s21  }
0x21: {  	s25 =	sadd.s32 $0x4C00, s5;
	[dreg:$0x1a] =	wrdreg s24  }
0x22: {  	s26 =	sadd.s32 $0x5000, s5;
	[dreg:$0x1b] =	wrdreg s25  }
0x23: {  	s22 =	sadd.s32 s6, s3;
	s3 =	sadd.s32 $0x5400, s5;
	[dreg:$0x1c] =	wrdreg s26  }
0x24: {  	s23 =	sadd.s32 s6, s0;
	s6 =	sadd.s32 $0x5800, s5;
	[dreg:$0x1d] =	wrdreg s3  }
0x25: {  	s7 =	sadd.s32 $0x5C00, s5;
	[dreg:$0x1e] =	wrdreg s6  }
0x26: {  	s8 =	sadd.s32 $0x6000, s5;
	[dreg:$0x1f] =	wrdreg s7  }
0x27: {  	s28 =	simm.s32 $0x1;
	s9 =	sadd.s32 $0x6400, s5;
	[smem:$0x7EE] =	sst s8  }
0x28: {  	s29 =	simm.s32 $0x40;
	s12 =	sadd.s32 $0x7000, s5;
	[smem:$0x7EF] =	sst s9  }
0x29: {  	s30 =	simm.s32 $0xEC40;
	s14 =	sadd.s32 $0x7800, s5;
	[smem:$0x7F2] =	sst s12  }
0x2a: {  	s31 =	simm.s32 $0xFC40;
	s16 =	sadd.s32 $0x7C00, s5;
	[smem:$0x7F4] =	sst s14  }
0x2b: {  	s17 =	sadd.s32 $0x8000, s5;
	s18 =	sadd.s32 $0x8400, s5;
	[smem:$0x7F5] =	sst s16  }
0x2c: {  	s0 =	simm.s32 $0x10C40;
	s10 =	simm.s32 $0x7;
	[smem:$0x7F6] =	sst s17  }
0x2d: {  	s11 =	simm.s32 $0x5;
	[smem:$0x7F7] =	sst s18;
	s19 =	sadd.s32 $0x8800, s5  }
0x2e: {  	s13 =	simm.s32 $0x9;
	s20 =	sadd.s32 $0x8C00, s5;
	[smem:$0x7F8] =	sst s19  }
0x2f: {  	s21 =	sadd.s32 $0x9000, s5;
	s24 =	sadd.s32 $0x9400, s5;
	[smem:$0x7F9] =	sst s20  }
0x30: {  	s25 =	sadd.s32 $0x9800, s5;
	s26 =	sadd.s32 $0x9C00, s5;
	[smem:$0x7FA] =	sst s21  }
0x31: {  	s7 =	simm.s32 $0x11C40;
	s3 =	simm.s32 $0x12C40;
	[smem:$0x7FB] =	sst s24  }
0x32: {  	s6 =	simm.s32 $0x3;
	s8 =	simm.s32 $0x6;
	[smem:$0x7FC] =	sst s25  }
0x33: {  	s12 =	simm.s32 $0x8;
	s14 =	simm.s32 $0xA;
	[smem:$0x7FD] =	sst s26  }
0x34: {  	v0 =	vimm.f32 $0.0e+00;
	s24 =	simm.s32 $0xB;
	s26 =	simm.s32 $0x13C40;
	s25 =	simm.s32 $0x2  }
.LBB2_1:
0x35: {  	[dreg:$0x5] =	wrdreg s15;
	s15 =	simm.s32 $0x0;
	s16 =	simm.s32 $0x0  }
.LBB2_2:
0x36: {  	p0 =	sne.s32 s16, $0xFC0  }
.Ltmp0:
0x37: {  	_ = 	snop;
	(pc) =	sbr.rel @p0 .LBB2_2-.Ltmp0, $4  }
0x38: {  	s17 =	sand.u32 $0xF00, s16  }
0x39: {  	s18 =	sand.u32 $0x30, s15;
	s17 =	sshrl.u32 s17, $0x2  }
0x3a: {  	s17 =	sor.u32 s18, s17  }
0x3b: {  	s15 =	sadd.s32 $0x10, s15;
	s16 =	sadd.s32 $0x40, s16;
	[tilespmem:s17+$0x13C40] =	vst v0  }
0x3c: {  	s15 =	simm.s32 $0x0;
	s16 =	sadd.s32 $0x0, s23  }
0x3d: {  	[tilespmem:s15], [sflag:$0xB] =	stream.linear.gather [hbm4b:s16+s15], $0x540, $0x38;
	[tilespmem:$0x1DCA0] =	vst v63  }
0x3e: {  	_ =	swait.ge [sflag:s24], $0x540  }
0x3f: {  	[sflag:s24] =	ssyncset.done $0x0  }
0x40: {  	s21 =	simm.s32 $0x4EC0;
	s17 =	sadd.s32 $0x0, s22;
	[sflag:s24] =	ssyncadd.s32 $0xFFFFFAC0  }
0x41: {  	[tilespmem:s21], [sflag:$0xB] =	stream.linear.gather [hbm4b:s17+s15], $0x540, $0x38;
	[tilespmem:$0x1DCA0] =	vst v63  }
0x42: {  	s19 =	simm.s32 $0x150;
	s18 =	simm.s32 $0x540;
	_ =	swait.ge [sflag:s24], $0x540  }
0x43: {  	s16 =	simm.s32 $0xA8;
	s17 =	simm.s32 $0x5400;
	[sflag:s24] =	ssyncset.done $0x0  }
.LBB2_4:
0x44: {  	s20 =	sadd.s32 s16, s23  }
0x45: {  	[sflag:s24] =	ssyncadd.s32 $0xFFFFFAC0;
	s21 =	smov.u32 s19;
	s9 =	sadd.s32 $0xA8, s19  }
0x46: {  	[tilespmem:s18], [sflag:$0xB] =	stream.linear.gather [hbm4b:s20+s15], $0x540, $0x38;
	[tilespmem:$0x1DCA0] =	vst v63  }
0x47: {  	p0 =	sne.s32 s19, $0x930;
	_ =	swait.ge [sflag:s24], $0x540  }
.Ltmp1:
0x48: {  	[sflag:s24] =	ssyncset.done $0x0;
	(pc) =	sbr.rel @p0 .LBB2_4-.Ltmp1, $4  }
0x49: {  	s19 =	sadd.s32 s16, s22;
	s16 =	smov.u32 s21;
	[sflag:s24] =	ssyncadd.s32 $0xFFFFFAC0  }
0x4a: {  	[tilespmem:s17], [sflag:$0xB] =	stream.linear.gather [hbm4b:s19+s15], $0x540, $0x38;
	[tilespmem:$0x1DCA0] =	vst v63  }
0x4b: {  	s18 =	sadd.s32 $0x540, s18;
	_ =	swait.ge [sflag:s24], $0x540  }
0x4c: {  	s17 =	sadd.s32 $0x540, s17;
	s19 =	smov.u32 s9;
	[sflag:s24] =	ssyncset.done $0x0  }
0x4d: {  	s9 =	sadd.s32 s16, s23;
	[sflag:s24] =	ssyncadd.s32 $0xFFFFFAC0  }
0x4e: {  	[tilespmem:s18], [sflag:$0xB] =	stream.linear.gather [hbm4b:s9+s15], $0x540, $0x38;
	[tilespmem:$0x1DCA0] =	vst v63  }
0x4f: {  	_ =	swait.ge [sflag:s24], $0x540  }
0x50: {  	[sflag:s24] =	ssyncset.done $0x0  }
0x51: {  	s21 =	sadd.s32 s16, s22;
	[sflag:s24] =	ssyncadd.s32 $0xFFFFFAC0  }
0x52: {  	[tilespmem:s17], [sflag:$0xB] =	stream.linear.gather [hbm4b:s21+s15], $0x540, $0x38;
	[tilespmem:$0x1DCA0] =	vst v63  }
0x53: {  	_ =	swait.ge [sflag:s24], $0x540  }
0x54: {  	[sflag:s24] =	ssyncset.done $0x0  }
0x55: {  	s16 =	rddreg [dreg:$0x17];
	[sflag:s24] =	ssyncadd.s32 $0xFFFFFAC0  }
.LBB2_6:
0x56: {  	[spmem:s5] =	stream.linear.scatter [tilespmem:s26], [sflag:$0x1], $0x400, $0x38;
	[tilespmem:$0x1DCA0] =	vst v63  }
0x57: {  	s9 =	rddreg [dreg:$0x8]  }
0x58: {  	s19 =	rddreg [dreg:$0x9]  }
0x59: {  	[spmem:s9] =	stream.linear.scatter [tilespmem:s26], [sflag:$0x1], $0x400, $0x38;
	[tilespmem:$0x1DCA0] =	vst v63  }
0x5a: {  	s20 =	rddreg [dreg:$0xa]  }
0x5b: {  	[spmem:s19] =	stream.linear.scatter [tilespmem:s26], [sflag:$0x1], $0x400, $0x38;
	[tilespmem:$0x1DCA0] =	vst v63  }
0x5c: {  	s21 =	rddreg [dreg:$0xb]  }
0x5d: {  	[spmem:s20] =	stream.linear.scatter [tilespmem:s26], [sflag:$0x1], $0x400, $0x38;
	[tilespmem:$0x1DCA0] =	vst v63  }
0x5e: {  	s17 =	rddreg [dreg:$0xc]  }
0x5f: {  	[spmem:s21] =	stream.linear.scatter [tilespmem:s26], [sflag:$0x1], $0x400, $0x38;
	[tilespmem:$0x1DCA0] =	vst v63  }
0x60: {  	s18 =	rddreg [dreg:$0xd]  }
0x61: {  	[spmem:s17] =	stream.linear.scatter [tilespmem:s26], [sflag:$0x1], $0x400, $0x38;
	[tilespmem:$0x1DCA0] =	vst v63  }
0x62: {  	s19 =	rddreg [dreg:$0xe]  }
0x63: {  	[spmem:s18] =	stream.linear.scatter [tilespmem:s26], [sflag:$0x1], $0x400, $0x38;
	[tilespmem:$0x1DCA0] =	vst v63  }
0x64: {  	s20 =	rddreg [dreg:$0xf]  }
0x65: {  	[spmem:s19] =	stream.linear.scatter [tilespmem:s26], [sflag:$0x1], $0x400, $0x38;
	[tilespmem:$0x1DCA0] =	vst v63  }
0x66: {  	s21 =	rddreg [dreg:$0x10]  }
0x67: {  	[spmem:s20] =	stream.linear.scatter [tilespmem:s26], [sflag:$0x1], $0x400, $0x38;
	[tilespmem:$0x1DCA0] =	vst v63  }
0x68: {  	s17 =	rddreg [dreg:$0x11]  }
0x69: {  	[spmem:s21] =	stream.linear.scatter [tilespmem:s26], [sflag:$0x1], $0x400, $0x38;
	[tilespmem:$0x1DCA0] =	vst v63  }
0x6a: {  	s18 =	rddreg [dreg:$0x12]  }
0x6b: {  	[spmem:s17] =	stream.linear.scatter [tilespmem:s26], [sflag:$0x1], $0x400, $0x38;
	[tilespmem:$0x1DCA0] =	vst v63  }
0x6c: {  	s19 =	rddreg [dreg:$0x13]  }
0x6d: {  	[spmem:s18] =	stream.linear.scatter [tilespmem:s26], [sflag:$0x1], $0x400, $0x38;
	[tilespmem:$0x1DCA0] =	vst v63  }
0x6e: {  	s20 =	rddreg [dreg:$0x14]  }
0x6f: {  	[spmem:s19] =	stream.linear.scatter [tilespmem:s26], [sflag:$0x1], $0x400, $0x38;
	[tilespmem:$0x1DCA0] =	vst v63  }
0x70: {  	s21 =	rddreg [dreg:$0x15]  }
0x71: {  	[spmem:s20] =	stream.linear.scatter [tilespmem:s26], [sflag:$0x1], $0x400, $0x38;
	[tilespmem:$0x1DCA0] =	vst v63  }
0x72: {  	s17 =	rddreg [dreg:$0x16]  }
0x73: {  	[spmem:s21] =	stream.linear.scatter [tilespmem:s26], [sflag:$0x1], $0x400, $0x38;
	[tilespmem:$0x1DCA0] =	vst v63  }
0x74: {  	s18 =	rddreg [dreg:$0x18]  }
0x75: {  	[spmem:s17] =	stream.linear.scatter [tilespmem:s26], [sflag:$0x1], $0x400, $0x38;
	[tilespmem:$0x1DCA0] =	vst v63  }
0x76: {  	s19 =	rddreg [dreg:$0x19]  }
0x77: {  	[spmem:s18] =	stream.linear.scatter [tilespmem:s26], [sflag:$0x1], $0x400, $0x38;
	[tilespmem:$0x1DCA0] =	vst v63  }
0x78: {  	s20 =	rddreg [dreg:$0x1a]  }
0x79: {  	[spmem:s19] =	stream.linear.scatter [tilespmem:s26], [sflag:$0x1], $0x400, $0x38;
	[tilespmem:$0x1DCA0] =	vst v63  }
0x7a: {  	s21 =	rddreg [dreg:$0x1b]  }
0x7b: {  	[spmem:s20] =	stream.linear.scatter [tilespmem:s26], [sflag:$0x1], $0x400, $0x38;
	[tilespmem:$0x1DCA0] =	vst v63  }
0x7c: {  	s17 =	rddreg [dreg:$0x1c]  }
0x7d: {  	[spmem:s21] =	stream.linear.scatter [tilespmem:s26], [sflag:$0x1], $0x400, $0x38;
	[tilespmem:$0x1DCA0] =	vst v63  }
0x7e: {  	s18 =	rddreg [dreg:$0x1d]  }
0x7f: {  	[spmem:s17] =	stream.linear.scatter [tilespmem:s26], [sflag:$0x1], $0x400, $0x38;
	[tilespmem:$0x1DCA0] =	vst v63  }
0x80: {  	s19 =	rddreg [dreg:$0x1e]  }
0x81: {  	[spmem:s18] =	stream.linear.scatter [tilespmem:s26], [sflag:$0x1], $0x400, $0x38;
	[tilespmem:$0x1DCA0] =	vst v63  }
0x82: {  	s20 =	rddreg [dreg:$0x1f]  }
0x83: {  	[spmem:s19] =	stream.linear.scatter [tilespmem:s26], [sflag:$0x1], $0x400, $0x38;
	[tilespmem:$0x1DCA0] =	vst v63  }
0x84: {  	s21 =	sld [smem:$0x7EE]  }
0x85: {  	[spmem:s20] =	stream.linear.scatter [tilespmem:s26], [sflag:$0x1], $0x400, $0x38;
	[tilespmem:$0x1DCA0] =	vst v63  }
0x86: {  	s17 =	sld [smem:$0x7EF]  }
0x87: {  	[spmem:s21] =	stream.linear.scatter [tilespmem:s26], [sflag:$0x1], $0x400, $0x38;
	[tilespmem:$0x1DCA0] =	vst v63  }
0x88: {  	s18 =	sld [smem:$0x7F0]  }
0x89: {  	[spmem:s17] =	stream.linear.scatter [tilespmem:s26], [sflag:$0x1], $0x400, $0x38;
	[tilespmem:$0x1DCA0] =	vst v63  }
0x8a: {  	s19 =	sld [smem:$0x7F1]  }
0x8b: {  	[spmem:s18] =	stream.linear.scatter [tilespmem:s26], [sflag:$0x1], $0x400, $0x38;
	[tilespmem:$0x1DCA0] =	vst v63  }
0x8c: {  	s20 =	sld [smem:$0x7F2]  }
0x8d: {  	[spmem:s19] =	stream.linear.scatter [tilespmem:s26], [sflag:$0x1], $0x400, $0x38;
	[tilespmem:$0x1DCA0] =	vst v63  }
0x8e: {  	s21 =	sld [smem:$0x7F3]  }
0x8f: {  	[spmem:s20] =	stream.linear.scatter [tilespmem:s26], [sflag:$0x1], $0x400, $0x38;
	[tilespmem:$0x1DCA0] =	vst v63  }
0x90: {  	s17 =	sld [smem:$0x7F4]  }
0x91: {  	[spmem:s21] =	stream.linear.scatter [tilespmem:s26], [sflag:$0x1], $0x400, $0x38;
	[tilespmem:$0x1DCA0] =	vst v63  }
0x92: {  	s18 =	sld [smem:$0x7F5]  }
0x93: {  	[spmem:s17] =	stream.linear.scatter [tilespmem:s26], [sflag:$0x1], $0x400, $0x38;
	[tilespmem:$0x1DCA0] =	vst v63  }
0x94: {  	s19 =	sld [smem:$0x7F6]  }
0x95: {  	[spmem:s18] =	stream.linear.scatter [tilespmem:s26], [sflag:$0x1], $0x400, $0x38;
	[tilespmem:$0x1DCA0] =	vst v63  }
0x96: {  	s20 =	sld [smem:$0x7F7]  }
0x97: {  	[spmem:s19] =	stream.linear.scatter [tilespmem:s26], [sflag:$0x1], $0x400, $0x38;
	[tilespmem:$0x1DCA0] =	vst v63  }
0x98: {  	s21 =	sld [smem:$0x7F8]  }
0x99: {  	[spmem:s20] =	stream.linear.scatter [tilespmem:s26], [sflag:$0x1], $0x400, $0x38;
	[tilespmem:$0x1DCA0] =	vst v63  }
0x9a: {  	s17 =	sld [smem:$0x7F9]  }
0x9b: {  	[spmem:s21] =	stream.linear.scatter [tilespmem:s26], [sflag:$0x1], $0x400, $0x38;
	[tilespmem:$0x1DCA0] =	vst v63  }
0x9c: {  	s18 =	sld [smem:$0x7FA]  }
0x9d: {  	[spmem:s17] =	stream.linear.scatter [tilespmem:s26], [sflag:$0x1], $0x400, $0x38;
	[tilespmem:$0x1DCA0] =	vst v63  }
0x9e: {  	s19 =	sld [smem:$0x7FB]  }
0x9f: {  	[spmem:s18] =	stream.linear.scatter [tilespmem:s26], [sflag:$0x1], $0x400, $0x38;
	[tilespmem:$0x1DCA0] =	vst v63  }
0xa0: {  	s20 =	sld [smem:$0x7FC]  }
0xa1: {  	[spmem:s19] =	stream.linear.scatter [tilespmem:s26], [sflag:$0x1], $0x400, $0x38;
	[tilespmem:$0x1DCA0] =	vst v63  }
0xa2: {  	s21 =	sld [smem:$0x7FD]  }
0xa3: {  	[spmem:s20] =	stream.linear.scatter [tilespmem:s26], [sflag:$0x1], $0x400, $0x38;
	[tilespmem:$0x1DCA0] =	vst v63  }
0xa4: {  	_ = 	snop  }
0xa5: {  	[spmem:s21] =	stream.linear.scatter [tilespmem:s26], [sflag:$0x1], $0x400, $0x38;
	[tilespmem:$0x1DCA0] =	vst v63  }
0xa6: {  	_ =	swait.ge [sflag:s28], $0x400  }
0xa7: {  	s17 =	simm.s32 $0x27;
	[sflag:s28] =	ssyncset.done $0x0  }
.LBB2_7:
0xa8: {  	p0 =	sne.s32 s17, $0x1;
	s17 =	sadd.s32 $0xFFFFFFFF, s17;
	[sflag:s28] =	ssyncadd.s32 $0xFFFFFC00  }
.Ltmp2:
0xa9: {  	(pc) =	sbr.rel @p0 .LBB2_7-.Ltmp2, $3  }
0xaa: {  	_ =	sdelay $0x1  }
0xab: {  	_ =	swait.ge [sflag:s28], $0x400  }
0xac: {  	[sflag:s28] =	ssyncset.done $0x0  }
0xad: {  	[sflag:s28] =	ssyncadd.s32 $0xFFFFFC00  }
0xae: {  	[bflag:$0x0] =	sbarrier.arrive $0xFFFF  }
0xaf: {  	s17 =	simm.s32 $0x0;
	s9 =	rddreg [dreg:$0x6]  }
0xb0: {  	v2 =	vld [tilespmem:s17+$0x0];
	s9 =	sadd.s32 s9, s15  }
0xb1: {  	s18 =	simm.s32 $0x40;
	v1 =	vmov s9  }
.LBB2_9:
0xb2: {  	p0 =	sne.s32 s18, $0x13AC0  }
.Ltmp3:
0xb3: {  	_ = 	snop;
	(pc) =	sbr.rel @p0 .LBB2_9-.Ltmp3, $4  }
0xb4: {  	_ = 	snop  }
0xb5: {  	s9 =	sshra.s32 s18, $0x2;
	s18 =	sadd.s32 $0x40, s18;
	v3 =	vshll.u32 v2, $0x2  }
0xb6: {  	v2 =	vld [tilespmem:s9+$0x0];
	v3 =	vadd.s32 v1, v3  }
0xb7: {  	[tilespmem:s17+$0x9D80] =	vst v3;
	s17 =	smov.u32 s9  }
0xb8: {  	_ =	sdelay $0x2  }
0xb9: {  	v2 =	vshll.u32 v2, $0x2  }
0xba: {  	v1 =	vadd.s32 v1, v2  }
0xbb: {  	s9 =	simm.s32 $0x9D80;
	[tilespmem:s17+$0x9D80] =	vst v1  }
0xbc: {  	[tilespmem:s30], [sflag:$0x1] =	stream.indirect.gather [hbm4b:s4+s29], $0x40, s9, s29, $0xb8;
	[tilespmem:$0x1DCA0] =	vst v63  }
0xbd: {  	s19 =	simm.s32 $0x9DC0  }
0xbe: {  	[tilespmem:s31], [sflag:$0x2] =	stream.indirect.gather [hbm4b:s4+s29], $0x40, s19, s29, $0xb8;
	[tilespmem:$0x1DCA0] =	vst v63  }
0xbf: {  	s20 =	simm.s32 $0x9E00  }
0xc0: {  	[tilespmem:s0], [sflag:$0x3] =	stream.indirect.gather [hbm4b:s4+s29], $0x40, s20, s29, $0xb8;
	[tilespmem:$0x1DCA0] =	vst v63  }
0xc1: {  	_ =	swait.ge [sflag:s28], $0x1000  }
0xc2: {  	[sflag:s28] =	ssyncset.done $0x0  }
0xc3: {  	s21 =	simm.s32 $0x4EC0;
	[sflag:s28] =	ssyncadd.s32 $0xFFFFF000  }
0xc4: {  	[spmem:s2] =	stream.indirect.scatter.add.f32 [tilespmem:s30], [sflag:$0x6], $0x40, s21, s29, $0xb8;
	[tilespmem:$0x1DCA0] =	vst v63  }
0xc5: {  	s17 =	simm.s32 $0x9E40  }
0xc6: {  	[tilespmem:s7], [sflag:$0x4] =	stream.indirect.gather [hbm4b:s4+s29], $0x40, s17, s29, $0xb8;
	[tilespmem:$0x1DCA0] =	vst v63  }
0xc7: {  	_ =	swait.ge [sflag:s25], $0x1000  }
0xc8: {  	[sflag:s25] =	ssyncset.done $0x0  }
0xc9: {  	s18 =	simm.s32 $0x4F00;
	[sflag:s25] =	ssyncadd.s32 $0xFFFFF000  }
0xca: {  	[spmem:s2] =	stream.indirect.scatter.add.f32 [tilespmem:s31], [sflag:$0x7], $0x40, s18, s29, $0xb8;
	[tilespmem:$0x1DCA0] =	vst v63  }
0xcb: {  	s19 =	simm.s32 $0x9E80  }
0xcc: {  	[tilespmem:s3], [sflag:$0x5] =	stream.indirect.gather [hbm4b:s4+s29], $0x40, s19, s29, $0xb8;
	[tilespmem:$0x1DCA0] =	vst v63  }
0xcd: {  	_ =	swait.ge [sflag:s6], $0x1000  }
0xce: {  	[sflag:s6] =	ssyncset.done $0x0  }
0xcf: {  	s20 =	simm.s32 $0x4F40;
	[sflag:s6] =	ssyncadd.s32 $0xFFFFF000  }
0xd0: {  	[spmem:s2] =	stream.indirect.scatter.add.f32 [tilespmem:s0], [sflag:$0x8], $0x40, s20, s29, $0xb8;
	[tilespmem:$0x1DCA0] =	vst v63  }
0xd1: {  	_ =	swait.ge [sflag:s8], $0x1000  }
0xd2: {  	[sflag:s8] =	ssyncset.done $0x0  }
0xd3: {  	s21 =	simm.s32 $0x9EC0;
	s17 =	simm.s32 $0x4;
	[sflag:s8] =	ssyncadd.s32 $0xFFFFF000  }
0xd4: {  	[tilespmem:s30], [sflag:$0x1] =	stream.indirect.gather [hbm4b:s4+s29], $0x40, s21, s29, $0xb8;
	[tilespmem:$0x1DCA0] =	vst v63  }
0xd5: {  	_ =	swait.ge [sflag:s17], $0x1000  }
0xd6: {  	[sflag:s17] =	ssyncset.done $0x0  }
0xd7: {  	s18 =	simm.s32 $0x4F80;
	[sflag:s17] =	ssyncadd.s32 $0xFFFFF000  }
0xd8: {  	[spmem:s2] =	stream.indirect.scatter.add.f32 [tilespmem:s7], [sflag:$0x9], $0x40, s18, s29, $0xb8;
	[tilespmem:$0x1DCA0] =	vst v63  }
0xd9: {  	_ =	swait.ge [sflag:s10], $0x1000  }
0xda: {  	[sflag:s10] =	ssyncset.done $0x0  }
0xdb: {  	s19 =	simm.s32 $0x9F00;
	[sflag:s10] =	ssyncadd.s32 $0xFFFFF000  }
0xdc: {  	[tilespmem:s31], [sflag:$0x2] =	stream.indirect.gather [hbm4b:s4+s29], $0x40, s19, s29, $0xb8;
	[tilespmem:$0x1DCA0] =	vst v63  }
0xdd: {  	_ =	swait.ge [sflag:s11], $0x1000  }
0xde: {  	[sflag:s11] =	ssyncset.done $0x0  }
0xdf: {  	s20 =	simm.s32 $0x4FC0;
	[sflag:s11] =	ssyncadd.s32 $0xFFFFF000  }
0xe0: {  	[spmem:s2] =	stream.indirect.scatter.add.f32 [tilespmem:s3], [sflag:$0xA], $0x40, s20, s29, $0xb8;
	[tilespmem:$0x1DCA0] =	vst v63  }
0xe1: {  	_ =	swait.ge [sflag:s12], $0x1000  }
0xe2: {  	[sflag:s12] =	ssyncset.done $0x0  }
0xe3: {  	s21 =	simm.s32 $0x9F40;
	s17 =	simm.s32 $0x0;
	[sflag:s12] =	ssyncadd.s32 $0xFFFFF000  }
0xe4: {  	[tilespmem:s0], [sflag:$0x3] =	stream.indirect.gather [hbm4b:s4+s29], $0x40, s21, s29, $0xb8;
	[tilespmem:$0x1DCA0] =	vst v63  }
.LBB2_11:
0xe5: {  	_ =	swait.ge [sflag:s28], $0x1000  }
0xe6: {  	s18 =	sshra.s32 s17, $0x2;
	[sflag:s28] =	ssyncset.done $0x0  }
0xe7: {  	s9 =	sadd.s32 $0x5000, s18;
	[sflag:s28] =	ssyncadd.s32 $0xFFFFF000  }
0xe8: {  	[spmem:s2] =	stream.indirect.scatter.add.f32 [tilespmem:s30], [sflag:$0x6], $0x40, s9, s29, $0xb8;
	[tilespmem:$0x1DCA0] =	vst v63  }
0xe9: {  	_ =	swait.ge [sflag:s13], $0x1000  }
0xea: {  	[sflag:s13] =	ssyncset.done $0x0  }
0xeb: {  	s20 =	sadd.s32 $0x9F80, s18;
	[sflag:s13] =	ssyncadd.s32 $0xFFFFF000  }
0xec: {  	[tilespmem:s7], [sflag:$0x4] =	stream.indirect.gather [hbm4b:s4+s29], $0x40, s20, s29, $0xb8;
	[tilespmem:$0x1DCA0] =	vst v63  }
0xed: {  	_ =	swait.ge [sflag:s25], $0x1000  }
0xee: {  	[sflag:s25] =	ssyncset.done $0x0  }
0xef: {  	s21 =	sadd.s32 $0x5040, s18;
	[sflag:s25] =	ssyncadd.s32 $0xFFFFF000  }
0xf0: {  	[spmem:s2] =	stream.indirect.scatter.add.f32 [tilespmem:s31], [sflag:$0x7], $0x40, s21, s29, $0xb8;
	[tilespmem:$0x1DCA0] =	vst v63  }
0xf1: {  	_ =	swait.ge [sflag:s14], $0x1000  }
0xf2: {  	[sflag:s14] =	ssyncset.done $0x0  }
0xf3: {  	s19 =	sadd.s32 $0x9FC0, s18;
	[sflag:s14] =	ssyncadd.s32 $0xFFFFF000  }
0xf4: {  	[tilespmem:s3], [sflag:$0x5] =	stream.indirect.gather [hbm4b:s4+s29], $0x40, s19, s29, $0xb8;
	[tilespmem:$0x1DCA0] =	vst v63  }
0xf5: {  	_ =	swait.ge [sflag:s6], $0x1000  }
0xf6: {  	[sflag:s6] =	ssyncset.done $0x0  }
0xf7: {  	s20 =	sadd.s32 $0x5080, s18;
	[sflag:s6] =	ssyncadd.s32 $0xFFFFF000  }
0xf8: {  	[spmem:s2] =	stream.indirect.scatter.add.f32 [tilespmem:s0], [sflag:$0x8], $0x40, s20, s29, $0xb8;
	[tilespmem:$0x1DCA0] =	vst v63  }
0xf9: {  	_ =	swait.ge [sflag:s8], $0x1000  }
0xfa: {  	p0 =	seq.s32 s17, $0x13100;
	[sflag:s8] =	ssyncset.done $0x0  }
0xfb: {  	s9 =	simm.s32 @p0 $0x4;
	[sflag:s8] =	ssyncadd.s32 $0xFFFFF000  }
0xfc: {  	_ =	swait.ge @p0 [sflag:s9], $0x1000  }
0xfd: {  	[sflag:s9] =	ssyncset.done @p0 $0x0  }
0xfe: {  	[sflag:s9] =	ssyncadd.s32 @p0 $0xFFFFF000;
	s9 =	sshra.s32 @p0 s17, $0x2  }
0xff: {  	s19 =	simm.s32 @p0 $0x40;
	s20 =	simm.s32 @p0 $0x11C40;
	s9 =	sadd.s32 @p0 $0x50C0, s9  }
0x100: {  	[spmem:s2] =	stream.indirect.scatter.add.f32 @p0 [tilespmem:s20], [sflag:$0x9], $0x40, s9, s19, $0xb8;
	[tilespmem:$0x1DCA0] =	vst v63  }
0x101: {  	s9 =	simm.s32 @p0 $0x7  }
0x102: {  	_ =	swait.ge @p0 [sflag:s9], $0x1000  }
0x103: {  	[sflag:s9] =	ssyncset.done @p0 $0x0  }
0x104: {  	[sflag:s9] =	ssyncadd.s32 @p0 $0xFFFFF000;
	s9 =	sshra.s32 @!p0 s17, $0x2  }
0x105: {  	s21 =	simm.s32 @!p0 $0xEC40;
	s20 =	simm.s32 @!p0 $0x40;
	s19 =	sadd.s32 @!p0 $0xA000, s9  }
0x106: {  	[tilespmem:s21], [sflag:$0x1] =	stream.indirect.gather @!p0 [hbm4b:s4+s20], $0x40, s19, s20, $0xb8;
	[tilespmem:$0x1DCA0] =	vst v63  }
0x107: {  	s19 =	simm.s32 @!p0 $0x4  }
0x108: {  	_ =	swait.ge @!p0 [sflag:s19], $0x1000  }
0x109: {  	[sflag:s19] =	ssyncset.done @!p0 $0x0  }
0x10a: {  	s21 =	simm.s32 @!p0 $0x11C40;
	[sflag:s19] =	ssyncadd.s32 @!p0 $0xFFFFF000;
	s19 =	sadd.s32 @!p0 $0x50C0, s9  }
0x10b: {  	[spmem:s2] =	stream.indirect.scatter.add.f32 @!p0 [tilespmem:s21], [sflag:$0x9], $0x40, s19, s20, $0xb8;
	[tilespmem:$0x1DCA0] =	vst v63  }
0x10c: {  	s19 =	simm.s32 @!p0 $0x7  }
0x10d: {  	_ =	swait.ge @!p0 [sflag:s19], $0x1000  }
0x10e: {  	[sflag:s19] =	ssyncset.done @!p0 $0x0  }
0x10f: {  	s9 =	sadd.s32 @!p0 $0xA040, s9;
	[sflag:s19] =	ssyncadd.s32 @!p0 $0xFFFFF000;
	s19 =	simm.s32 @!p0 $0xFC40  }
0x110: {  	[tilespmem:s19], [sflag:$0x2] =	stream.indirect.gather @!p0 [hbm4b:s4+s20], $0x40, s9, s20, $0xb8;
	[tilespmem:$0x1DCA0] =	vst v63  }
0x111: {  	_ =	swait.ge [sflag:s11], $0x1000  }
0x112: {  	[sflag:s11] =	ssyncset.done $0x0  }
.Ltmp4:
0x113: {  	s21 =	sadd.s32 $0x5100, s18;
	[sflag:s11] =	ssyncadd.s32 $0xFFFFF000;
	(pc) =	sbr.rel @p0 .LBB2_13-.Ltmp4, $4  }
0x114: {  	[spmem:s2] =	stream.indirect.scatter.add.f32 [tilespmem:s3], [sflag:$0xA], $0x40, s21, s29, $0xb8;
	[tilespmem:$0x1DCA0] =	vst v63  }
0x115: {  	_ =	swait.ge [sflag:s12], $0x1000  }
0x116: {  	[sflag:s12] =	ssyncset.done $0x0  }
0x117: {  	[sflag:s12] =	ssyncadd.s32 $0xFFFFF000  }
.Ltmp5:
0x118: {  	(pc) =	sbr.rel .LBB2_11-.Ltmp5, $3  }
0x119: {  	_ =	sdelay $0x1  }
0x11a: {  	s9 =	sadd.s32 $0xA080, s18;
	s17 =	sadd.s32 $0x500, s17  }
0x11b: {  	[tilespmem:s0], [sflag:$0x3] =	stream.indirect.gather [hbm4b:s4+s29], $0x40, s9, s29, $0xb8;
	[tilespmem:$0x1DCA0] =	vst v63  }
.LBB2_13:
0x11c: {  	_ =	swait.ge [sflag:s13], $0x1000  }
0x11d: {  	[sflag:s13] =	ssyncset.done $0x0  }
0x11e: {  	[sflag:s13] =	ssyncadd.s32 $0xFFFFF000  }
0x11f: {  	_ =	swait.ge [sflag:s14], $0x1000  }
0x120: {  	[sflag:s14] =	ssyncset.done $0x0  }
0x121: {  	[sflag:s14] =	ssyncadd.s32 $0xFFFFF000  }
0x122: {  	s17 =	simm.s32 $0x0;
	s18 =	smov.u32 s5;
	[bflag:$0x0] =	sbarrier.arrive $0xFFFF  }
.LBB2_14:
0x123: {  	p0 =	sne.s32 s17, $0x1380  }
.Ltmp6:
0x124: {  	_ = 	snop;
	(pc) =	sbr.rel @p0 .LBB2_14-.Ltmp6, $4  }
0x125: {  	_ = 	snop  }
0x126: {  	s9 =	sshll.u32 s1, $0x6;
	s19 =	sadd.s32 s17, s16;
	s20 =	sshrl.u32 s18, $0x3  }
0x127: {  	s18 =	sadd.s32 $0x400, s18;
	s17 =	sadd.s32 $0x80, s17;
	s9 =	sor.u32 $0x1C01, s9  }
0x128: {  	[hbm:s19], [sflag:s9] =	dma.local [spmem:s20], $0x80  }
0x129: {  	_ =	swait.ge [sflag:s28], $0x80  }
0x12a: {  	s17 =	simm.s32 $0x27;
	[sflag:s28] =	ssyncset.done $0x0  }
.LBB2_16:
0x12b: {  	p0 =	sne.s32 s17, $0x1;
	s17 =	sadd.s32 $0xFFFFFFFF, s17;
	[sflag:s28] =	ssyncadd.s32 $0xFFFFFF80  }
.Ltmp7:
0x12c: {  	(pc) =	sbr.rel @p0 .LBB2_16-.Ltmp7, $3  }
0x12d: {  	_ =	sdelay $0x1  }
0x12e: {  	_ =	swait.ge [sflag:s28], $0x80  }
0x12f: {  	[sflag:s28] =	ssyncset.done $0x0  }
0x130: {  	s15 =	sadd.s32 $0x1, s15  }
0x131: {  	p0 =	sne.s32 s15, $0x4  }
.Ltmp8:
0x132: {  	_ = 	snop;
	(pc) =	sbr.rel @p0 .LBB2_6-.Ltmp8, $4  }
0x133: {  	_ = 	snop  }
0x134: {  	[sflag:s28] =	ssyncadd.s32 $0xFFFFFF80  }
0x135: {  	[bflag:$0x0] =	sbarrier.arrive $0xFFFF  }
0x136: {  	s16 =	sadd.s32 $0x13880, s16  }
0x137: {  	s15 =	rddreg [dreg:$0x5]  }
0x138: {  	s9 =	rddreg [dreg:$0x7];
	s15 =	sadd.s32 $0x1, s15  }
0x139: {  	p0 =	sne.s32 s15, s9  }
.Ltmp9:
0x13a: {  	_ = 	snop;
	(pc) =	sbr.rel @p0 .LBB2_1-.Ltmp9, $1  }
0x13b: {  	_ =	sdelay $0x3  }
0x13c: {  	_ =	sfence.sel $0x180000  }
0x13d: {  	[bflag:$0x0] =	sbarrier.arrive $0xFFFF  }
0x13e: {  	_ =	strace $0x9000004A  }
0x13f: {  	[bflag:$0x2] =	sbarrier.arrive $0xFFFF  }
0x140: {  	p0 =	sne.s32 s1, $0x0;
	s0 =	rddreg [dreg:$0x4]  }
0x141: {  	s0 =	sadd.s32 @!p0 $0x100000, s0  }
0x142: {  	[sflag:s0] =	ssyncadd.tile.s32 @!p0 $0x1;
	_ =	shalt  }
.Lfunc_end2:
_tile_overlayer_lowered:
.L_overlay_start_2:
0x143: {  	(tag) =	ssettag $0x2  }
0x144: {  	s0 =	rddreg [dreg:$0x0];
	s2 =	stileid.u32  }
0x145: {  	s1 =	rddreg [dreg:$0x1];
	p0 =	sne.s32 s2, $0x0  }
0x146: {  	s3 =	rddreg [dreg:$0x2];
	[bflag:$0x3] =	sbarrier.arrive $0xFFFF;
	s2 =	simm.s32 @!p0 $0x1C0B  }
0x147: {  	[timem:s3], [sflag:s2] =	dma.local @!p0 [hbm:s0], s1  }
0x148: {  	s0 =	simm.s32 @!p0 $0xB  }
0x149: {  	_ =	swait.ge @!p0 [sflag:s0], s1  }
0x14a: {  	s1 =	ssub.s32 @!p0 $0x0, s1;
	[sflag:s0] =	ssyncset.done @!p0 $0x0  }
0x14b: {  	[sflag:s0] =	ssyncadd.s32 @!p0 s1  }
0x14c: {  	[bflag:$0x3] =	sbarrier.arrive $0xFFFF  }
0x14d: {  	_ =	shalt  }

// kernel: kernel.8.cloned.1.call-start
scs
__scs_entry_jumppad:
0x0: {  	(pc) =	sbr.rel $0x88, $3  }
0x1: {  	(tag) =	ssettag $0x0;
	lr =	simm.s32 $0x1  }
0x2: {  	[smem:$0x3F89] =	sst lr;
	_ =	strace $0xD0000000  }
0x3: {  	_ = 	snop  }
0x4: {  	_ = 	snop  }
0x5: {  	_ = 	snop  }
0x6: {  	_ = 	snop  }
0x7: {  	_ = 	snop  }
__scs_overlays_trampoline_lowered:
0x8: {  	[smem:$0x3F98] =	sst s0  }
0x9: {  	[smem:$0x3F99] =	sst s1  }
0xa: {  	[smem:$0x3F9A] =	sst s2  }
0xb: {  	[smem:$0x3F9B] =	sst s3  }
0xc: {  	[smem:$0x3F9C] =	sst s4  }
0xd: {  	[smem:$0x3F9D] =	sst s5  }
0xe: {  	[smem:$0x3F9E] =	sst s6  }
0xf: {  	[smem:$0x3F9F] =	sst s7  }
0x10: {  	[smem:$0x3FA0] =	sst s8  }
0x11: {  	[smem:$0x3FA1] =	sst s9;
	s0 =	simm.s32 @!p0 $0x0  }
0x12: {  	s1 =	sld [smem:$0x3F87];
	s0 =	simm.s32 @p0 $0x1  }
0x13: {  	[smem:$0x3FA2] =	sst s0;
	s0 =	simm.s32 @!p1 $0x0  }
0x14: {  	s2 =	sld [smem:$0x3F86];
	s0 =	simm.s32 @p1 $0x1  }
0x15: {  	[smem:$0x3FA3] =	sst s0;
	s0 =	simm.s32 @!p2 $0x0  }
0x16: {  	s3 =	sld [smem:$0x3FDB];
	s0 =	simm.s32 @p2 $0x1  }
0x17: {  	s4 =	simm.s32 $0x1BF5;
	[smem:$0x3FA5] =	sst s0  }
0x18: {  	s0 =	sld [smem:$0x3F88];
	_ =	swait.ge [sflag:s4], $0x0  }
0x19: {  	s7 =	sld [smem:$0x3F89]  }
0x1a: {  	s8 =	sadd.s32 $0xFFFFE003, lr  }
0x1b: {  	s9 =	sadd.s32 $0xFFFFFEF7, lr;
	s5 =	simm.s32 $0xFFFFFFFF;
	p2 =	slt.u32 s8, $0xFFFFF086  }
0x1c: {  	p1 =	slt.u32 s9, $0xF7A;
	s5 =	simm.s32 @!p2 $0x0  }
0x1d: {  	s5 =	simm.s32 @p1 $0x1;
	p0 =	seq.s32 s7, s2  }
0x1e: {  	s7 =	smul.u32 @!p0 $0xF7A, s2;
	p2 =	seq.s32 @!p0 s5, $0x0  }
0x1f: {  	s9 =	smul.u32 $0xF7A, s1;
	s8 =	simm.s32 @!p0 $0x1BF5;
	p2 =	por !p2, p0  }
0x20: {  	[sflag:s8] =	ssyncset.s32 @!p0 $0xFFFFF086;
	s6 =	sadd.s32 @!p0 s3, s7;
	s7 =	simm.s32 @!p0 $0x108  }
0x21: {  	s3 =	sadd.s32 s3, s9;
	s6 =	sadd.s32 @!p0 $0x88, s6;
	s7 =	simm.s32 @p2 $0x1082  }
0x22: {  	[simem:s7], [sflag:s8] =	dma.local @!p0 [hbm:s6], $0xF7A  }
0x23: {  	s9 =	sor.u32 $0xD0000000, s2;
	s6 =	simm.s32 $0x108;
	_ =	swait.ge @!p0 [sflag:s8], $0x0  }
0x24: {  	s3 =	sadd.s32 $0x88, s3;
	s6 =	simm.s32 @!p1 $0x1082;
	[sflag:s4] =	ssyncset.s32 $0xFFFFF086  }
0x25: {  	[simem:s6], [sflag:s4] =	dma.local [hbm:s3], $0xF7A  }
0x26: {  	[smem:$0x3F89] =	sst s1;
	(tag) =	ssettag s2;
	_ =	strace s9  }
0x27: {  	s1 =	sld [smem:$0x3F99]  }
0x28: {  	s2 =	sld [smem:$0x3F9A]  }
0x29: {  	s4 =	sld [smem:$0x3F9C]  }
0x2a: {  	p0 =	seq.s32 s5, $0x0;
	s5 =	sld [smem:$0x3F9D]  }
0x2b: {  	s6 =	sld [smem:$0x3F9E]  }
0x2c: {  	s7 =	sld [smem:$0x3F9F]  }
0x2d: {  	s3 =	simm.s32 $0x108;
	s8 =	sld [smem:$0x3FA0]  }
0x2e: {  	s3 =	simm.s32 @!p0 $0x1082;
	s9 =	sld [smem:$0x3FA1]  }
0x2f: {  	lr =	sadd.s32 s0, s3;
	s0 =	sld [smem:$0x3F98]  }
0x30: {  	s3 =	sld [smem:$0x3F9B]  }
0x31: {  	[smem:$0x3FA4] =	sst s10  }
0x32: {  	s10 =	sld [smem:$0x3FA2];
	_ =	sdelay $0x3  }
0x33: {  	p0 =	seq.s32 s10, $0x1;
	s10 =	sld [smem:$0x3FA4];
	_ =	sdelay $0x3  }
0x34: {  	[smem:$0x3FA4] =	sst s10  }
0x35: {  	s10 =	sld [smem:$0x3FA3];
	_ =	sdelay $0x3  }
0x36: {  	p1 =	seq.s32 s10, $0x1;
	s10 =	sld [smem:$0x3FA4];
	_ =	sdelay $0x3  }
0x37: {  	[smem:$0x3FA4] =	sst s10  }
0x38: {  	s10 =	sld [smem:$0x3FA5]  }
0x39: {  	_ = 	snop;
	(pc) =	sbr.ind lr, $3  }
0x3a: {  	_ = 	snop  }
0x3b: {  	_ = 	snop  }
0x3c: {  	p2 =	seq.s32 s10, $0x1;
	s10 =	sld [smem:$0x3FA4]  }
0x3d: {  	_ =	shalt  }
0x3e: {  	_ =	shalt  }
0x3f: {  	_ =	shalt  }
0x40: {  	_ =	shalt  }
0x41: {  	_ =	shalt  }
0x42: {  	_ =	shalt  }
0x43: {  	_ =	shalt  }
0x44: {  	_ =	shalt  }
0x45: {  	_ =	shalt  }
0x46: {  	_ =	shalt  }
0x47: {  	_ =	shalt  }
0x48: {  	_ =	shalt  }
0x49: {  	_ =	shalt  }
0x4a: {  	_ =	shalt  }
0x4b: {  	_ =	shalt  }
0x4c: {  	_ =	shalt  }
0x4d: {  	_ =	shalt  }
0x4e: {  	_ =	shalt  }
0x4f: {  	_ =	shalt  }
0x50: {  	_ =	shalt  }
0x51: {  	_ =	shalt  }
0x52: {  	_ =	shalt  }
0x53: {  	_ =	shalt  }
0x54: {  	_ =	shalt  }
0x55: {  	_ =	shalt  }
0x56: {  	_ =	shalt  }
0x57: {  	_ =	shalt  }
0x58: {  	_ =	shalt  }
0x59: {  	_ =	shalt  }
0x5a: {  	_ =	shalt  }
0x5b: {  	_ =	shalt  }
0x5c: {  	_ =	shalt  }
0x5d: {  	_ =	shalt  }
0x5e: {  	_ =	shalt  }
0x5f: {  	_ =	shalt  }
0x60: {  	_ =	shalt  }
0x61: {  	_ =	shalt  }
0x62: {  	_ =	shalt  }
0x63: {  	_ =	shalt  }
0x64: {  	_ =	shalt  }
0x65: {  	_ =	shalt  }
0x66: {  	_ =	shalt  }
0x67: {  	_ =	shalt  }
0x68: {  	_ =	shalt  }
0x69: {  	_ =	shalt  }
0x6a: {  	_ =	shalt  }
0x6b: {  	_ =	shalt  }
0x6c: {  	_ =	shalt  }
0x6d: {  	_ =	shalt  }
0x6e: {  	_ =	shalt  }
0x6f: {  	_ =	shalt  }
0x70: {  	_ =	shalt  }
0x71: {  	_ =	shalt  }
0x72: {  	_ =	shalt  }
0x73: {  	_ =	shalt  }
0x74: {  	_ =	shalt  }
0x75: {  	_ =	shalt  }
0x76: {  	_ =	shalt  }
0x77: {  	_ =	shalt  }
0x78: {  	_ =	shalt  }
0x79: {  	_ =	shalt  }
0x7a: {  	_ =	shalt  }
0x7b: {  	_ =	shalt  }
0x7c: {  	_ =	shalt  }
0x7d: {  	_ =	shalt  }
0x7e: {  	_ =	shalt  }
0x7f: {  	_ =	shalt  }
0x80: {  	_ =	shalt  }
0x81: {  	_ =	shalt  }
0x82: {  	_ =	shalt  }
0x83: {  	_ =	shalt  }
0x84: {  	_ =	shalt  }
0x85: {  	_ =	shalt  }
0x86: {  	_ =	shalt  }
0x87: {  	_ =	shalt  }
.Lfunc_end0:
.L_simem_size_0:
called_computation_lowered:
.L_overlay_start_0:
0x88: {  	s2 =	sld [smem:$0x3FD9]  }
0x89: {  	s3 =	sld [smem:$0x3FFE];
	_ =	sdelay $0x1  }
0x8a: {  	s1 =	srdreg.scid  }
0x8b: {  	s0 =	sand.u32 $0x1, s1  }
0x8c: {  	s14 =	sshll.u32 s0, $0xA;
	s2 =	sadd.s32 s3, s2  }
0x8d: {  	s2 =	sadd.s32 s2, s14  }
0x8e: {  	[smem:$0x3FB0] =	sst s2  }
0x8f: {  	_ = 	snop  }
0x90: {  	s2 =	sld [smem:$0x3FD0];
	_ =	sdelay $0x2  }
0x91: {  	s15 =	simm.s32 $0xA;
	s4 =	simm.s32 $0x10  }
0x92: {  	[smem:s4], [sflag:s15] =	dma.local [hbm:s2], $0x1  }
0x93: {  	_ =	swait.eq [sflag:s15], $0x1  }
0x94: {  	s16 =	sld [smem:$0x10];
	[sflag:s15] =	ssyncset.done $0x0  }
0x95: {  	s17 =	sld [smem:$0x11];
	[sflag:s15] =	ssyncadd.s32 $0xFFFFFFFF  }
0x96: {  	s18 =	sld [smem:$0x14];
	(tm) =	ssettm $0x1  }
0x97: {  	s5 =	sld [smem:$0x3FFB];
	_ =	sdelay $0x3  }
0x98: {  	_ =	strace s5  }
0x99: {  	s5 =	sld [smem:$0x3FFC];
	_ =	sdelay $0x3  }
0x9a: {  	_ =	strace s5  }
0x9b: {  	s5 =	sld [smem:$0x3FFD];
	_ =	sdelay $0x3  }
0x9c: {  	_ =	strace s5  }
0x9d: {  	_ =	strace $0x8FFFFFFF  }
0x9e: {  	s19 =	sld [smem:$0x3FDB];
	_ =	sdelay $0x1  }
0x9f: {  	s6 =	simm.s32 $_scs_section_size  }
0xa0: {  	s7 =	simm.s32 $_size__tile_overlayer_lowered;
	s8 =	simm.s32 $_tile_overlayer_lowered  }
0xa1: {  	s22 =	simm.s32 $0x1BFF;
	s21 =	sshll.u32 s8, $0x1;
	s5 =	sadd.s32 s6, s19  }
0xa2: {  	s9 =	simm.s32 $0x0;
	s20 =	sshll.u32 s7, $0x1;
	s7 =	sadd.s32 s21, s5  }
0xa3: {  	[timem:s9], [sflag:s22] =	dma.local [hbm:s7], s20  }
0xa4: {  	_ =	swait.ge [sflag:s22], s20  }
0xa5: {  	s6 =	ssub.s32 $0x0, s20;
	[sflag:s22] =	ssyncset.done $0x0  }
0xa6: {  	[sflag:s22] =	ssyncadd.s32 s6;
	_ =	sdelay $0x1  }
0xa7: {  	s23 =	simm.s32 $0x1B8B  }
0xa8: {  	_ =	swait.ge [sflag:s23], $0x1  }
0xa9: {  	[sflag:s23] =	ssyncset.done $0x0  }
0xaa: {  	s25 =	simm.s32 $0x1B8E;
	s24 =	sld [smem:$0x3FFE];
	[sflag:s23] =	ssyncadd.s32 $0xFFFFFFFF  }
0xab: {  	s26 =	simm.s32 $execute0_lowered;
	[smem:$0x3FD2] =	sst s25  }
0xac: {  	s7 =	sshll.u32 s26, $0x1;
	_ =	strace $0x80000046;
	[dreg:$0x1] =	wrdreg $0xFFFFFFFF  }
0xad: {  	s28 =	simm.s32 $_size_execute0_lowered;
	s5 =	sadd.s32 s5, s7;
	[dreg:$0x0] =	wrdreg $0x0  }
0xae: {  	s7 =	sshll.u32 s28, $0x1;
	[dreg:$0x2] =	wrdreg s5  }
0xaf: {  	[dreg:$0x3] =	wrdreg s7  }
0xb0: {  	[dreg:$0x4] =	wrdreg $0xC0  }
0xb1: {  	_ =	task [dreg:s9], $0x5FFFF  }
0xb2: {  	[dreg:$0x1] =	wrdreg $0xFFFFFFFF  }
0xb3: {  	[dreg:$0x0] =	wrdreg $0x60  }
0xb4: {  	[dreg:$0x2] =	wrdreg s17  }
0xb5: {  	[dreg:$0x3] =	wrdreg s16  }
0xb6: {  	[dreg:$0x4] =	wrdreg s18  }
0xb7: {  	[dreg:$0x5] =	wrdreg s24  }
0xb8: {  	[dreg:$0x6] =	wrdreg $0x150400  }
0xb9: {  	[dreg:$0x7] =	wrdreg $0x9  }
0xba: {  	_ =	task.clear_ibuf [dreg:s9], $0x8FFFF;
	_ =	strace $0x90000046  }
0xbb: {  	s29 =	simm.s32 $0x9;
	_ =	strace $0x80000048  }
0xbc: {  	_ =	swait.ge [sflag:s29], $0x1  }
0xbd: {  	[sflag:s29] =	ssyncadd.s32 $0xFFFFFFFF  }
0xbe: {  	_ =	strace $0x90000048  }
0xbf: {  	_ =	sfence  }
0xc0: {  	s30 =	sld [smem:$0x0];
	_ =	sdelay $0x2  }
0xc1: {  	s31 =	sshll.u32 s1, $0xD;
	s1 =	sshrl.u32 s1, $0x2  }
0xc2: {  	s3 =	sand.u32 $0x4000, s31;
	s1 =	sadd.s32 s1, s30  }
0xc3: {  	s0 =	sor.u32 s3, s0;
	s1 =	sshll.u32 s1, $0x11  }
0xc4: {  	s0 =	sor.u32 s1, s0  }
0xc5: {  	s0 =	sadd.s32 $0x8F2B, s0  }
0xc6: {  	[sflag:s0] =	ssyncadd.remote.s32 $0x1  }
0xc7: {  	_ =	sfence.sel $0xFFFF  }
0xc8: {  	[dreg:$0x0] =	wrdreg $0xFFFFFFFF;
	(pc) =	sbr.abs _section_cstart, $3  }
0xc9: {  	[dreg:$0x1] =	wrdreg $0xFFFFFFFF  }
0xca: {  	_ =	task.clear_ibuf [dreg:s9], $0x2FFFF;
	_ =	strace $0x9FFFFFFF  }
0xcb: {  	(tm) =	ssettm $0x7FFFFFFF  }
tec
execute0_lowered:
.L_overlay_start_1:
0x0: {  	(tag) =	ssettag $0x1  }
0x1: {  	s0 =	rddreg [dreg:$0x0]  }
0x2: {  	s4 =	rddreg [dreg:$0x1]  }
0x3: {  	s1 =	rddreg [dreg:$0x2];
	s3 =	srdreg.scid  }
0x4: {  	s5 =	rddreg [dreg:$0x3];
	s6 =	sand.u32 $0x1, s3  }
0x5: {  	s3 =	stileid.u32;
	s8 =	smul.u32 $0x4EC00, s6  }
0x6: {  	s2 =	rddreg [dreg:$0x4];
	s7 =	simm.s32 $0x0;
	s11 =	smul.u32 $0x27000, s3  }
0x7: {  	[smem:$0x7FF] =	sst s7;
	s10 =	smul.u32 $0x4E20, s6  }
0x8: {  	s26 =	sadd.s32 $0x5000, s5;
	s12 =	ssub.s32 $0x2, s6;
	s6 =	smul.u32 $0x1D4C00, s6  }
0x9: {  	_ =	strace $0x80000047;
	s14 =	smul.u32 $0x9C00, s3;
	[dreg:$0x6] =	wrdreg s26  }
0xa: {  	s13 =	sshrl.u32 s12, $0x1;
	[dreg:$0x7] =	wrdreg s10  }
0xb: {  	s7 =	sshrl.u32 s11, $0x2;
	s5 =	ssub.s32 s12, s13;
	s6 =	sadd.s32 s14, s6  }
0xc: {  	s7 =	sadd.s32 s7, s2;
	s5 =	smax.u32 s5, $0x1;
	[dreg:$0x14] =	wrdreg s6  }
0xd: {  	[dreg:$0x8] =	wrdreg s5;
	s15 =	sadd.s32 $0x400, s7  }
0xe: {  	s16 =	sadd.s32 $0x800, s7;
	[dreg:$0x9] =	wrdreg s15  }
0xf: {  	s17 =	sadd.s32 $0xC00, s7;
	[dreg:$0xa] =	wrdreg s16  }
0x10: {  	s18 =	sadd.s32 $0x1000, s7;
	[dreg:$0xb] =	wrdreg s17  }
0x11: {  	s19 =	sadd.s32 $0x1400, s7;
	[dreg:$0xc] =	wrdreg s18  }
0x12: {  	s20 =	sadd.s32 $0x1800, s7;
	[dreg:$0xd] =	wrdreg s19  }
0x13: {  	s21 =	sadd.s32 $0x1C00, s7;
	[dreg:$0xe] =	wrdreg s20  }
0x14: {  	s22 =	sadd.s32 $0x2000, s7;
	[dreg:$0xf] =	wrdreg s21  }
0x15: {  	s9 =	smul.u32 $0x4EC0, s3;
	s23 =	sadd.s32 $0x2400, s7;
	[dreg:$0x10] =	wrdreg s22  }
0x16: {  	s24 =	sadd.s32 $0x2800, s7;
	[dreg:$0x11] =	wrdreg s23  }
0x17: {  	s25 =	sadd.s32 s9, s8;
	s9 =	sadd.s32 $0x2C00, s7;
	[dreg:$0x12] =	wrdreg s24  }
0x18: {  	s11 =	sadd.s32 $0x3000, s7;
	[dreg:$0x13] =	wrdreg s9  }
0x19: {  	s13 =	sadd.s32 $0x3400, s7;
	[dreg:$0x15] =	wrdreg s11  }
0x1a: {  	s5 =	sshrl.u32 s25, $0x3;
	s25 =	sadd.s32 $0x5400, s7;
	[dreg:$0x16] =	wrdreg s13  }
0x1b: {  	s12 =	sadd.s32 $0x138800, s6;
	s6 =	sadd.s32 $0x6000, s7;
	[dreg:$0x1f] =	wrdreg s25  }
0x1c: {  	s8 =	sadd.s32 $0x6400, s7;
	[smem:$0x7EE] =	sst s6  }
0x1d: {  	s10 =	sadd.s32 $0x6C00, s7;
	[smem:$0x7EF] =	sst s8  }
0x1e: {  	s14 =	sshrl.u32 s12, $0x3;
	s12 =	sadd.s32 $0x7400, s7;
	[smem:$0x7F1] =	sst s10  }
0x1f: {  	s15 =	sadd.s32 $0x3800, s7;
	[smem:$0x7F3] =	sst s12  }
0x20: {  	s16 =	sadd.s32 $0x3C00, s7;
	[dreg:$0x18] =	wrdreg s15  }
0x21: {  	s17 =	sadd.s32 $0x4000, s7;
	[dreg:$0x19] =	wrdreg s16  }
0x22: {  	s18 =	sadd.s32 $0x4400, s7;
	[dreg:$0x1a] =	wrdreg s17  }
0x23: {  	s19 =	sadd.s32 $0x4800, s7;
	[dreg:$0x1b] =	wrdreg s18  }
0x24: {  	s20 =	sadd.s32 $0x4C00, s7;
	[dreg:$0x1c] =	wrdreg s19  }
0x25: {  	s21 =	sadd.s32 $0x5000, s7;
	[dreg:$0x1d] =	wrdreg s20  }
0x26: {  	s22 =	sadd.s32 s5, s4;
	s4 =	sadd.s32 $0x5800, s7;
	[dreg:$0x1e] =	wrdreg s21  }
0x27: {  	s23 =	sadd.s32 s5, s0;
	s5 =	sadd.s32 $0x5C00, s7;
	[smem:$0x7EC] =	sst s4  }
0x28: {  	s28 =	simm.s32 $0xB;
	s9 =	sadd.s32 $0x6800, s7;
	[smem:$0x7ED] =	sst s5  }
0x29: {  	s29 =	simm.s32 $0x14C40;
	s11 =	sadd.s32 $0x7000, s7;
	[smem:$0x7F0] =	sst s9  }
0x2a: {  	s30 =	simm.s32 $0x1;
	s13 =	sadd.s32 $0x7800, s7;
	[smem:$0x7F2] =	sst s11  }
0x2b: {  	s24 =	sadd.s32 s14, s26;
	s14 =	sadd.s32 $0x7C00, s7;
	[smem:$0x7F4] =	sst s13  }
0x2c: {  	s31 =	simm.s32 $0x40;
	s25 =	sadd.s32 $0x9C00, s7;
	[smem:$0x7F5] =	sst s14  }
0x2d: {  	s0 =	simm.s32 $0xEC40;
	s8 =	simm.s32 $0x10C40;
	[smem:$0x7FD] =	sst s25  }
0x2e: {  	s6 =	simm.s32 $0x2;
	s15 =	sadd.s32 $0x8000, s7;
	[dreg:$0x17] =	wrdreg s24  }
0x2f: {  	s10 =	simm.s32 $0x6;
	s16 =	sadd.s32 $0x8400, s7;
	[smem:$0x7F6] =	sst s15  }
0x30: {  	s12 =	simm.s32 $0x5;
	s17 =	sadd.s32 $0x8800, s7;
	[smem:$0x7F7] =	sst s16  }
0x31: {  	s18 =	sadd.s32 $0x8C00, s7;
	s19 =	sadd.s32 $0x9000, s7;
	[smem:$0x7F8] =	sst s17  }
0x32: {  	s20 =	sadd.s32 $0x9400, s7;
	s21 =	sadd.s32 $0x9800, s7;
	[smem:$0x7F9] =	sst s18  }
0x33: {  	s4 =	simm.s32 $0xFC40;
	s5 =	simm.s32 $0x11C40;
	[smem:$0x7FA] =	sst s19  }
0x34: {  	s9 =	simm.s32 $0x3;
	s13 =	simm.s32 $0x8;
	[smem:$0x7FB] =	sst s20  }
0x35: {  	s14 =	simm.s32 $0x9;
	[smem:$0x7FC] =	sst s21;
	s20 =	simm.s32 $0x12C40  }
0x36: {  	v0 =	vimm.f32 $0.0e+00;
	v1 =	vimm.f32 $1.000000000e+00;
	s15 =	simm.s32 $0xA;
	s16 =	simm.s32 $0x13C40;
	s17 =	simm.s32 $0x0  }
.LBB2_1:
0x37: {  	s11 =	simm.s32 $0x0  }
0x38: {  	s26 =	sand.u32 $0xF00, s11  }
0x39: {  	[smem:$0x7EB] =	sst s17;
	s18 =	sand.u32 $0x30, s11;
	s19 =	sshrl.u32 s26, $0x2  }
0x3a: {  	s17 =	simm.s32 $0x40;
	s21 =	sor.u32 s18, s19;
	s19 =	simm.s32 $0x0  }
.LBB2_2:
0x3b: {  	p0 =	sne.s32 s17, $0xFC0  }
0x3c: {  	[tilespmem:s21+$0x14C40] =	vst v0;
	s19 =	sadd.s32 $0x10, s19;
	s18 =	smov.u32 s17;
	s17 =	sadd.s32 $0x40, s17  }
.Ltmp0:
0x3d: {  	(pc) =	sbr.rel @p0 .LBB2_2-.Ltmp0, $4  }
0x3e: {  	_ = 	snop  }
0x3f: {  	s18 =	sand.u32 $0xF00, s18  }
0x40: {  	s21 =	sand.u32 $0x30, s19;
	s18 =	sshrl.u32 s18, $0x2  }
0x41: {  	s21 =	sor.u32 s21, s18;
	s18 =	simm.s32 $0x0  }
0x42: {  	[tilespmem:s21+$0x14C40] =	vst v0;
	s17 =	simm.s32 $0x0;
	s19 =	simm.s32 $0x0  }
.LBB2_4:
0x43: {  	p0 =	sne.s32 s19, $0x3FC0  }
.Ltmp1:
0x44: {  	_ = 	snop;
	(pc) =	sbr.rel @p0 .LBB2_4-.Ltmp1, $4  }
0x45: {  	s21 =	sand.u32 $0x3F00, s19  }
0x46: {  	s24 =	sand.u32 $0x30, s17;
	s21 =	sshrl.u32 s21, $0x2  }
0x47: {  	s21 =	sor.u32 s24, s21  }
0x48: {  	s17 =	sadd.s32 $0x10, s17;
	s19 =	sadd.s32 $0x40, s19;
	[tilespmem:s21+$0x13C40] =	vst v1  }
0x49: {  	s19 =	sadd.s32 $0x0, s23;
	s17 =	simm.s32 $0x0  }
0x4a: {  	[tilespmem:s18], [sflag:$0xB] =	stream.linear.gather [hbm4b:s19+s17], $0x540, $0x38;
	[tilespmem:$0x1ECA0] =	vst v63  }
0x4b: {  	_ =	swait.ge [sflag:s28], $0x540  }
0x4c: {  	s26 =	simm.s32 $0x4EC0;
	[sflag:s28] =	ssyncset.done $0x0  }
0x4d: {  	s21 =	sadd.s32 $0x0, s22;
	s24 =	simm.s32 $0x540;
	[sflag:s28] =	ssyncadd.s32 $0xFFFFFAC0  }
0x4e: {  	[tilespmem:s26], [sflag:$0xB] =	stream.linear.gather [hbm4b:s21+s17], $0x540, $0x38;
	[tilespmem:$0x1ECA0] =	vst v63  }
0x4f: {  	s18 =	simm.s32 $0xA8;
	s19 =	simm.s32 $0x5400;
	_ =	swait.ge [sflag:s28], $0x540  }
0x50: {  	s26 =	sadd.s32 $0xA8, s23;
	s21 =	simm.s32 $0x150;
	[sflag:s28] =	ssyncset.done $0x0  }
.LBB2_6:
0x51: {  	s11 =	sadd.s32 s21, s23;
	[sflag:s28] =	ssyncadd.s32 $0xFFFFFAC0;
	s25 =	smov.u32 s21  }
0x52: {  	[tilespmem:s24], [sflag:$0xB] =	stream.linear.gather [hbm4b:s26+s17], $0x540, $0x38;
	[tilespmem:$0x1ECA0] =	vst v63  }
0x53: {  	p0 =	sne.s32 s21, $0x930;
	s21 =	sadd.s32 $0xA8, s21;
	_ =	swait.ge [sflag:s28], $0x540  }
.Ltmp2:
0x54: {  	s26 =	smov.u32 s11;
	[sflag:s28] =	ssyncset.done $0x0;
	(pc) =	sbr.rel @p0 .LBB2_6-.Ltmp2, $4  }
0x55: {  	s11 =	sadd.s32 s18, s22;
	s18 =	smov.u32 s25;
	[sflag:s28] =	ssyncadd.s32 $0xFFFFFAC0  }
0x56: {  	[tilespmem:s19], [sflag:$0xB] =	stream.linear.gather [hbm4b:s11+s17], $0x540, $0x38;
	[tilespmem:$0x1ECA0] =	vst v63  }
0x57: {  	_ =	swait.ge [sflag:s28], $0x540  }
0x58: {  	s24 =	sadd.s32 $0x540, s24;
	s19 =	sadd.s32 $0x540, s19;
	[sflag:s28] =	ssyncset.done $0x0  }
0x59: {  	s17 =	simm.s32 $0x0;
	[sflag:s28] =	ssyncadd.s32 $0xFFFFFAC0  }
0x5a: {  	[tilespmem:s24], [sflag:$0xB] =	stream.linear.gather [hbm4b:s26+s17], $0x540, $0x38;
	[tilespmem:$0x1ECA0] =	vst v63  }
0x5b: {  	_ =	swait.ge [sflag:s28], $0x540  }
0x5c: {  	[sflag:s28] =	ssyncset.done $0x0  }
0x5d: {  	s11 =	sadd.s32 s18, s22;
	[sflag:s28] =	ssyncadd.s32 $0xFFFFFAC0  }
0x5e: {  	[tilespmem:s19], [sflag:$0xB] =	stream.linear.gather [hbm4b:s11+s17], $0x540, $0x38;
	[tilespmem:$0x1ECA0] =	vst v63  }
0x5f: {  	_ =	swait.ge [sflag:s28], $0x540  }
0x60: {  	[sflag:s28] =	ssyncset.done $0x0  }
0x61: {  	p1 =	por $0x1, $0x1;
	s26 =	rddreg [dreg:$0x6];
	[sflag:s28] =	ssyncadd.s32 $0xFFFFFAC0  }
.LBB2_8:
0x62: {  	[spmem:s7] =	stream.linear.scatter [tilespmem:s29], [sflag:$0x1], $0x400, $0x38;
	[tilespmem:$0x1ECA0] =	vst v63  }
0x63: {  	s11 =	rddreg [dreg:$0x9]  }
0x64: {  	s21 =	rddreg [dreg:$0xa]  }
0x65: {  	[spmem:s11] =	stream.linear.scatter [tilespmem:s29], [sflag:$0x1], $0x400, $0x38;
	[tilespmem:$0x1ECA0] =	vst v63  }
0x66: {  	s24 =	rddreg [dreg:$0xb]  }
0x67: {  	[spmem:s21] =	stream.linear.scatter [tilespmem:s29], [sflag:$0x1], $0x400, $0x38;
	[tilespmem:$0x1ECA0] =	vst v63  }
0x68: {  	s25 =	rddreg [dreg:$0xc]  }
0x69: {  	[spmem:s24] =	stream.linear.scatter [tilespmem:s29], [sflag:$0x1], $0x400, $0x38;
	[tilespmem:$0x1ECA0] =	vst v63  }
0x6a: {  	s18 =	rddreg [dreg:$0xd]  }
0x6b: {  	[spmem:s25] =	stream.linear.scatter [tilespmem:s29], [sflag:$0x1], $0x400, $0x38;
	[tilespmem:$0x1ECA0] =	vst v63  }
0x6c: {  	s19 =	rddreg [dreg:$0xe]  }
0x6d: {  	[spmem:s18] =	stream.linear.scatter [tilespmem:s29], [sflag:$0x1], $0x400, $0x38;
	[tilespmem:$0x1ECA0] =	vst v63  }
0x6e: {  	s21 =	rddreg [dreg:$0xf]  }
0x6f: {  	[spmem:s19] =	stream.linear.scatter [tilespmem:s29], [sflag:$0x1], $0x400, $0x38;
	[tilespmem:$0x1ECA0] =	vst v63  }
0x70: {  	s24 =	rddreg [dreg:$0x10]  }
0x71: {  	[spmem:s21] =	stream.linear.scatter [tilespmem:s29], [sflag:$0x1], $0x400, $0x38;
	[tilespmem:$0x1ECA0] =	vst v63  }
0x72: {  	s25 =	rddreg [dreg:$0x11]  }
0x73: {  	[spmem:s24] =	stream.linear.scatter [tilespmem:s29], [sflag:$0x1], $0x400, $0x38;
	[tilespmem:$0x1ECA0] =	vst v63  }
0x74: {  	s18 =	rddreg [dreg:$0x12]  }
0x75: {  	[spmem:s25] =	stream.linear.scatter [tilespmem:s29], [sflag:$0x1], $0x400, $0x38;
	[tilespmem:$0x1ECA0] =	vst v63  }
0x76: {  	s19 =	rddreg [dreg:$0x13]  }
0x77: {  	[spmem:s18] =	stream.linear.scatter [tilespmem:s29], [sflag:$0x1], $0x400, $0x38;
	[tilespmem:$0x1ECA0] =	vst v63  }
0x78: {  	s21 =	rddreg [dreg:$0x15]  }
0x79: {  	[spmem:s19] =	stream.linear.scatter [tilespmem:s29], [sflag:$0x1], $0x400, $0x38;
	[tilespmem:$0x1ECA0] =	vst v63  }
0x7a: {  	s24 =	rddreg [dreg:$0x16]  }
0x7b: {  	[spmem:s21] =	stream.linear.scatter [tilespmem:s29], [sflag:$0x1], $0x400, $0x38;
	[tilespmem:$0x1ECA0] =	vst v63  }
0x7c: {  	s25 =	rddreg [dreg:$0x18]  }
0x7d: {  	[spmem:s24] =	stream.linear.scatter [tilespmem:s29], [sflag:$0x1], $0x400, $0x38;
	[tilespmem:$0x1ECA0] =	vst v63  }
0x7e: {  	s18 =	rddreg [dreg:$0x19]  }
0x7f: {  	[spmem:s25] =	stream.linear.scatter [tilespmem:s29], [sflag:$0x1], $0x400, $0x38;
	[tilespmem:$0x1ECA0] =	vst v63  }
0x80: {  	s19 =	rddreg [dreg:$0x1a]  }
0x81: {  	[spmem:s18] =	stream.linear.scatter [tilespmem:s29], [sflag:$0x1], $0x400, $0x38;
	[tilespmem:$0x1ECA0] =	vst v63  }
0x82: {  	s21 =	rddreg [dreg:$0x1b]  }
0x83: {  	[spmem:s19] =	stream.linear.scatter [tilespmem:s29], [sflag:$0x1], $0x400, $0x38;
	[tilespmem:$0x1ECA0] =	vst v63  }
0x84: {  	s24 =	rddreg [dreg:$0x1c]  }
0x85: {  	[spmem:s21] =	stream.linear.scatter [tilespmem:s29], [sflag:$0x1], $0x400, $0x38;
	[tilespmem:$0x1ECA0] =	vst v63  }
0x86: {  	s25 =	rddreg [dreg:$0x1d]  }
0x87: {  	[spmem:s24] =	stream.linear.scatter [tilespmem:s29], [sflag:$0x1], $0x400, $0x38;
	[tilespmem:$0x1ECA0] =	vst v63  }
0x88: {  	s18 =	rddreg [dreg:$0x1e]  }
0x89: {  	[spmem:s25] =	stream.linear.scatter [tilespmem:s29], [sflag:$0x1], $0x400, $0x38;
	[tilespmem:$0x1ECA0] =	vst v63  }
0x8a: {  	s19 =	rddreg [dreg:$0x1f]  }
0x8b: {  	[spmem:s18] =	stream.linear.scatter [tilespmem:s29], [sflag:$0x1], $0x400, $0x38;
	[tilespmem:$0x1ECA0] =	vst v63  }
0x8c: {  	s21 =	sld [smem:$0x7EC]  }
0x8d: {  	[spmem:s19] =	stream.linear.scatter [tilespmem:s29], [sflag:$0x1], $0x400, $0x38;
	[tilespmem:$0x1ECA0] =	vst v63  }
0x8e: {  	s24 =	sld [smem:$0x7ED]  }
0x8f: {  	[spmem:s21] =	stream.linear.scatter [tilespmem:s29], [sflag:$0x1], $0x400, $0x38;
	[tilespmem:$0x1ECA0] =	vst v63  }
0x90: {  	s25 =	sld [smem:$0x7EE]  }
0x91: {  	[spmem:s24] =	stream.linear.scatter [tilespmem:s29], [sflag:$0x1], $0x400, $0x38;
	[tilespmem:$0x1ECA0] =	vst v63  }
0x92: {  	s18 =	sld [smem:$0x7EF]  }
0x93: {  	[spmem:s25] =	stream.linear.scatter [tilespmem:s29], [sflag:$0x1], $0x400, $0x38;
	[tilespmem:$0x1ECA0] =	vst v63  }
0x94: {  	s19 =	sld [smem:$0x7F0]  }
0x95: {  	[spmem:s18] =	stream.linear.scatter [tilespmem:s29], [sflag:$0x1], $0x400, $0x38;
	[tilespmem:$0x1ECA0] =	vst v63  }
0x96: {  	s21 =	sld [smem:$0x7F1]  }
0x97: {  	[spmem:s19] =	stream.linear.scatter [tilespmem:s29], [sflag:$0x1], $0x400, $0x38;
	[tilespmem:$0x1ECA0] =	vst v63  }
0x98: {  	s24 =	sld [smem:$0x7F2]  }
0x99: {  	[spmem:s21] =	stream.linear.scatter [tilespmem:s29], [sflag:$0x1], $0x400, $0x38;
	[tilespmem:$0x1ECA0] =	vst v63  }
0x9a: {  	s25 =	sld [smem:$0x7F3]  }
0x9b: {  	[spmem:s24] =	stream.linear.scatter [tilespmem:s29], [sflag:$0x1], $0x400, $0x38;
	[tilespmem:$0x1ECA0] =	vst v63  }
0x9c: {  	s18 =	sld [smem:$0x7F4]  }
0x9d: {  	[spmem:s25] =	stream.linear.scatter [tilespmem:s29], [sflag:$0x1], $0x400, $0x38;
	[tilespmem:$0x1ECA0] =	vst v63  }
0x9e: {  	s19 =	sld [smem:$0x7F5]  }
0x9f: {  	[spmem:s18] =	stream.linear.scatter [tilespmem:s29], [sflag:$0x1], $0x400, $0x38;
	[tilespmem:$0x1ECA0] =	vst v63  }
0xa0: {  	s21 =	sld [smem:$0x7F6]  }
0xa1: {  	[spmem:s19] =	stream.linear.scatter [tilespmem:s29], [sflag:$0x1], $0x400, $0x38;
	[tilespmem:$0x1ECA0] =	vst v63  }
0xa2: {  	s24 =	sld [smem:$0x7F7]  }
0xa3: {  	[spmem:s21] =	stream.linear.scatter [tilespmem:s29], [sflag:$0x1], $0x400, $0x38;
	[tilespmem:$0x1ECA0] =	vst v63  }
0xa4: {  	s25 =	sld [smem:$0x7F8]  }
0xa5: {  	[spmem:s24] =	stream.linear.scatter [tilespmem:s29], [sflag:$0x1], $0x400, $0x38;
	[tilespmem:$0x1ECA0] =	vst v63  }
0xa6: {  	s18 =	sld [smem:$0x7F9]  }
0xa7: {  	[spmem:s25] =	stream.linear.scatter [tilespmem:s29], [sflag:$0x1], $0x400, $0x38;
	[tilespmem:$0x1ECA0] =	vst v63  }
0xa8: {  	s19 =	sld [smem:$0x7FA]  }
0xa9: {  	[spmem:s18] =	stream.linear.scatter [tilespmem:s29], [sflag:$0x1], $0x400, $0x38;
	[tilespmem:$0x1ECA0] =	vst v63  }
0xaa: {  	s21 =	sld [smem:$0x7FB]  }
0xab: {  	[spmem:s19] =	stream.linear.scatter [tilespmem:s29], [sflag:$0x1], $0x400, $0x38;
	[tilespmem:$0x1ECA0] =	vst v63  }
0xac: {  	s24 =	sld [smem:$0x7FC]  }
0xad: {  	[spmem:s21] =	stream.linear.scatter [tilespmem:s29], [sflag:$0x1], $0x400, $0x38;
	[tilespmem:$0x1ECA0] =	vst v63  }
0xae: {  	s25 =	sld [smem:$0x7FD]  }
0xaf: {  	[spmem:s24] =	stream.linear.scatter [tilespmem:s29], [sflag:$0x1], $0x400, $0x38;
	[tilespmem:$0x1ECA0] =	vst v63  }
0xb0: {  	_ = 	snop  }
0xb1: {  	[spmem:s25] =	stream.linear.scatter [tilespmem:s29], [sflag:$0x1], $0x400, $0x38;
	[tilespmem:$0x1ECA0] =	vst v63  }
0xb2: {  	_ =	swait.ge [sflag:s30], $0x400  }
0xb3: {  	p0 =	por p1, p1;
	s18 =	simm.s32 $0x27;
	[sflag:s30] =	ssyncset.done $0x0  }
.LBB2_9:
0xb4: {  	p1 =	sne.s32 s18, $0x1;
	s18 =	sadd.s32 $0xFFFFFFFF, s18;
	[sflag:s30] =	ssyncadd.s32 $0xFFFFFC00  }
.Ltmp3:
0xb5: {  	(pc) =	sbr.rel @p1 .LBB2_9-.Ltmp3, $3  }
0xb6: {  	_ =	sdelay $0x1  }
0xb7: {  	_ =	swait.ge [sflag:s30], $0x400  }
0xb8: {  	[sflag:s30] =	ssyncset.done $0x0  }
0xb9: {  	[sflag:s30] =	ssyncadd.s32 $0xFFFFFC00  }
0xba: {  	[bflag:$0x0] =	sbarrier.arrive $0xFFFF  }
0xbb: {  	s18 =	simm.s32 $0x0;
	s11 =	rddreg [dreg:$0x7]  }
0xbc: {  	v3 =	vld [tilespmem:s18+$0x0];
	s11 =	sor.u32 s11, s17  }
0xbd: {  	s19 =	simm.s32 $0x40;
	v2 =	vmov s11  }
.LBB2_11:
0xbe: {  	p1 =	sne.s32 s19, $0x13AC0  }
.Ltmp4:
0xbf: {  	_ = 	snop;
	(pc) =	sbr.rel @p1 .LBB2_11-.Ltmp4, $4  }
0xc0: {  	_ = 	snop  }
0xc1: {  	s11 =	sshra.s32 s19, $0x2;
	s19 =	sadd.s32 $0x40, s19;
	v4 =	vshll.u32 v3, $0x1  }
0xc2: {  	v3 =	vld [tilespmem:s11+$0x0];
	v4 =	vadd.s32 v2, v4  }
0xc3: {  	[tilespmem:s18+$0x9D80] =	vst v4;
	s18 =	smov.u32 s11  }
0xc4: {  	_ =	sdelay $0x2  }
0xc5: {  	v3 =	vshll.u32 v3, $0x1  }
0xc6: {  	v2 =	vadd.s32 v2, v3  }
0xc7: {  	s11 =	simm.s32 $0x9D80;
	[tilespmem:s18+$0x9D80] =	vst v2  }
0xc8: {  	[tilespmem:s0], [sflag:$0x1] =	stream.indirect.gather [hbm4b:s1+s31], $0x40, s11, s31, $0xb8;
	[tilespmem:$0x1ECA0] =	vst v63  }
0xc9: {  	s19 =	simm.s32 $0x9DC0  }
0xca: {  	[tilespmem:s4], [sflag:$0x2] =	stream.indirect.gather [hbm4b:s1+s31], $0x40, s19, s31, $0xb8;
	[tilespmem:$0x1ECA0] =	vst v63  }
0xcb: {  	s21 =	simm.s32 $0x9E00  }
0xcc: {  	[tilespmem:s8], [sflag:$0x3] =	stream.indirect.gather [hbm4b:s1+s31], $0x40, s21, s31, $0xb8;
	[tilespmem:$0x1ECA0] =	vst v63  }
0xcd: {  	_ =	swait.ge [sflag:s30], $0x1000  }
0xce: {  	[sflag:s30] =	ssyncset.done $0x0  }
0xcf: {  	s24 =	simm.s32 $0x4EC0;
	[sflag:s30] =	ssyncadd.s32 $0xFFFFF000  }
0xd0: {  	[spmem:s2] =	stream.indirect.scatter.add.f32 [tilespmem:s0], [sflag:$0x6], $0x40, s24, s31, $0xb8;
	[tilespmem:$0x1ECA0] =	vst v63  }
0xd1: {  	s25 =	simm.s32 $0x9E40  }
0xd2: {  	[tilespmem:s5], [sflag:$0x4] =	stream.indirect.gather [hbm4b:s1+s31], $0x40, s25, s31, $0xb8;
	[tilespmem:$0x1ECA0] =	vst v63  }
0xd3: {  	_ =	swait.ge [sflag:s6], $0x1000  }
0xd4: {  	[sflag:s6] =	ssyncset.done $0x0  }
0xd5: {  	s18 =	simm.s32 $0x4F00;
	[sflag:s6] =	ssyncadd.s32 $0xFFFFF000  }
0xd6: {  	[spmem:s2] =	stream.indirect.scatter.add.f32 [tilespmem:s4], [sflag:$0x7], $0x40, s18, s31, $0xb8;
	[tilespmem:$0x1ECA0] =	vst v63  }
0xd7: {  	s19 =	simm.s32 $0x9E80  }
0xd8: {  	[tilespmem:s20], [sflag:$0x5] =	stream.indirect.gather [hbm4b:s1+s31], $0x40, s19, s31, $0xb8;
	[tilespmem:$0x1ECA0] =	vst v63  }
0xd9: {  	_ =	swait.ge [sflag:s9], $0x1000  }
0xda: {  	[sflag:s9] =	ssyncset.done $0x0  }
0xdb: {  	s21 =	simm.s32 $0x4F40;
	[sflag:s9] =	ssyncadd.s32 $0xFFFFF000  }
0xdc: {  	[spmem:s2] =	stream.indirect.scatter.add.f32 [tilespmem:s8], [sflag:$0x8], $0x40, s21, s31, $0xb8;
	[tilespmem:$0x1ECA0] =	vst v63  }
0xdd: {  	_ =	swait.ge [sflag:s10], $0x1000  }
0xde: {  	[sflag:s10] =	ssyncset.done $0x0  }
0xdf: {  	s24 =	simm.s32 $0x9EC0;
	s25 =	simm.s32 $0x4;
	[sflag:s10] =	ssyncadd.s32 $0xFFFFF000  }
0xe0: {  	[tilespmem:s0], [sflag:$0x1] =	stream.indirect.gather [hbm4b:s1+s31], $0x40, s24, s31, $0xb8;
	[tilespmem:$0x1ECA0] =	vst v63  }
0xe1: {  	_ =	swait.ge [sflag:s25], $0x1000  }
0xe2: {  	[sflag:s25] =	ssyncset.done $0x0  }
0xe3: {  	s18 =	simm.s32 $0x4F80;
	s19 =	simm.s32 $0x7;
	[sflag:s25] =	ssyncadd.s32 $0xFFFFF000  }
0xe4: {  	[spmem:s2] =	stream.indirect.scatter.add.f32 [tilespmem:s5], [sflag:$0x9], $0x40, s18, s31, $0xb8;
	[tilespmem:$0x1ECA0] =	vst v63  }
0xe5: {  	_ =	swait.ge [sflag:s19], $0x1000  }
0xe6: {  	[sflag:s19] =	ssyncset.done $0x0  }
0xe7: {  	s21 =	simm.s32 $0x9F00;
	[sflag:s19] =	ssyncadd.s32 $0xFFFFF000  }
0xe8: {  	[tilespmem:s4], [sflag:$0x2] =	stream.indirect.gather [hbm4b:s1+s31], $0x40, s21, s31, $0xb8;
	[tilespmem:$0x1ECA0] =	vst v63  }
0xe9: {  	_ =	swait.ge [sflag:s12], $0x1000  }
0xea: {  	[sflag:s12] =	ssyncset.done $0x0  }
0xeb: {  	s24 =	simm.s32 $0x4FC0;
	[sflag:s12] =	ssyncadd.s32 $0xFFFFF000  }
0xec: {  	[spmem:s2] =	stream.indirect.scatter.add.f32 [tilespmem:s20], [sflag:$0xA], $0x40, s24, s31, $0xb8;
	[tilespmem:$0x1ECA0] =	vst v63  }
0xed: {  	_ =	swait.ge [sflag:s13], $0x1000  }
0xee: {  	[sflag:s13] =	ssyncset.done $0x0  }
0xef: {  	s25 =	simm.s32 $0x9F40;
	s18 =	simm.s32 $0x0;
	[sflag:s13] =	ssyncadd.s32 $0xFFFFF000  }
0xf0: {  	[tilespmem:s8], [sflag:$0x3] =	stream.indirect.gather [hbm4b:s1+s31], $0x40, s25, s31, $0xb8;
	[tilespmem:$0x1ECA0] =	vst v63  }
.LBB2_13:
0xf1: {  	_ =	swait.ge [sflag:s30], $0x1000  }
0xf2: {  	s19 =	sshra.s32 s18, $0x2;
	[sflag:s30] =	ssyncset.done $0x0  }
0xf3: {  	s11 =	sadd.s32 $0x5000, s19;
	[sflag:s30] =	ssyncadd.s32 $0xFFFFF000  }
0xf4: {  	[spmem:s2] =	stream.indirect.scatter.add.f32 [tilespmem:s0], [sflag:$0x6], $0x40, s11, s31, $0xb8;
	[tilespmem:$0x1ECA0] =	vst v63  }
0xf5: {  	_ =	swait.ge [sflag:s14], $0x1000  }
0xf6: {  	[sflag:s14] =	ssyncset.done $0x0  }
0xf7: {  	s24 =	sadd.s32 $0x9F80, s19;
	[sflag:s14] =	ssyncadd.s32 $0xFFFFF000  }
0xf8: {  	[tilespmem:s5], [sflag:$0x4] =	stream.indirect.gather [hbm4b:s1+s31], $0x40, s24, s31, $0xb8;
	[tilespmem:$0x1ECA0] =	vst v63  }
0xf9: {  	_ =	swait.ge [sflag:s6], $0x1000  }
0xfa: {  	[sflag:s6] =	ssyncset.done $0x0  }
0xfb: {  	s25 =	sadd.s32 $0x5040, s19;
	[sflag:s6] =	ssyncadd.s32 $0xFFFFF000  }
0xfc: {  	[spmem:s2] =	stream.indirect.scatter.add.f32 [tilespmem:s4], [sflag:$0x7], $0x40, s25, s31, $0xb8;
	[tilespmem:$0x1ECA0] =	vst v63  }
0xfd: {  	_ =	swait.ge [sflag:s15], $0x1000  }
0xfe: {  	[sflag:s15] =	ssyncset.done $0x0  }
0xff: {  	s21 =	sadd.s32 $0x9FC0, s19;
	[sflag:s15] =	ssyncadd.s32 $0xFFFFF000  }
0x100: {  	[tilespmem:s20], [sflag:$0x5] =	stream.indirect.gather [hbm4b:s1+s31], $0x40, s21, s31, $0xb8;
	[tilespmem:$0x1ECA0] =	vst v63  }
0x101: {  	_ =	swait.ge [sflag:s9], $0x1000  }
0x102: {  	[sflag:s9] =	ssyncset.done $0x0  }
0x103: {  	s24 =	sadd.s32 $0x5080, s19;
	[sflag:s9] =	ssyncadd.s32 $0xFFFFF000  }
0x104: {  	[spmem:s2] =	stream.indirect.scatter.add.f32 [tilespmem:s8], [sflag:$0x8], $0x40, s24, s31, $0xb8;
	[tilespmem:$0x1ECA0] =	vst v63  }
0x105: {  	_ =	swait.ge [sflag:s10], $0x1000  }
0x106: {  	p1 =	seq.s32 s18, $0x13100;
	[sflag:s10] =	ssyncset.done $0x0  }
0x107: {  	s11 =	simm.s32 @p1 $0x4;
	[sflag:s10] =	ssyncadd.s32 $0xFFFFF000  }
0x108: {  	_ =	swait.ge @p1 [sflag:s11], $0x1000  }
0x109: {  	[sflag:s11] =	ssyncset.done @p1 $0x0  }
0x10a: {  	[sflag:s11] =	ssyncadd.s32 @p1 $0xFFFFF000;
	s11 =	sshra.s32 @p1 s18, $0x2  }
0x10b: {  	s21 =	simm.s32 @p1 $0x40;
	s24 =	simm.s32 @p1 $0x11C40;
	s11 =	sadd.s32 @p1 $0x50C0, s11  }
0x10c: {  	[spmem:s2] =	stream.indirect.scatter.add.f32 @p1 [tilespmem:s24], [sflag:$0x9], $0x40, s11, s21, $0xb8;
	[tilespmem:$0x1ECA0] =	vst v63  }
0x10d: {  	s11 =	simm.s32 @p1 $0x7  }
0x10e: {  	_ =	swait.ge @p1 [sflag:s11], $0x1000  }
0x10f: {  	[sflag:s11] =	ssyncset.done @p1 $0x0  }
0x110: {  	[sflag:s11] =	ssyncadd.s32 @p1 $0xFFFFF000;
	s11 =	sshra.s32 @!p1 s18, $0x2  }
0x111: {  	s25 =	simm.s32 @!p1 $0xEC40;
	s24 =	simm.s32 @!p1 $0x40;
	s21 =	sadd.s32 @!p1 $0xA000, s11  }
0x112: {  	[tilespmem:s25], [sflag:$0x1] =	stream.indirect.gather @!p1 [hbm4b:s1+s24], $0x40, s21, s24, $0xb8;
	[tilespmem:$0x1ECA0] =	vst v63  }
0x113: {  	s21 =	simm.s32 @!p1 $0x4  }
0x114: {  	_ =	swait.ge @!p1 [sflag:s21], $0x1000  }
0x115: {  	[sflag:s21] =	ssyncset.done @!p1 $0x0  }
0x116: {  	s25 =	simm.s32 @!p1 $0x11C40;
	[sflag:s21] =	ssyncadd.s32 @!p1 $0xFFFFF000;
	s21 =	sadd.s32 @!p1 $0x50C0, s11  }
0x117: {  	[spmem:s2] =	stream.indirect.scatter.add.f32 @!p1 [tilespmem:s25], [sflag:$0x9], $0x40, s21, s24, $0xb8;
	[tilespmem:$0x1ECA0] =	vst v63  }
0x118: {  	s21 =	simm.s32 @!p1 $0x7  }
0x119: {  	_ =	swait.ge @!p1 [sflag:s21], $0x1000  }
0x11a: {  	[sflag:s21] =	ssyncset.done @!p1 $0x0  }
0x11b: {  	s11 =	sadd.s32 @!p1 $0xA040, s11;
	[sflag:s21] =	ssyncadd.s32 @!p1 $0xFFFFF000;
	s21 =	simm.s32 @!p1 $0xFC40  }
0x11c: {  	[tilespmem:s21], [sflag:$0x2] =	stream.indirect.gather @!p1 [hbm4b:s1+s24], $0x40, s11, s24, $0xb8;
	[tilespmem:$0x1ECA0] =	vst v63  }
0x11d: {  	_ =	swait.ge [sflag:s12], $0x1000  }
0x11e: {  	[sflag:s12] =	ssyncset.done $0x0  }
.Ltmp5:
0x11f: {  	s25 =	sadd.s32 $0x5100, s19;
	[sflag:s12] =	ssyncadd.s32 $0xFFFFF000;
	(pc) =	sbr.rel @p1 .LBB2_15-.Ltmp5, $4  }
0x120: {  	[spmem:s2] =	stream.indirect.scatter.add.f32 [tilespmem:s20], [sflag:$0xA], $0x40, s25, s31, $0xb8;
	[tilespmem:$0x1ECA0] =	vst v63  }
0x121: {  	_ =	swait.ge [sflag:s13], $0x1000  }
0x122: {  	[sflag:s13] =	ssyncset.done $0x0  }
0x123: {  	[sflag:s13] =	ssyncadd.s32 $0xFFFFF000  }
.Ltmp6:
0x124: {  	(pc) =	sbr.rel .LBB2_13-.Ltmp6, $3  }
0x125: {  	_ =	sdelay $0x1  }
0x126: {  	s11 =	sadd.s32 $0xA080, s19;
	s18 =	sadd.s32 $0x500, s18  }
0x127: {  	[tilespmem:s8], [sflag:$0x3] =	stream.indirect.gather [hbm4b:s1+s31], $0x40, s11, s31, $0xb8;
	[tilespmem:$0x1ECA0] =	vst v63  }
.LBB2_15:
0x128: {  	_ =	swait.ge [sflag:s14], $0x1000  }
0x129: {  	[sflag:s14] =	ssyncset.done $0x0  }
0x12a: {  	[sflag:s14] =	ssyncadd.s32 $0xFFFFF000  }
0x12b: {  	s11 =	smul.u32 $0x9C400, s17;
	_ =	swait.ge [sflag:s15], $0x1000  }
0x12c: {  	s25 =	rddreg [dreg:$0x14]  }
0x12d: {  	[sflag:s15] =	ssyncset.done $0x0;
	s11 =	sadd.s32 s11, s25  }
0x12e: {  	s19 =	simm.s32 $0x0;
	[sflag:s15] =	ssyncadd.s32 $0xFFFFF000;
	s11 =	sshrl.u32 s11, $0x3  }
0x12f: {  	s21 =	smov.u32 s7;
	[bflag:$0x0] =	sbarrier.arrive $0xFFFF;
	s17 =	sadd.s32 s11, s26  }
.LBB2_16:
0x130: {  	p1 =	sne.s32 s19, $0x1380  }
.Ltmp7:
0x131: {  	_ = 	snop;
	(pc) =	sbr.rel @p1 .LBB2_16-.Ltmp7, $4  }
0x132: {  	_ = 	snop  }
0x133: {  	s11 =	sshll.u32 s3, $0x6;
	s24 =	sadd.s32 s19, s17;
	s25 =	sshrl.u32 s21, $0x3  }
0x134: {  	s21 =	sadd.s32 $0x400, s21;
	s19 =	sadd.s32 $0x80, s19;
	s18 =	sor.u32 $0x1C01, s11  }
0x135: {  	[hbm:s24], [sflag:s18] =	dma.local [spmem:s25], $0x80  }
0x136: {  	_ =	swait.ge [sflag:s30], $0x80  }
0x137: {  	s17 =	simm.s32 $0x27;
	[sflag:s30] =	ssyncset.done $0x0  }
.LBB2_18:
0x138: {  	p1 =	sne.s32 s17, $0x1;
	s17 =	sadd.s32 $0xFFFFFFFF, s17;
	[sflag:s30] =	ssyncadd.s32 $0xFFFFFF80  }
.Ltmp8:
0x139: {  	(pc) =	sbr.rel @p1 .LBB2_18-.Ltmp8, $3  }
0x13a: {  	_ =	sdelay $0x1  }
0x13b: {  	_ =	swait.ge [sflag:s30], $0x80  }
0x13c: {  	[sflag:s30] =	ssyncset.done $0x0  }
.Ltmp9:
0x13d: {  	(pc) =	sbr.rel @p0 .LBB2_8-.Ltmp9, $4  }
0x13e: {  	_ = 	snop  }
0x13f: {  	[sflag:s30] =	ssyncadd.s32 $0xFFFFFF80  }
0x140: {  	[bflag:$0x0] =	sbarrier.arrive $0xFFFF  }
0x141: {  	s17 =	simm.s32 $0x1;
	p1 =	por $0x0, $0x0;
	s24 =	rddreg [dreg:$0x17]  }
0x142: {  	[spmem:s7] =	stream.linear.scatter [tilespmem:s29], [sflag:$0x1], $0x400, $0x38;
	[tilespmem:$0x1ECA0] =	vst v63  }
0x143: {  	s11 =	rddreg [dreg:$0x9]  }
0x144: {  	s21 =	rddreg [dreg:$0xa]  }
0x145: {  	[spmem:s11] =	stream.linear.scatter [tilespmem:s29], [sflag:$0x1], $0x400, $0x38;
	[tilespmem:$0x1ECA0] =	vst v63  }
0x146: {  	s25 =	rddreg [dreg:$0xb]  }
0x147: {  	[spmem:s21] =	stream.linear.scatter [tilespmem:s29], [sflag:$0x1], $0x400, $0x38;
	[tilespmem:$0x1ECA0] =	vst v63  }
0x148: {  	s26 =	rddreg [dreg:$0xc]  }
0x149: {  	[spmem:s25] =	stream.linear.scatter [tilespmem:s29], [sflag:$0x1], $0x400, $0x38;
	[tilespmem:$0x1ECA0] =	vst v63  }
0x14a: {  	s17 =	rddreg [dreg:$0xd]  }
0x14b: {  	[spmem:s26] =	stream.linear.scatter [tilespmem:s29], [sflag:$0x1], $0x400, $0x38;
	[tilespmem:$0x1ECA0] =	vst v63  }
0x14c: {  	s19 =	rddreg [dreg:$0xe]  }
0x14d: {  	[spmem:s17] =	stream.linear.scatter [tilespmem:s29], [sflag:$0x1], $0x400, $0x38;
	[tilespmem:$0x1ECA0] =	vst v63  }
0x14e: {  	s21 =	rddreg [dreg:$0xf]  }
0x14f: {  	[spmem:s19] =	stream.linear.scatter [tilespmem:s29], [sflag:$0x1], $0x400, $0x38;
	[tilespmem:$0x1ECA0] =	vst v63  }
0x150: {  	s25 =	rddreg [dreg:$0x10]  }
0x151: {  	[spmem:s21] =	stream.linear.scatter [tilespmem:s29], [sflag:$0x1], $0x400, $0x38;
	[tilespmem:$0x1ECA0] =	vst v63  }
0x152: {  	s26 =	rddreg [dreg:$0x11]  }
0x153: {  	[spmem:s25] =	stream.linear.scatter [tilespmem:s29], [sflag:$0x1], $0x400, $0x38;
	[tilespmem:$0x1ECA0] =	vst v63  }
0x154: {  	s17 =	rddreg [dreg:$0x12]  }
0x155: {  	[spmem:s26] =	stream.linear.scatter [tilespmem:s29], [sflag:$0x1], $0x400, $0x38;
	[tilespmem:$0x1ECA0] =	vst v63  }
0x156: {  	s19 =	rddreg [dreg:$0x13]  }
0x157: {  	[spmem:s17] =	stream.linear.scatter [tilespmem:s29], [sflag:$0x1], $0x400, $0x38;
	[tilespmem:$0x1ECA0] =	vst v63  }
0x158: {  	s21 =	rddreg [dreg:$0x15]  }
0x159: {  	[spmem:s19] =	stream.linear.scatter [tilespmem:s29], [sflag:$0x1], $0x400, $0x38;
	[tilespmem:$0x1ECA0] =	vst v63  }
0x15a: {  	s25 =	rddreg [dreg:$0x16]  }
0x15b: {  	[spmem:s21] =	stream.linear.scatter [tilespmem:s29], [sflag:$0x1], $0x400, $0x38;
	[tilespmem:$0x1ECA0] =	vst v63  }
0x15c: {  	s26 =	rddreg [dreg:$0x18]  }
0x15d: {  	[spmem:s25] =	stream.linear.scatter [tilespmem:s29], [sflag:$0x1], $0x400, $0x38;
	[tilespmem:$0x1ECA0] =	vst v63  }
0x15e: {  	s17 =	rddreg [dreg:$0x19]  }
0x15f: {  	[spmem:s26] =	stream.linear.scatter [tilespmem:s29], [sflag:$0x1], $0x400, $0x38;
	[tilespmem:$0x1ECA0] =	vst v63  }
0x160: {  	s19 =	rddreg [dreg:$0x1a]  }
0x161: {  	[spmem:s17] =	stream.linear.scatter [tilespmem:s29], [sflag:$0x1], $0x400, $0x38;
	[tilespmem:$0x1ECA0] =	vst v63  }
0x162: {  	s21 =	rddreg [dreg:$0x1b]  }
0x163: {  	[spmem:s19] =	stream.linear.scatter [tilespmem:s29], [sflag:$0x1], $0x400, $0x38;
	[tilespmem:$0x1ECA0] =	vst v63  }
0x164: {  	s25 =	rddreg [dreg:$0x1c]  }
0x165: {  	[spmem:s21] =	stream.linear.scatter [tilespmem:s29], [sflag:$0x1], $0x400, $0x38;
	[tilespmem:$0x1ECA0] =	vst v63  }
0x166: {  	s26 =	rddreg [dreg:$0x1d]  }
0x167: {  	[spmem:s25] =	stream.linear.scatter [tilespmem:s29], [sflag:$0x1], $0x400, $0x38;
	[tilespmem:$0x1ECA0] =	vst v63  }
0x168: {  	s17 =	rddreg [dreg:$0x1e]  }
0x169: {  	[spmem:s26] =	stream.linear.scatter [tilespmem:s29], [sflag:$0x1], $0x400, $0x38;
	[tilespmem:$0x1ECA0] =	vst v63  }
0x16a: {  	s19 =	rddreg [dreg:$0x1f]  }
0x16b: {  	[spmem:s17] =	stream.linear.scatter [tilespmem:s29], [sflag:$0x1], $0x400, $0x38;
	[tilespmem:$0x1ECA0] =	vst v63  }
0x16c: {  	s21 =	sld [smem:$0x7EC]  }
0x16d: {  	[spmem:s19] =	stream.linear.scatter [tilespmem:s29], [sflag:$0x1], $0x400, $0x38;
	[tilespmem:$0x1ECA0] =	vst v63  }
0x16e: {  	s25 =	sld [smem:$0x7ED]  }
0x16f: {  	[spmem:s21] =	stream.linear.scatter [tilespmem:s29], [sflag:$0x1], $0x400, $0x38;
	[tilespmem:$0x1ECA0] =	vst v63  }
0x170: {  	s26 =	sld [smem:$0x7EE]  }
0x171: {  	[spmem:s25] =	stream.linear.scatter [tilespmem:s29], [sflag:$0x1], $0x400, $0x38;
	[tilespmem:$0x1ECA0] =	vst v63  }
0x172: {  	s17 =	sld [smem:$0x7EF]  }
0x173: {  	[spmem:s26] =	stream.linear.scatter [tilespmem:s29], [sflag:$0x1], $0x400, $0x38;
	[tilespmem:$0x1ECA0] =	vst v63  }
0x174: {  	s19 =	sld [smem:$0x7F0]  }
0x175: {  	[spmem:s17] =	stream.linear.scatter [tilespmem:s29], [sflag:$0x1], $0x400, $0x38;
	[tilespmem:$0x1ECA0] =	vst v63  }
0x176: {  	s21 =	sld [smem:$0x7F1]  }
0x177: {  	[spmem:s19] =	stream.linear.scatter [tilespmem:s29], [sflag:$0x1], $0x400, $0x38;
	[tilespmem:$0x1ECA0] =	vst v63  }
0x178: {  	s25 =	sld [smem:$0x7F2]  }
0x179: {  	[spmem:s21] =	stream.linear.scatter [tilespmem:s29], [sflag:$0x1], $0x400, $0x38;
	[tilespmem:$0x1ECA0] =	vst v63  }
0x17a: {  	s26 =	sld [smem:$0x7F3]  }
0x17b: {  	[spmem:s25] =	stream.linear.scatter [tilespmem:s29], [sflag:$0x1], $0x400, $0x38;
	[tilespmem:$0x1ECA0] =	vst v63  }
0x17c: {  	s17 =	sld [smem:$0x7F4]  }
0x17d: {  	[spmem:s26] =	stream.linear.scatter [tilespmem:s29], [sflag:$0x1], $0x400, $0x38;
	[tilespmem:$0x1ECA0] =	vst v63  }
0x17e: {  	s19 =	sld [smem:$0x7F5]  }
0x17f: {  	[spmem:s17] =	stream.linear.scatter [tilespmem:s29], [sflag:$0x1], $0x400, $0x38;
	[tilespmem:$0x1ECA0] =	vst v63  }
0x180: {  	s21 =	sld [smem:$0x7F6]  }
0x181: {  	[spmem:s19] =	stream.linear.scatter [tilespmem:s29], [sflag:$0x1], $0x400, $0x38;
	[tilespmem:$0x1ECA0] =	vst v63  }
0x182: {  	s25 =	sld [smem:$0x7F7]  }
0x183: {  	[spmem:s21] =	stream.linear.scatter [tilespmem:s29], [sflag:$0x1], $0x400, $0x38;
	[tilespmem:$0x1ECA0] =	vst v63  }
0x184: {  	s26 =	sld [smem:$0x7F8]  }
0x185: {  	[spmem:s25] =	stream.linear.scatter [tilespmem:s29], [sflag:$0x1], $0x400, $0x38;
	[tilespmem:$0x1ECA0] =	vst v63  }
0x186: {  	s17 =	sld [smem:$0x7F9]  }
0x187: {  	[spmem:s26] =	stream.linear.scatter [tilespmem:s29], [sflag:$0x1], $0x400, $0x38;
	[tilespmem:$0x1ECA0] =	vst v63  }
0x188: {  	s19 =	sld [smem:$0x7FA]  }
0x189: {  	[spmem:s17] =	stream.linear.scatter [tilespmem:s29], [sflag:$0x1], $0x400, $0x38;
	[tilespmem:$0x1ECA0] =	vst v63  }
0x18a: {  	s21 =	sld [smem:$0x7FB]  }
0x18b: {  	[spmem:s19] =	stream.linear.scatter [tilespmem:s29], [sflag:$0x1], $0x400, $0x38;
	[tilespmem:$0x1ECA0] =	vst v63  }
0x18c: {  	s25 =	sld [smem:$0x7FC]  }
0x18d: {  	[spmem:s21] =	stream.linear.scatter [tilespmem:s29], [sflag:$0x1], $0x400, $0x38;
	[tilespmem:$0x1ECA0] =	vst v63  }
0x18e: {  	s26 =	sld [smem:$0x7FD]  }
0x18f: {  	[spmem:s25] =	stream.linear.scatter [tilespmem:s29], [sflag:$0x1], $0x400, $0x38;
	[tilespmem:$0x1ECA0] =	vst v63  }
0x190: {  	_ = 	snop  }
0x191: {  	[spmem:s26] =	stream.linear.scatter [tilespmem:s29], [sflag:$0x1], $0x400, $0x38;
	[tilespmem:$0x1ECA0] =	vst v63  }
0x192: {  	_ =	swait.ge [sflag:s30], $0x400  }
0x193: {  	s17 =	simm.s32 $0x27;
	[sflag:s30] =	ssyncset.done $0x0  }
.LBB2_21:
0x194: {  	p0 =	sne.s32 s17, $0x1;
	s17 =	sadd.s32 $0xFFFFFFFF, s17;
	[sflag:s30] =	ssyncadd.s32 $0xFFFFFC00  }
.Ltmp10:
0x195: {  	(pc) =	sbr.rel @p0 .LBB2_21-.Ltmp10, $3  }
0x196: {  	_ =	sdelay $0x1  }
0x197: {  	_ =	swait.ge [sflag:s30], $0x400  }
0x198: {  	[sflag:s30] =	ssyncset.done $0x0  }
0x199: {  	[sflag:s30] =	ssyncadd.s32 $0xFFFFFC00  }
0x19a: {  	s11 =	simm.s32 $0x4EC0;
	[bflag:$0x0] =	sbarrier.arrive $0xFFFF  }
0x19b: {  	[spmem:s2] =	stream.indirect.scatter.add.f32 [tilespmem:s16], [sflag:$0x6], $0x40, s11, s31, $0xb8;
	[tilespmem:$0x1ECA0] =	vst v63  }
0x19c: {  	s19 =	simm.s32 $0x4F00  }
0x19d: {  	[spmem:s2] =	stream.indirect.scatter.add.f32 [tilespmem:s16], [sflag:$0x6], $0x40, s19, s31, $0xb8;
	[tilespmem:$0x1ECA0] =	vst v63  }
0x19e: {  	s21 =	simm.s32 $0x4F40  }
0x19f: {  	[spmem:s2] =	stream.indirect.scatter.add.f32 [tilespmem:s16], [sflag:$0x6], $0x40, s21, s31, $0xb8;
	[tilespmem:$0x1ECA0] =	vst v63  }
0x1a0: {  	s25 =	simm.s32 $0x4F80  }
0x1a1: {  	[spmem:s2] =	stream.indirect.scatter.add.f32 [tilespmem:s16], [sflag:$0x6], $0x40, s25, s31, $0xb8;
	[tilespmem:$0x1ECA0] =	vst v63  }
0x1a2: {  	s26 =	simm.s32 $0x4FC0  }
0x1a3: {  	[spmem:s2] =	stream.indirect.scatter.add.f32 [tilespmem:s16], [sflag:$0x6], $0x40, s26, s31, $0xb8;
	[tilespmem:$0x1ECA0] =	vst v63  }
0x1a4: {  	s17 =	simm.s32 $0x500;
	_ =	swait.ge [sflag:s10], $0x1000  }
.LBB2_23:
0x1a5: {  	s11 =	sshra.s32 s17, $0x2;
	[sflag:s10] =	ssyncset.done $0x0;
	p0 =	sne.s32 s17, $0x13A00  }
.Ltmp11:
0x1a6: {  	s11 =	sadd.s32 $0x4EC0, s11;
	[sflag:s10] =	ssyncadd.s32 $0xFFFFF000;
	(pc) =	sbr.rel @p0 .LBB2_23-.Ltmp11, $3  }
0x1a7: {  	[spmem:s2] =	stream.indirect.scatter.add.f32 [tilespmem:s16], [sflag:$0x6], $0x40, s11, s31, $0xb8;
	[tilespmem:$0x1ECA0] =	vst v63  }
0x1a8: {  	s17 =	sadd.s32 $0x100, s17;
	_ =	sdelay $0x1  }
0x1a9: {  	_ =	swait.ge [sflag:s10], $0x1000  }
0x1aa: {  	[sflag:s10] =	ssyncset.done $0x0  }
0x1ab: {  	[sflag:s10] =	ssyncadd.s32 $0xFFFFF000  }
0x1ac: {  	_ =	swait.ge [sflag:s10], $0x1000  }
0x1ad: {  	[sflag:s10] =	ssyncset.done $0x0  }
0x1ae: {  	[sflag:s10] =	ssyncadd.s32 $0xFFFFF000  }
0x1af: {  	_ =	swait.ge [sflag:s10], $0x1000  }
0x1b0: {  	[sflag:s10] =	ssyncset.done $0x0  }
0x1b1: {  	[sflag:s10] =	ssyncadd.s32 $0xFFFFF000  }
0x1b2: {  	_ =	swait.ge [sflag:s10], $0x1000  }
0x1b3: {  	[sflag:s10] =	ssyncset.done $0x0  }
0x1b4: {  	[sflag:s10] =	ssyncadd.s32 $0xFFFFF000  }
0x1b5: {  	_ =	swait.ge [sflag:s10], $0x1000  }
0x1b6: {  	[sflag:s10] =	ssyncset.done $0x0  }
0x1b7: {  	[sflag:s10] =	ssyncadd.s32 $0xFFFFF000  }
0x1b8: {  	s17 =	simm.s32 $0x0;
	s19 =	smov.u32 s7;
	[bflag:$0x0] =	sbarrier.arrive $0xFFFF  }
.LBB2_25:
0x1b9: {  	p0 =	sne.s32 s17, $0x1380  }
.Ltmp12:
0x1ba: {  	_ = 	snop;
	(pc) =	sbr.rel @p0 .LBB2_25-.Ltmp12, $4  }
0x1bb: {  	_ = 	snop  }
0x1bc: {  	s11 =	sadd.s32 s17, s24  }
0x1bd: {  	s21 =	sshrl.u32 s19, $0x3;
	s19 =	sadd.s32 $0x400, s19;
	s17 =	sadd.s32 $0x80, s17  }
0x1be: {  	[hbm:s11], [sflag:s18] =	dma.local [spmem:s21], $0x80  }
0x1bf: {  	_ =	swait.ge [sflag:s30], $0x80  }
0x1c0: {  	s17 =	simm.s32 $0x27;
	[sflag:s30] =	ssyncset.done $0x0  }
.LBB2_27:
0x1c1: {  	p0 =	sne.s32 s17, $0x1;
	s17 =	sadd.s32 $0xFFFFFFFF, s17;
	[sflag:s30] =	ssyncadd.s32 $0xFFFFFF80  }
.Ltmp13:
0x1c2: {  	(pc) =	sbr.rel @p0 .LBB2_27-.Ltmp13, $3  }
0x1c3: {  	_ =	sdelay $0x1  }
0x1c4: {  	_ =	swait.ge [sflag:s30], $0x80  }
0x1c5: {  	[sflag:s30] =	ssyncset.done $0x0  }
0x1c6: {  	s17 =	sld [smem:$0x7EB];
	_ =	sdelay $0x2  }
0x1c7: {  	s11 =	rddreg [dreg:$0x8];
	s17 =	sadd.s32 $0x1, s17  }
0x1c8: {  	p0 =	sne.s32 s17, s11  }
.Ltmp14:
0x1c9: {  	_ = 	snop;
	(pc) =	sbr.rel @p0 .LBB2_1-.Ltmp14, $3  }
0x1ca: {  	_ = 	snop  }
0x1cb: {  	[sflag:s30] =	ssyncadd.s32 $0xFFFFFF80  }
0x1cc: {  	[bflag:$0x0] =	sbarrier.arrive $0xFFFF;
	_ =	sdelay $0x1  }
0x1cd: {  	_ =	sfence.sel $0x180000  }
0x1ce: {  	[bflag:$0x0] =	sbarrier.arrive $0xFFFF  }
0x1cf: {  	_ =	strace $0x90000047  }
0x1d0: {  	[bflag:$0x2] =	sbarrier.arrive $0xFFFF  }
0x1d1: {  	p0 =	sne.s32 s3, $0x0;
	s0 =	rddreg [dreg:$0x5]  }
0x1d2: {  	s0 =	sadd.s32 @!p0 $0x100000, s0  }
0x1d3: {  	[sflag:s0] =	ssyncadd.tile.s32 @!p0 $0x1;
	_ =	shalt  }
.Lfunc_end2:
_tile_overlayer_lowered:
.L_overlay_start_2:
0x1d4: {  	(tag) =	ssettag $0x2  }
0x1d5: {  	s0 =	rddreg [dreg:$0x0];
	s2 =	stileid.u32  }
0x1d6: {  	s1 =	rddreg [dreg:$0x1];
	p0 =	sne.s32 s2, $0x0  }
0x1d7: {  	s3 =	rddreg [dreg:$0x2];
	[bflag:$0x3] =	sbarrier.arrive $0xFFFF;
	s2 =	simm.s32 @!p0 $0x1C0B  }
0x1d8: {  	[timem:s3], [sflag:s2] =	dma.local @!p0 [hbm:s0], s1  }
0x1d9: {  	s0 =	simm.s32 @!p0 $0xB  }
0x1da: {  	_ =	swait.ge @!p0 [sflag:s0], s1  }
0x1db: {  	s1 =	ssub.s32 @!p0 $0x0, s1;
	[sflag:s0] =	ssyncset.done @!p0 $0x0  }
0x1dc: {  	[sflag:s0] =	ssyncadd.s32 @!p0 s1  }
0x1dd: {  	[bflag:$0x3] =	sbarrier.arrive $0xFFFF  }
0x1de: {  	_ =	shalt  }

</sc_bundles>
